<compile_context>
chip_gen: v7x
topology: tpu7x:2x2x1
jax: 0.10.2.dev20260603
libtpu: 0.0.44.dev20260713+nightly
codegen_flags: <defaults>
</compile_context>

<pallas_src>
import functools

import jax
import jax.numpy as jnp
from jax import lax
from jax.experimental import pallas as pl
from jax.experimental.pallas import tpu as pltpu
from jax.experimental.pallas import tpu_sc as plsc

_B, _N = 8, 2048
_L = 16
_NC, _NS = 2, 16
_NW = _NC * _NS
_RPW = _B * _N // _NW
_WPB = _NW // _B
_GRP = _RPW // _L
_CHUNKS = _N // _L
_TR = 512
_NT = _N // _TR
_BIG = float(3.0e38)

_RADIUS = 0.07
_H = 0.03
_EPS = 1e-12


def _sc_body(pred_hbm, bpred_hbm, out_tk, out_tv, pco, bpc, qnb, tkb, tvb):
    wid = lax.axis_index("s") * _NC + lax.axis_index("c")
    b = wid // _WPB
    base = (wid % _WPB) * _RPW

    pltpu.sync_copy(pred_hbm.at[b], pco)
    pltpu.sync_copy(bpred_hbm.at[b], bpc)

    def prep(c, carry):
        s = pl.ds(c * _L, _L)
        qx = pco[s]
        qy = pco[pl.ds(_N + c * _L, _L)]
        qz = pco[pl.ds(2 * _N + c * _L, _L)]
        qnb[s] = qx * qx + qy * qy + qz * qz
        return carry

    lax.fori_loop(0, _CHUNKS, prep, 0)

    def grp16(g, carry):
        rbase = base + g * _L
        pxc = pco[pl.ds(rbase, _L)]
        pyc = pco[pl.ds(_N + rbase, _L)]
        pzc = pco[pl.ds(2 * _N + rbase, _L)]
        bxc = bpc[pl.ds(rbase, _L)]
        byc = bpc[pl.ds(_N + rbase, _L)]
        bzc = bpc[pl.ds(2 * _N + rbase, _L)]

        for pair in range(_L // 2):
            row = []
            for i in range(2):
                l = pair * 2 + i
                row.append((
                    jnp.broadcast_to(pxc[l], (_L,)),
                    jnp.broadcast_to(pyc[l], (_L,)),
                    jnp.broadcast_to(pzc[l], (_L,)),
                    jnp.broadcast_to(bxc[l], (_L,)),
                    jnp.broadcast_to(byc[l], (_L,)),
                    jnp.broadcast_to(bzc[l], (_L,)),
                ))

            init = (jnp.full((_L,), _BIG, jnp.float32),) * 20

            def chunk(c, st, row=row):
                st = list(st)
                s0 = pl.ds(c * _L, _L)
                s1 = pl.ds(_N + c * _L, _L)
                s2 = pl.ds(2 * _N + c * _L, _L)
                qx = pco[s0]
                qy = pco[s1]
                qz = pco[s2]
                bqx = bpc[s0]
                bqy = bpc[s1]
                bqz = bpc[s2]
                qn = qnb[s0]
                out = []
                for i in range(2):
                    px, py, pz, bx, by, bz = row[i]
                    tk = list(st[i * 10:i * 10 + 5])
                    tv = list(st[i * 10 + 5:i * 10 + 10])
                    edot = bx * bqx + by * bqy + bz * bqz
                    ekey = qn - 2.0 * edot
                    ex = px - qx
                    ey = py - qy
                    ez = pz - qz
                    ev = ex * ex + ey * ey + ez * ez
                    for lev in range(4):
                        cnd = ekey < tk[lev]
                        nk = jnp.minimum(tk[lev], ekey)
                        xk = jnp.maximum(tk[lev], ekey)
                        nv = jnp.where(cnd, ev, tv[lev])
                        xv = jnp.where(cnd, tv[lev], ev)
                        tk[lev] = nk
                        tv[lev] = nv
                        ekey = xk
                        ev = xv
                    cnd = ekey < tk[4]
                    tk[4] = jnp.minimum(tk[4], ekey)
                    tv[4] = jnp.where(cnd, ev, tv[4])
                    out += tk + tv
                return tuple(out)

            st = lax.fori_loop(0, _CHUNKS, chunk, init, unroll=2)
            for i in range(2):
                r = g * _L + pair * 2 + i
                for k in range(5):
                    tkb[pl.ds((r * 5 + k) * _L, _L)] = st[i * 10 + k]
                    tvb[pl.ds((r * 5 + k) * _L, _L)] = st[i * 10 + 5 + k]
        return carry

    lax.fori_loop(0, _GRP, grp16, 0)

    pltpu.sync_copy(tkb, out_tk.at[wid])
    pltpu.sync_copy(tvb, out_tv.at[wid])


_sc_knn = functools.partial(
    pl.kernel,
    out_type=(
        jax.ShapeDtypeStruct((_NW, _RPW * 5 * _L), jnp.float32),
        jax.ShapeDtypeStruct((_NW, _RPW * 5 * _L), jnp.float32),
    ),
    mesh=plsc.VectorSubcoreMesh(core_axis_name="c", subcore_axis_name="s",
                                num_cores=_NC, num_subcores=_NS),
    scratch_types=[
        pltpu.VMEM((3 * _N,), jnp.float32),
        pltpu.VMEM((3 * _N,), jnp.float32),
        pltpu.VMEM((_N,), jnp.float32),
        pltpu.VMEM((_RPW * 5 * _L,), jnp.float32),
        pltpu.VMEM((_RPW * 5 * _L,), jnp.float32),
    ],
)(_sc_body)


def _emd_body(p_ref, bp_ref, g_ref, bg_ref, out_ref):
    p = p_ref[0]
    bp = bp_ref[0]
    g = g_ref[0]
    bg = bg_ref[0]
    a2 = jnp.sum(p * p, axis=1, keepdims=True)
    b2 = jnp.sum(g * g, axis=0, keepdims=True)
    dot_k = jax.lax.dot_general(
        bp, bg, (((1,), (0,)), ((), ())),
        preferred_element_type=jnp.float32)
    key = b2 - 2.0 * dot_k
    dot_v = jax.lax.dot_general(
        p, g, (((1,), (0,)), ((), ())),
        preferred_element_type=jnp.float32,
        precision=jax.lax.Precision.HIGHEST)
    val = (a2 + b2) - 2.0 * dot_v
    rowkey = jnp.min(key, axis=1, keepdims=True)
    rowval = jnp.min(jnp.where(key == rowkey, val, _BIG), axis=1,
                     keepdims=True)
    out_ref[pl.program_id(0), pl.program_id(1)] = jnp.sum(rowval)


def _reduce_body(pt_ref, tk_ref, tv_ref, rad_ref, emd_ref, uni_ref):
    tot = jnp.float32(0.0)
    for b in range(_B):
        pb = jnp.float32(0.0)
        for t in range(_NT):
            pb = pb + pt_ref[b, t]
        tot = tot + pb / rad_ref[b, 0]
    emd_ref[0, 0] = tot * (250.0 / (3.0 * _N * _B))

    tk = tk_ref[...]
    tv = tv_ref[...]
    k0 = jnp.min(tk, axis=1, keepdims=True)
    tk = jnp.where(tk == k0, _BIG, tk)
    acc = jnp.zeros((), jnp.float32)
    for k in range(4):
        kk = jnp.min(tk, axis=1, keepdims=True)
        sel = tk == kk
        vv = jnp.min(jnp.where(sel, tv, _BIG), axis=1, keepdims=True)
        v = jnp.maximum(vv, _EPS)
        dist = jnp.sqrt(v)
        w = jnp.exp(v * (-1.0 / (_H * _H)))
        acc = acc + jnp.sum((_RADIUS - dist) * w)
        if k < 3:
            tk = jnp.where(sel, _BIG, tk)
    uni_ref[0, 0] = acc / (_B * _N * 4.0)


def _round_bf16(x):
    u = lax.bitcast_convert_type(x, jnp.int32)
    r = (u + ((u >> 16) & 1) + 0x7FFF) & jnp.int32(-65536)
    return lax.bitcast_convert_type(r, jnp.float32)


def kernel(pred_fullpoint, gt_fullpoint, radius_data):
    pred_t = jnp.transpose(pred_fullpoint, (0, 2, 1))
    pred_f = pred_t.reshape(_B, 3 * _N)
    bpred_f = _round_bf16(pred_f)

    zpad_r = jnp.zeros((_B, _N, 5), jnp.float32)
    p_pad = jnp.concatenate([pred_fullpoint, zpad_r], axis=2)
    bp_pad = _round_bf16(p_pad)
    zpad_c = jnp.zeros((_B, 5, _N), jnp.float32)
    g_pad = jnp.concatenate(
        [jnp.transpose(gt_fullpoint, (0, 2, 1)), zpad_c], axis=1)
    bg_pad = _round_bf16(g_pad)

    tk, tv = _sc_knn(pred_f, bpred_f)

    partials = pl.pallas_call(
        _emd_body,
        grid=(_B, _NT),
        in_specs=[
            pl.BlockSpec((1, _TR, 8), lambda b, t: (b, t, 0)),
            pl.BlockSpec((1, _TR, 8), lambda b, t: (b, t, 0)),
            pl.BlockSpec((1, 8, _N), lambda b, t: (b, 0, 0)),
            pl.BlockSpec((1, 8, _N), lambda b, t: (b, 0, 0)),
        ],
        out_specs=pl.BlockSpec((_B, _NT), lambda b, t: (0, 0),
                               memory_space=pltpu.SMEM),
        out_shape=jax.ShapeDtypeStruct((_B, _NT), jnp.float32),
    )(p_pad, bp_pad, g_pad, bg_pad)
    tk_p = tk.reshape(_B * _N, 5 * _L)
    tv_p = tv.reshape(_B * _N, 5 * _L)
    rad = radius_data.reshape(_B, 1)

    emd, uni = pl.pallas_call(
        _reduce_body,
        in_specs=[
            pl.BlockSpec(memory_space=pltpu.SMEM),
            pl.BlockSpec((_B * _N, 5 * _L), lambda: (0, 0)),
            pl.BlockSpec((_B * _N, 5 * _L), lambda: (0, 0)),
            pl.BlockSpec(memory_space=pltpu.SMEM),
        ],
        out_shape=(
            jax.ShapeDtypeStruct((1, 1), jnp.float32),
            jax.ShapeDtypeStruct((1, 1), jnp.float32),
        ),
        out_specs=(
            pl.BlockSpec(memory_space=pltpu.SMEM),
            pl.BlockSpec(memory_space=pltpu.SMEM),
        ),
    )(partials, tk_p, tv_p, rad)

    return (emd[0, 0], uni[0, 0])

# --- scband reference (transcript-rebuilt; emitter-appended) ---
"""Pipeline reference for scband-upsample-loss-9749575762866 (READ-ONLY COPY).

The authoritative reference and input builder live on the scoring server;
editing this copy changes nothing except your own understanding.
"""

import jax, jax.numpy as jnp
import numpy as np

ALPHA = 1.0
NN_SIZE = 5
RADIUS = 0.07
H = 0.03
EPS = 1e-12
B, N = 8, 2048


def pairwise_sqdist(a, b):
    # a: [B, N, 3], b: [B, M, 3] -> [B, N, M]
    a2 = jnp.sum(a * a, axis=-1, keepdims=True)
    b2 = jnp.sum(b * b, axis=-1, keepdims=True)
    return a2 + jnp.swapaxes(b2, 1, 2) - 2.0 * jnp.einsum('bnd,bmd->bnm', a, b)


def setup_inputs(seed: int = 0) -> dict:
    key = jax.random.key(seed)
    k1, k2 = jax.random.split(key)
    pred_fullpoint = jax.random.uniform(k1, (B, N, 3), dtype=jnp.float32)
    gt_fullpoint = jax.random.uniform(k2, (B, N, 3), dtype=jnp.float32)
    radius_data = jnp.ones((B, 1), dtype=jnp.float32)
    return {"pred_fullpoint": pred_fullpoint, "gt_fullpoint": gt_fullpoint, "radius_data": radius_data}


def reference(pred_fullpoint, gt_fullpoint, radius_data):
    # --- EMD loss (auction_match approximated by nearest-neighbor assignment) ---
    d = pairwise_sqdist(pred_fullpoint, gt_fullpoint)  # [B, N, N]
    idx = jnp.argmin(d, axis=2)  # [B, N]
    matched_out = jnp.take_along_axis(gt_fullpoint, idx[..., None], axis=1)  # gather_operation
    dist2 = (pred_fullpoint - matched_out) ** 2
    dist2 = dist2.reshape(dist2.shape[0], -1)
    dist2 = jnp.mean(dist2, axis=1, keepdims=True)  # [B, 1]
    dist2 = dist2 / radius_data
    emd_loss = jnp.mean(dist2)
    # --- repulsion loss ---
    dpp = pairwise_sqdist(pred_fullpoint, pred_fullpoint)  # [B, N, N]
    _, knn_idx = jax.lax.top_k(-dpp, NN_SIZE)  # nearest first (self included)
    knn_idx = knn_idx[:, :, 1:]  # drop self -> [B, N, k-1]
    grouped = jax.vmap(lambda p, i: p[i])(pred_fullpoint, knn_idx)  # [B, N, k-1, 3]
    diff = grouped - pred_fullpoint[:, :, None, :]
    dist2r = jnp.sum(diff ** 2, axis=-1)  # [B, N, k-1]
    dist2r = jnp.maximum(dist2r, EPS)
    dist = jnp.sqrt(dist2r)
    weight = jnp.exp(-dist2r / (H ** 2))
    uniform_loss = jnp.mean((RADIUS - dist) * weight)
    return (emd_loss * 250.0, uniform_loss)

if __name__ == "__main__":
    import jax
    _d = setup_inputs()
    print(jax.jit(kernel)(*tuple(_d.values())))

</pallas_src>

<mosaic_0001>
#map = affine_map<(d0, d1) -> (0, 0)>
module attributes {stable_mosaic.version = 14 : i64} {
  func.func @_sc_body(%arg0: i32, %arg1: i32, %arg2: memref<8x6144xf32, #tpu.memory_space<hbm>>, %arg3: memref<8x6144xf32, #tpu.memory_space<hbm>>, %arg4: memref<32x40960xf32, #tpu.memory_space<hbm>>, %arg5: memref<32x40960xf32, #tpu.memory_space<hbm>>, %arg6: memref<6144xf32, #tpu.memory_space<vmem>>, %arg7: memref<6144xf32, #tpu.memory_space<vmem>>, %arg8: memref<2048xf32, #tpu.memory_space<vmem>>, %arg9: memref<40960xf32, #tpu.memory_space<vmem>>, %arg10: memref<40960xf32, #tpu.memory_space<vmem>>) attributes {dimension_semantics = [#tpu.dimension_semantics<core_parallel>, #tpu.dimension_semantics<subcore_parallel>], iteration_bounds = array<i64: 2, 16>, scalar_prefetch = 0 : i64, scratch_operands = 5 : i64, tpu.core_type = #tpu.core_type<sc_vector_subcore>, window_params = [{transform_indices = #map}, {transform_indices = #map}, {transform_indices = #map}, {transform_indices = #map}]} {
    %mul3A = arith.constant 2 : i32
    %mul3A_0 = arith.muli %arg1, %mul3A : i32
    %add3A = arith.addi %mul3A_0, %arg0 : i32
    %jit3A = arith.constant 4 : i32
    %div3A = arith.divsi %add3A, %jit3A : i32
    %sign3A = arith.constant 0 : i32
    %sign3A_1 = arith.cmpi sgt, %add3A, %sign3A : i32
    %sign3A_2 = arith.extui %sign3A_1 : i1 to i32
    %sign3A_3 = arith.constant 0 : i32
    %sign3A_4 = arith.cmpi slt, %add3A, %sign3A_3 : i32
    %sign3A_5 = arith.extui %sign3A_4 : i1 to i32
    %sign3A_6 = arith.subi %sign3A_2, %sign3A_5 : i32
    %sign3A_7 = arith.constant 0 : i32
    %sign3A_8 = arith.cmpi sgt, %jit3A, %sign3A_7 : i32
    %sign3A_9 = arith.extui %sign3A_8 : i1 to i32
    %sign3A_10 = arith.constant 0 : i32
    %sign3A_11 = arith.cmpi slt, %jit3A, %sign3A_10 : i32
    %sign3A_12 = arith.extui %sign3A_11 : i1 to i32
    %sign3A_13 = arith.subi %sign3A_9, %sign3A_12 : i32
    %ne3A = arith.cmpi ne, %sign3A_6, %sign3A_13 : i32
    %rem3A = arith.remsi %add3A, %jit3A : i32
    %ne3A_14 = arith.constant 0 : i32
    %ne3A_15 = arith.cmpi ne, %rem3A, %ne3A_14 : i32
    %and3A = arith.andi %ne3A, %ne3A_15 : i1
    %sub3A = arith.constant 1 : i32
    %sub3A_16 = arith.subi %div3A, %sub3A : i32
    %select_n3A = arith.select %and3A, %sub3A_16, %div3A : i32
    %jit3A_17 = arith.constant 4 : i32
    %eq3A = arith.constant 0 : i32
    %eq3A_18 = arith.cmpi eq, %jit3A_17, %eq3A : i32
    %jit3A_19 = arith.constant 1 : i32
    %select_n3A_20 = arith.select %eq3A_18, %jit3A_19, %jit3A_17 : i32
    %rem3A_21 = arith.remsi %add3A, %select_n3A_20 : i32
    %ne3A_22 = arith.constant 0 : i32
    %ne3A_23 = arith.cmpi ne, %rem3A_21, %ne3A_22 : i32
    %lt3A = arith.constant 0 : i32
    %lt3A_24 = arith.cmpi slt, %rem3A_21, %lt3A : i32
    %lt3A_25 = arith.constant 0 : i32
    %lt3A_26 = arith.cmpi slt, %select_n3A_20, %lt3A_25 : i32
    %ne3A_27 = arith.xori %lt3A_24, %lt3A_26 : i1
    %and3A_28 = arith.andi %ne3A_27, %ne3A_23 : i1
    %add3A_29 = arith.addi %rem3A_21, %select_n3A_20 : i32
    %select_n3A_30 = arith.select %and3A_28, %add3A_29, %rem3A_21 : i32
    %mul3A_31 = arith.constant 512 : i32
    %mul3A_32 = arith.muli %select_n3A_30, %mul3A_31 : i32
    "tpu.region"() ({
      %run_scoped3A = tpu.sem_alloc : memref<!tpu.dma_semaphore, #tpu.memory_space<semaphore_mem>>
      %dma_start3A = arith.constant 0 : i32
      %dma_start3A_44 = tpu.memref_slice %arg2[%select_n3A, %dma_start3A] : memref<8x6144xf32, #tpu.memory_space<hbm>> -> memref<1x6144xf32, #tpu.memory_space<hbm>>
      %dma_start3A_45 = tpu.memref_squeeze %dma_start3A_44 : memref<1x6144xf32, #tpu.memory_space<hbm>> -> memref<6144xf32, #tpu.memory_space<hbm>>
      %dma_start3A_46 = arith.constant 0 : i32
      %dma_start3A_47 = tpu.memref_slice %arg2[%select_n3A, %dma_start3A_46] : memref<8x6144xf32, #tpu.memory_space<hbm>> -> memref<1x6144xf32, #tpu.memory_space<hbm>>
      %dma_start3A_48 = tpu.memref_squeeze %dma_start3A_47 : memref<1x6144xf32, #tpu.memory_space<hbm>> -> memref<6144xf32, #tpu.memory_space<hbm>>
      tpu.enqueue_dma source(%dma_start3A_48 : memref<6144xf32, #tpu.memory_space<hbm>>) target(%arg6 : memref<6144xf32, #tpu.memory_space<vmem>>) target_semaphore(%run_scoped3A : memref<!tpu.dma_semaphore, #tpu.memory_space<semaphore_mem>>)
      %dma_wait3A = arith.constant 0 : i32
      %dma_wait3A_49 = tpu.memref_slice %arg2[%select_n3A, %dma_wait3A] : memref<8x6144xf32, #tpu.memory_space<hbm>> -> memref<1x6144xf32, #tpu.memory_space<hbm>>
      %dma_wait3A_50 = tpu.memref_squeeze %dma_wait3A_49 : memref<1x6144xf32, #tpu.memory_space<hbm>> -> memref<6144xf32, #tpu.memory_space<hbm>>
      %dma_wait3A_51 = arith.constant 0 : i32
      %dma_wait3A_52 = tpu.memref_slice %arg2[%select_n3A, %dma_wait3A_51] : memref<8x6144xf32, #tpu.memory_space<hbm>> -> memref<1x6144xf32, #tpu.memory_space<hbm>>
      %dma_wait3A_53 = tpu.memref_squeeze %dma_wait3A_52 : memref<1x6144xf32, #tpu.memory_space<hbm>> -> memref<6144xf32, #tpu.memory_space<hbm>>
      tpu.wait_dma2 semaphore(%run_scoped3A : memref<!tpu.dma_semaphore, #tpu.memory_space<semaphore_mem>>) src(%dma_wait3A_53 : memref<6144xf32, #tpu.memory_space<hbm>>) dst(%arg6 : memref<6144xf32, #tpu.memory_space<vmem>>)
      tpu.yield
    }) : () -> ()
    "tpu.region"() ({
      %run_scoped3A = tpu.sem_alloc : memref<!tpu.dma_semaphore, #tpu.memory_space<semaphore_mem>>
      %dma_start3A = arith.constant 0 : i32
      %dma_start3A_44 = tpu.memref_slice %arg3[%select_n3A, %dma_start3A] : memref<8x6144xf32, #tpu.memory_space<hbm>> -> memref<1x6144xf32, #tpu.memory_space<hbm>>
      %dma_start3A_45 = tpu.memref_squeeze %dma_start3A_44 : memref<1x6144xf32, #tpu.memory_space<hbm>> -> memref<6144xf32, #tpu.memory_space<hbm>>
      %dma_start3A_46 = arith.constant 0 : i32
      %dma_start3A_47 = tpu.memref_slice %arg3[%select_n3A, %dma_start3A_46] : memref<8x6144xf32, #tpu.memory_space<hbm>> -> memref<1x6144xf32, #tpu.memory_space<hbm>>
      %dma_start3A_48 = tpu.memref_squeeze %dma_start3A_47 : memref<1x6144xf32, #tpu.memory_space<hbm>> -> memref<6144xf32, #tpu.memory_space<hbm>>
      tpu.enqueue_dma source(%dma_start3A_48 : memref<6144xf32, #tpu.memory_space<hbm>>) target(%arg7 : memref<6144xf32, #tpu.memory_space<vmem>>) target_semaphore(%run_scoped3A : memref<!tpu.dma_semaphore, #tpu.memory_space<semaphore_mem>>)
      %dma_wait3A = arith.constant 0 : i32
      %dma_wait3A_49 = tpu.memref_slice %arg3[%select_n3A, %dma_wait3A] : memref<8x6144xf32, #tpu.memory_space<hbm>> -> memref<1x6144xf32, #tpu.memory_space<hbm>>
      %dma_wait3A_50 = tpu.memref_squeeze %dma_wait3A_49 : memref<1x6144xf32, #tpu.memory_space<hbm>> -> memref<6144xf32, #tpu.memory_space<hbm>>
      %dma_wait3A_51 = arith.constant 0 : i32
      %dma_wait3A_52 = tpu.memref_slice %arg3[%select_n3A, %dma_wait3A_51] : memref<8x6144xf32, #tpu.memory_space<hbm>> -> memref<1x6144xf32, #tpu.memory_space<hbm>>
      %dma_wait3A_53 = tpu.memref_squeeze %dma_wait3A_52 : memref<1x6144xf32, #tpu.memory_space<hbm>> -> memref<6144xf32, #tpu.memory_space<hbm>>
      tpu.wait_dma2 semaphore(%run_scoped3A : memref<!tpu.dma_semaphore, #tpu.memory_space<semaphore_mem>>) src(%dma_wait3A_53 : memref<6144xf32, #tpu.memory_space<hbm>>) dst(%arg7 : memref<6144xf32, #tpu.memory_space<vmem>>)
      tpu.yield
    }) : () -> ()
    %scan3A = arith.constant 0 : i32
    %scan3A_33 = arith.constant 0 : i32
    %scan3A_34 = arith.constant 128 : i32
    %scan3A_35 = arith.addi %scan3A_33, %scan3A_34 : i32
    %scan3A_36 = arith.constant 1 : i32
    scf.for %scan3A_44 = %scan3A_33 to %scan3A_35 step %scan3A_36  : i32 {
      %mul3A_45 = arith.constant 16 : i32
      %mul3A_46 = arith.muli %scan3A_44, %mul3A_45 : i32
      %get3A = arith.index_cast %mul3A_46 : i32 to index
      %get3A_47 = tpu.vector_load %arg6[%get3A] {strides = array<i32>} : memref<6144xf32, #tpu.memory_space<vmem>>, vector<16xf32>,
      %get3A_48 = vector.shape_cast %get3A_47 : vector<16xf32> to vector<16xf32>
      %mul3A_49 = arith.constant 16 : i32
      %mul3A_50 = arith.muli %scan3A_44, %mul3A_49 : i32
      %add3A_51 = arith.constant 2048 : i32
      %add3A_52 = arith.addi %add3A_51, %mul3A_50 : i32
      %get3A_53 = arith.index_cast %add3A_52 : i32 to index
      %get3A_54 = tpu.vector_load %arg6[%get3A_53] {strides = array<i32>} : memref<6144xf32, #tpu.memory_space<vmem>>, vector<16xf32>,
      %get3A_55 = vector.shape_cast %get3A_54 : vector<16xf32> to vector<16xf32>
      %mul3A_56 = arith.constant 16 : i32
      %mul3A_57 = arith.muli %scan3A_44, %mul3A_56 : i32
      %add3A_58 = arith.constant 4096 : i32
      %add3A_59 = arith.addi %add3A_58, %mul3A_57 : i32
      %get3A_60 = arith.index_cast %add3A_59 : i32 to index
      %get3A_61 = tpu.vector_load %arg6[%get3A_60] {strides = array<i32>} : memref<6144xf32, #tpu.memory_space<vmem>>, vector<16xf32>,
      %get3A_62 = vector.shape_cast %get3A_61 : vector<16xf32> to vector<16xf32>
      %mul3A_63 = arith.mulf %get3A_48, %get3A_48 : vector<16xf32>
      %mul3A_64 = arith.mulf %get3A_55, %get3A_55 : vector<16xf32>
      %add3A_65 = arith.addf %mul3A_63, %mul3A_64 : vector<16xf32>
      %mul3A_66 = arith.mulf %get3A_62, %get3A_62 : vector<16xf32>
      %add3A_67 = arith.addf %add3A_65, %mul3A_66 : vector<16xf32>
      %swap3A = arith.index_cast %mul3A_46 : i32 to index
      %swap3A_68 = tpu.vector_load %arg8[%swap3A] {strides = array<i32>} : memref<2048xf32, #tpu.memory_space<vmem>>, vector<16xf32>,
      %swap3A_69 = vector.shape_cast %swap3A_68 : vector<16xf32> to vector<16xf32>
      %swap3A_70 = vector.shape_cast %add3A_67 : vector<16xf32> to vector<16xf32>
      tpu.vector_store %arg8[%swap3A], %swap3A_70 {strides = array<i32>} : memref<2048xf32, #tpu.memory_space<vmem>>, vector<16xf32>,
    }
    %scan3A_37 = arith.constant 128 : i32
    %scan3A_38 = arith.constant 0 : i32
    %scan3A_39 = arith.constant 0 : i32
    %scan3A_40 = arith.constant 32 : i32
    %scan3A_41 = arith.addi %scan3A_39, %scan3A_40 : i32
    %scan3A_42 = arith.constant 1 : i32
    scf.for %scan3A_44 = %scan3A_39 to %scan3A_41 step %scan3A_42  : i32 {
      %mul3A_45 = arith.constant 16 : i32
      %mul3A_46 = arith.muli %scan3A_44, %mul3A_45 : i32
      %add3A_47 = arith.addi %mul3A_32, %mul3A_46 : i32
      %get3A = arith.index_cast %add3A_47 : i32 to index
      %get3A_48 = tpu.vector_load %arg6[%get3A] {strides = array<i32>} : memref<6144xf32, #tpu.memory_space<vmem>>, vector<16xf32>,
      %get3A_49 = vector.shape_cast %get3A_48 : vector<16xf32> to vector<16xf32>
      %add3A_50 = arith.constant 2048 : i32
      %add3A_51 = arith.addi %add3A_50, %add3A_47 : i32
      %get3A_52 = arith.index_cast %add3A_51 : i32 to index
      %get3A_53 = tpu.vector_load %arg6[%get3A_52] {strides = array<i32>} : memref<6144xf32, #tpu.memory_space<vmem>>, vector<16xf32>,
      %get3A_54 = vector.shape_cast %get3A_53 : vector<16xf32> to vector<16xf32>
      %add3A_55 = arith.constant 4096 : i32
      %add3A_56 = arith.addi %add3A_55, %add3A_47 : i32
      %get3A_57 = arith.index_cast %add3A_56 : i32 to index
      %get3A_58 = tpu.vector_load %arg6[%get3A_57] {strides = array<i32>} : memref<6144xf32, #tpu.memory_space<vmem>>, vector<16xf32>,
      %get3A_59 = vector.shape_cast %get3A_58 : vector<16xf32> to vector<16xf32>
      %get3A_60 = arith.index_cast %add3A_47 : i32 to index
      %get3A_61 = tpu.vector_load %arg7[%get3A_60] {strides = array<i32>} : memref<6144xf32, #tpu.memory_space<vmem>>, vector<16xf32>,
      %get3A_62 = vector.shape_cast %get3A_61 : vector<16xf32> to vector<16xf32>
      %add3A_63 = arith.constant 2048 : i32
      %add3A_64 = arith.addi %add3A_63, %add3A_47 : i32
      %get3A_65 = arith.index_cast %add3A_64 : i32 to index
      %get3A_66 = tpu.vector_load %arg7[%get3A_65] {strides = array<i32>} : memref<6144xf32, #tpu.memory_space<vmem>>, vector<16xf32>,
      %get3A_67 = vector.shape_cast %get3A_66 : vector<16xf32> to vector<16xf32>
      %add3A_68 = arith.constant 4096 : i32
      %add3A_69 = arith.addi %add3A_68, %add3A_47 : i32
      %get3A_70 = arith.index_cast %add3A_69 : i32 to index
      %get3A_71 = tpu.vector_load %arg7[%get3A_70] {strides = array<i32>} : memref<6144xf32, #tpu.memory_space<vmem>>, vector<16xf32>,
      %get3A_72 = vector.shape_cast %get3A_71 : vector<16xf32> to vector<16xf32>
      %slice3A = vector.extract_strided_slice %get3A_49 {offsets = [0], sizes = [1], strides = [1]} : vector<16xf32> to vector<1xf32>
      %squeeze3A = vector.extract %slice3A[0] : f32 from vector<1xf32>
      %broadcast_in_dim3A = vector.broadcast %squeeze3A : f32 to vector<16xf32>
      %slice3A_73 = vector.extract_strided_slice %get3A_54 {offsets = [0], sizes = [1], strides = [1]} : vector<16xf32> to vector<1xf32>
      %squeeze3A_74 = vector.extract %slice3A_73[0] : f32 from vector<1xf32>
      %broadcast_in_dim3A_75 = vector.broadcast %squeeze3A_74 : f32 to vector<16xf32>
      %slice3A_76 = vector.extract_strided_slice %get3A_59 {offsets = [0], sizes = [1], strides = [1]} : vector<16xf32> to vector<1xf32>
      %squeeze3A_77 = vector.extract %slice3A_76[0] : f32 from vector<1xf32>
      %broadcast_in_dim3A_78 = vector.broadcast %squeeze3A_77 : f32 to vector<16xf32>
      %slice3A_79 = vector.extract_strided_slice %get3A_62 {offsets = [0], sizes = [1], strides = [1]} : vector<16xf32> to vector<1xf32>
      %squeeze3A_80 = vector.extract %slice3A_79[0] : f32 from vector<1xf32>
      %broadcast_in_dim3A_81 = vector.broadcast %squeeze3A_80 : f32 to vector<16xf32>
      %slice3A_82 = vector.extract_strided_slice %get3A_67 {offsets = [0], sizes = [1], strides = [1]} : vector<16xf32> to vector<1xf32>
      %squeeze3A_83 = vector.extract %slice3A_82[0] : f32 from vector<1xf32>
      %broadcast_in_dim3A_84 = vector.broadcast %squeeze3A_83 : f32 to vector<16xf32>
      %slice3A_85 = vector.extract_strided_slice %get3A_72 {offsets = [0], sizes = [1], strides = [1]} : vector<16xf32> to vector<1xf32>
      %squeeze3A_86 = vector.extract %slice3A_85[0] : f32 from vector<1xf32>
      %broadcast_in_dim3A_87 = vector.broadcast %squeeze3A_86 : f32 to vector<16xf32>
      %slice3A_88 = vector.extract_strided_slice %get3A_49 {offsets = [1], sizes = [1], strides = [1]} : vector<16xf32> to vector<1xf32>
      %squeeze3A_89 = vector.extract %slice3A_88[0] : f32 from vector<1xf32>
      %broadcast_in_dim3A_90 = vector.broadcast %squeeze3A_89 : f32 to vector<16xf32>
      %slice3A_91 = vector.extract_strided_slice %get3A_54 {offsets = [1], sizes = [1], strides = [1]} : vector<16xf32> to vector<1xf32>
      %squeeze3A_92 = vector.extract %slice3A_91[0] : f32 from vector<1xf32>
      %broadcast_in_dim3A_93 = vector.broadcast %squeeze3A_92 : f32 to vector<16xf32>
      %slice3A_94 = vector.extract_strided_slice %get3A_59 {offsets = [1], sizes = [1], strides = [1]} : vector<16xf32> to vector<1xf32>
      %squeeze3A_95 = vector.extract %slice3A_94[0] : f32 from vector<1xf32>
      %broadcast_in_dim3A_96 = vector.broadcast %squeeze3A_95 : f32 to vector<16xf32>
      %slice3A_97 = vector.extract_strided_slice %get3A_62 {offsets = [1], sizes = [1], strides = [1]} : vector<16xf32> to vector<1xf32>
      %squeeze3A_98 = vector.extract %slice3A_97[0] : f32 from vector<1xf32>
      %broadcast_in_dim3A_99 = vector.broadcast %squeeze3A_98 : f32 to vector<16xf32>
      %slice3A_100 = vector.extract_strided_slice %get3A_67 {offsets = [1], sizes = [1], strides = [1]} : vector<16xf32> to vector<1xf32>
      %squeeze3A_101 = vector.extract %slice3A_100[0] : f32 from vector<1xf32>
      %broadcast_in_dim3A_102 = vector.broadcast %squeeze3A_101 : f32 to vector<16xf32>
      %slice3A_103 = vector.extract_strided_slice %get3A_72 {offsets = [1], sizes = [1], strides = [1]} : vector<16xf32> to vector<1xf32>
      %squeeze3A_104 = vector.extract %slice3A_103[0] : f32 from vector<1xf32>
      %broadcast_in_dim3A_105 = vector.broadcast %squeeze3A_104 : f32 to vector<16xf32>
      %broadcast_in_dim3A_106 = arith.constant 3.000000e+38 : f32
      %broadcast_in_dim3A_107 = vector.broadcast %broadcast_in_dim3A_106 : f32 to vector<16xf32>
      %scan3A_108 = arith.constant 0 : i32
      %scan3A_109 = arith.constant 128 : i32
      %scan3A_110 = arith.addi %scan3A_108, %scan3A_109 : i32
      %scan3A_111 = arith.constant 2 : i32
      %scan3A_112:20 = scf.for %scan3A_2117 = %scan3A_108 to %scan3A_110 step %scan3A_111 iter_args(%scan3A_2118 = %broadcast_in_dim3A_107, %scan3A_2119 = %broadcast_in_dim3A_107, %scan3A_2120 = %broadcast_in_dim3A_107, %scan3A_2121 = %broadcast_in_dim3A_107, %scan3A_2122 = %broadcast_in_dim3A_107, %scan3A_2123 = %broadcast_in_dim3A_107, %scan3A_2124 = %broadcast_in_dim3A_107, %scan3A_2125 = %broadcast_in_dim3A_107, %scan3A_2126 = %broadcast_in_dim3A_107, %scan3A_2127 = %broadcast_in_dim3A_107, %scan3A_2128 = %broadcast_in_dim3A_107, %scan3A_2129 = %broadcast_in_dim3A_107, %scan3A_2130 = %broadcast_in_dim3A_107, %scan3A_2131 = %broadcast_in_dim3A_107, %scan3A_2132 = %broadcast_in_dim3A_107, %scan3A_2133 = %broadcast_in_dim3A_107, %scan3A_2134 = %broadcast_in_dim3A_107, %scan3A_2135 = %broadcast_in_dim3A_107, %scan3A_2136 = %broadcast_in_dim3A_107, %scan3A_2137 = %broadcast_in_dim3A_107) -> (vector<16xf32>, vector<16xf32>, vector<16xf32>, vector<16xf32>, vector<16xf32>, vector<16xf32>, vector<16xf32>, vector<16xf32>, vector<16xf32>, vector<16xf32>, vector<16xf32>, vector<16xf32>, vector<16xf32>, vector<16xf32>, vector<16xf32>, vector<16xf32>, vector<16xf32>, vector<16xf32>, vector<16xf32>, vector<16xf32>)  : i32 {
        %mul3A_2138 = arith.constant 16 : i32
        %mul3A_2139 = arith.muli %scan3A_2117, %mul3A_2138 : i32
        %mul3A_2140 = arith.constant 16 : i32
        %mul3A_2141 = arith.muli %scan3A_2117, %mul3A_2140 : i32
        %add3A_2142 = arith.constant 2048 : i32
        %add3A_2143 = arith.addi %add3A_2142, %mul3A_2141 : i32
        %mul3A_2144 = arith.constant 16 : i32
        %mul3A_2145 = arith.muli %scan3A_2117, %mul3A_2144 : i32
        %add3A_2146 = arith.constant 4096 : i32
        %add3A_2147 = arith.addi %add3A_2146, %mul3A_2145 : i32
        %get3A_2148 = arith.index_cast %mul3A_2139 : i32 to index
        %get3A_2149 = tpu.vector_load %arg6[%get3A_2148] {strides = array<i32>} : memref<6144xf32, #tpu.memory_space<vmem>>, vector<16xf32>,
        %get3A_2150 = vector.shape_cast %get3A_2149 : vector<16xf32> to vector<16xf32>
        %get3A_2151 = arith.index_cast %add3A_2143 : i32 to index
        %get3A_2152 = tpu.vector_load %arg6[%get3A_2151] {strides = array<i32>} : memref<6144xf32, #tpu.memory_space<vmem>>, vector<16xf32>,
        %get3A_2153 = vector.shape_cast %get3A_2152 : vector<16xf32> to vector<16xf32>
        %get3A_2154 = arith.index_cast %add3A_2147 : i32 to index
        %get3A_2155 = tpu.vector_load %arg6[%get3A_2154] {strides = array<i32>} : memref<6144xf32, #tpu.memory_space<vmem>>, vector<16xf32>,
        %get3A_2156 = vector.shape_cast %get3A_2155 : vector<16xf32> to vector<16xf32>
        %get3A_2157 = arith.index_cast %mul3A_2139 : i32 to index
        %get3A_2158 = tpu.vector_load %arg7[%get3A_2157] {strides = array<i32>} : memref<6144xf32, #tpu.memory_space<vmem>>, vector<16xf32>,
        %get3A_2159 = vector.shape_cast %get3A_2158 : vector<16xf32> to vector<16xf32>
        %get3A_2160 = arith.index_cast %add3A_2143 : i32 to index
        %get3A_2161 = tpu.vector_load %arg7[%get3A_2160] {strides = array<i32>} : memref<6144xf32, #tpu.memory_space<vmem>>, vector<16xf32>,
        %get3A_2162 = vector.shape_cast %get3A_2161 : vector<16xf32> to vector<16xf32>
        %get3A_2163 = arith.index_cast %add3A_2147 : i32 to index
        %get3A_2164 = tpu.vector_load %arg7[%get3A_2163] {strides = array<i32>} : memref<6144xf32, #tpu.memory_space<vmem>>, vector<16xf32>,
        %get3A_2165 = vector.shape_cast %get3A_2164 : vector<16xf32> to vector<16xf32>
        %get3A_2166 = arith.index_cast %mul3A_2139 : i32 to index
        %get3A_2167 = tpu.vector_load %arg8[%get3A_2166] {strides = array<i32>} : memref<2048xf32, #tpu.memory_space<vmem>>, vector<16xf32>,
        %get3A_2168 = vector.shape_cast %get3A_2167 : vector<16xf32> to vector<16xf32>
        %mul3A_2169 = arith.mulf %broadcast_in_dim3A_81, %get3A_2159 : vector<16xf32>
        %mul3A_2170 = arith.mulf %broadcast_in_dim3A_84, %get3A_2162 : vector<16xf32>
        %add3A_2171 = arith.addf %mul3A_2169, %mul3A_2170 : vector<16xf32>
        %mul3A_2172 = arith.mulf %broadcast_in_dim3A_87, %get3A_2165 : vector<16xf32>
        %add3A_2173 = arith.addf %add3A_2171, %mul3A_2172 : vector<16xf32>
        %mul3A_2174 = arith.constant 2.000000e+00 : f32
        %mul3A_2175 = vector.broadcast %mul3A_2174 : f32 to vector<16xf32>
        %mul3A_2176 = arith.mulf %mul3A_2175, %add3A_2173 : vector<16xf32>
        %sub3A_2177 = arith.subf %get3A_2168, %mul3A_2176 : vector<16xf32>
        %sub3A_2178 = arith.subf %broadcast_in_dim3A, %get3A_2150 : vector<16xf32>
        %sub3A_2179 = arith.subf %broadcast_in_dim3A_75, %get3A_2153 : vector<16xf32>
        %sub3A_2180 = arith.subf %broadcast_in_dim3A_78, %get3A_2156 : vector<16xf32>
        %mul3A_2181 = arith.mulf %sub3A_2178, %sub3A_2178 : vector<16xf32>
        %mul3A_2182 = arith.mulf %sub3A_2179, %sub3A_2179 : vector<16xf32>
        %add3A_2183 = arith.addf %mul3A_2181, %mul3A_2182 : vector<16xf32>
        %mul3A_2184 = arith.mulf %sub3A_2180, %sub3A_2180 : vector<16xf32>
        %add3A_2185 = arith.addf %add3A_2183, %mul3A_2184 : vector<16xf32>
        %lt3A_2186 = arith.cmpf olt, %sub3A_2177, %scan3A_2118 : vector<16xf32>
        %min3A = arith.minimumf %scan3A_2118, %sub3A_2177 : vector<16xf32>
        %max3A = arith.maximumf %scan3A_2118, %sub3A_2177 : vector<16xf32>
        %select_n3A_2187 = arith.select %lt3A_2186, %add3A_2185, %scan3A_2123 : vector<16xi1>, vector<16xf32>
        %select_n3A_2188 = arith.select %lt3A_2186, %scan3A_2123, %add3A_2185 : vector<16xi1>, vector<16xf32>
        %lt3A_2189 = arith.cmpf olt, %max3A, %scan3A_2119 : vector<16xf32>
        %min3A_2190 = arith.minimumf %scan3A_2119, %max3A : vector<16xf32>
        %max3A_2191 = arith.maximumf %scan3A_2119, %max3A : vector<16xf32>
        %select_n3A_2192 = arith.select %lt3A_2189, %select_n3A_2188, %scan3A_2124 : vector<16xi1>, vector<16xf32>
        %select_n3A_2193 = arith.select %lt3A_2189, %scan3A_2124, %select_n3A_2188 : vector<16xi1>, vector<16xf32>
        %lt3A_2194 = arith.cmpf olt, %max3A_2191, %scan3A_2120 : vector<16xf32>
        %min3A_2195 = arith.minimumf %scan3A_2120, %max3A_2191 : vector<16xf32>
        %max3A_2196 = arith.maximumf %scan3A_2120, %max3A_2191 : vector<16xf32>
        %select_n3A_2197 = arith.select %lt3A_2194, %select_n3A_2193, %scan3A_2125 : vector<16xi1>, vector<16xf32>
        %select_n3A_2198 = arith.select %lt3A_2194, %scan3A_2125, %select_n3A_2193 : vector<16xi1>, vector<16xf32>
        %lt3A_2199 = arith.cmpf olt, %max3A_2196, %scan3A_2121 : vector<16xf32>
        %min3A_2200 = arith.minimumf %scan3A_2121, %max3A_2196 : vector<16xf32>
        %max3A_2201 = arith.maximumf %scan3A_2121, %max3A_2196 : vector<16xf32>
        %select_n3A_2202 = arith.select %lt3A_2199, %select_n3A_2198, %scan3A_2126 : vector<16xi1>, vector<16xf32>
        %select_n3A_2203 = arith.select %lt3A_2199, %scan3A_2126, %select_n3A_2198 : vector<16xi1>, vector<16xf32>
        %lt3A_2204 = arith.cmpf olt, %max3A_2201, %scan3A_2122 : vector<16xf32>
        %min3A_2205 = arith.minimumf %scan3A_2122, %max3A_2201 : vector<16xf32>
        %select_n3A_2206 = arith.select %lt3A_2204, %select_n3A_2203, %scan3A_2127 : vector<16xi1>, vector<16xf32>
        %mul3A_2207 = arith.mulf %broadcast_in_dim3A_99, %get3A_2159 : vector<16xf32>
        %mul3A_2208 = arith.mulf %broadcast_in_dim3A_102, %get3A_2162 : vector<16xf32>
        %add3A_2209 = arith.addf %mul3A_2207, %mul3A_2208 : vector<16xf32>
        %mul3A_2210 = arith.mulf %broadcast_in_dim3A_105, %get3A_2165 : vector<16xf32>
        %add3A_2211 = arith.addf %add3A_2209, %mul3A_2210 : vector<16xf32>
        %mul3A_2212 = arith.constant 2.000000e+00 : f32
        %mul3A_2213 = vector.broadcast %mul3A_2212 : f32 to vector<16xf32>
        %mul3A_2214 = arith.mulf %mul3A_2213, %add3A_2211 : vector<16xf32>
        %sub3A_2215 = arith.subf %get3A_2168, %mul3A_2214 : vector<16xf32>
        %sub3A_2216 = arith.subf %broadcast_in_dim3A_90, %get3A_2150 : vector<16xf32>
        %sub3A_2217 = arith.subf %broadcast_in_dim3A_93, %get3A_2153 : vector<16xf32>
        %sub3A_2218 = arith.subf %broadcast_in_dim3A_96, %get3A_2156 : vector<16xf32>
        %mul3A_2219 = arith.mulf %sub3A_2216, %sub3A_2216 : vector<16xf32>
        %mul3A_2220 = arith.mulf %sub3A_2217, %sub3A_2217 : vector<16xf32>
        %add3A_2221 = arith.addf %mul3A_2219, %mul3A_2220 : vector<16xf32>
        %mul3A_2222 = arith.mulf %sub3A_2218, %sub3A_2218 : vector<16xf32>
        %add3A_2223 = arith.addf %add3A_2221, %mul3A_2222 : vector<16xf32>
        %lt3A_2224 = arith.cmpf olt, %sub3A_2215, %scan3A_2128 : vector<16xf32>
        %min3A_2225 = arith.minimumf %scan3A_2128, %sub3A_2215 : vector<16xf32>
        %max3A_2226 = arith.maximumf %scan3A_2128, %sub3A_2215 : vector<16xf32>
        %select_n3A_2227 = arith.select %lt3A_2224, %add3A_2223, %scan3A_2133 : vector<16xi1>, vector<16xf32>
        %select_n3A_2228 = arith.select %lt3A_2224, %scan3A_2133, %add3A_2223 : vector<16xi1>, vector<16xf32>
        %lt3A_2229 = arith.cmpf olt, %max3A_2226, %scan3A_2129 : vector<16xf32>
        %min3A_2230 = arith.minimumf %scan3A_2129, %max3A_2226 : vector<16xf32>
        %max3A_2231 = arith.maximumf %scan3A_2129, %max3A_2226 : vector<16xf32>
        %select_n3A_2232 = arith.select %lt3A_2229, %select_n3A_2228, %scan3A_2134 : vector<16xi1>, vector<16xf32>
        %select_n3A_2233 = arith.select %lt3A_2229, %scan3A_2134, %select_n3A_2228 : vector<16xi1>, vector<16xf32>
        %lt3A_2234 = arith.cmpf olt, %max3A_2231, %scan3A_2130 : vector<16xf32>
        %min3A_2235 = arith.minimumf %scan3A_2130, %max3A_2231 : vector<16xf32>
        %max3A_2236 = arith.maximumf %scan3A_2130, %max3A_2231 : vector<16xf32>
        %select_n3A_2237 = arith.select %lt3A_2234, %select_n3A_2233, %scan3A_2135 : vector<16xi1>, vector<16xf32>
        %select_n3A_2238 = arith.select %lt3A_2234, %scan3A_2135, %select_n3A_2233 : vector<16xi1>, vector<16xf32>
        %lt3A_2239 = arith.cmpf olt, %max3A_2236, %scan3A_2131 : vector<16xf32>
        %min3A_2240 = arith.minimumf %scan3A_2131, %max3A_2236 : vector<16xf32>
        %max3A_2241 = arith.maximumf %scan3A_2131, %max3A_2236 : vector<16xf32>
        %select_n3A_2242 = arith.select %lt3A_2239, %select_n3A_2238, %scan3A_2136 : vector<16xi1>, vector<16xf32>
        %select_n3A_2243 = arith.select %lt3A_2239, %scan3A_2136, %select_n3A_2238 : vector<16xi1>, vector<16xf32>
        %lt3A_2244 = arith.cmpf olt, %max3A_2241, %scan3A_2132 : vector<16xf32>
        %min3A_2245 = arith.minimumf %scan3A_2132, %max3A_2241 : vector<16xf32>
        %select_n3A_2246 = arith.select %lt3A_2244, %select_n3A_2243, %scan3A_2137 : vector<16xi1>, vector<16xf32>
        %scan3A_2247 = arith.constant 1 : i32
        %scan3A_2248 = arith.addi %scan3A_2117, %scan3A_2247 : i32
        %mul3A_2249 = arith.constant 16 : i32
        %mul3A_2250 = arith.muli %scan3A_2248, %mul3A_2249 : i32
        %mul3A_2251 = arith.constant 16 : i32
        %mul3A_2252 = arith.muli %scan3A_2248, %mul3A_2251 : i32
        %add3A_2253 = arith.constant 2048 : i32
        %add3A_2254 = arith.addi %add3A_2253, %mul3A_2252 : i32
        %mul3A_2255 = arith.constant 16 : i32
        %mul3A_2256 = arith.muli %scan3A_2248, %mul3A_2255 : i32
        %add3A_2257 = arith.constant 4096 : i32
        %add3A_2258 = arith.addi %add3A_2257, %mul3A_2256 : i32
        %get3A_2259 = arith.index_cast %mul3A_2250 : i32 to index
        %get3A_2260 = tpu.vector_load %arg6[%get3A_2259] {strides = array<i32>} : memref<6144xf32, #tpu.memory_space<vmem>>, vector<16xf32>,
        %get3A_2261 = vector.shape_cast %get3A_2260 : vector<16xf32> to vector<16xf32>
        %get3A_2262 = arith.index_cast %add3A_2254 : i32 to index
        %get3A_2263 = tpu.vector_load %arg6[%get3A_2262] {strides = array<i32>} : memref<6144xf32, #tpu.memory_space<vmem>>, vector<16xf32>,
        %get3A_2264 = vector.shape_cast %get3A_2263 : vector<16xf32> to vector<16xf32>
        %get3A_2265 = arith.index_cast %add3A_2258 : i32 to index
        %get3A_2266 = tpu.vector_load %arg6[%get3A_2265] {strides = array<i32>} : memref<6144xf32, #tpu.memory_space<vmem>>, vector<16xf32>,
        %get3A_2267 = vector.shape_cast %get3A_2266 : vector<16xf32> to vector<16xf32>
        %get3A_2268 = arith.index_cast %mul3A_2250 : i32 to index
        %get3A_2269 = tpu.vector_load %arg7[%get3A_2268] {strides = array<i32>} : memref<6144xf32, #tpu.memory_space<vmem>>, vector<16xf32>,
        %get3A_2270 = vector.shape_cast %get3A_2269 : vector<16xf32> to vector<16xf32>
        %get3A_2271 = arith.index_cast %add3A_2254 : i32 to index
        %get3A_2272 = tpu.vector_load %arg7[%get3A_2271] {strides = array<i32>} : memref<6144xf32, #tpu.memory_space<vmem>>, vector<16xf32>,
        %get3A_2273 = vector.shape_cast %get3A_2272 : vector<16xf32> to vector<16xf32>
        %get3A_2274 = arith.index_cast %add3A_2258 : i32 to index
        %get3A_2275 = tpu.vector_load %arg7[%get3A_2274] {strides = array<i32>} : memref<6144xf32, #tpu.memory_space<vmem>>, vector<16xf32>,
        %get3A_2276 = vector.shape_cast %get3A_2275 : vector<16xf32> to vector<16xf32>
        %get3A_2277 = arith.index_cast %mul3A_2250 : i32 to index
        %get3A_2278 = tpu.vector_load %arg8[%get3A_2277] {strides = array<i32>} : memref<2048xf32, #tpu.memory_space<vmem>>, vector<16xf32>,
        %get3A_2279 = vector.shape_cast %get3A_2278 : vector<16xf32> to vector<16xf32>
        %mul3A_2280 = arith.mulf %broadcast_in_dim3A_81, %get3A_2270 : vector<16xf32>
        %mul3A_2281 = arith.mulf %broadcast_in_dim3A_84, %get3A_2273 : vector<16xf32>
        %add3A_2282 = arith.addf %mul3A_2280, %mul3A_2281 : vector<16xf32>
        %mul3A_2283 = arith.mulf %broadcast_in_dim3A_87, %get3A_2276 : vector<16xf32>
        %add3A_2284 = arith.addf %add3A_2282, %mul3A_2283 : vector<16xf32>
        %mul3A_2285 = arith.constant 2.000000e+00 : f32
        %mul3A_2286 = vector.broadcast %mul3A_2285 : f32 to vector<16xf32>
        %mul3A_2287 = arith.mulf %mul3A_2286, %add3A_2284 : vector<16xf32>
        %sub3A_2288 = arith.subf %get3A_2279, %mul3A_2287 : vector<16xf32>
        %sub3A_2289 = arith.subf %broadcast_in_dim3A, %get3A_2261 : vector<16xf32>
        %sub3A_2290 = arith.subf %broadcast_in_dim3A_75, %get3A_2264 : vector<16xf32>
        %sub3A_2291 = arith.subf %broadcast_in_dim3A_78, %get3A_2267 : vector<16xf32>
        %mul3A_2292 = arith.mulf %sub3A_2289, %sub3A_2289 : vector<16xf32>
        %mul3A_2293 = arith.mulf %sub3A_2290, %sub3A_2290 : vector<16xf32>
        %add3A_2294 = arith.addf %mul3A_2292, %mul3A_2293 : vector<16xf32>
        %mul3A_2295 = arith.mulf %sub3A_2291, %sub3A_2291 : vector<16xf32>
        %add3A_2296 = arith.addf %add3A_2294, %mul3A_2295 : vector<16xf32>
        %lt3A_2297 = arith.cmpf olt, %sub3A_2288, %min3A : vector<16xf32>
        %min3A_2298 = arith.minimumf %min3A, %sub3A_2288 : vector<16xf32>
        %max3A_2299 = arith.maximumf %min3A, %sub3A_2288 : vector<16xf32>
        %select_n3A_2300 = arith.select %lt3A_2297, %add3A_2296, %select_n3A_2187 : vector<16xi1>, vector<16xf32>
        %select_n3A_2301 = arith.select %lt3A_2297, %select_n3A_2187, %add3A_2296 : vector<16xi1>, vector<16xf32>
        %lt3A_2302 = arith.cmpf olt, %max3A_2299, %min3A_2190 : vector<16xf32>
        %min3A_2303 = arith.minimumf %min3A_2190, %max3A_2299 : vector<16xf32>
        %max3A_2304 = arith.maximumf %min3A_2190, %max3A_2299 : vector<16xf32>
        %select_n3A_2305 = arith.select %lt3A_2302, %select_n3A_2301, %select_n3A_2192 : vector<16xi1>, vector<16xf32>
        %select_n3A_2306 = arith.select %lt3A_2302, %select_n3A_2192, %select_n3A_2301 : vector<16xi1>, vector<16xf32>
        %lt3A_2307 = arith.cmpf olt, %max3A_2304, %min3A_2195 : vector<16xf32>
        %min3A_2308 = arith.minimumf %min3A_2195, %max3A_2304 : vector<16xf32>
        %max3A_2309 = arith.maximumf %min3A_2195, %max3A_2304 : vector<16xf32>
        %select_n3A_2310 = arith.select %lt3A_2307, %select_n3A_2306, %select_n3A_2197 : vector<16xi1>, vector<16xf32>
        %select_n3A_2311 = arith.select %lt3A_2307, %select_n3A_2197, %select_n3A_2306 : vector<16xi1>, vector<16xf32>
        %lt3A_2312 = arith.cmpf olt, %max3A_2309, %min3A_2200 : vector<16xf32>
        %min3A_2313 = arith.minimumf %min3A_2200, %max3A_2309 : vector<16xf32>
        %max3A_2314 = arith.maximumf %min3A_2200, %max3A_2309 : vector<16xf32>
        %select_n3A_2315 = arith.select %lt3A_2312, %select_n3A_2311, %select_n3A_2202 : vector<16xi1>, vector<16xf32>
        %select_n3A_2316 = arith.select %lt3A_2312, %select_n3A_2202, %select_n3A_2311 : vector<16xi1>, vector<16xf32>
        %lt3A_2317 = arith.cmpf olt, %max3A_2314, %min3A_2205 : vector<16xf32>
        %min3A_2318 = arith.minimumf %min3A_2205, %max3A_2314 : vector<16xf32>
        %select_n3A_2319 = arith.select %lt3A_2317, %select_n3A_2316, %select_n3A_2206 : vector<16xi1>, vector<16xf32>
        %mul3A_2320 = arith.mulf %broadcast_in_dim3A_99, %get3A_2270 : vector<16xf32>
        %mul3A_2321 = arith.mulf %broadcast_in_dim3A_102, %get3A_2273 : vector<16xf32>
        %add3A_2322 = arith.addf %mul3A_2320, %mul3A_2321 : vector<16xf32>
        %mul3A_2323 = arith.mulf %broadcast_in_dim3A_105, %get3A_2276 : vector<16xf32>
        %add3A_2324 = arith.addf %add3A_2322, %mul3A_2323 : vector<16xf32>
        %mul3A_2325 = arith.constant 2.000000e+00 : f32
        %mul3A_2326 = vector.broadcast %mul3A_2325 : f32 to vector<16xf32>
        %mul3A_2327 = arith.mulf %mul3A_2326, %add3A_2324 : vector<16xf32>
        %sub3A_2328 = arith.subf %get3A_2279, %mul3A_2327 : vector<16xf32>
        %sub3A_2329 = arith.subf %broadcast_in_dim3A_90, %get3A_2261 : vector<16xf32>
        %sub3A_2330 = arith.subf %broadcast_in_dim3A_93, %get3A_2264 : vector<16xf32>
        %sub3A_2331 = arith.subf %broadcast_in_dim3A_96, %get3A_2267 : vector<16xf32>
        %mul3A_2332 = arith.mulf %sub3A_2329, %sub3A_2329 : vector<16xf32>
        %mul3A_2333 = arith.mulf %sub3A_2330, %sub3A_2330 : vector<16xf32>
        %add3A_2334 = arith.addf %mul3A_2332, %mul3A_2333 : vector<16xf32>
        %mul3A_2335 = arith.mulf %sub3A_2331, %sub3A_2331 : vector<16xf32>
        %add3A_2336 = arith.addf %add3A_2334, %mul3A_2335 : vector<16xf32>
        %lt3A_2337 = arith.cmpf olt, %sub3A_2328, %min3A_2225 : vector<16xf32>
        %min3A_2338 = arith.minimumf %min3A_2225, %sub3A_2328 : vector<16xf32>
        %max3A_2339 = arith.maximumf %min3A_2225, %sub3A_2328 : vector<16xf32>
        %select_n3A_2340 = arith.select %lt3A_2337, %add3A_2336, %select_n3A_2227 : vector<16xi1>, vector<16xf32>
        %select_n3A_2341 = arith.select %lt3A_2337, %select_n3A_2227, %add3A_2336 : vector<16xi1>, vector<16xf32>
        %lt3A_2342 = arith.cmpf olt, %max3A_2339, %min3A_2230 : vector<16xf32>
        %min3A_2343 = arith.minimumf %min3A_2230, %max3A_2339 : vector<16xf32>
        %max3A_2344 = arith.maximumf %min3A_2230, %max3A_2339 : vector<16xf32>
        %select_n3A_2345 = arith.select %lt3A_2342, %select_n3A_2341, %select_n3A_2232 : vector<16xi1>, vector<16xf32>
        %select_n3A_2346 = arith.select %lt3A_2342, %select_n3A_2232, %select_n3A_2341 : vector<16xi1>, vector<16xf32>
        %lt3A_2347 = arith.cmpf olt, %max3A_2344, %min3A_2235 : vector<16xf32>
        %min3A_2348 = arith.minimumf %min3A_2235, %max3A_2344 : vector<16xf32>
        %max3A_2349 = arith.maximumf %min3A_2235, %max3A_2344 : vector<16xf32>
        %select_n3A_2350 = arith.select %lt3A_2347, %select_n3A_2346, %select_n3A_2237 : vector<16xi1>, vector<16xf32>
        %select_n3A_2351 = arith.select %lt3A_2347, %select_n3A_2237, %select_n3A_2346 : vector<16xi1>, vector<16xf32>
        %lt3A_2352 = arith.cmpf olt, %max3A_2349, %min3A_2240 : vector<16xf32>
        %min3A_2353 = arith.minimumf %min3A_2240, %max3A_2349 : vector<16xf32>
        %max3A_2354 = arith.maximumf %min3A_2240, %max3A_2349 : vector<16xf32>
        %select_n3A_2355 = arith.select %lt3A_2352, %select_n3A_2351, %select_n3A_2242 : vector<16xi1>, vector<16xf32>
        %select_n3A_2356 = arith.select %lt3A_2352, %select_n3A_2242, %select_n3A_2351 : vector<16xi1>, vector<16xf32>
        %lt3A_2357 = arith.cmpf olt, %max3A_2354, %min3A_2245 : vector<16xf32>
        %min3A_2358 = arith.minimumf %min3A_2245, %max3A_2354 : vector<16xf32>
        %select_n3A_2359 = arith.select %lt3A_2357, %select_n3A_2356, %select_n3A_2246 : vector<16xi1>, vector<16xf32>
        scf.yield %min3A_2298, %min3A_2303, %min3A_2308, %min3A_2313, %min3A_2318, %select_n3A_2300, %select_n3A_2305, %select_n3A_2310, %select_n3A_2315, %select_n3A_2319, %min3A_2338, %min3A_2343, %min3A_2348, %min3A_2353, %min3A_2358, %select_n3A_2340, %select_n3A_2345, %select_n3A_2350, %select_n3A_2355, %select_n3A_2359 : vector<16xf32>, vector<16xf32>, vector<16xf32>, vector<16xf32>, vector<16xf32>, vector<16xf32>, vector<16xf32>, vector<16xf32>, vector<16xf32>, vector<16xf32>, vector<16xf32>, vector<16xf32>, vector<16xf32>, vector<16xf32>, vector<16xf32>, vector<16xf32>, vector<16xf32>, vector<16xf32>, vector<16xf32>, vector<16xf32>
      }
      %scan3A_113 = arith.constant 128 : i32
      %mul3A_114 = arith.constant 16 : i32
      %mul3A_115 = arith.muli %scan3A_44, %mul3A_114 : i32
      %add3A_116 = arith.constant 0 : i32
      %add3A_117 = arith.addi %mul3A_115, %add3A_116 : i32
      %add3A_118 = arith.constant 0 : i32
      %add3A_119 = arith.addi %add3A_117, %add3A_118 : i32
      %mul3A_120 = arith.constant 5 : i32
      %mul3A_121 = arith.muli %add3A_119, %mul3A_120 : i32
      %add3A_122 = arith.constant 0 : i32
      %add3A_123 = arith.addi %mul3A_121, %add3A_122 : i32
      %mul3A_124 = arith.constant 16 : i32
      %mul3A_125 = arith.muli %add3A_123, %mul3A_124 : i32
      %swap3A = arith.index_cast %mul3A_125 : i32 to index
      %swap3A_126 = tpu.vector_load %arg9[%swap3A] {strides = array<i32>} : memref<40960xf32, #tpu.memory_space<vmem>>, vector<16xf32>,
      %swap3A_127 = vector.shape_cast %swap3A_126 : vector<16xf32> to vector<16xf32>
      %swap3A_128 = vector.shape_cast %scan3A_112#0 : vector<16xf32> to vector<16xf32>
      tpu.vector_store %arg9[%swap3A], %swap3A_128 {strides = array<i32>} : memref<40960xf32, #tpu.memory_space<vmem>>, vector<16xf32>,
      %mul3A_129 = arith.constant 5 : i32
      %mul3A_130 = arith.muli %add3A_119, %mul3A_129 : i32
      %add3A_131 = arith.constant 0 : i32
      %add3A_132 = arith.addi %mul3A_130, %add3A_131 : i32
      %mul3A_133 = arith.constant 16 : i32
      %mul3A_134 = arith.muli %add3A_132, %mul3A_133 : i32
      %swap3A_135 = arith.index_cast %mul3A_134 : i32 to index
      %swap3A_136 = tpu.vector_load %arg10[%swap3A_135] {strides = array<i32>} : memref<40960xf32, #tpu.memory_space<vmem>>, vector<16xf32>,
      %swap3A_137 = vector.shape_cast %swap3A_136 : vector<16xf32> to vector<16xf32>
      %swap3A_138 = vector.shape_cast %scan3A_112#5 : vector<16xf32> to vector<16xf32>
      tpu.vector_store %arg10[%swap3A_135], %swap3A_138 {strides = array<i32>} : memref<40960xf32, #tpu.memory_space<vmem>>, vector<16xf32>,
      %mul3A_139 = arith.constant 5 : i32
      %mul3A_140 = arith.muli %add3A_119, %mul3A_139 : i32
      %add3A_141 = arith.constant 1 : i32
      %add3A_142 = arith.addi %mul3A_140, %add3A_141 : i32
      %mul3A_143 = arith.constant 16 : i32
      %mul3A_144 = arith.muli %add3A_142, %mul3A_143 : i32
      %swap3A_145 = arith.index_cast %mul3A_144 : i32 to index
      %swap3A_146 = tpu.vector_load %arg9[%swap3A_145] {strides = array<i32>} : memref<40960xf32, #tpu.memory_space<vmem>>, vector<16xf32>,
      %swap3A_147 = vector.shape_cast %swap3A_146 : vector<16xf32> to vector<16xf32>
      %swap3A_148 = vector.shape_cast %scan3A_112#1 : vector<16xf32> to vector<16xf32>
      tpu.vector_store %arg9[%swap3A_145], %swap3A_148 {strides = array<i32>} : memref<40960xf32, #tpu.memory_space<vmem>>, vector<16xf32>,
      %mul3A_149 = arith.constant 5 : i32
      %mul3A_150 = arith.muli %add3A_119, %mul3A_149 : i32
      %add3A_151 = arith.constant 1 : i32
      %add3A_152 = arith.addi %mul3A_150, %add3A_151 : i32
      %mul3A_153 = arith.constant 16 : i32
      %mul3A_154 = arith.muli %add3A_152, %mul3A_153 : i32
      %swap3A_155 = arith.index_cast %mul3A_154 : i32 to index
      %swap3A_156 = tpu.vector_load %arg10[%swap3A_155] {strides = array<i32>} : memref<40960xf32, #tpu.memory_space<vmem>>, vector<16xf32>,
      %swap3A_157 = vector.shape_cast %swap3A_156 : vector<16xf32> to vector<16xf32>
      %swap3A_158 = vector.shape_cast %scan3A_112#6 : vector<16xf32> to vector<16xf32>
      tpu.vector_store %arg10[%swap3A_155], %swap3A_158 {strides = array<i32>} : memref<40960xf32, #tpu.memory_space<vmem>>, vector<16xf32>,
      %mul3A_159 = arith.constant 5 : i32
      %mul3A_160 = arith.muli %add3A_119, %mul3A_159 : i32
      %add3A_161 = arith.constant 2 : i32
      %add3A_162 = arith.addi %mul3A_160, %add3A_161 : i32
      %mul3A_163 = arith.constant 16 : i32
      %mul3A_164 = arith.muli %add3A_162, %mul3A_163 : i32
      %swap3A_165 = arith.index_cast %mul3A_164 : i32 to index
      %swap3A_166 = tpu.vector_load %arg9[%swap3A_165] {strides = array<i32>} : memref<40960xf32, #tpu.memory_space<vmem>>, vector<16xf32>,
      %swap3A_167 = vector.shape_cast %swap3A_166 : vector<16xf32> to vector<16xf32>
      %swap3A_168 = vector.shape_cast %scan3A_112#2 : vector<16xf32> to vector<16xf32>
      tpu.vector_store %arg9[%swap3A_165], %swap3A_168 {strides = array<i32>} : memref<40960xf32, #tpu.memory_space<vmem>>, vector<16xf32>,
      %mul3A_169 = arith.constant 5 : i32
      %mul3A_170 = arith.muli %add3A_119, %mul3A_169 : i32
      %add3A_171 = arith.constant 2 : i32
      %add3A_172 = arith.addi %mul3A_170, %add3A_171 : i32
      %mul3A_173 = arith.constant 16 : i32
      %mul3A_174 = arith.muli %add3A_172, %mul3A_173 : i32
      %swap3A_175 = arith.index_cast %mul3A_174 : i32 to index
      %swap3A_176 = tpu.vector_load %arg10[%swap3A_175] {strides = array<i32>} : memref<40960xf32, #tpu.memory_space<vmem>>, vector<16xf32>,
      %swap3A_177 = vector.shape_cast %swap3A_176 : vector<16xf32> to vector<16xf32>
      %swap3A_178 = vector.shape_cast %scan3A_112#7 : vector<16xf32> to vector<16xf32>
      tpu.vector_store %arg10[%swap3A_175], %swap3A_178 {strides = array<i32>} : memref<40960xf32, #tpu.memory_space<vmem>>, vector<16xf32>,
      %mul3A_179 = arith.constant 5 : i32
      %mul3A_180 = arith.muli %add3A_119, %mul3A_179 : i32
      %add3A_181 = arith.constant 3 : i32
      %add3A_182 = arith.addi %mul3A_180, %add3A_181 : i32
      %mul3A_183 = arith.constant 16 : i32
      %mul3A_184 = arith.muli %add3A_182, %mul3A_183 : i32
      %swap3A_185 = arith.index_cast %mul3A_184 : i32 to index
      %swap3A_186 = tpu.vector_load %arg9[%swap3A_185] {strides = array<i32>} : memref<40960xf32, #tpu.memory_space<vmem>>, vector<16xf32>,
      %swap3A_187 = vector.shape_cast %swap3A_186 : vector<16xf32> to vector<16xf32>
      %swap3A_188 = vector.shape_cast %scan3A_112#3 : vector<16xf32> to vector<16xf32>
      tpu.vector_store %arg9[%swap3A_185], %swap3A_188 {strides = array<i32>} : memref<40960xf32, #tpu.memory_space<vmem>>, vector<16xf32>,
      %mul3A_189 = arith.constant 5 : i32
      %mul3A_190 = arith.muli %add3A_119, %mul3A_189 : i32
      %add3A_191 = arith.constant 3 : i32
      %add3A_192 = arith.addi %mul3A_190, %add3A_191 : i32
      %mul3A_193 = arith.constant 16 : i32
      %mul3A_194 = arith.muli %add3A_192, %mul3A_193 : i32
      %swap3A_195 = arith.index_cast %mul3A_194 : i32 to index
      %swap3A_196 = tpu.vector_load %arg10[%swap3A_195] {strides = array<i32>} : memref<40960xf32, #tpu.memory_space<vmem>>, vector<16xf32>,
      %swap3A_197 = vector.shape_cast %swap3A_196 : vector<16xf32> to vector<16xf32>
      %swap3A_198 = vector.shape_cast %scan3A_112#8 : vector<16xf32> to vector<16xf32>
      tpu.vector_store %arg10[%swap3A_195], %swap3A_198 {strides = array<i32>} : memref<40960xf32, #tpu.memory_space<vmem>>, vector<16xf32>,
      %mul3A_199 = arith.constant 5 : i32
      %mul3A_200 = arith.muli %add3A_119, %mul3A_199 : i32
      %add3A_201 = arith.constant 4 : i32
      %add3A_202 = arith.addi %mul3A_200, %add3A_201 : i32
      %mul3A_203 = arith.constant 16 : i32
      %mul3A_204 = arith.muli %add3A_202, %mul3A_203 : i32
      %swap3A_205 = arith.index_cast %mul3A_204 : i32 to index
      %swap3A_206 = tpu.vector_load %arg9[%swap3A_205] {strides = array<i32>} : memref<40960xf32, #tpu.memory_space<vmem>>, vector<16xf32>,
      %swap3A_207 = vector.shape_cast %swap3A_206 : vector<16xf32> to vector<16xf32>
      %swap3A_208 = vector.shape_cast %scan3A_112#4 : vector<16xf32> to vector<16xf32>
      tpu.vector_store %arg9[%swap3A_205], %swap3A_208 {strides = array<i32>} : memref<40960xf32, #tpu.memory_space<vmem>>, vector<16xf32>,
      %mul3A_209 = arith.constant 5 : i32
      %mul3A_210 = arith.muli %add3A_119, %mul3A_209 : i32
      %add3A_211 = arith.constant 4 : i32
      %add3A_212 = arith.addi %mul3A_210, %add3A_211 : i32
      %mul3A_213 = arith.constant 16 : i32
      %mul3A_214 = arith.muli %add3A_212, %mul3A_213 : i32
      %swap3A_215 = arith.index_cast %mul3A_214 : i32 to index
      %swap3A_216 = tpu.vector_load %arg10[%swap3A_215] {strides = array<i32>} : memref<40960xf32, #tpu.memory_space<vmem>>, vector<16xf32>,
      %swap3A_217 = vector.shape_cast %swap3A_216 : vector<16xf32> to vector<16xf32>
      %swap3A_218 = vector.shape_cast %scan3A_112#9 : vector<16xf32> to vector<16xf32>
      tpu.vector_store %arg10[%swap3A_215], %swap3A_218 {strides = array<i32>} : memref<40960xf32, #tpu.memory_space<vmem>>, vector<16xf32>,
      %mul3A_219 = arith.constant 16 : i32
      %mul3A_220 = arith.muli %scan3A_44, %mul3A_219 : i32
      %add3A_221 = arith.constant 0 : i32
      %add3A_222 = arith.addi %mul3A_220, %add3A_221 : i32
      %add3A_223 = arith.constant 1 : i32
      %add3A_224 = arith.addi %add3A_222, %add3A_223 : i32
      %mul3A_225 = arith.constant 5 : i32
      %mul3A_226 = arith.muli %add3A_224, %mul3A_225 : i32
      %add3A_227 = arith.constant 0 : i32
      %add3A_228 = arith.addi %mul3A_226, %add3A_227 : i32
      %mul3A_229 = arith.constant 16 : i32
      %mul3A_230 = arith.muli %add3A_228, %mul3A_229 : i32
      %swap3A_231 = arith.index_cast %mul3A_230 : i32 to index
      %swap3A_232 = tpu.vector_load %arg9[%swap3A_231] {strides = array<i32>} : memref<40960xf32, #tpu.memory_space<vmem>>, vector<16xf32>,
      %swap3A_233 = vector.shape_cast %swap3A_232 : vector<16xf32> to vector<16xf32>
      %swap3A_234 = vector.shape_cast %scan3A_112#10 : vector<16xf32> to vector<16xf32>
      tpu.vector_store %arg9[%swap3A_231], %swap3A_234 {strides = array<i32>} : memref<40960xf32, #tpu.memory_space<vmem>>, vector<16xf32>,
      %mul3A_235 = arith.constant 5 : i32
      %mul3A_236 = arith.muli %add3A_224, %mul3A_235 : i32
      %add3A_237 = arith.constant 0 : i32
      %add3A_238 = arith.addi %mul3A_236, %add3A_237 : i32
      %mul3A_239 = arith.constant 16 : i32
      %mul3A_240 = arith.muli %add3A_238, %mul3A_239 : i32
      %swap3A_241 = arith.index_cast %mul3A_240 : i32 to index
      %swap3A_242 = tpu.vector_load %arg10[%swap3A_241] {strides = array<i32>} : memref<40960xf32, #tpu.memory_space<vmem>>, vector<16xf32>,
      %swap3A_243 = vector.shape_cast %swap3A_242 : vector<16xf32> to vector<16xf32>
      %swap3A_244 = vector.shape_cast %scan3A_112#15 : vector<16xf32> to vector<16xf32>
      tpu.vector_store %arg10[%swap3A_241], %swap3A_244 {strides = array<i32>} : memref<40960xf32, #tpu.memory_space<vmem>>, vector<16xf32>,
      %mul3A_245 = arith.constant 5 : i32
      %mul3A_246 = arith.muli %add3A_224, %mul3A_245 : i32
      %add3A_247 = arith.constant 1 : i32
      %add3A_248 = arith.addi %mul3A_246, %add3A_247 : i32
      %mul3A_249 = arith.constant 16 : i32
      %mul3A_250 = arith.muli %add3A_248, %mul3A_249 : i32
      %swap3A_251 = arith.index_cast %mul3A_250 : i32 to index
      %swap3A_252 = tpu.vector_load %arg9[%swap3A_251] {strides = array<i32>} : memref<40960xf32, #tpu.memory_space<vmem>>, vector<16xf32>,
      %swap3A_253 = vector.shape_cast %swap3A_252 : vector<16xf32> to vector<16xf32>
      %swap3A_254 = vector.shape_cast %scan3A_112#11 : vector<16xf32> to vector<16xf32>
      tpu.vector_store %arg9[%swap3A_251], %swap3A_254 {strides = array<i32>} : memref<40960xf32, #tpu.memory_space<vmem>>, vector<16xf32>,
      %mul3A_255 = arith.constant 5 : i32
      %mul3A_256 = arith.muli %add3A_224, %mul3A_255 : i32
      %add3A_257 = arith.constant 1 : i32
      %add3A_258 = arith.addi %mul3A_256, %add3A_257 : i32
      %mul3A_259 = arith.constant 16 : i32
      %mul3A_260 = arith.muli %add3A_258, %mul3A_259 : i32
      %swap3A_261 = arith.index_cast %mul3A_260 : i32 to index
      %swap3A_262 = tpu.vector_load %arg10[%swap3A_261] {strides = array<i32>} : memref<40960xf32, #tpu.memory_space<vmem>>, vector<16xf32>,
      %swap3A_263 = vector.shape_cast %swap3A_262 : vector<16xf32> to vector<16xf32>
      %swap3A_264 = vector.shape_cast %scan3A_112#16 : vector<16xf32> to vector<16xf32>
      tpu.vector_store %arg10[%swap3A_261], %swap3A_264 {strides = array<i32>} : memref<40960xf32, #tpu.memory_space<vmem>>, vector<16xf32>,
      %mul3A_265 = arith.constant 5 : i32
      %mul3A_266 = arith.muli %add3A_224, %mul3A_265 : i32
      %add3A_267 = arith.constant 2 : i32
      %add3A_268 = arith.addi %mul3A_266, %add3A_267 : i32
      %mul3A_269 = arith.constant 16 : i32
      %mul3A_270 = arith.muli %add3A_268, %mul3A_269 : i32
      %swap3A_271 = arith.index_cast %mul3A_270 : i32 to index
      %swap3A_272 = tpu.vector_load %arg9[%swap3A_271] {strides = array<i32>} : memref<40960xf32, #tpu.memory_space<vmem>>, vector<16xf32>,
      %swap3A_273 = vector.shape_cast %swap3A_272 : vector<16xf32> to vector<16xf32>
      %swap3A_274 = vector.shape_cast %scan3A_112#12 : vector<16xf32> to vector<16xf32>
      tpu.vector_store %arg9[%swap3A_271], %swap3A_274 {strides = array<i32>} : memref<40960xf32, #tpu.memory_space<vmem>>, vector<16xf32>,
      %mul3A_275 = arith.constant 5 : i32
      %mul3A_276 = arith.muli %add3A_224, %mul3A_275 : i32
      %add3A_277 = arith.constant 2 : i32
      %add3A_278 = arith.addi %mul3A_276, %add3A_277 : i32
      %mul3A_279 = arith.constant 16 : i32
      %mul3A_280 = arith.muli %add3A_278, %mul3A_279 : i32
      %swap3A_281 = arith.index_cast %mul3A_280 : i32 to index
      %swap3A_282 = tpu.vector_load %arg10[%swap3A_281] {strides = array<i32>} : memref<40960xf32, #tpu.memory_space<vmem>>, vector<16xf32>,
      %swap3A_283 = vector.shape_cast %swap3A_282 : vector<16xf32> to vector<16xf32>
      %swap3A_284 = vector.shape_cast %scan3A_112#17 : vector<16xf32> to vector<16xf32>
      tpu.vector_store %arg10[%swap3A_281], %swap3A_284 {strides = array<i32>} : memref<40960xf32, #tpu.memory_space<vmem>>, vector<16xf32>,
      %mul3A_285 = arith.constant 5 : i32
      %mul3A_286 = arith.muli %add3A_224, %mul3A_285 : i32
      %add3A_287 = arith.constant 3 : i32
      %add3A_288 = arith.addi %mul3A_286, %add3A_287 : i32
      %mul3A_289 = arith.constant 16 : i32
      %mul3A_290 = arith.muli %add3A_288, %mul3A_289 : i32
      %swap3A_291 = arith.index_cast %mul3A_290 : i32 to index
      %swap3A_292 = tpu.vector_load %arg9[%swap3A_291] {strides = array<i32>} : memref<40960xf32, #tpu.memory_space<vmem>>, vector<16xf32>,
      %swap3A_293 = vector.shape_cast %swap3A_292 : vector<16xf32> to vector<16xf32>
      %swap3A_294 = vector.shape_cast %scan3A_112#13 : vector<16xf32> to vector<16xf32>
      tpu.vector_store %arg9[%swap3A_291], %swap3A_294 {strides = array<i32>} : memref<40960xf32, #tpu.memory_space<vmem>>, vector<16xf32>,
      %mul3A_295 = arith.constant 5 : i32
      %mul3A_296 = arith.muli %add3A_224, %mul3A_295 : i32
      %add3A_297 = arith.constant 3 : i32
      %add3A_298 = arith.addi %mul3A_296, %add3A_297 : i32
      %mul3A_299 = arith.constant 16 : i32
      %mul3A_300 = arith.muli %add3A_298, %mul3A_299 : i32
      %swap3A_301 = arith.index_cast %mul3A_300 : i32 to index
      %swap3A_302 = tpu.vector_load %arg10[%swap3A_301] {strides = array<i32>} : memref<40960xf32, #tpu.memory_space<vmem>>, vector<16xf32>,
      %swap3A_303 = vector.shape_cast %swap3A_302 : vector<16xf32> to vector<16xf32>
      %swap3A_304 = vector.shape_cast %scan3A_112#18 : vector<16xf32> to vector<16xf32>
      tpu.vector_store %arg10[%swap3A_301], %swap3A_304 {strides = array<i32>} : memref<40960xf32, #tpu.memory_space<vmem>>, vector<16xf32>,
      %mul3A_305 = arith.constant 5 : i32
      %mul3A_306 = arith.muli %add3A_224, %mul3A_305 : i32
      %add3A_307 = arith.constant 4 : i32
      %add3A_308 = arith.addi %mul3A_306, %add3A_307 : i32
      %mul3A_309 = arith.constant 16 : i32
      %mul3A_310 = arith.muli %add3A_308, %mul3A_309 : i32
      %swap3A_311 = arith.index_cast %mul3A_310 : i32 to index
      %swap3A_312 = tpu.vector_load %arg9[%swap3A_311] {strides = array<i32>} : memref<40960xf32, #tpu.memory_space<vmem>>, vector<16xf32>,
      %swap3A_313 = vector.shape_cast %swap3A_312 : vector<16xf32> to vector<16xf32>
      %swap3A_314 = vector.shape_cast %scan3A_112#14 : vector<16xf32> to vector<16xf32>
      tpu.vector_store %arg9[%swap3A_311], %swap3A_314 {strides = array<i32>} : memref<40960xf32, #tpu.memory_space<vmem>>, vector<16xf32>,
      %mul3A_315 = arith.constant 5 : i32
      %mul3A_316 = arith.muli %add3A_224, %mul3A_315 : i32
      %add3A_317 = arith.constant 4 : i32
      %add3A_318 = arith.addi %mul3A_316, %add3A_317 : i32
      %mul3A_319 = arith.constant 16 : i32
      %mul3A_320 = arith.muli %add3A_318, %mul3A_319 : i32
      %swap3A_321 = arith.index_cast %mul3A_320 : i32 to index
      %swap3A_322 = tpu.vector_load %arg10[%swap3A_321] {strides = array<i32>} : memref<40960xf32, #tpu.memory_space<vmem>>, vector<16xf32>,
      %swap3A_323 = vector.shape_cast %swap3A_322 : vector<16xf32> to vector<16xf32>
      %swap3A_324 = vector.shape_cast %scan3A_112#19 : vector<16xf32> to vector<16xf32>
      tpu.vector_store %arg10[%swap3A_321], %swap3A_324 {strides = array<i32>} : memref<40960xf32, #tpu.memory_space<vmem>>, vector<16xf32>,
      %slice3A_325 = vector.extract_strided_slice %get3A_49 {offsets = [2], sizes = [1], strides = [1]} : vector<16xf32> to vector<1xf32>
      %squeeze3A_326 = vector.extract %slice3A_325[0] : f32 from vector<1xf32>
      %broadcast_in_dim3A_327 = vector.broadcast %squeeze3A_326 : f32 to vector<16xf32>
      %slice3A_328 = vector.extract_strided_slice %get3A_54 {offsets = [2], sizes = [1], strides = [1]} : vector<16xf32> to vector<1xf32>
      %squeeze3A_329 = vector.extract %slice3A_328[0] : f32 from vector<1xf32>
      %broadcast_in_dim3A_330 = vector.broadcast %squeeze3A_329 : f32 to vector<16xf32>
      %slice3A_331 = vector.extract_strided_slice %get3A_59 {offsets = [2], sizes = [1], strides = [1]} : vector<16xf32> to vector<1xf32>
      %squeeze3A_332 = vector.extract %slice3A_331[0] : f32 from vector<1xf32>
      %broadcast_in_dim3A_333 = vector.broadcast %squeeze3A_332 : f32 to vector<16xf32>
      %slice3A_334 = vector.extract_strided_slice %get3A_62 {offsets = [2], sizes = [1], strides = [1]} : vector<16xf32> to vector<1xf32>
      %squeeze3A_335 = vector.extract %slice3A_334[0] : f32 from vector<1xf32>
      %broadcast_in_dim3A_336 = vector.broadcast %squeeze3A_335 : f32 to vector<16xf32>
      %slice3A_337 = vector.extract_strided_slice %get3A_67 {offsets = [2], sizes = [1], strides = [1]} : vector<16xf32> to vector<1xf32>
      %squeeze3A_338 = vector.extract %slice3A_337[0] : f32 from vector<1xf32>
      %broadcast_in_dim3A_339 = vector.broadcast %squeeze3A_338 : f32 to vector<16xf32>
      %slice3A_340 = vector.extract_strided_slice %get3A_72 {offsets = [2], sizes = [1], strides = [1]} : vector<16xf32> to vector<1xf32>
      %squeeze3A_341 = vector.extract %slice3A_340[0] : f32 from vector<1xf32>
      %broadcast_in_dim3A_342 = vector.broadcast %squeeze3A_341 : f32 to vector<16xf32>
      %slice3A_343 = vector.extract_strided_slice %get3A_49 {offsets = [3], sizes = [1], strides = [1]} : vector<16xf32> to vector<1xf32>
      %squeeze3A_344 = vector.extract %slice3A_343[0] : f32 from vector<1xf32>
      %broadcast_in_dim3A_345 = vector.broadcast %squeeze3A_344 : f32 to vector<16xf32>
      %slice3A_346 = vector.extract_strided_slice %get3A_54 {offsets = [3], sizes = [1], strides = [1]} : vector<16xf32> to vector<1xf32>
      %squeeze3A_347 = vector.extract %slice3A_346[0] : f32 from vector<1xf32>
      %broadcast_in_dim3A_348 = vector.broadcast %squeeze3A_347 : f32 to vector<16xf32>
      %slice3A_349 = vector.extract_strided_slice %get3A_59 {offsets = [3], sizes = [1], strides = [1]} : vector<16xf32> to vector<1xf32>
      %squeeze3A_350 = vector.extract %slice3A_349[0] : f32 from vector<1xf32>
      %broadcast_in_dim3A_351 = vector.broadcast %squeeze3A_350 : f32 to vector<16xf32>
      %slice3A_352 = vector.extract_strided_slice %get3A_62 {offsets = [3], sizes = [1], strides = [1]} : vector<16xf32> to vector<1xf32>
      %squeeze3A_353 = vector.extract %slice3A_352[0] : f32 from vector<1xf32>
      %broadcast_in_dim3A_354 = vector.broadcast %squeeze3A_353 : f32 to vector<16xf32>
      %slice3A_355 = vector.extract_strided_slice %get3A_67 {offsets = [3], sizes = [1], strides = [1]} : vector<16xf32> to vector<1xf32>
      %squeeze3A_356 = vector.extract %slice3A_355[0] : f32 from vector<1xf32>
      %broadcast_in_dim3A_357 = vector.broadcast %squeeze3A_356 : f32 to vector<16xf32>
      %slice3A_358 = vector.extract_strided_slice %get3A_72 {offsets = [3], sizes = [1], strides = [1]} : vector<16xf32> to vector<1xf32>
      %squeeze3A_359 = vector.extract %slice3A_358[0] : f32 from vector<1xf32>
      %broadcast_in_dim3A_360 = vector.broadcast %squeeze3A_359 : f32 to vector<16xf32>
      %broadcast_in_dim3A_361 = arith.constant 3.000000e+38 : f32
      %broadcast_in_dim3A_362 = vector.broadcast %broadcast_in_dim3A_361 : f32 to vector<16xf32>
      %scan3A_363 = arith.constant 0 : i32
      %scan3A_364 = arith.constant 128 : i32
      %scan3A_365 = arith.addi %scan3A_363, %scan3A_364 : i32
      %scan3A_366 = arith.constant 2 : i32
      %scan3A_367:20 = scf.for %scan3A_2117 = %scan3A_363 to %scan3A_365 step %scan3A_366 iter_args(%scan3A_2118 = %broadcast_in_dim3A_362, %scan3A_2119 = %broadcast_in_dim3A_362, %scan3A_2120 = %broadcast_in_dim3A_362, %scan3A_2121 = %broadcast_in_dim3A_362, %scan3A_2122 = %broadcast_in_dim3A_362, %scan3A_2123 = %broadcast_in_dim3A_362, %scan3A_2124 = %broadcast_in_dim3A_362, %scan3A_2125 = %broadcast_in_dim3A_362, %scan3A_2126 = %broadcast_in_dim3A_362, %scan3A_2127 = %broadcast_in_dim3A_362, %scan3A_2128 = %broadcast_in_dim3A_362, %scan3A_2129 = %broadcast_in_dim3A_362, %scan3A_2130 = %broadcast_in_dim3A_362, %scan3A_2131 = %broadcast_in_dim3A_362, %scan3A_2132 = %broadcast_in_dim3A_362, %scan3A_2133 = %broadcast_in_dim3A_362, %scan3A_2134 = %broadcast_in_dim3A_362, %scan3A_2135 = %broadcast_in_dim3A_362, %scan3A_2136 = %broadcast_in_dim3A_362, %scan3A_2137 = %broadcast_in_dim3A_362) -> (vector<16xf32>, vector<16xf32>, vector<16xf32>, vector<16xf32>, vector<16xf32>, vector<16xf32>, vector<16xf32>, vector<16xf32>, vector<16xf32>, vector<16xf32>, vector<16xf32>, vector<16xf32>, vector<16xf32>, vector<16xf32>, vector<16xf32>, vector<16xf32>, vector<16xf32>, vector<16xf32>, vector<16xf32>, vector<16xf32>)  : i32 {
        %mul3A_2138 = arith.constant 16 : i32
        %mul3A_2139 = arith.muli %scan3A_2117, %mul3A_2138 : i32
        %mul3A_2140 = arith.constant 16 : i32
        %mul3A_2141 = arith.muli %scan3A_2117, %mul3A_2140 : i32
        %add3A_2142 = arith.constant 2048 : i32
        %add3A_2143 = arith.addi %add3A_2142, %mul3A_2141 : i32
        %mul3A_2144 = arith.constant 16 : i32
        %mul3A_2145 = arith.muli %scan3A_2117, %mul3A_2144 : i32
        %add3A_2146 = arith.constant 4096 : i32
        %add3A_2147 = arith.addi %add3A_2146, %mul3A_2145 : i32
        %get3A_2148 = arith.index_cast %mul3A_2139 : i32 to index
        %get3A_2149 = tpu.vector_load %arg6[%get3A_2148] {strides = array<i32>} : memref<6144xf32, #tpu.memory_space<vmem>>, vector<16xf32>,
        %get3A_2150 = vector.shape_cast %get3A_2149 : vector<16xf32> to vector<16xf32>
        %get3A_2151 = arith.index_cast %add3A_2143 : i32 to index
        %get3A_2152 = tpu.vector_load %arg6[%get3A_2151] {strides = array<i32>} : memref<6144xf32, #tpu.memory_space<vmem>>, vector<16xf32>,
        %get3A_2153 = vector.shape_cast %get3A_2152 : vector<16xf32> to vector<16xf32>
        %get3A_2154 = arith.index_cast %add3A_2147 : i32 to index
        %get3A_2155 = tpu.vector_load %arg6[%get3A_2154] {strides = array<i32>} : memref<6144xf32, #tpu.memory_space<vmem>>, vector<16xf32>,
        %get3A_2156 = vector.shape_cast %get3A_2155 : vector<16xf32> to vector<16xf32>
        %get3A_2157 = arith.index_cast %mul3A_2139 : i32 to index
        %get3A_2158 = tpu.vector_load %arg7[%get3A_2157] {strides = array<i32>} : memref<6144xf32, #tpu.memory_space<vmem>>, vector<16xf32>,
        %get3A_2159 = vector.shape_cast %get3A_2158 : vector<16xf32> to vector<16xf32>
        %get3A_2160 = arith.index_cast %add3A_2143 : i32 to index
        %get3A_2161 = tpu.vector_load %arg7[%get3A_2160] {strides = array<i32>} : memref<6144xf32, #tpu.memory_space<vmem>>, vector<16xf32>,
        %get3A_2162 = vector.shape_cast %get3A_2161 : vector<16xf32> to vector<16xf32>
        %get3A_2163 = arith.index_cast %add3A_2147 : i32 to index
        %get3A_2164 = tpu.vector_load %arg7[%get3A_2163] {strides = array<i32>} : memref<6144xf32, #tpu.memory_space<vmem>>, vector<16xf32>,
        %get3A_2165 = vector.shape_cast %get3A_2164 : vector<16xf32> to vector<16xf32>
        %get3A_2166 = arith.index_cast %mul3A_2139 : i32 to index
        %get3A_2167 = tpu.vector_load %arg8[%get3A_2166] {strides = array<i32>} : memref<2048xf32, #tpu.memory_space<vmem>>, vector<16xf32>,
        %get3A_2168 = vector.shape_cast %get3A_2167 : vector<16xf32> to vector<16xf32>
        %mul3A_2169 = arith.mulf %broadcast_in_dim3A_336, %get3A_2159 : vector<16xf32>
        %mul3A_2170 = arith.mulf %broadcast_in_dim3A_339, %get3A_2162 : vector<16xf32>
        %add3A_2171 = arith.addf %mul3A_2169, %mul3A_2170 : vector<16xf32>
        %mul3A_2172 = arith.mulf %broadcast_in_dim3A_342, %get3A_2165 : vector<16xf32>
        %add3A_2173 = arith.addf %add3A_2171, %mul3A_2172 : vector<16xf32>
        %mul3A_2174 = arith.constant 2.000000e+00 : f32
        %mul3A_2175 = vector.broadcast %mul3A_2174 : f32 to vector<16xf32>
        %mul3A_2176 = arith.mulf %mul3A_2175, %add3A_2173 : vector<16xf32>
        %sub3A_2177 = arith.subf %get3A_2168, %mul3A_2176 : vector<16xf32>
        %sub3A_2178 = arith.subf %broadcast_in_dim3A_327, %get3A_2150 : vector<16xf32>
        %sub3A_2179 = arith.subf %broadcast_in_dim3A_330, %get3A_2153 : vector<16xf32>
        %sub3A_2180 = arith.subf %broadcast_in_dim3A_333, %get3A_2156 : vector<16xf32>
        %mul3A_2181 = arith.mulf %sub3A_2178, %sub3A_2178 : vector<16xf32>
        %mul3A_2182 = arith.mulf %sub3A_2179, %sub3A_2179 : vector<16xf32>
        %add3A_2183 = arith.addf %mul3A_2181, %mul3A_2182 : vector<16xf32>
        %mul3A_2184 = arith.mulf %sub3A_2180, %sub3A_2180 : vector<16xf32>
        %add3A_2185 = arith.addf %add3A_2183, %mul3A_2184 : vector<16xf32>
        %lt3A_2186 = arith.cmpf olt, %sub3A_2177, %scan3A_2118 : vector<16xf32>
        %min3A = arith.minimumf %scan3A_2118, %sub3A_2177 : vector<16xf32>
        %max3A = arith.maximumf %scan3A_2118, %sub3A_2177 : vector<16xf32>
        %select_n3A_2187 = arith.select %lt3A_2186, %add3A_2185, %scan3A_2123 : vector<16xi1>, vector<16xf32>
        %select_n3A_2188 = arith.select %lt3A_2186, %scan3A_2123, %add3A_2185 : vector<16xi1>, vector<16xf32>
        %lt3A_2189 = arith.cmpf olt, %max3A, %scan3A_2119 : vector<16xf32>
        %min3A_2190 = arith.minimumf %scan3A_2119, %max3A : vector<16xf32>
        %max3A_2191 = arith.maximumf %scan3A_2119, %max3A : vector<16xf32>
        %select_n3A_2192 = arith.select %lt3A_2189, %select_n3A_2188, %scan3A_2124 : vector<16xi1>, vector<16xf32>
        %select_n3A_2193 = arith.select %lt3A_2189, %scan3A_2124, %select_n3A_2188 : vector<16xi1>, vector<16xf32>
        %lt3A_2194 = arith.cmpf olt, %max3A_2191, %scan3A_2120 : vector<16xf32>
        %min3A_2195 = arith.minimumf %scan3A_2120, %max3A_2191 : vector<16xf32>
        %max3A_2196 = arith.maximumf %scan3A_2120, %max3A_2191 : vector<16xf32>
        %select_n3A_2197 = arith.select %lt3A_2194, %select_n3A_2193, %scan3A_2125 : vector<16xi1>, vector<16xf32>
        %select_n3A_2198 = arith.select %lt3A_2194, %scan3A_2125, %select_n3A_2193 : vector<16xi1>, vector<16xf32>
        %lt3A_2199 = arith.cmpf olt, %max3A_2196, %scan3A_2121 : vector<16xf32>
        %min3A_2200 = arith.minimumf %scan3A_2121, %max3A_2196 : vector<16xf32>
        %max3A_2201 = arith.maximumf %scan3A_2121, %max3A_2196 : vector<16xf32>
        %select_n3A_2202 = arith.select %lt3A_2199, %select_n3A_2198, %scan3A_2126 : vector<16xi1>, vector<16xf32>
        %select_n3A_2203 = arith.select %lt3A_2199, %scan3A_2126, %select_n3A_2198 : vector<16xi1>, vector<16xf32>
        %lt3A_2204 = arith.cmpf olt, %max3A_2201, %scan3A_2122 : vector<16xf32>
        %min3A_2205 = arith.minimumf %scan3A_2122, %max3A_2201 : vector<16xf32>
        %select_n3A_2206 = arith.select %lt3A_2204, %select_n3A_2203, %scan3A_2127 : vector<16xi1>, vector<16xf32>
        %mul3A_2207 = arith.mulf %broadcast_in_dim3A_354, %get3A_2159 : vector<16xf32>
        %mul3A_2208 = arith.mulf %broadcast_in_dim3A_357, %get3A_2162 : vector<16xf32>
        %add3A_2209 = arith.addf %mul3A_2207, %mul3A_2208 : vector<16xf32>
        %mul3A_2210 = arith.mulf %broadcast_in_dim3A_360, %get3A_2165 : vector<16xf32>
        %add3A_2211 = arith.addf %add3A_2209, %mul3A_2210 : vector<16xf32>
        %mul3A_2212 = arith.constant 2.000000e+00 : f32
        %mul3A_2213 = vector.broadcast %mul3A_2212 : f32 to vector<16xf32>
        %mul3A_2214 = arith.mulf %mul3A_2213, %add3A_2211 : vector<16xf32>
        %sub3A_2215 = arith.subf %get3A_2168, %mul3A_2214 : vector<16xf32>
        %sub3A_2216 = arith.subf %broadcast_in_dim3A_345, %get3A_2150 : vector<16xf32>
        %sub3A_2217 = arith.subf %broadcast_in_dim3A_348, %get3A_2153 : vector<16xf32>
        %sub3A_2218 = arith.subf %broadcast_in_dim3A_351, %get3A_2156 : vector<16xf32>
        %mul3A_2219 = arith.mulf %sub3A_2216, %sub3A_2216 : vector<16xf32>
        %mul3A_2220 = arith.mulf %sub3A_2217, %sub3A_2217 : vector<16xf32>
        %add3A_2221 = arith.addf %mul3A_2219, %mul3A_2220 : vector<16xf32>
        %mul3A_2222 = arith.mulf %sub3A_2218, %sub3A_2218 : vector<16xf32>
        %add3A_2223 = arith.addf %add3A_2221, %mul3A_2222 : vector<16xf32>
        %lt3A_2224 = arith.cmpf olt, %sub3A_2215, %scan3A_2128 : vector<16xf32>
        %min3A_2225 = arith.minimumf %scan3A_2128, %sub3A_2215 : vector<16xf32>
        %max3A_2226 = arith.maximumf %scan3A_2128, %sub3A_2215 : vector<16xf32>
        %select_n3A_2227 = arith.select %lt3A_2224, %add3A_2223, %scan3A_2133 : vector<16xi1>, vector<16xf32>
        %select_n3A_2228 = arith.select %lt3A_2224, %scan3A_2133, %add3A_2223 : vector<16xi1>, vector<16xf32>
        %lt3A_2229 = arith.cmpf olt, %max3A_2226, %scan3A_2129 : vector<16xf32>
        %min3A_2230 = arith.minimumf %scan3A_2129, %max3A_2226 : vector<16xf32>
        %max3A_2231 = arith.maximumf %scan3A_2129, %max3A_2226 : vector<16xf32>
        %select_n3A_2232 = arith.select %lt3A_2229, %select_n3A_2228, %scan3A_2134 : vector<16xi1>, vector<16xf32>
        %select_n3A_2233 = arith.select %lt3A_2229, %scan3A_2134, %select_n3A_2228 : vector<16xi1>, vector<16xf32>
        %lt3A_2234 = arith.cmpf olt, %max3A_2231, %scan3A_2130 : vector<16xf32>
        %min3A_2235 = arith.minimumf %scan3A_2130, %max3A_2231 : vector<16xf32>
        %max3A_2236 = arith.maximumf %scan3A_2130, %max3A_2231 : vector<16xf32>
        %select_n3A_2237 = arith.select %lt3A_2234, %select_n3A_2233, %scan3A_2135 : vector<16xi1>, vector<16xf32>
        %select_n3A_2238 = arith.select %lt3A_2234, %scan3A_2135, %select_n3A_2233 : vector<16xi1>, vector<16xf32>
        %lt3A_2239 = arith.cmpf olt, %max3A_2236, %scan3A_2131 : vector<16xf32>
        %min3A_2240 = arith.minimumf %scan3A_2131, %max3A_2236 : vector<16xf32>
        %max3A_2241 = arith.maximumf %scan3A_2131, %max3A_2236 : vector<16xf32>
        %select_n3A_2242 = arith.select %lt3A_2239, %select_n3A_2238, %scan3A_2136 : vector<16xi1>, vector<16xf32>
        %select_n3A_2243 = arith.select %lt3A_2239, %scan3A_2136, %select_n3A_2238 : vector<16xi1>, vector<16xf32>
        %lt3A_2244 = arith.cmpf olt, %max3A_2241, %scan3A_2132 : vector<16xf32>
        %min3A_2245 = arith.minimumf %scan3A_2132, %max3A_2241 : vector<16xf32>
        %select_n3A_2246 = arith.select %lt3A_2244, %select_n3A_2243, %scan3A_2137 : vector<16xi1>, vector<16xf32>
        %scan3A_2247 = arith.constant 1 : i32
        %scan3A_2248 = arith.addi %scan3A_2117, %scan3A_2247 : i32
        %mul3A_2249 = arith.constant 16 : i32
        %mul3A_2250 = arith.muli %scan3A_2248, %mul3A_2249 : i32
        %mul3A_2251 = arith.constant 16 : i32
        %mul3A_2252 = arith.muli %scan3A_2248, %mul3A_2251 : i32
        %add3A_2253 = arith.constant 2048 : i32
        %add3A_2254 = arith.addi %add3A_2253, %mul3A_2252 : i32
        %mul3A_2255 = arith.constant 16 : i32
        %mul3A_2256 = arith.muli %scan3A_2248, %mul3A_2255 : i32
        %add3A_2257 = arith.constant 4096 : i32
        %add3A_2258 = arith.addi %add3A_2257, %mul3A_2256 : i32
        %get3A_2259 = arith.index_cast %mul3A_2250 : i32 to index
        %get3A_2260 = tpu.vector_load %arg6[%get3A_2259] {strides = array<i32>} : memref<6144xf32, #tpu.memory_space<vmem>>, vector<16xf32>,
        %get3A_2261 = vector.shape_cast %get3A_2260 : vector<16xf32> to vector<16xf32>
        %get3A_2262 = arith.index_cast %add3A_2254 : i32 to index
        %get3A_2263 = tpu.vector_load %arg6[%get3A_2262] {strides = array<i32>} : memref<6144xf32, #tpu.memory_space<vmem>>, vector<16xf32>,
        %get3A_2264 = vector.shape_cast %get3A_2263 : vector<16xf32> to vector<16xf32>
        %get3A_2265 = arith.index_cast %add3A_2258 : i32 to index
        %get3A_2266 = tpu.vector_load %arg6[%get3A_2265] {strides = array<i32>} : memref<6144xf32, #tpu.memory_space<vmem>>, vector<16xf32>,
        %get3A_2267 = vector.shape_cast %get3A_2266 : vector<16xf32> to vector<16xf32>
        %get3A_2268 = arith.index_cast %mul3A_2250 : i32 to index
        %get3A_2269 = tpu.vector_load %arg7[%get3A_2268] {strides = array<i32>} : memref<6144xf32, #tpu.memory_space<vmem>>, vector<16xf32>,
        %get3A_2270 = vector.shape_cast %get3A_2269 : vector<16xf32> to vector<16xf32>
        %get3A_2271 = arith.index_cast %add3A_2254 : i32 to index
        %get3A_2272 = tpu.vector_load %arg7[%get3A_2271] {strides = array<i32>} : memref<6144xf32, #tpu.memory_space<vmem>>, vector<16xf32>,
        %get3A_2273 = vector.shape_cast %get3A_2272 : vector<16xf32> to vector<16xf32>
        %get3A_2274 = arith.index_cast %add3A_2258 : i32 to index
        %get3A_2275 = tpu.vector_load %arg7[%get3A_2274] {strides = array<i32>} : memref<6144xf32, #tpu.memory_space<vmem>>, vector<16xf32>,
        %get3A_2276 = vector.shape_cast %get3A_2275 : vector<16xf32> to vector<16xf32>
        %get3A_2277 = arith.index_cast %mul3A_2250 : i32 to index
        %get3A_2278 = tpu.vector_load %arg8[%get3A_2277] {strides = array<i32>} : memref<2048xf32, #tpu.memory_space<vmem>>, vector<16xf32>,
        %get3A_2279 = vector.shape_cast %get3A_2278 : vector<16xf32> to vector<16xf32>
        %mul3A_2280 = arith.mulf %broadcast_in_dim3A_336, %get3A_2270 : vector<16xf32>
        %mul3A_2281 = arith.mulf %broadcast_in_dim3A_339, %get3A_2273 : vector<16xf32>
        %add3A_2282 = arith.addf %mul3A_2280, %mul3A_2281 : vector<16xf32>
        %mul3A_2283 = arith.mulf %broadcast_in_dim3A_342, %get3A_2276 : vector<16xf32>
        %add3A_2284 = arith.addf %add3A_2282, %mul3A_2283 : vector<16xf32>
        %mul3A_2285 = arith.constant 2.000000e+00 : f32
        %mul3A_2286 = vector.broadcast %mul3A_2285 : f32 to vector<16xf32>
        %mul3A_2287 = arith.mulf %mul3A_2286, %add3A_2284 : vector<16xf32>
        %sub3A_2288 = arith.subf %get3A_2279, %mul3A_2287 : vector<16xf32>
        %sub3A_2289 = arith.subf %broadcast_in_dim3A_327, %get3A_2261 : vector<16xf32>
        %sub3A_2290 = arith.subf %broadcast_in_dim3A_330, %get3A_2264 : vector<16xf32>
        %sub3A_2291 = arith.subf %broadcast_in_dim3A_333, %get3A_2267 : vector<16xf32>
        %mul3A_2292 = arith.mulf %sub3A_2289, %sub3A_2289 : vector<16xf32>
        %mul3A_2293 = arith.mulf %sub3A_2290, %sub3A_2290 : vector<16xf32>
        %add3A_2294 = arith.addf %mul3A_2292, %mul3A_2293 : vector<16xf32>
        %mul3A_2295 = arith.mulf %sub3A_2291, %sub3A_2291 : vector<16xf32>
        %add3A_2296 = arith.addf %add3A_2294, %mul3A_2295 : vector<16xf32>
        %lt3A_2297 = arith.cmpf olt, %sub3A_2288, %min3A : vector<16xf32>
        %min3A_2298 = arith.minimumf %min3A, %sub3A_2288 : vector<16xf32>
        %max3A_2299 = arith.maximumf %min3A, %sub3A_2288 : vector<16xf32>
        %select_n3A_2300 = arith.select %lt3A_2297, %add3A_2296, %select_n3A_2187 : vector<16xi1>, vector<16xf32>
        %select_n3A_2301 = arith.select %lt3A_2297, %select_n3A_2187, %add3A_2296 : vector<16xi1>, vector<16xf32>
        %lt3A_2302 = arith.cmpf olt, %max3A_2299, %min3A_2190 : vector<16xf32>
        %min3A_2303 = arith.minimumf %min3A_2190, %max3A_2299 : vector<16xf32>
        %max3A_2304 = arith.maximumf %min3A_2190, %max3A_2299 : vector<16xf32>
        %select_n3A_2305 = arith.select %lt3A_2302, %select_n3A_2301, %select_n3A_2192 : vector<16xi1>, vector<16xf32>
        %select_n3A_2306 = arith.select %lt3A_2302, %select_n3A_2192, %select_n3A_2301 : vector<16xi1>, vector<16xf32>
        %lt3A_2307 = arith.cmpf olt, %max3A_2304, %min3A_2195 : vector<16xf32>
        %min3A_2308 = arith.minimumf %min3A_2195, %max3A_2304 : vector<16xf32>
        %max3A_2309 = arith.maximumf %min3A_2195, %max3A_2304 : vector<16xf32>
        %select_n3A_2310 = arith.select %lt3A_2307, %select_n3A_2306, %select_n3A_2197 : vector<16xi1>, vector<16xf32>
        %select_n3A_2311 = arith.select %lt3A_2307, %select_n3A_2197, %select_n3A_2306 : vector<16xi1>, vector<16xf32>
        %lt3A_2312 = arith.cmpf olt, %max3A_2309, %min3A_2200 : vector<16xf32>
        %min3A_2313 = arith.minimumf %min3A_2200, %max3A_2309 : vector<16xf32>
        %max3A_2314 = arith.maximumf %min3A_2200, %max3A_2309 : vector<16xf32>
        %select_n3A_2315 = arith.select %lt3A_2312, %select_n3A_2311, %select_n3A_2202 : vector<16xi1>, vector<16xf32>
        %select_n3A_2316 = arith.select %lt3A_2312, %select_n3A_2202, %select_n3A_2311 : vector<16xi1>, vector<16xf32>
        %lt3A_2317 = arith.cmpf olt, %max3A_2314, %min3A_2205 : vector<16xf32>
        %min3A_2318 = arith.minimumf %min3A_2205, %max3A_2314 : vector<16xf32>
        %select_n3A_2319 = arith.select %lt3A_2317, %select_n3A_2316, %select_n3A_2206 : vector<16xi1>, vector<16xf32>
        %mul3A_2320 = arith.mulf %broadcast_in_dim3A_354, %get3A_2270 : vector<16xf32>
        %mul3A_2321 = arith.mulf %broadcast_in_dim3A_357, %get3A_2273 : vector<16xf32>
        %add3A_2322 = arith.addf %mul3A_2320, %mul3A_2321 : vector<16xf32>
        %mul3A_2323 = arith.mulf %broadcast_in_dim3A_360, %get3A_2276 : vector<16xf32>
        %add3A_2324 = arith.addf %add3A_2322, %mul3A_2323 : vector<16xf32>
        %mul3A_2325 = arith.constant 2.000000e+00 : f32
        %mul3A_2326 = vector.broadcast %mul3A_2325 : f32 to vector<16xf32>
        %mul3A_2327 = arith.mulf %mul3A_2326, %add3A_2324 : vector<16xf32>
        %sub3A_2328 = arith.subf %get3A_2279, %mul3A_2327 : vector<16xf32>
        %sub3A_2329 = arith.subf %broadcast_in_dim3A_345, %get3A_2261 : vector<16xf32>
        %sub3A_2330 = arith.subf %broadcast_in_dim3A_348, %get3A_2264 : vector<16xf32>
        %sub3A_2331 = arith.subf %broadcast_in_dim3A_351, %get3A_2267 : vector<16xf32>
        %mul3A_2332 = arith.mulf %sub3A_2329, %sub3A_2329 : vector<16xf32>
        %mul3A_2333 = arith.mulf %sub3A_2330, %sub3A_2330 : vector<16xf32>
        %add3A_2334 = arith.addf %mul3A_2332, %mul3A_2333 : vector<16xf32>
        %mul3A_2335 = arith.mulf %sub3A_2331, %sub3A_2331 : vector<16xf32>
        %add3A_2336 = arith.addf %add3A_2334, %mul3A_2335 : vector<16xf32>
        %lt3A_2337 = arith.cmpf olt, %sub3A_2328, %min3A_2225 : vector<16xf32>
        %min3A_2338 = arith.minimumf %min3A_2225, %sub3A_2328 : vector<16xf32>
        %max3A_2339 = arith.maximumf %min3A_2225, %sub3A_2328 : vector<16xf32>
        %select_n3A_2340 = arith.select %lt3A_2337, %add3A_2336, %select_n3A_2227 : vector<16xi1>, vector<16xf32>
        %select_n3A_2341 = arith.select %lt3A_2337, %select_n3A_2227, %add3A_2336 : vector<16xi1>, vector<16xf32>
        %lt3A_2342 = arith.cmpf olt, %max3A_2339, %min3A_2230 : vector<16xf32>
        %min3A_2343 = arith.minimumf %min3A_2230, %max3A_2339 : vector<16xf32>
        %max3A_2344 = arith.maximumf %min3A_2230, %max3A_2339 : vector<16xf32>
        %select_n3A_2345 = arith.select %lt3A_2342, %select_n3A_2341, %select_n3A_2232 : vector<16xi1>, vector<16xf32>
        %select_n3A_2346 = arith.select %lt3A_2342, %select_n3A_2232, %select_n3A_2341 : vector<16xi1>, vector<16xf32>
        %lt3A_2347 = arith.cmpf olt, %max3A_2344, %min3A_2235 : vector<16xf32>
        %min3A_2348 = arith.minimumf %min3A_2235, %max3A_2344 : vector<16xf32>
        %max3A_2349 = arith.maximumf %min3A_2235, %max3A_2344 : vector<16xf32>
        %select_n3A_2350 = arith.select %lt3A_2347, %select_n3A_2346, %select_n3A_2237 : vector<16xi1>, vector<16xf32>
        %select_n3A_2351 = arith.select %lt3A_2347, %select_n3A_2237, %select_n3A_2346 : vector<16xi1>, vector<16xf32>
        %lt3A_2352 = arith.cmpf olt, %max3A_2349, %min3A_2240 : vector<16xf32>
        %min3A_2353 = arith.minimumf %min3A_2240, %max3A_2349 : vector<16xf32>
        %max3A_2354 = arith.maximumf %min3A_2240, %max3A_2349 : vector<16xf32>
        %select_n3A_2355 = arith.select %lt3A_2352, %select_n3A_2351, %select_n3A_2242 : vector<16xi1>, vector<16xf32>
        %select_n3A_2356 = arith.select %lt3A_2352, %select_n3A_2242, %select_n3A_2351 : vector<16xi1>, vector<16xf32>
        %lt3A_2357 = arith.cmpf olt, %max3A_2354, %min3A_2245 : vector<16xf32>
        %min3A_2358 = arith.minimumf %min3A_2245, %max3A_2354 : vector<16xf32>
        %select_n3A_2359 = arith.select %lt3A_2357, %select_n3A_2356, %select_n3A_2246 : vector<16xi1>, vector<16xf32>
        scf.yield %min3A_2298, %min3A_2303, %min3A_2308, %min3A_2313, %min3A_2318, %select_n3A_2300, %select_n3A_2305, %select_n3A_2310, %select_n3A_2315, %select_n3A_2319, %min3A_2338, %min3A_2343, %min3A_2348, %min3A_2353, %min3A_2358, %select_n3A_2340, %select_n3A_2345, %select_n3A_2350, %select_n3A_2355, %select_n3A_2359 : vector<16xf32>, vector<16xf32>, vector<16xf32>, vector<16xf32>, vector<16xf32>, vector<16xf32>, vector<16xf32>, vector<16xf32>, vector<16xf32>, vector<16xf32>, vector<16xf32>, vector<16xf32>, vector<16xf32>, vector<16xf32>, vector<16xf32>, vector<16xf32>, vector<16xf32>, vector<16xf32>, vector<16xf32>, vector<16xf32>
      }
      %scan3A_368 = arith.constant 128 : i32
      %mul3A_369 = arith.constant 16 : i32
      %mul3A_370 = arith.muli %scan3A_44, %mul3A_369 : i32
      %add3A_371 = arith.constant 2 : i32
      %add3A_372 = arith.addi %mul3A_370, %add3A_371 : i32
      %add3A_373 = arith.constant 0 : i32
      %add3A_374 = arith.addi %add3A_372, %add3A_373 : i32
      %mul3A_375 = arith.constant 5 : i32
      %mul3A_376 = arith.muli %add3A_374, %mul3A_375 : i32
      %add3A_377 = arith.constant 0 : i32
      %add3A_378 = arith.addi %mul3A_376, %add3A_377 : i32
      %mul3A_379 = arith.constant 16 : i32
      %mul3A_380 = arith.muli %add3A_378, %mul3A_379 : i32
      %swap3A_381 = arith.index_cast %mul3A_380 : i32 to index
      %swap3A_382 = tpu.vector_load %arg9[%swap3A_381] {strides = array<i32>} : memref<40960xf32, #tpu.memory_space<vmem>>, vector<16xf32>,
      %swap3A_383 = vector.shape_cast %swap3A_382 : vector<16xf32> to vector<16xf32>
      %swap3A_384 = vector.shape_cast %scan3A_367#0 : vector<16xf32> to vector<16xf32>
      tpu.vector_store %arg9[%swap3A_381], %swap3A_384 {strides = array<i32>} : memref<40960xf32, #tpu.memory_space<vmem>>, vector<16xf32>,
      %mul3A_385 = arith.constant 5 : i32
      %mul3A_386 = arith.muli %add3A_374, %mul3A_385 : i32
      %add3A_387 = arith.constant 0 : i32
      %add3A_388 = arith.addi %mul3A_386, %add3A_387 : i32
      %mul3A_389 = arith.constant 16 : i32
      %mul3A_390 = arith.muli %add3A_388, %mul3A_389 : i32
      %swap3A_391 = arith.index_cast %mul3A_390 : i32 to index
      %swap3A_392 = tpu.vector_load %arg10[%swap3A_391] {strides = array<i32>} : memref<40960xf32, #tpu.memory_space<vmem>>, vector<16xf32>,
      %swap3A_393 = vector.shape_cast %swap3A_392 : vector<16xf32> to vector<16xf32>
      %swap3A_394 = vector.shape_cast %scan3A_367#5 : vector<16xf32> to vector<16xf32>
      tpu.vector_store %arg10[%swap3A_391], %swap3A_394 {strides = array<i32>} : memref<40960xf32, #tpu.memory_space<vmem>>, vector<16xf32>,
      %mul3A_395 = arith.constant 5 : i32
      %mul3A_396 = arith.muli %add3A_374, %mul3A_395 : i32
      %add3A_397 = arith.constant 1 : i32
      %add3A_398 = arith.addi %mul3A_396, %add3A_397 : i32
      %mul3A_399 = arith.constant 16 : i32
      %mul3A_400 = arith.muli %add3A_398, %mul3A_399 : i32
      %swap3A_401 = arith.index_cast %mul3A_400 : i32 to index
      %swap3A_402 = tpu.vector_load %arg9[%swap3A_401] {strides = array<i32>} : memref<40960xf32, #tpu.memory_space<vmem>>, vector<16xf32>,
      %swap3A_403 = vector.shape_cast %swap3A_402 : vector<16xf32> to vector<16xf32>
      %swap3A_404 = vector.shape_cast %scan3A_367#1 : vector<16xf32> to vector<16xf32>
      tpu.vector_store %arg9[%swap3A_401], %swap3A_404 {strides = array<i32>} : memref<40960xf32, #tpu.memory_space<vmem>>, vector<16xf32>,
      %mul3A_405 = arith.constant 5 : i32
      %mul3A_406 = arith.muli %add3A_374, %mul3A_405 : i32
      %add3A_407 = arith.constant 1 : i32
      %add3A_408 = arith.addi %mul3A_406, %add3A_407 : i32
      %mul3A_409 = arith.constant 16 : i32
      %mul3A_410 = arith.muli %add3A_408, %mul3A_409 : i32
      %swap3A_411 = arith.index_cast %mul3A_410 : i32 to index
      %swap3A_412 = tpu.vector_load %arg10[%swap3A_411] {strides = array<i32>} : memref<40960xf32, #tpu.memory_space<vmem>>, vector<16xf32>,
      %swap3A_413 = vector.shape_cast %swap3A_412 : vector<16xf32> to vector<16xf32>
      %swap3A_414 = vector.shape_cast %scan3A_367#6 : vector<16xf32> to vector<16xf32>
      tpu.vector_store %arg10[%swap3A_411], %swap3A_414 {strides = array<i32>} : memref<40960xf32, #tpu.memory_space<vmem>>, vector<16xf32>,
      %mul3A_415 = arith.constant 5 : i32
      %mul3A_416 = arith.muli %add3A_374, %mul3A_415 : i32
      %add3A_417 = arith.constant 2 : i32
      %add3A_418 = arith.addi %mul3A_416, %add3A_417 : i32
      %mul3A_419 = arith.constant 16 : i32
      %mul3A_420 = arith.muli %add3A_418, %mul3A_419 : i32
      %swap3A_421 = arith.index_cast %mul3A_420 : i32 to index
      %swap3A_422 = tpu.vector_load %arg9[%swap3A_421] {strides = array<i32>} : memref<40960xf32, #tpu.memory_space<vmem>>, vector<16xf32>,
      %swap3A_423 = vector.shape_cast %swap3A_422 : vector<16xf32> to vector<16xf32>
      %swap3A_424 = vector.shape_cast %scan3A_367#2 : vector<16xf32> to vector<16xf32>
      tpu.vector_store %arg9[%swap3A_421], %swap3A_424 {strides = array<i32>} : memref<40960xf32, #tpu.memory_space<vmem>>, vector<16xf32>,
      %mul3A_425 = arith.constant 5 : i32
      %mul3A_426 = arith.muli %add3A_374, %mul3A_425 : i32
      %add3A_427 = arith.constant 2 : i32
      %add3A_428 = arith.addi %mul3A_426, %add3A_427 : i32
      %mul3A_429 = arith.constant 16 : i32
      %mul3A_430 = arith.muli %add3A_428, %mul3A_429 : i32
      %swap3A_431 = arith.index_cast %mul3A_430 : i32 to index
      %swap3A_432 = tpu.vector_load %arg10[%swap3A_431] {strides = array<i32>} : memref<40960xf32, #tpu.memory_space<vmem>>, vector<16xf32>,
      %swap3A_433 = vector.shape_cast %swap3A_432 : vector<16xf32> to vector<16xf32>
      %swap3A_434 = vector.shape_cast %scan3A_367#7 : vector<16xf32> to vector<16xf32>
      tpu.vector_store %arg10[%swap3A_431], %swap3A_434 {strides = array<i32>} : memref<40960xf32, #tpu.memory_space<vmem>>, vector<16xf32>,
      %mul3A_435 = arith.constant 5 : i32
      %mul3A_436 = arith.muli %add3A_374, %mul3A_435 : i32
      %add3A_437 = arith.constant 3 : i32
      %add3A_438 = arith.addi %mul3A_436, %add3A_437 : i32
      %mul3A_439 = arith.constant 16 : i32
      %mul3A_440 = arith.muli %add3A_438, %mul3A_439 : i32
      %swap3A_441 = arith.index_cast %mul3A_440 : i32 to index
      %swap3A_442 = tpu.vector_load %arg9[%swap3A_441] {strides = array<i32>} : memref<40960xf32, #tpu.memory_space<vmem>>, vector<16xf32>,
      %swap3A_443 = vector.shape_cast %swap3A_442 : vector<16xf32> to vector<16xf32>
      %swap3A_444 = vector.shape_cast %scan3A_367#3 : vector<16xf32> to vector<16xf32>
      tpu.vector_store %arg9[%swap3A_441], %swap3A_444 {strides = array<i32>} : memref<40960xf32, #tpu.memory_space<vmem>>, vector<16xf32>,
      %mul3A_445 = arith.constant 5 : i32
      %mul3A_446 = arith.muli %add3A_374, %mul3A_445 : i32
      %add3A_447 = arith.constant 3 : i32
      %add3A_448 = arith.addi %mul3A_446, %add3A_447 : i32
      %mul3A_449 = arith.constant 16 : i32
      %mul3A_450 = arith.muli %add3A_448, %mul3A_449 : i32
      %swap3A_451 = arith.index_cast %mul3A_450 : i32 to index
      %swap3A_452 = tpu.vector_load %arg10[%swap3A_451] {strides = array<i32>} : memref<40960xf32, #tpu.memory_space<vmem>>, vector<16xf32>,
      %swap3A_453 = vector.shape_cast %swap3A_452 : vector<16xf32> to vector<16xf32>
      %swap3A_454 = vector.shape_cast %scan3A_367#8 : vector<16xf32> to vector<16xf32>
      tpu.vector_store %arg10[%swap3A_451], %swap3A_454 {strides = array<i32>} : memref<40960xf32, #tpu.memory_space<vmem>>, vector<16xf32>,
      %mul3A_455 = arith.constant 5 : i32
      %mul3A_456 = arith.muli %add3A_374, %mul3A_455 : i32
      %add3A_457 = arith.constant 4 : i32
      %add3A_458 = arith.addi %mul3A_456, %add3A_457 : i32
      %mul3A_459 = arith.constant 16 : i32
      %mul3A_460 = arith.muli %add3A_458, %mul3A_459 : i32
      %swap3A_461 = arith.index_cast %mul3A_460 : i32 to index
      %swap3A_462 = tpu.vector_load %arg9[%swap3A_461] {strides = array<i32>} : memref<40960xf32, #tpu.memory_space<vmem>>, vector<16xf32>,
      %swap3A_463 = vector.shape_cast %swap3A_462 : vector<16xf32> to vector<16xf32>
      %swap3A_464 = vector.shape_cast %scan3A_367#4 : vector<16xf32> to vector<16xf32>
      tpu.vector_store %arg9[%swap3A_461], %swap3A_464 {strides = array<i32>} : memref<40960xf32, #tpu.memory_space<vmem>>, vector<16xf32>,
      %mul3A_465 = arith.constant 5 : i32
      %mul3A_466 = arith.muli %add3A_374, %mul3A_465 : i32
      %add3A_467 = arith.constant 4 : i32
      %add3A_468 = arith.addi %mul3A_466, %add3A_467 : i32
      %mul3A_469 = arith.constant 16 : i32
      %mul3A_470 = arith.muli %add3A_468, %mul3A_469 : i32
      %swap3A_471 = arith.index_cast %mul3A_470 : i32 to index
      %swap3A_472 = tpu.vector_load %arg10[%swap3A_471] {strides = array<i32>} : memref<40960xf32, #tpu.memory_space<vmem>>, vector<16xf32>,
      %swap3A_473 = vector.shape_cast %swap3A_472 : vector<16xf32> to vector<16xf32>
      %swap3A_474 = vector.shape_cast %scan3A_367#9 : vector<16xf32> to vector<16xf32>
      tpu.vector_store %arg10[%swap3A_471], %swap3A_474 {strides = array<i32>} : memref<40960xf32, #tpu.memory_space<vmem>>, vector<16xf32>,
      %mul3A_475 = arith.constant 16 : i32
      %mul3A_476 = arith.muli %scan3A_44, %mul3A_475 : i32
      %add3A_477 = arith.constant 2 : i32
      %add3A_478 = arith.addi %mul3A_476, %add3A_477 : i32
      %add3A_479 = arith.constant 1 : i32
      %add3A_480 = arith.addi %add3A_478, %add3A_479 : i32
      %mul3A_481 = arith.constant 5 : i32
      %mul3A_482 = arith.muli %add3A_480, %mul3A_481 : i32
      %add3A_483 = arith.constant 0 : i32
      %add3A_484 = arith.addi %mul3A_482, %add3A_483 : i32
      %mul3A_485 = arith.constant 16 : i32
      %mul3A_486 = arith.muli %add3A_484, %mul3A_485 : i32
      %swap3A_487 = arith.index_cast %mul3A_486 : i32 to index
      %swap3A_488 = tpu.vector_load %arg9[%swap3A_487] {strides = array<i32>} : memref<40960xf32, #tpu.memory_space<vmem>>, vector<16xf32>,
      %swap3A_489 = vector.shape_cast %swap3A_488 : vector<16xf32> to vector<16xf32>
      %swap3A_490 = vector.shape_cast %scan3A_367#10 : vector<16xf32> to vector<16xf32>
      tpu.vector_store %arg9[%swap3A_487], %swap3A_490 {strides = array<i32>} : memref<40960xf32, #tpu.memory_space<vmem>>, vector<16xf32>,
      %mul3A_491 = arith.constant 5 : i32
      %mul3A_492 = arith.muli %add3A_480, %mul3A_491 : i32
      %add3A_493 = arith.constant 0 : i32
      %add3A_494 = arith.addi %mul3A_492, %add3A_493 : i32
      %mul3A_495 = arith.constant 16 : i32
      %mul3A_496 = arith.muli %add3A_494, %mul3A_495 : i32
      %swap3A_497 = arith.index_cast %mul3A_496 : i32 to index
      %swap3A_498 = tpu.vector_load %arg10[%swap3A_497] {strides = array<i32>} : memref<40960xf32, #tpu.memory_space<vmem>>, vector<16xf32>,
      %swap3A_499 = vector.shape_cast %swap3A_498 : vector<16xf32> to vector<16xf32>
      %swap3A_500 = vector.shape_cast %scan3A_367#15 : vector<16xf32> to vector<16xf32>
      tpu.vector_store %arg10[%swap3A_497], %swap3A_500 {strides = array<i32>} : memref<40960xf32, #tpu.memory_space<vmem>>, vector<16xf32>,
      %mul3A_501 = arith.constant 5 : i32
      %mul3A_502 = arith.muli %add3A_480, %mul3A_501 : i32
      %add3A_503 = arith.constant 1 : i32
      %add3A_504 = arith.addi %mul3A_502, %add3A_503 : i32
      %mul3A_505 = arith.constant 16 : i32
      %mul3A_506 = arith.muli %add3A_504, %mul3A_505 : i32
      %swap3A_507 = arith.index_cast %mul3A_506 : i32 to index
      %swap3A_508 = tpu.vector_load %arg9[%swap3A_507] {strides = array<i32>} : memref<40960xf32, #tpu.memory_space<vmem>>, vector<16xf32>,
      %swap3A_509 = vector.shape_cast %swap3A_508 : vector<16xf32> to vector<16xf32>
      %swap3A_510 = vector.shape_cast %scan3A_367#11 : vector<16xf32> to vector<16xf32>
      tpu.vector_store %arg9[%swap3A_507], %swap3A_510 {strides = array<i32>} : memref<40960xf32, #tpu.memory_space<vmem>>, vector<16xf32>,
      %mul3A_511 = arith.constant 5 : i32
      %mul3A_512 = arith.muli %add3A_480, %mul3A_511 : i32
      %add3A_513 = arith.constant 1 : i32
      %add3A_514 = arith.addi %mul3A_512, %add3A_513 : i32
      %mul3A_515 = arith.constant 16 : i32
      %mul3A_516 = arith.muli %add3A_514, %mul3A_515 : i32
      %swap3A_517 = arith.index_cast %mul3A_516 : i32 to index
      %swap3A_518 = tpu.vector_load %arg10[%swap3A_517] {strides = array<i32>} : memref<40960xf32, #tpu.memory_space<vmem>>, vector<16xf32>,
      %swap3A_519 = vector.shape_cast %swap3A_518 : vector<16xf32> to vector<16xf32>
      %swap3A_520 = vector.shape_cast %scan3A_367#16 : vector<16xf32> to vector<16xf32>
      tpu.vector_store %arg10[%swap3A_517], %swap3A_520 {strides = array<i32>} : memref<40960xf32, #tpu.memory_space<vmem>>, vector<16xf32>,
      %mul3A_521 = arith.constant 5 : i32
      %mul3A_522 = arith.muli %add3A_480, %mul3A_521 : i32
      %add3A_523 = arith.constant 2 : i32
      %add3A_524 = arith.addi %mul3A_522, %add3A_523 : i32
      %mul3A_525 = arith.constant 16 : i32
      %mul3A_526 = arith.muli %add3A_524, %mul3A_525 : i32
      %swap3A_527 = arith.index_cast %mul3A_526 : i32 to index
      %swap3A_528 = tpu.vector_load %arg9[%swap3A_527] {strides = array<i32>} : memref<40960xf32, #tpu.memory_space<vmem>>, vector<16xf32>,
      %swap3A_529 = vector.shape_cast %swap3A_528 : vector<16xf32> to vector<16xf32>
      %swap3A_530 = vector.shape_cast %scan3A_367#12 : vector<16xf32> to vector<16xf32>
      tpu.vector_store %arg9[%swap3A_527], %swap3A_530 {strides = array<i32>} : memref<40960xf32, #tpu.memory_space<vmem>>, vector<16xf32>,
      %mul3A_531 = arith.constant 5 : i32
      %mul3A_532 = arith.muli %add3A_480, %mul3A_531 : i32
      %add3A_533 = arith.constant 2 : i32
      %add3A_534 = arith.addi %mul3A_532, %add3A_533 : i32
      %mul3A_535 = arith.constant 16 : i32
      %mul3A_536 = arith.muli %add3A_534, %mul3A_535 : i32
      %swap3A_537 = arith.index_cast %mul3A_536 : i32 to index
      %swap3A_538 = tpu.vector_load %arg10[%swap3A_537] {strides = array<i32>} : memref<40960xf32, #tpu.memory_space<vmem>>, vector<16xf32>,
      %swap3A_539 = vector.shape_cast %swap3A_538 : vector<16xf32> to vector<16xf32>
      %swap3A_540 = vector.shape_cast %scan3A_367#17 : vector<16xf32> to vector<16xf32>
      tpu.vector_store %arg10[%swap3A_537], %swap3A_540 {strides = array<i32>} : memref<40960xf32, #tpu.memory_space<vmem>>, vector<16xf32>,
      %mul3A_541 = arith.constant 5 : i32
      %mul3A_542 = arith.muli %add3A_480, %mul3A_541 : i32
      %add3A_543 = arith.constant 3 : i32
      %add3A_544 = arith.addi %mul3A_542, %add3A_543 : i32
      %mul3A_545 = arith.constant 16 : i32
      %mul3A_546 = arith.muli %add3A_544, %mul3A_545 : i32
      %swap3A_547 = arith.index_cast %mul3A_546 : i32 to index
      %swap3A_548 = tpu.vector_load %arg9[%swap3A_547] {strides = array<i32>} : memref<40960xf32, #tpu.memory_space<vmem>>, vector<16xf32>,
      %swap3A_549 = vector.shape_cast %swap3A_548 : vector<16xf32> to vector<16xf32>
      %swap3A_550 = vector.shape_cast %scan3A_367#13 : vector<16xf32> to vector<16xf32>
      tpu.vector_store %arg9[%swap3A_547], %swap3A_550 {strides = array<i32>} : memref<40960xf32, #tpu.memory_space<vmem>>, vector<16xf32>,
      %mul3A_551 = arith.constant 5 : i32
      %mul3A_552 = arith.muli %add3A_480, %mul3A_551 : i32
      %add3A_553 = arith.constant 3 : i32
      %add3A_554 = arith.addi %mul3A_552, %add3A_553 : i32
      %mul3A_555 = arith.constant 16 : i32
      %mul3A_556 = arith.muli %add3A_554, %mul3A_555 : i32
      %swap3A_557 = arith.index_cast %mul3A_556 : i32 to index
      %swap3A_558 = tpu.vector_load %arg10[%swap3A_557] {strides = array<i32>} : memref<40960xf32, #tpu.memory_space<vmem>>, vector<16xf32>,
      %swap3A_559 = vector.shape_cast %swap3A_558 : vector<16xf32> to vector<16xf32>
      %swap3A_560 = vector.shape_cast %scan3A_367#18 : vector<16xf32> to vector<16xf32>
      tpu.vector_store %arg10[%swap3A_557], %swap3A_560 {strides = array<i32>} : memref<40960xf32, #tpu.memory_space<vmem>>, vector<16xf32>,
      %mul3A_561 = arith.constant 5 : i32
      %mul3A_562 = arith.muli %add3A_480, %mul3A_561 : i32
      %add3A_563 = arith.constant 4 : i32
      %add3A_564 = arith.addi %mul3A_562, %add3A_563 : i32
      %mul3A_565 = arith.constant 16 : i32
      %mul3A_566 = arith.muli %add3A_564, %mul3A_565 : i32
      %swap3A_567 = arith.index_cast %mul3A_566 : i32 to index
      %swap3A_568 = tpu.vector_load %arg9[%swap3A_567] {strides = array<i32>} : memref<40960xf32, #tpu.memory_space<vmem>>, vector<16xf32>,
      %swap3A_569 = vector.shape_cast %swap3A_568 : vector<16xf32> to vector<16xf32>
      %swap3A_570 = vector.shape_cast %scan3A_367#14 : vector<16xf32> to vector<16xf32>
      tpu.vector_store %arg9[%swap3A_567], %swap3A_570 {strides = array<i32>} : memref<40960xf32, #tpu.memory_space<vmem>>, vector<16xf32>,
      %mul3A_571 = arith.constant 5 : i32
      %mul3A_572 = arith.muli %add3A_480, %mul3A_571 : i32
      %add3A_573 = arith.constant 4 : i32
      %add3A_574 = arith.addi %mul3A_572, %add3A_573 : i32
      %mul3A_575 = arith.constant 16 : i32
      %mul3A_576 = arith.muli %add3A_574, %mul3A_575 : i32
      %swap3A_577 = arith.index_cast %mul3A_576 : i32 to index
      %swap3A_578 = tpu.vector_load %arg10[%swap3A_577] {strides = array<i32>} : memref<40960xf32, #tpu.memory_space<vmem>>, vector<16xf32>,
      %swap3A_579 = vector.shape_cast %swap3A_578 : vector<16xf32> to vector<16xf32>
      %swap3A_580 = vector.shape_cast %scan3A_367#19 : vector<16xf32> to vector<16xf32>
      tpu.vector_store %arg10[%swap3A_577], %swap3A_580 {strides = array<i32>} : memref<40960xf32, #tpu.memory_space<vmem>>, vector<16xf32>,
      %slice3A_581 = vector.extract_strided_slice %get3A_49 {offsets = [4], sizes = [1], strides = [1]} : vector<16xf32> to vector<1xf32>
      %squeeze3A_582 = vector.extract %slice3A_581[0] : f32 from vector<1xf32>
      %broadcast_in_dim3A_583 = vector.broadcast %squeeze3A_582 : f32 to vector<16xf32>
      %slice3A_584 = vector.extract_strided_slice %get3A_54 {offsets = [4], sizes = [1], strides = [1]} : vector<16xf32> to vector<1xf32>
      %squeeze3A_585 = vector.extract %slice3A_584[0] : f32 from vector<1xf32>
      %broadcast_in_dim3A_586 = vector.broadcast %squeeze3A_585 : f32 to vector<16xf32>
      %slice3A_587 = vector.extract_strided_slice %get3A_59 {offsets = [4], sizes = [1], strides = [1]} : vector<16xf32> to vector<1xf32>
      %squeeze3A_588 = vector.extract %slice3A_587[0] : f32 from vector<1xf32>
      %broadcast_in_dim3A_589 = vector.broadcast %squeeze3A_588 : f32 to vector<16xf32>
      %slice3A_590 = vector.extract_strided_slice %get3A_62 {offsets = [4], sizes = [1], strides = [1]} : vector<16xf32> to vector<1xf32>
      %squeeze3A_591 = vector.extract %slice3A_590[0] : f32 from vector<1xf32>
      %broadcast_in_dim3A_592 = vector.broadcast %squeeze3A_591 : f32 to vector<16xf32>
      %slice3A_593 = vector.extract_strided_slice %get3A_67 {offsets = [4], sizes = [1], strides = [1]} : vector<16xf32> to vector<1xf32>
      %squeeze3A_594 = vector.extract %slice3A_593[0] : f32 from vector<1xf32>
      %broadcast_in_dim3A_595 = vector.broadcast %squeeze3A_594 : f32 to vector<16xf32>
      %slice3A_596 = vector.extract_strided_slice %get3A_72 {offsets = [4], sizes = [1], strides = [1]} : vector<16xf32> to vector<1xf32>
      %squeeze3A_597 = vector.extract %slice3A_596[0] : f32 from vector<1xf32>
      %broadcast_in_dim3A_598 = vector.broadcast %squeeze3A_597 : f32 to vector<16xf32>
      %slice3A_599 = vector.extract_strided_slice %get3A_49 {offsets = [5], sizes = [1], strides = [1]} : vector<16xf32> to vector<1xf32>
      %squeeze3A_600 = vector.extract %slice3A_599[0] : f32 from vector<1xf32>
      %broadcast_in_dim3A_601 = vector.broadcast %squeeze3A_600 : f32 to vector<16xf32>
      %slice3A_602 = vector.extract_strided_slice %get3A_54 {offsets = [5], sizes = [1], strides = [1]} : vector<16xf32> to vector<1xf32>
      %squeeze3A_603 = vector.extract %slice3A_602[0] : f32 from vector<1xf32>
      %broadcast_in_dim3A_604 = vector.broadcast %squeeze3A_603 : f32 to vector<16xf32>
      %slice3A_605 = vector.extract_strided_slice %get3A_59 {offsets = [5], sizes = [1], strides = [1]} : vector<16xf32> to vector<1xf32>
      %squeeze3A_606 = vector.extract %slice3A_605[0] : f32 from vector<1xf32>
      %broadcast_in_dim3A_607 = vector.broadcast %squeeze3A_606 : f32 to vector<16xf32>
      %slice3A_608 = vector.extract_strided_slice %get3A_62 {offsets = [5], sizes = [1], strides = [1]} : vector<16xf32> to vector<1xf32>
      %squeeze3A_609 = vector.extract %slice3A_608[0] : f32 from vector<1xf32>
      %broadcast_in_dim3A_610 = vector.broadcast %squeeze3A_609 : f32 to vector<16xf32>
      %slice3A_611 = vector.extract_strided_slice %get3A_67 {offsets = [5], sizes = [1], strides = [1]} : vector<16xf32> to vector<1xf32>
      %squeeze3A_612 = vector.extract %slice3A_611[0] : f32 from vector<1xf32>
      %broadcast_in_dim3A_613 = vector.broadcast %squeeze3A_612 : f32 to vector<16xf32>
      %slice3A_614 = vector.extract_strided_slice %get3A_72 {offsets = [5], sizes = [1], strides = [1]} : vector<16xf32> to vector<1xf32>
      %squeeze3A_615 = vector.extract %slice3A_614[0] : f32 from vector<1xf32>
      %broadcast_in_dim3A_616 = vector.broadcast %squeeze3A_615 : f32 to vector<16xf32>
      %broadcast_in_dim3A_617 = arith.constant 3.000000e+38 : f32
      %broadcast_in_dim3A_618 = vector.broadcast %broadcast_in_dim3A_617 : f32 to vector<16xf32>
      %scan3A_619 = arith.constant 0 : i32
      %scan3A_620 = arith.constant 128 : i32
      %scan3A_621 = arith.addi %scan3A_619, %scan3A_620 : i32
      %scan3A_622 = arith.constant 2 : i32
      %scan3A_623:20 = scf.for %scan3A_2117 = %scan3A_619 to %scan3A_621 step %scan3A_622 iter_args(%scan3A_2118 = %broadcast_in_dim3A_618, %scan3A_2119 = %broadcast_in_dim3A_618, %scan3A_2120 = %broadcast_in_dim3A_618, %scan3A_2121 = %broadcast_in_dim3A_618, %scan3A_2122 = %broadcast_in_dim3A_618, %scan3A_2123 = %broadcast_in_dim3A_618, %scan3A_2124 = %broadcast_in_dim3A_618, %scan3A_2125 = %broadcast_in_dim3A_618, %scan3A_2126 = %broadcast_in_dim3A_618, %scan3A_2127 = %broadcast_in_dim3A_618, %scan3A_2128 = %broadcast_in_dim3A_618, %scan3A_2129 = %broadcast_in_dim3A_618, %scan3A_2130 = %broadcast_in_dim3A_618, %scan3A_2131 = %broadcast_in_dim3A_618, %scan3A_2132 = %broadcast_in_dim3A_618, %scan3A_2133 = %broadcast_in_dim3A_618, %scan3A_2134 = %broadcast_in_dim3A_618, %scan3A_2135 = %broadcast_in_dim3A_618, %scan3A_2136 = %broadcast_in_dim3A_618, %scan3A_2137 = %broadcast_in_dim3A_618) -> (vector<16xf32>, vector<16xf32>, vector<16xf32>, vector<16xf32>, vector<16xf32>, vector<16xf32>, vector<16xf32>, vector<16xf32>, vector<16xf32>, vector<16xf32>, vector<16xf32>, vector<16xf32>, vector<16xf32>, vector<16xf32>, vector<16xf32>, vector<16xf32>, vector<16xf32>, vector<16xf32>, vector<16xf32>, vector<16xf32>)  : i32 {
        %mul3A_2138 = arith.constant 16 : i32
        %mul3A_2139 = arith.muli %scan3A_2117, %mul3A_2138 : i32
        %mul3A_2140 = arith.constant 16 : i32
        %mul3A_2141 = arith.muli %scan3A_2117, %mul3A_2140 : i32
        %add3A_2142 = arith.constant 2048 : i32
        %add3A_2143 = arith.addi %add3A_2142, %mul3A_2141 : i32
        %mul3A_2144 = arith.constant 16 : i32
        %mul3A_2145 = arith.muli %scan3A_2117, %mul3A_2144 : i32
        %add3A_2146 = arith.constant 4096 : i32
        %add3A_2147 = arith.addi %add3A_2146, %mul3A_2145 : i32
        %get3A_2148 = arith.index_cast %mul3A_2139 : i32 to index
        %get3A_2149 = tpu.vector_load %arg6[%get3A_2148] {strides = array<i32>} : memref<6144xf32, #tpu.memory_space<vmem>>, vector<16xf32>,
        %get3A_2150 = vector.shape_cast %get3A_2149 : vector<16xf32> to vector<16xf32>
        %get3A_2151 = arith.index_cast %add3A_2143 : i32 to index
        %get3A_2152 = tpu.vector_load %arg6[%get3A_2151] {strides = array<i32>} : memref<6144xf32, #tpu.memory_space<vmem>>, vector<16xf32>,
        %get3A_2153 = vector.shape_cast %get3A_2152 : vector<16xf32> to vector<16xf32>
        %get3A_2154 = arith.index_cast %add3A_2147 : i32 to index
        %get3A_2155 = tpu.vector_load %arg6[%get3A_2154] {strides = array<i32>} : memref<6144xf32, #tpu.memory_space<vmem>>, vector<16xf32>,
        %get3A_2156 = vector.shape_cast %get3A_2155 : vector<16xf32> to vector<16xf32>
        %get3A_2157 = arith.index_cast %mul3A_2139 : i32 to index
        %get3A_2158 = tpu.vector_load %arg7[%get3A_2157] {strides = array<i32>} : memref<6144xf32, #tpu.memory_space<vmem>>, vector<16xf32>,
        %get3A_2159 = vector.shape_cast %get3A_2158 : vector<16xf32> to vector<16xf32>
        %get3A_2160 = arith.index_cast %add3A_2143 : i32 to index
        %get3A_2161 = tpu.vector_load %arg7[%get3A_2160] {strides = array<i32>} : memref<6144xf32, #tpu.memory_space<vmem>>, vector<16xf32>,
        %get3A_2162 = vector.shape_cast %get3A_2161 : vector<16xf32> to vector<16xf32>
        %get3A_2163 = arith.index_cast %add3A_2147 : i32 to index
        %get3A_2164 = tpu.vector_load %arg7[%get3A_2163] {strides = array<i32>} : memref<6144xf32, #tpu.memory_space<vmem>>, vector<16xf32>,
        %get3A_2165 = vector.shape_cast %get3A_2164 : vector<16xf32> to vector<16xf32>
        %get3A_2166 = arith.index_cast %mul3A_2139 : i32 to index
        %get3A_2167 = tpu.vector_load %arg8[%get3A_2166] {strides = array<i32>} : memref<2048xf32, #tpu.memory_space<vmem>>, vector<16xf32>,
        %get3A_2168 = vector.shape_cast %get3A_2167 : vector<16xf32> to vector<16xf32>
        %mul3A_2169 = arith.mulf %broadcast_in_dim3A_592, %get3A_2159 : vector<16xf32>
        %mul3A_2170 = arith.mulf %broadcast_in_dim3A_595, %get3A_2162 : vector<16xf32>
        %add3A_2171 = arith.addf %mul3A_2169, %mul3A_2170 : vector<16xf32>
        %mul3A_2172 = arith.mulf %broadcast_in_dim3A_598, %get3A_2165 : vector<16xf32>
        %add3A_2173 = arith.addf %add3A_2171, %mul3A_2172 : vector<16xf32>
        %mul3A_2174 = arith.constant 2.000000e+00 : f32
        %mul3A_2175 = vector.broadcast %mul3A_2174 : f32 to vector<16xf32>
        %mul3A_2176 = arith.mulf %mul3A_2175, %add3A_2173 : vector<16xf32>
        %sub3A_2177 = arith.subf %get3A_2168, %mul3A_2176 : vector<16xf32>
        %sub3A_2178 = arith.subf %broadcast_in_dim3A_583, %get3A_2150 : vector<16xf32>
        %sub3A_2179 = arith.subf %broadcast_in_dim3A_586, %get3A_2153 : vector<16xf32>
        %sub3A_2180 = arith.subf %broadcast_in_dim3A_589, %get3A_2156 : vector<16xf32>
        %mul3A_2181 = arith.mulf %sub3A_2178, %sub3A_2178 : vector<16xf32>
        %mul3A_2182 = arith.mulf %sub3A_2179, %sub3A_2179 : vector<16xf32>
        %add3A_2183 = arith.addf %mul3A_2181, %mul3A_2182 : vector<16xf32>
        %mul3A_2184 = arith.mulf %sub3A_2180, %sub3A_2180 : vector<16xf32>
        %add3A_2185 = arith.addf %add3A_2183, %mul3A_2184 : vector<16xf32>
        %lt3A_2186 = arith.cmpf olt, %sub3A_2177, %scan3A_2118 : vector<16xf32>
        %min3A = arith.minimumf %scan3A_2118, %sub3A_2177 : vector<16xf32>
        %max3A = arith.maximumf %scan3A_2118, %sub3A_2177 : vector<16xf32>
        %select_n3A_2187 = arith.select %lt3A_2186, %add3A_2185, %scan3A_2123 : vector<16xi1>, vector<16xf32>
        %select_n3A_2188 = arith.select %lt3A_2186, %scan3A_2123, %add3A_2185 : vector<16xi1>, vector<16xf32>
        %lt3A_2189 = arith.cmpf olt, %max3A, %scan3A_2119 : vector<16xf32>
        %min3A_2190 = arith.minimumf %scan3A_2119, %max3A : vector<16xf32>
        %max3A_2191 = arith.maximumf %scan3A_2119, %max3A : vector<16xf32>
        %select_n3A_2192 = arith.select %lt3A_2189, %select_n3A_2188, %scan3A_2124 : vector<16xi1>, vector<16xf32>
        %select_n3A_2193 = arith.select %lt3A_2189, %scan3A_2124, %select_n3A_2188 : vector<16xi1>, vector<16xf32>
        %lt3A_2194 = arith.cmpf olt, %max3A_2191, %scan3A_2120 : vector<16xf32>
        %min3A_2195 = arith.minimumf %scan3A_2120, %max3A_2191 : vector<16xf32>
        %max3A_2196 = arith.maximumf %scan3A_2120, %max3A_2191 : vector<16xf32>
        %select_n3A_2197 = arith.select %lt3A_2194, %select_n3A_2193, %scan3A_2125 : vector<16xi1>, vector<16xf32>
        %select_n3A_2198 = arith.select %lt3A_2194, %scan3A_2125, %select_n3A_2193 : vector<16xi1>, vector<16xf32>
        %lt3A_2199 = arith.cmpf olt, %max3A_2196, %scan3A_2121 : vector<16xf32>
        %min3A_2200 = arith.minimumf %scan3A_2121, %max3A_2196 : vector<16xf32>
        %max3A_2201 = arith.maximumf %scan3A_2121, %max3A_2196 : vector<16xf32>
        %select_n3A_2202 = arith.select %lt3A_2199, %select_n3A_2198, %scan3A_2126 : vector<16xi1>, vector<16xf32>
        %select_n3A_2203 = arith.select %lt3A_2199, %scan3A_2126, %select_n3A_2198 : vector<16xi1>, vector<16xf32>
        %lt3A_2204 = arith.cmpf olt, %max3A_2201, %scan3A_2122 : vector<16xf32>
        %min3A_2205 = arith.minimumf %scan3A_2122, %max3A_2201 : vector<16xf32>
        %select_n3A_2206 = arith.select %lt3A_2204, %select_n3A_2203, %scan3A_2127 : vector<16xi1>, vector<16xf32>
        %mul3A_2207 = arith.mulf %broadcast_in_dim3A_610, %get3A_2159 : vector<16xf32>
        %mul3A_2208 = arith.mulf %broadcast_in_dim3A_613, %get3A_2162 : vector<16xf32>
        %add3A_2209 = arith.addf %mul3A_2207, %mul3A_2208 : vector<16xf32>
        %mul3A_2210 = arith.mulf %broadcast_in_dim3A_616, %get3A_2165 : vector<16xf32>
        %add3A_2211 = arith.addf %add3A_2209, %mul3A_2210 : vector<16xf32>
        %mul3A_2212 = arith.constant 2.000000e+00 : f32
        %mul3A_2213 = vector.broadcast %mul3A_2212 : f32 to vector<16xf32>
        %mul3A_2214 = arith.mulf %mul3A_2213, %add3A_2211 : vector<16xf32>
        %sub3A_2215 = arith.subf %get3A_2168, %mul3A_2214 : vector<16xf32>
        %sub3A_2216 = arith.subf %broadcast_in_dim3A_601, %get3A_2150 : vector<16xf32>
        %sub3A_2217 = arith.subf %broadcast_in_dim3A_604, %get3A_2153 : vector<16xf32>
        %sub3A_2218 = arith.subf %broadcast_in_dim3A_607, %get3A_2156 : vector<16xf32>
        %mul3A_2219 = arith.mulf %sub3A_2216, %sub3A_2216 : vector<16xf32>
        %mul3A_2220 = arith.mulf %sub3A_2217, %sub3A_2217 : vector<16xf32>
        %add3A_2221 = arith.addf %mul3A_2219, %mul3A_2220 : vector<16xf32>
        %mul3A_2222 = arith.mulf %sub3A_2218, %sub3A_2218 : vector<16xf32>
        %add3A_2223 = arith.addf %add3A_2221, %mul3A_2222 : vector<16xf32>
        %lt3A_2224 = arith.cmpf olt, %sub3A_2215, %scan3A_2128 : vector<16xf32>
        %min3A_2225 = arith.minimumf %scan3A_2128, %sub3A_2215 : vector<16xf32>
        %max3A_2226 = arith.maximumf %scan3A_2128, %sub3A_2215 : vector<16xf32>
        %select_n3A_2227 = arith.select %lt3A_2224, %add3A_2223, %scan3A_2133 : vector<16xi1>, vector<16xf32>
        %select_n3A_2228 = arith.select %lt3A_2224, %scan3A_2133, %add3A_2223 : vector<16xi1>, vector<16xf32>
        %lt3A_2229 = arith.cmpf olt, %max3A_2226, %scan3A_2129 : vector<16xf32>
        %min3A_2230 = arith.minimumf %scan3A_2129, %max3A_2226 : vector<16xf32>
        %max3A_2231 = arith.maximumf %scan3A_2129, %max3A_2226 : vector<16xf32>
        %select_n3A_2232 = arith.select %lt3A_2229, %select_n3A_2228, %scan3A_2134 : vector<16xi1>, vector<16xf32>
        %select_n3A_2233 = arith.select %lt3A_2229, %scan3A_2134, %select_n3A_2228 : vector<16xi1>, vector<16xf32>
        %lt3A_2234 = arith.cmpf olt, %max3A_2231, %scan3A_2130 : vector<16xf32>
        %min3A_2235 = arith.minimumf %scan3A_2130, %max3A_2231 : vector<16xf32>
        %max3A_2236 = arith.maximumf %scan3A_2130, %max3A_2231 : vector<16xf32>
        %select_n3A_2237 = arith.select %lt3A_2234, %select_n3A_2233, %scan3A_2135 : vector<16xi1>, vector<16xf32>
        %select_n3A_2238 = arith.select %lt3A_2234, %scan3A_2135, %select_n3A_2233 : vector<16xi1>, vector<16xf32>
        %lt3A_2239 = arith.cmpf olt, %max3A_2236, %scan3A_2131 : vector<16xf32>
        %min3A_2240 = arith.minimumf %scan3A_2131, %max3A_2236 : vector<16xf32>
        %max3A_2241 = arith.maximumf %scan3A_2131, %max3A_2236 : vector<16xf32>
        %select_n3A_2242 = arith.select %lt3A_2239, %select_n3A_2238, %scan3A_2136 : vector<16xi1>, vector<16xf32>
        %select_n3A_2243 = arith.select %lt3A_2239, %scan3A_2136, %select_n3A_2238 : vector<16xi1>, vector<16xf32>
        %lt3A_2244 = arith.cmpf olt, %max3A_2241, %scan3A_2132 : vector<16xf32>
        %min3A_2245 = arith.minimumf %scan3A_2132, %max3A_2241 : vector<16xf32>
        %select_n3A_2246 = arith.select %lt3A_2244, %select_n3A_2243, %scan3A_2137 : vector<16xi1>, vector<16xf32>
        %scan3A_2247 = arith.constant 1 : i32
        %scan3A_2248 = arith.addi %scan3A_2117, %scan3A_2247 : i32
        %mul3A_2249 = arith.constant 16 : i32
        %mul3A_2250 = arith.muli %scan3A_2248, %mul3A_2249 : i32
        %mul3A_2251 = arith.constant 16 : i32
        %mul3A_2252 = arith.muli %scan3A_2248, %mul3A_2251 : i32
        %add3A_2253 = arith.constant 2048 : i32
        %add3A_2254 = arith.addi %add3A_2253, %mul3A_2252 : i32
        %mul3A_2255 = arith.constant 16 : i32
        %mul3A_2256 = arith.muli %scan3A_2248, %mul3A_2255 : i32
        %add3A_2257 = arith.constant 4096 : i32
        %add3A_2258 = arith.addi %add3A_2257, %mul3A_2256 : i32
        %get3A_2259 = arith.index_cast %mul3A_2250 : i32 to index
        %get3A_2260 = tpu.vector_load %arg6[%get3A_2259] {strides = array<i32>} : memref<6144xf32, #tpu.memory_space<vmem>>, vector<16xf32>,
        %get3A_2261 = vector.shape_cast %get3A_2260 : vector<16xf32> to vector<16xf32>
        %get3A_2262 = arith.index_cast %add3A_2254 : i32 to index
        %get3A_2263 = tpu.vector_load %arg6[%get3A_2262] {strides = array<i32>} : memref<6144xf32, #tpu.memory_space<vmem>>, vector<16xf32>,
        %get3A_2264 = vector.shape_cast %get3A_2263 : vector<16xf32> to vector<16xf32>
        %get3A_2265 = arith.index_cast %add3A_2258 : i32 to index
        %get3A_2266 = tpu.vector_load %arg6[%get3A_2265] {strides = array<i32>} : memref<6144xf32, #tpu.memory_space<vmem>>, vector<16xf32>,
        %get3A_2267 = vector.shape_cast %get3A_2266 : vector<16xf32> to vector<16xf32>
        %get3A_2268 = arith.index_cast %mul3A_2250 : i32 to index
        %get3A_2269 = tpu.vector_load %arg7[%get3A_2268] {strides = array<i32>} : memref<6144xf32, #tpu.memory_space<vmem>>, vector<16xf32>,
        %get3A_2270 = vector.shape_cast %get3A_2269 : vector<16xf32> to vector<16xf32>
        %get3A_2271 = arith.index_cast %add3A_2254 : i32 to index
        %get3A_2272 = tpu.vector_load %arg7[%get3A_2271] {strides = array<i32>} : memref<6144xf32, #tpu.memory_space<vmem>>, vector<16xf32>,
        %get3A_2273 = vector.shape_cast %get3A_2272 : vector<16xf32> to vector<16xf32>
        %get3A_2274 = arith.index_cast %add3A_2258 : i32 to index
        %get3A_2275 = tpu.vector_load %arg7[%get3A_2274] {strides = array<i32>} : memref<6144xf32, #tpu.memory_space<vmem>>, vector<16xf32>,
        %get3A_2276 = vector.shape_cast %get3A_2275 : vector<16xf32> to vector<16xf32>
        %get3A_2277 = arith.index_cast %mul3A_2250 : i32 to index
        %get3A_2278 = tpu.vector_load %arg8[%get3A_2277] {strides = array<i32>} : memref<2048xf32, #tpu.memory_space<vmem>>, vector<16xf32>,
        %get3A_2279 = vector.shape_cast %get3A_2278 : vector<16xf32> to vector<16xf32>
        %mul3A_2280 = arith.mulf %broadcast_in_dim3A_592, %get3A_2270 : vector<16xf32>
        %mul3A_2281 = arith.mulf %broadcast_in_dim3A_595, %get3A_2273 : vector<16xf32>
        %add3A_2282 = arith.addf %mul3A_2280, %mul3A_2281 : vector<16xf32>
        %mul3A_2283 = arith.mulf %broadcast_in_dim3A_598, %get3A_2276 : vector<16xf32>
        %add3A_2284 = arith.addf %add3A_2282, %mul3A_2283 : vector<16xf32>
        %mul3A_2285 = arith.constant 2.000000e+00 : f32
        %mul3A_2286 = vector.broadcast %mul3A_2285 : f32 to vector<16xf32>
        %mul3A_2287 = arith.mulf %mul3A_2286, %add3A_2284 : vector<16xf32>
        %sub3A_2288 = arith.subf %get3A_2279, %mul3A_2287 : vector<16xf32>
        %sub3A_2289 = arith.subf %broadcast_in_dim3A_583, %get3A_2261 : vector<16xf32>
        %sub3A_2290 = arith.subf %broadcast_in_dim3A_586, %get3A_2264 : vector<16xf32>
        %sub3A_2291 = arith.subf %broadcast_in_dim3A_589, %get3A_2267 : vector<16xf32>
        %mul3A_2292 = arith.mulf %sub3A_2289, %sub3A_2289 : vector<16xf32>
        %mul3A_2293 = arith.mulf %sub3A_2290, %sub3A_2290 : vector<16xf32>
        %add3A_2294 = arith.addf %mul3A_2292, %mul3A_2293 : vector<16xf32>
        %mul3A_2295 = arith.mulf %sub3A_2291, %sub3A_2291 : vector<16xf32>
        %add3A_2296 = arith.addf %add3A_2294, %mul3A_2295 : vector<16xf32>
        %lt3A_2297 = arith.cmpf olt, %sub3A_2288, %min3A : vector<16xf32>
        %min3A_2298 = arith.minimumf %min3A, %sub3A_2288 : vector<16xf32>
        %max3A_2299 = arith.maximumf %min3A, %sub3A_2288 : vector<16xf32>
        %select_n3A_2300 = arith.select %lt3A_2297, %add3A_2296, %select_n3A_2187 : vector<16xi1>, vector<16xf32>
        %select_n3A_2301 = arith.select %lt3A_2297, %select_n3A_2187, %add3A_2296 : vector<16xi1>, vector<16xf32>
        %lt3A_2302 = arith.cmpf olt, %max3A_2299, %min3A_2190 : vector<16xf32>
        %min3A_2303 = arith.minimumf %min3A_2190, %max3A_2299 : vector<16xf32>
        %max3A_2304 = arith.maximumf %min3A_2190, %max3A_2299 : vector<16xf32>
        %select_n3A_2305 = arith.select %lt3A_2302, %select_n3A_2301, %select_n3A_2192 : vector<16xi1>, vector<16xf32>
        %select_n3A_2306 = arith.select %lt3A_2302, %select_n3A_2192, %select_n3A_2301 : vector<16xi1>, vector<16xf32>
        %lt3A_2307 = arith.cmpf olt, %max3A_2304, %min3A_2195 : vector<16xf32>
        %min3A_2308 = arith.minimumf %min3A_2195, %max3A_2304 : vector<16xf32>
        %max3A_2309 = arith.maximumf %min3A_2195, %max3A_2304 : vector<16xf32>
        %select_n3A_2310 = arith.select %lt3A_2307, %select_n3A_2306, %select_n3A_2197 : vector<16xi1>, vector<16xf32>
        %select_n3A_2311 = arith.select %lt3A_2307, %select_n3A_2197, %select_n3A_2306 : vector<16xi1>, vector<16xf32>
        %lt3A_2312 = arith.cmpf olt, %max3A_2309, %min3A_2200 : vector<16xf32>
        %min3A_2313 = arith.minimumf %min3A_2200, %max3A_2309 : vector<16xf32>
        %max3A_2314 = arith.maximumf %min3A_2200, %max3A_2309 : vector<16xf32>
        %select_n3A_2315 = arith.select %lt3A_2312, %select_n3A_2311, %select_n3A_2202 : vector<16xi1>, vector<16xf32>
        %select_n3A_2316 = arith.select %lt3A_2312, %select_n3A_2202, %select_n3A_2311 : vector<16xi1>, vector<16xf32>
        %lt3A_2317 = arith.cmpf olt, %max3A_2314, %min3A_2205 : vector<16xf32>
        %min3A_2318 = arith.minimumf %min3A_2205, %max3A_2314 : vector<16xf32>
        %select_n3A_2319 = arith.select %lt3A_2317, %select_n3A_2316, %select_n3A_2206 : vector<16xi1>, vector<16xf32>
        %mul3A_2320 = arith.mulf %broadcast_in_dim3A_610, %get3A_2270 : vector<16xf32>
        %mul3A_2321 = arith.mulf %broadcast_in_dim3A_613, %get3A_2273 : vector<16xf32>
        %add3A_2322 = arith.addf %mul3A_2320, %mul3A_2321 : vector<16xf32>
        %mul3A_2323 = arith.mulf %broadcast_in_dim3A_616, %get3A_2276 : vector<16xf32>
        %add3A_2324 = arith.addf %add3A_2322, %mul3A_2323 : vector<16xf32>
        %mul3A_2325 = arith.constant 2.000000e+00 : f32
        %mul3A_2326 = vector.broadcast %mul3A_2325 : f32 to vector<16xf32>
        %mul3A_2327 = arith.mulf %mul3A_2326, %add3A_2324 : vector<16xf32>
        %sub3A_2328 = arith.subf %get3A_2279, %mul3A_2327 : vector<16xf32>
        %sub3A_2329 = arith.subf %broadcast_in_dim3A_601, %get3A_2261 : vector<16xf32>
        %sub3A_2330 = arith.subf %broadcast_in_dim3A_604, %get3A_2264 : vector<16xf32>
        %sub3A_2331 = arith.subf %broadcast_in_dim3A_607, %get3A_2267 : vector<16xf32>
        %mul3A_2332 = arith.mulf %sub3A_2329, %sub3A_2329 : vector<16xf32>
        %mul3A_2333 = arith.mulf %sub3A_2330, %sub3A_2330 : vector<16xf32>
        %add3A_2334 = arith.addf %mul3A_2332, %mul3A_2333 : vector<16xf32>
        %mul3A_2335 = arith.mulf %sub3A_2331, %sub3A_2331 : vector<16xf32>
        %add3A_2336 = arith.addf %add3A_2334, %mul3A_2335 : vector<16xf32>
        %lt3A_2337 = arith.cmpf olt, %sub3A_2328, %min3A_2225 : vector<16xf32>
        %min3A_2338 = arith.minimumf %min3A_2225, %sub3A_2328 : vector<16xf32>
        %max3A_2339 = arith.maximumf %min3A_2225, %sub3A_2328 : vector<16xf32>
        %select_n3A_2340 = arith.select %lt3A_2337, %add3A_2336, %select_n3A_2227 : vector<16xi1>, vector<16xf32>
        %select_n3A_2341 = arith.select %lt3A_2337, %select_n3A_2227, %add3A_2336 : vector<16xi1>, vector<16xf32>
        %lt3A_2342 = arith.cmpf olt, %max3A_2339, %min3A_2230 : vector<16xf32>
        %min3A_2343 = arith.minimumf %min3A_2230, %max3A_2339 : vector<16xf32>
        %max3A_2344 = arith.maximumf %min3A_2230, %max3A_2339 : vector<16xf32>
        %select_n3A_2345 = arith.select %lt3A_2342, %select_n3A_2341, %select_n3A_2232 : vector<16xi1>, vector<16xf32>
        %select_n3A_2346 = arith.select %lt3A_2342, %select_n3A_2232, %select_n3A_2341 : vector<16xi1>, vector<16xf32>
        %lt3A_2347 = arith.cmpf olt, %max3A_2344, %min3A_2235 : vector<16xf32>
        %min3A_2348 = arith.minimumf %min3A_2235, %max3A_2344 : vector<16xf32>
        %max3A_2349 = arith.maximumf %min3A_2235, %max3A_2344 : vector<16xf32>
        %select_n3A_2350 = arith.select %lt3A_2347, %select_n3A_2346, %select_n3A_2237 : vector<16xi1>, vector<16xf32>
        %select_n3A_2351 = arith.select %lt3A_2347, %select_n3A_2237, %select_n3A_2346 : vector<16xi1>, vector<16xf32>
        %lt3A_2352 = arith.cmpf olt, %max3A_2349, %min3A_2240 : vector<16xf32>
        %min3A_2353 = arith.minimumf %min3A_2240, %max3A_2349 : vector<16xf32>
        %max3A_2354 = arith.maximumf %min3A_2240, %max3A_2349 : vector<16xf32>
        %select_n3A_2355 = arith.select %lt3A_2352, %select_n3A_2351, %select_n3A_2242 : vector<16xi1>, vector<16xf32>
        %select_n3A_2356 = arith.select %lt3A_2352, %select_n3A_2242, %select_n3A_2351 : vector<16xi1>, vector<16xf32>
        %lt3A_2357 = arith.cmpf olt, %max3A_2354, %min3A_2245 : vector<16xf32>
        %min3A_2358 = arith.minimumf %min3A_2245, %max3A_2354 : vector<16xf32>
        %select_n3A_2359 = arith.select %lt3A_2357, %select_n3A_2356, %select_n3A_2246 : vector<16xi1>, vector<16xf32>
        scf.yield %min3A_2298, %min3A_2303, %min3A_2308, %min3A_2313, %min3A_2318, %select_n3A_2300, %select_n3A_2305, %select_n3A_2310, %select_n3A_2315, %select_n3A_2319, %min3A_2338, %min3A_2343, %min3A_2348, %min3A_2353, %min3A_2358, %select_n3A_2340, %select_n3A_2345, %select_n3A_2350, %select_n3A_2355, %select_n3A_2359 : vector<16xf32>, vector<16xf32>, vector<16xf32>, vector<16xf32>, vector<16xf32>, vector<16xf32>, vector<16xf32>, vector<16xf32>, vector<16xf32>, vector<16xf32>, vector<16xf32>, vector<16xf32>, vector<16xf32>, vector<16xf32>, vector<16xf32>, vector<16xf32>, vector<16xf32>, vector<16xf32>, vector<16xf32>, vector<16xf32>
      }
      %scan3A_624 = arith.constant 128 : i32
      %mul3A_625 = arith.constant 16 : i32
      %mul3A_626 = arith.muli %scan3A_44, %mul3A_625 : i32
      %add3A_627 = arith.constant 4 : i32
      %add3A_628 = arith.addi %mul3A_626, %add3A_627 : i32
      %add3A_629 = arith.constant 0 : i32
      %add3A_630 = arith.addi %add3A_628, %add3A_629 : i32
      %mul3A_631 = arith.constant 5 : i32
      %mul3A_632 = arith.muli %add3A_630, %mul3A_631 : i32
      %add3A_633 = arith.constant 0 : i32
      %add3A_634 = arith.addi %mul3A_632, %add3A_633 : i32
      %mul3A_635 = arith.constant 16 : i32
      %mul3A_636 = arith.muli %add3A_634, %mul3A_635 : i32
      %swap3A_637 = arith.index_cast %mul3A_636 : i32 to index
      %swap3A_638 = tpu.vector_load %arg9[%swap3A_637] {strides = array<i32>} : memref<40960xf32, #tpu.memory_space<vmem>>, vector<16xf32>,
      %swap3A_639 = vector.shape_cast %swap3A_638 : vector<16xf32> to vector<16xf32>
      %swap3A_640 = vector.shape_cast %scan3A_623#0 : vector<16xf32> to vector<16xf32>
      tpu.vector_store %arg9[%swap3A_637], %swap3A_640 {strides = array<i32>} : memref<40960xf32, #tpu.memory_space<vmem>>, vector<16xf32>,
      %mul3A_641 = arith.constant 5 : i32
      %mul3A_642 = arith.muli %add3A_630, %mul3A_641 : i32
      %add3A_643 = arith.constant 0 : i32
      %add3A_644 = arith.addi %mul3A_642, %add3A_643 : i32
      %mul3A_645 = arith.constant 16 : i32
      %mul3A_646 = arith.muli %add3A_644, %mul3A_645 : i32
      %swap3A_647 = arith.index_cast %mul3A_646 : i32 to index
      %swap3A_648 = tpu.vector_load %arg10[%swap3A_647] {strides = array<i32>} : memref<40960xf32, #tpu.memory_space<vmem>>, vector<16xf32>,
      %swap3A_649 = vector.shape_cast %swap3A_648 : vector<16xf32> to vector<16xf32>
      %swap3A_650 = vector.shape_cast %scan3A_623#5 : vector<16xf32> to vector<16xf32>
      tpu.vector_store %arg10[%swap3A_647], %swap3A_650 {strides = array<i32>} : memref<40960xf32, #tpu.memory_space<vmem>>, vector<16xf32>,
      %mul3A_651 = arith.constant 5 : i32
      %mul3A_652 = arith.muli %add3A_630, %mul3A_651 : i32
      %add3A_653 = arith.constant 1 : i32
      %add3A_654 = arith.addi %mul3A_652, %add3A_653 : i32
      %mul3A_655 = arith.constant 16 : i32
      %mul3A_656 = arith.muli %add3A_654, %mul3A_655 : i32
      %swap3A_657 = arith.index_cast %mul3A_656 : i32 to index
      %swap3A_658 = tpu.vector_load %arg9[%swap3A_657] {strides = array<i32>} : memref<40960xf32, #tpu.memory_space<vmem>>, vector<16xf32>,
      %swap3A_659 = vector.shape_cast %swap3A_658 : vector<16xf32> to vector<16xf32>
      %swap3A_660 = vector.shape_cast %scan3A_623#1 : vector<16xf32> to vector<16xf32>
      tpu.vector_store %arg9[%swap3A_657], %swap3A_660 {strides = array<i32>} : memref<40960xf32, #tpu.memory_space<vmem>>, vector<16xf32>,
      %mul3A_661 = arith.constant 5 : i32
      %mul3A_662 = arith.muli %add3A_630, %mul3A_661 : i32
      %add3A_663 = arith.constant 1 : i32
      %add3A_664 = arith.addi %mul3A_662, %add3A_663 : i32
      %mul3A_665 = arith.constant 16 : i32
      %mul3A_666 = arith.muli %add3A_664, %mul3A_665 : i32
      %swap3A_667 = arith.index_cast %mul3A_666 : i32 to index
      %swap3A_668 = tpu.vector_load %arg10[%swap3A_667] {strides = array<i32>} : memref<40960xf32, #tpu.memory_space<vmem>>, vector<16xf32>,
      %swap3A_669 = vector.shape_cast %swap3A_668 : vector<16xf32> to vector<16xf32>
      %swap3A_670 = vector.shape_cast %scan3A_623#6 : vector<16xf32> to vector<16xf32>
      tpu.vector_store %arg10[%swap3A_667], %swap3A_670 {strides = array<i32>} : memref<40960xf32, #tpu.memory_space<vmem>>, vector<16xf32>,
      %mul3A_671 = arith.constant 5 : i32
      %mul3A_672 = arith.muli %add3A_630, %mul3A_671 : i32
      %add3A_673 = arith.constant 2 : i32
      %add3A_674 = arith.addi %mul3A_672, %add3A_673 : i32
      %mul3A_675 = arith.constant 16 : i32
      %mul3A_676 = arith.muli %add3A_674, %mul3A_675 : i32
      %swap3A_677 = arith.index_cast %mul3A_676 : i32 to index
      %swap3A_678 = tpu.vector_load %arg9[%swap3A_677] {strides = array<i32>} : memref<40960xf32, #tpu.memory_space<vmem>>, vector<16xf32>,
      %swap3A_679 = vector.shape_cast %swap3A_678 : vector<16xf32> to vector<16xf32>
      %swap3A_680 = vector.shape_cast %scan3A_623#2 : vector<16xf32> to vector<16xf32>
      tpu.vector_store %arg9[%swap3A_677], %swap3A_680 {strides = array<i32>} : memref<40960xf32, #tpu.memory_space<vmem>>, vector<16xf32>,
      %mul3A_681 = arith.constant 5 : i32
      %mul3A_682 = arith.muli %add3A_630, %mul3A_681 : i32
      %add3A_683 = arith.constant 2 : i32
      %add3A_684 = arith.addi %mul3A_682, %add3A_683 : i32
      %mul3A_685 = arith.constant 16 : i32
      %mul3A_686 = arith.muli %add3A_684, %mul3A_685 : i32
      %swap3A_687 = arith.index_cast %mul3A_686 : i32 to index
      %swap3A_688 = tpu.vector_load %arg10[%swap3A_687] {strides = array<i32>} : memref<40960xf32, #tpu.memory_space<vmem>>, vector<16xf32>,
      %swap3A_689 = vector.shape_cast %swap3A_688 : vector<16xf32> to vector<16xf32>
      %swap3A_690 = vector.shape_cast %scan3A_623#7 : vector<16xf32> to vector<16xf32>
      tpu.vector_store %arg10[%swap3A_687], %swap3A_690 {strides = array<i32>} : memref<40960xf32, #tpu.memory_space<vmem>>, vector<16xf32>,
      %mul3A_691 = arith.constant 5 : i32
      %mul3A_692 = arith.muli %add3A_630, %mul3A_691 : i32
      %add3A_693 = arith.constant 3 : i32
      %add3A_694 = arith.addi %mul3A_692, %add3A_693 : i32
      %mul3A_695 = arith.constant 16 : i32
      %mul3A_696 = arith.muli %add3A_694, %mul3A_695 : i32
      %swap3A_697 = arith.index_cast %mul3A_696 : i32 to index
      %swap3A_698 = tpu.vector_load %arg9[%swap3A_697] {strides = array<i32>} : memref<40960xf32, #tpu.memory_space<vmem>>, vector<16xf32>,
      %swap3A_699 = vector.shape_cast %swap3A_698 : vector<16xf32> to vector<16xf32>
      %swap3A_700 = vector.shape_cast %scan3A_623#3 : vector<16xf32> to vector<16xf32>
      tpu.vector_store %arg9[%swap3A_697], %swap3A_700 {strides = array<i32>} : memref<40960xf32, #tpu.memory_space<vmem>>, vector<16xf32>,
      %mul3A_701 = arith.constant 5 : i32
      %mul3A_702 = arith.muli %add3A_630, %mul3A_701 : i32
      %add3A_703 = arith.constant 3 : i32
      %add3A_704 = arith.addi %mul3A_702, %add3A_703 : i32
      %mul3A_705 = arith.constant 16 : i32
      %mul3A_706 = arith.muli %add3A_704, %mul3A_705 : i32
      %swap3A_707 = arith.index_cast %mul3A_706 : i32 to index
      %swap3A_708 = tpu.vector_load %arg10[%swap3A_707] {strides = array<i32>} : memref<40960xf32, #tpu.memory_space<vmem>>, vector<16xf32>,
      %swap3A_709 = vector.shape_cast %swap3A_708 : vector<16xf32> to vector<16xf32>
      %swap3A_710 = vector.shape_cast %scan3A_623#8 : vector<16xf32> to vector<16xf32>
      tpu.vector_store %arg10[%swap3A_707], %swap3A_710 {strides = array<i32>} : memref<40960xf32, #tpu.memory_space<vmem>>, vector<16xf32>,
      %mul3A_711 = arith.constant 5 : i32
      %mul3A_712 = arith.muli %add3A_630, %mul3A_711 : i32
      %add3A_713 = arith.constant 4 : i32
      %add3A_714 = arith.addi %mul3A_712, %add3A_713 : i32
      %mul3A_715 = arith.constant 16 : i32
      %mul3A_716 = arith.muli %add3A_714, %mul3A_715 : i32
      %swap3A_717 = arith.index_cast %mul3A_716 : i32 to index
      %swap3A_718 = tpu.vector_load %arg9[%swap3A_717] {strides = array<i32>} : memref<40960xf32, #tpu.memory_space<vmem>>, vector<16xf32>,
      %swap3A_719 = vector.shape_cast %swap3A_718 : vector<16xf32> to vector<16xf32>
      %swap3A_720 = vector.shape_cast %scan3A_623#4 : vector<16xf32> to vector<16xf32>
      tpu.vector_store %arg9[%swap3A_717], %swap3A_720 {strides = array<i32>} : memref<40960xf32, #tpu.memory_space<vmem>>, vector<16xf32>,
      %mul3A_721 = arith.constant 5 : i32
      %mul3A_722 = arith.muli %add3A_630, %mul3A_721 : i32
      %add3A_723 = arith.constant 4 : i32
      %add3A_724 = arith.addi %mul3A_722, %add3A_723 : i32
      %mul3A_725 = arith.constant 16 : i32
      %mul3A_726 = arith.muli %add3A_724, %mul3A_725 : i32
      %swap3A_727 = arith.index_cast %mul3A_726 : i32 to index
      %swap3A_728 = tpu.vector_load %arg10[%swap3A_727] {strides = array<i32>} : memref<40960xf32, #tpu.memory_space<vmem>>, vector<16xf32>,
      %swap3A_729 = vector.shape_cast %swap3A_728 : vector<16xf32> to vector<16xf32>
      %swap3A_730 = vector.shape_cast %scan3A_623#9 : vector<16xf32> to vector<16xf32>
      tpu.vector_store %arg10[%swap3A_727], %swap3A_730 {strides = array<i32>} : memref<40960xf32, #tpu.memory_space<vmem>>, vector<16xf32>,
      %mul3A_731 = arith.constant 16 : i32
      %mul3A_732 = arith.muli %scan3A_44, %mul3A_731 : i32
      %add3A_733 = arith.constant 4 : i32
      %add3A_734 = arith.addi %mul3A_732, %add3A_733 : i32
      %add3A_735 = arith.constant 1 : i32
      %add3A_736 = arith.addi %add3A_734, %add3A_735 : i32
      %mul3A_737 = arith.constant 5 : i32
      %mul3A_738 = arith.muli %add3A_736, %mul3A_737 : i32
      %add3A_739 = arith.constant 0 : i32
      %add3A_740 = arith.addi %mul3A_738, %add3A_739 : i32
      %mul3A_741 = arith.constant 16 : i32
      %mul3A_742 = arith.muli %add3A_740, %mul3A_741 : i32
      %swap3A_743 = arith.index_cast %mul3A_742 : i32 to index
      %swap3A_744 = tpu.vector_load %arg9[%swap3A_743] {strides = array<i32>} : memref<40960xf32, #tpu.memory_space<vmem>>, vector<16xf32>,
      %swap3A_745 = vector.shape_cast %swap3A_744 : vector<16xf32> to vector<16xf32>
      %swap3A_746 = vector.shape_cast %scan3A_623#10 : vector<16xf32> to vector<16xf32>
      tpu.vector_store %arg9[%swap3A_743], %swap3A_746 {strides = array<i32>} : memref<40960xf32, #tpu.memory_space<vmem>>, vector<16xf32>,
      %mul3A_747 = arith.constant 5 : i32
      %mul3A_748 = arith.muli %add3A_736, %mul3A_747 : i32
      %add3A_749 = arith.constant 0 : i32
      %add3A_750 = arith.addi %mul3A_748, %add3A_749 : i32
      %mul3A_751 = arith.constant 16 : i32
      %mul3A_752 = arith.muli %add3A_750, %mul3A_751 : i32
      %swap3A_753 = arith.index_cast %mul3A_752 : i32 to index
      %swap3A_754 = tpu.vector_load %arg10[%swap3A_753] {strides = array<i32>} : memref<40960xf32, #tpu.memory_space<vmem>>, vector<16xf32>,
      %swap3A_755 = vector.shape_cast %swap3A_754 : vector<16xf32> to vector<16xf32>
      %swap3A_756 = vector.shape_cast %scan3A_623#15 : vector<16xf32> to vector<16xf32>
      tpu.vector_store %arg10[%swap3A_753], %swap3A_756 {strides = array<i32>} : memref<40960xf32, #tpu.memory_space<vmem>>, vector<16xf32>,
      %mul3A_757 = arith.constant 5 : i32
      %mul3A_758 = arith.muli %add3A_736, %mul3A_757 : i32
      %add3A_759 = arith.constant 1 : i32
      %add3A_760 = arith.addi %mul3A_758, %add3A_759 : i32
      %mul3A_761 = arith.constant 16 : i32
      %mul3A_762 = arith.muli %add3A_760, %mul3A_761 : i32
      %swap3A_763 = arith.index_cast %mul3A_762 : i32 to index
      %swap3A_764 = tpu.vector_load %arg9[%swap3A_763] {strides = array<i32>} : memref<40960xf32, #tpu.memory_space<vmem>>, vector<16xf32>,
      %swap3A_765 = vector.shape_cast %swap3A_764 : vector<16xf32> to vector<16xf32>
      %swap3A_766 = vector.shape_cast %scan3A_623#11 : vector<16xf32> to vector<16xf32>
      tpu.vector_store %arg9[%swap3A_763], %swap3A_766 {strides = array<i32>} : memref<40960xf32, #tpu.memory_space<vmem>>, vector<16xf32>,
      %mul3A_767 = arith.constant 5 : i32
      %mul3A_768 = arith.muli %add3A_736, %mul3A_767 : i32
      %add3A_769 = arith.constant 1 : i32
      %add3A_770 = arith.addi %mul3A_768, %add3A_769 : i32
      %mul3A_771 = arith.constant 16 : i32
      %mul3A_772 = arith.muli %add3A_770, %mul3A_771 : i32
      %swap3A_773 = arith.index_cast %mul3A_772 : i32 to index
      %swap3A_774 = tpu.vector_load %arg10[%swap3A_773] {strides = array<i32>} : memref<40960xf32, #tpu.memory_space<vmem>>, vector<16xf32>,
      %swap3A_775 = vector.shape_cast %swap3A_774 : vector<16xf32> to vector<16xf32>
      %swap3A_776 = vector.shape_cast %scan3A_623#16 : vector<16xf32> to vector<16xf32>
      tpu.vector_store %arg10[%swap3A_773], %swap3A_776 {strides = array<i32>} : memref<40960xf32, #tpu.memory_space<vmem>>, vector<16xf32>,
      %mul3A_777 = arith.constant 5 : i32
      %mul3A_778 = arith.muli %add3A_736, %mul3A_777 : i32
      %add3A_779 = arith.constant 2 : i32
      %add3A_780 = arith.addi %mul3A_778, %add3A_779 : i32
      %mul3A_781 = arith.constant 16 : i32
      %mul3A_782 = arith.muli %add3A_780, %mul3A_781 : i32
      %swap3A_783 = arith.index_cast %mul3A_782 : i32 to index
      %swap3A_784 = tpu.vector_load %arg9[%swap3A_783] {strides = array<i32>} : memref<40960xf32, #tpu.memory_space<vmem>>, vector<16xf32>,
      %swap3A_785 = vector.shape_cast %swap3A_784 : vector<16xf32> to vector<16xf32>
      %swap3A_786 = vector.shape_cast %scan3A_623#12 : vector<16xf32> to vector<16xf32>
      tpu.vector_store %arg9[%swap3A_783], %swap3A_786 {strides = array<i32>} : memref<40960xf32, #tpu.memory_space<vmem>>, vector<16xf32>,
      %mul3A_787 = arith.constant 5 : i32
      %mul3A_788 = arith.muli %add3A_736, %mul3A_787 : i32
      %add3A_789 = arith.constant 2 : i32
      %add3A_790 = arith.addi %mul3A_788, %add3A_789 : i32
      %mul3A_791 = arith.constant 16 : i32
      %mul3A_792 = arith.muli %add3A_790, %mul3A_791 : i32
      %swap3A_793 = arith.index_cast %mul3A_792 : i32 to index
      %swap3A_794 = tpu.vector_load %arg10[%swap3A_793] {strides = array<i32>} : memref<40960xf32, #tpu.memory_space<vmem>>, vector<16xf32>,
      %swap3A_795 = vector.shape_cast %swap3A_794 : vector<16xf32> to vector<16xf32>
      %swap3A_796 = vector.shape_cast %scan3A_623#17 : vector<16xf32> to vector<16xf32>
      tpu.vector_store %arg10[%swap3A_793], %swap3A_796 {strides = array<i32>} : memref<40960xf32, #tpu.memory_space<vmem>>, vector<16xf32>,
      %mul3A_797 = arith.constant 5 : i32
      %mul3A_798 = arith.muli %add3A_736, %mul3A_797 : i32
      %add3A_799 = arith.constant 3 : i32
      %add3A_800 = arith.addi %mul3A_798, %add3A_799 : i32
      %mul3A_801 = arith.constant 16 : i32
      %mul3A_802 = arith.muli %add3A_800, %mul3A_801 : i32
      %swap3A_803 = arith.index_cast %mul3A_802 : i32 to index
      %swap3A_804 = tpu.vector_load %arg9[%swap3A_803] {strides = array<i32>} : memref<40960xf32, #tpu.memory_space<vmem>>, vector<16xf32>,
      %swap3A_805 = vector.shape_cast %swap3A_804 : vector<16xf32> to vector<16xf32>
      %swap3A_806 = vector.shape_cast %scan3A_623#13 : vector<16xf32> to vector<16xf32>
      tpu.vector_store %arg9[%swap3A_803], %swap3A_806 {strides = array<i32>} : memref<40960xf32, #tpu.memory_space<vmem>>, vector<16xf32>,
      %mul3A_807 = arith.constant 5 : i32
      %mul3A_808 = arith.muli %add3A_736, %mul3A_807 : i32
      %add3A_809 = arith.constant 3 : i32
      %add3A_810 = arith.addi %mul3A_808, %add3A_809 : i32
      %mul3A_811 = arith.constant 16 : i32
      %mul3A_812 = arith.muli %add3A_810, %mul3A_811 : i32
      %swap3A_813 = arith.index_cast %mul3A_812 : i32 to index
      %swap3A_814 = tpu.vector_load %arg10[%swap3A_813] {strides = array<i32>} : memref<40960xf32, #tpu.memory_space<vmem>>, vector<16xf32>,
      %swap3A_815 = vector.shape_cast %swap3A_814 : vector<16xf32> to vector<16xf32>
      %swap3A_816 = vector.shape_cast %scan3A_623#18 : vector<16xf32> to vector<16xf32>
      tpu.vector_store %arg10[%swap3A_813], %swap3A_816 {strides = array<i32>} : memref<40960xf32, #tpu.memory_space<vmem>>, vector<16xf32>,
      %mul3A_817 = arith.constant 5 : i32
      %mul3A_818 = arith.muli %add3A_736, %mul3A_817 : i32
      %add3A_819 = arith.constant 4 : i32
      %add3A_820 = arith.addi %mul3A_818, %add3A_819 : i32
      %mul3A_821 = arith.constant 16 : i32
      %mul3A_822 = arith.muli %add3A_820, %mul3A_821 : i32
      %swap3A_823 = arith.index_cast %mul3A_822 : i32 to index
      %swap3A_824 = tpu.vector_load %arg9[%swap3A_823] {strides = array<i32>} : memref<40960xf32, #tpu.memory_space<vmem>>, vector<16xf32>,
      %swap3A_825 = vector.shape_cast %swap3A_824 : vector<16xf32> to vector<16xf32>
      %swap3A_826 = vector.shape_cast %scan3A_623#14 : vector<16xf32> to vector<16xf32>
      tpu.vector_store %arg9[%swap3A_823], %swap3A_826 {strides = array<i32>} : memref<40960xf32, #tpu.memory_space<vmem>>, vector<16xf32>,
      %mul3A_827 = arith.constant 5 : i32
      %mul3A_828 = arith.muli %add3A_736, %mul3A_827 : i32
      %add3A_829 = arith.constant 4 : i32
      %add3A_830 = arith.addi %mul3A_828, %add3A_829 : i32
      %mul3A_831 = arith.constant 16 : i32
      %mul3A_832 = arith.muli %add3A_830, %mul3A_831 : i32
      %swap3A_833 = arith.index_cast %mul3A_832 : i32 to index
      %swap3A_834 = tpu.vector_load %arg10[%swap3A_833] {strides = array<i32>} : memref<40960xf32, #tpu.memory_space<vmem>>, vector<16xf32>,
      %swap3A_835 = vector.shape_cast %swap3A_834 : vector<16xf32> to vector<16xf32>
      %swap3A_836 = vector.shape_cast %scan3A_623#19 : vector<16xf32> to vector<16xf32>
      tpu.vector_store %arg10[%swap3A_833], %swap3A_836 {strides = array<i32>} : memref<40960xf32, #tpu.memory_space<vmem>>, vector<16xf32>,
      %slice3A_837 = vector.extract_strided_slice %get3A_49 {offsets = [6], sizes = [1], strides = [1]} : vector<16xf32> to vector<1xf32>
      %squeeze3A_838 = vector.extract %slice3A_837[0] : f32 from vector<1xf32>
      %broadcast_in_dim3A_839 = vector.broadcast %squeeze3A_838 : f32 to vector<16xf32>
      %slice3A_840 = vector.extract_strided_slice %get3A_54 {offsets = [6], sizes = [1], strides = [1]} : vector<16xf32> to vector<1xf32>
      %squeeze3A_841 = vector.extract %slice3A_840[0] : f32 from vector<1xf32>
      %broadcast_in_dim3A_842 = vector.broadcast %squeeze3A_841 : f32 to vector<16xf32>
      %slice3A_843 = vector.extract_strided_slice %get3A_59 {offsets = [6], sizes = [1], strides = [1]} : vector<16xf32> to vector<1xf32>
      %squeeze3A_844 = vector.extract %slice3A_843[0] : f32 from vector<1xf32>
      %broadcast_in_dim3A_845 = vector.broadcast %squeeze3A_844 : f32 to vector<16xf32>
      %slice3A_846 = vector.extract_strided_slice %get3A_62 {offsets = [6], sizes = [1], strides = [1]} : vector<16xf32> to vector<1xf32>
      %squeeze3A_847 = vector.extract %slice3A_846[0] : f32 from vector<1xf32>
      %broadcast_in_dim3A_848 = vector.broadcast %squeeze3A_847 : f32 to vector<16xf32>
      %slice3A_849 = vector.extract_strided_slice %get3A_67 {offsets = [6], sizes = [1], strides = [1]} : vector<16xf32> to vector<1xf32>
      %squeeze3A_850 = vector.extract %slice3A_849[0] : f32 from vector<1xf32>
      %broadcast_in_dim3A_851 = vector.broadcast %squeeze3A_850 : f32 to vector<16xf32>
      %slice3A_852 = vector.extract_strided_slice %get3A_72 {offsets = [6], sizes = [1], strides = [1]} : vector<16xf32> to vector<1xf32>
      %squeeze3A_853 = vector.extract %slice3A_852[0] : f32 from vector<1xf32>
      %broadcast_in_dim3A_854 = vector.broadcast %squeeze3A_853 : f32 to vector<16xf32>
      %slice3A_855 = vector.extract_strided_slice %get3A_49 {offsets = [7], sizes = [1], strides = [1]} : vector<16xf32> to vector<1xf32>
      %squeeze3A_856 = vector.extract %slice3A_855[0] : f32 from vector<1xf32>
      %broadcast_in_dim3A_857 = vector.broadcast %squeeze3A_856 : f32 to vector<16xf32>
      %slice3A_858 = vector.extract_strided_slice %get3A_54 {offsets = [7], sizes = [1], strides = [1]} : vector<16xf32> to vector<1xf32>
      %squeeze3A_859 = vector.extract %slice3A_858[0] : f32 from vector<1xf32>
      %broadcast_in_dim3A_860 = vector.broadcast %squeeze3A_859 : f32 to vector<16xf32>
      %slice3A_861 = vector.extract_strided_slice %get3A_59 {offsets = [7], sizes = [1], strides = [1]} : vector<16xf32> to vector<1xf32>
      %squeeze3A_862 = vector.extract %slice3A_861[0] : f32 from vector<1xf32>
      %broadcast_in_dim3A_863 = vector.broadcast %squeeze3A_862 : f32 to vector<16xf32>
      %slice3A_864 = vector.extract_strided_slice %get3A_62 {offsets = [7], sizes = [1], strides = [1]} : vector<16xf32> to vector<1xf32>
      %squeeze3A_865 = vector.extract %slice3A_864[0] : f32 from vector<1xf32>
      %broadcast_in_dim3A_866 = vector.broadcast %squeeze3A_865 : f32 to vector<16xf32>
      %slice3A_867 = vector.extract_strided_slice %get3A_67 {offsets = [7], sizes = [1], strides = [1]} : vector<16xf32> to vector<1xf32>
      %squeeze3A_868 = vector.extract %slice3A_867[0] : f32 from vector<1xf32>
      %broadcast_in_dim3A_869 = vector.broadcast %squeeze3A_868 : f32 to vector<16xf32>
      %slice3A_870 = vector.extract_strided_slice %get3A_72 {offsets = [7], sizes = [1], strides = [1]} : vector<16xf32> to vector<1xf32>
      %squeeze3A_871 = vector.extract %slice3A_870[0] : f32 from vector<1xf32>
      %broadcast_in_dim3A_872 = vector.broadcast %squeeze3A_871 : f32 to vector<16xf32>
      %broadcast_in_dim3A_873 = arith.constant 3.000000e+38 : f32
      %broadcast_in_dim3A_874 = vector.broadcast %broadcast_in_dim3A_873 : f32 to vector<16xf32>
      %scan3A_875 = arith.constant 0 : i32
      %scan3A_876 = arith.constant 128 : i32
      %scan3A_877 = arith.addi %scan3A_875, %scan3A_876 : i32
      %scan3A_878 = arith.constant 2 : i32
      %scan3A_879:20 = scf.for %scan3A_2117 = %scan3A_875 to %scan3A_877 step %scan3A_878 iter_args(%scan3A_2118 = %broadcast_in_dim3A_874, %scan3A_2119 = %broadcast_in_dim3A_874, %scan3A_2120 = %broadcast_in_dim3A_874, %scan3A_2121 = %broadcast_in_dim3A_874, %scan3A_2122 = %broadcast_in_dim3A_874, %scan3A_2123 = %broadcast_in_dim3A_874, %scan3A_2124 = %broadcast_in_dim3A_874, %scan3A_2125 = %broadcast_in_dim3A_874, %scan3A_2126 = %broadcast_in_dim3A_874, %scan3A_2127 = %broadcast_in_dim3A_874, %scan3A_2128 = %broadcast_in_dim3A_874, %scan3A_2129 = %broadcast_in_dim3A_874, %scan3A_2130 = %broadcast_in_dim3A_874, %scan3A_2131 = %broadcast_in_dim3A_874, %scan3A_2132 = %broadcast_in_dim3A_874, %scan3A_2133 = %broadcast_in_dim3A_874, %scan3A_2134 = %broadcast_in_dim3A_874, %scan3A_2135 = %broadcast_in_dim3A_874, %scan3A_2136 = %broadcast_in_dim3A_874, %scan3A_2137 = %broadcast_in_dim3A_874) -> (vector<16xf32>, vector<16xf32>, vector<16xf32>, vector<16xf32>, vector<16xf32>, vector<16xf32>, vector<16xf32>, vector<16xf32>, vector<16xf32>, vector<16xf32>, vector<16xf32>, vector<16xf32>, vector<16xf32>, vector<16xf32>, vector<16xf32>, vector<16xf32>, vector<16xf32>, vector<16xf32>, vector<16xf32>, vector<16xf32>)  : i32 {
        %mul3A_2138 = arith.constant 16 : i32
        %mul3A_2139 = arith.muli %scan3A_2117, %mul3A_2138 : i32
        %mul3A_2140 = arith.constant 16 : i32
        %mul3A_2141 = arith.muli %scan3A_2117, %mul3A_2140 : i32
        %add3A_2142 = arith.constant 2048 : i32
        %add3A_2143 = arith.addi %add3A_2142, %mul3A_2141 : i32
        %mul3A_2144 = arith.constant 16 : i32
        %mul3A_2145 = arith.muli %scan3A_2117, %mul3A_2144 : i32
        %add3A_2146 = arith.constant 4096 : i32
        %add3A_2147 = arith.addi %add3A_2146, %mul3A_2145 : i32
        %get3A_2148 = arith.index_cast %mul3A_2139 : i32 to index
        %get3A_2149 = tpu.vector_load %arg6[%get3A_2148] {strides = array<i32>} : memref<6144xf32, #tpu.memory_space<vmem>>, vector<16xf32>,
        %get3A_2150 = vector.shape_cast %get3A_2149 : vector<16xf32> to vector<16xf32>
        %get3A_2151 = arith.index_cast %add3A_2143 : i32 to index
        %get3A_2152 = tpu.vector_load %arg6[%get3A_2151] {strides = array<i32>} : memref<6144xf32, #tpu.memory_space<vmem>>, vector<16xf32>,
        %get3A_2153 = vector.shape_cast %get3A_2152 : vector<16xf32> to vector<16xf32>
        %get3A_2154 = arith.index_cast %add3A_2147 : i32 to index
        %get3A_2155 = tpu.vector_load %arg6[%get3A_2154] {strides = array<i32>} : memref<6144xf32, #tpu.memory_space<vmem>>, vector<16xf32>,
        %get3A_2156 = vector.shape_cast %get3A_2155 : vector<16xf32> to vector<16xf32>
        %get3A_2157 = arith.index_cast %mul3A_2139 : i32 to index
        %get3A_2158 = tpu.vector_load %arg7[%get3A_2157] {strides = array<i32>} : memref<6144xf32, #tpu.memory_space<vmem>>, vector<16xf32>,
        %get3A_2159 = vector.shape_cast %get3A_2158 : vector<16xf32> to vector<16xf32>
        %get3A_2160 = arith.index_cast %add3A_2143 : i32 to index
        %get3A_2161 = tpu.vector_load %arg7[%get3A_2160] {strides = array<i32>} : memref<6144xf32, #tpu.memory_space<vmem>>, vector<16xf32>,
        %get3A_2162 = vector.shape_cast %get3A_2161 : vector<16xf32> to vector<16xf32>
        %get3A_2163 = arith.index_cast %add3A_2147 : i32 to index
        %get3A_2164 = tpu.vector_load %arg7[%get3A_2163] {strides = array<i32>} : memref<6144xf32, #tpu.memory_space<vmem>>, vector<16xf32>,
        %get3A_2165 = vector.shape_cast %get3A_2164 : vector<16xf32> to vector<16xf32>
        %get3A_2166 = arith.index_cast %mul3A_2139 : i32 to index
        %get3A_2167 = tpu.vector_load %arg8[%get3A_2166] {strides = array<i32>} : memref<2048xf32, #tpu.memory_space<vmem>>, vector<16xf32>,
        %get3A_2168 = vector.shape_cast %get3A_2167 : vector<16xf32> to vector<16xf32>
        %mul3A_2169 = arith.mulf %broadcast_in_dim3A_848, %get3A_2159 : vector<16xf32>
        %mul3A_2170 = arith.mulf %broadcast_in_dim3A_851, %get3A_2162 : vector<16xf32>
        %add3A_2171 = arith.addf %mul3A_2169, %mul3A_2170 : vector<16xf32>
        %mul3A_2172 = arith.mulf %broadcast_in_dim3A_854, %get3A_2165 : vector<16xf32>
        %add3A_2173 = arith.addf %add3A_2171, %mul3A_2172 : vector<16xf32>
        %mul3A_2174 = arith.constant 2.000000e+00 : f32
        %mul3A_2175 = vector.broadcast %mul3A_2174 : f32 to vector<16xf32>
        %mul3A_2176 = arith.mulf %mul3A_2175, %add3A_2173 : vector<16xf32>
        %sub3A_2177 = arith.subf %get3A_2168, %mul3A_2176 : vector<16xf32>
        %sub3A_2178 = arith.subf %broadcast_in_dim3A_839, %get3A_2150 : vector<16xf32>
        %sub3A_2179 = arith.subf %broadcast_in_dim3A_842, %get3A_2153 : vector<16xf32>
        %sub3A_2180 = arith.subf %broadcast_in_dim3A_845, %get3A_2156 : vector<16xf32>
        %mul3A_2181 = arith.mulf %sub3A_2178, %sub3A_2178 : vector<16xf32>
        %mul3A_2182 = arith.mulf %sub3A_2179, %sub3A_2179 : vector<16xf32>
        %add3A_2183 = arith.addf %mul3A_2181, %mul3A_2182 : vector<16xf32>
        %mul3A_2184 = arith.mulf %sub3A_2180, %sub3A_2180 : vector<16xf32>
        %add3A_2185 = arith.addf %add3A_2183, %mul3A_2184 : vector<16xf32>
        %lt3A_2186 = arith.cmpf olt, %sub3A_2177, %scan3A_2118 : vector<16xf32>
        %min3A = arith.minimumf %scan3A_2118, %sub3A_2177 : vector<16xf32>
        %max3A = arith.maximumf %scan3A_2118, %sub3A_2177 : vector<16xf32>
        %select_n3A_2187 = arith.select %lt3A_2186, %add3A_2185, %scan3A_2123 : vector<16xi1>, vector<16xf32>
        %select_n3A_2188 = arith.select %lt3A_2186, %scan3A_2123, %add3A_2185 : vector<16xi1>, vector<16xf32>
        %lt3A_2189 = arith.cmpf olt, %max3A, %scan3A_2119 : vector<16xf32>
        %min3A_2190 = arith.minimumf %scan3A_2119, %max3A : vector<16xf32>
        %max3A_2191 = arith.maximumf %scan3A_2119, %max3A : vector<16xf32>
        %select_n3A_2192 = arith.select %lt3A_2189, %select_n3A_2188, %scan3A_2124 : vector<16xi1>, vector<16xf32>
        %select_n3A_2193 = arith.select %lt3A_2189, %scan3A_2124, %select_n3A_2188 : vector<16xi1>, vector<16xf32>
        %lt3A_2194 = arith.cmpf olt, %max3A_2191, %scan3A_2120 : vector<16xf32>
        %min3A_2195 = arith.minimumf %scan3A_2120, %max3A_2191 : vector<16xf32>
        %max3A_2196 = arith.maximumf %scan3A_2120, %max3A_2191 : vector<16xf32>
        %select_n3A_2197 = arith.select %lt3A_2194, %select_n3A_2193, %scan3A_2125 : vector<16xi1>, vector<16xf32>
        %select_n3A_2198 = arith.select %lt3A_2194, %scan3A_2125, %select_n3A_2193 : vector<16xi1>, vector<16xf32>
        %lt3A_2199 = arith.cmpf olt, %max3A_2196, %scan3A_2121 : vector<16xf32>
        %min3A_2200 = arith.minimumf %scan3A_2121, %max3A_2196 : vector<16xf32>
        %max3A_2201 = arith.maximumf %scan3A_2121, %max3A_2196 : vector<16xf32>
        %select_n3A_2202 = arith.select %lt3A_2199, %select_n3A_2198, %scan3A_2126 : vector<16xi1>, vector<16xf32>
        %select_n3A_2203 = arith.select %lt3A_2199, %scan3A_2126, %select_n3A_2198 : vector<16xi1>, vector<16xf32>
        %lt3A_2204 = arith.cmpf olt, %max3A_2201, %scan3A_2122 : vector<16xf32>
        %min3A_2205 = arith.minimumf %scan3A_2122, %max3A_2201 : vector<16xf32>
        %select_n3A_2206 = arith.select %lt3A_2204, %select_n3A_2203, %scan3A_2127 : vector<16xi1>, vector<16xf32>
        %mul3A_2207 = arith.mulf %broadcast_in_dim3A_866, %get3A_2159 : vector<16xf32>
        %mul3A_2208 = arith.mulf %broadcast_in_dim3A_869, %get3A_2162 : vector<16xf32>
        %add3A_2209 = arith.addf %mul3A_2207, %mul3A_2208 : vector<16xf32>
        %mul3A_2210 = arith.mulf %broadcast_in_dim3A_872, %get3A_2165 : vector<16xf32>
        %add3A_2211 = arith.addf %add3A_2209, %mul3A_2210 : vector<16xf32>
        %mul3A_2212 = arith.constant 2.000000e+00 : f32
        %mul3A_2213 = vector.broadcast %mul3A_2212 : f32 to vector<16xf32>
        %mul3A_2214 = arith.mulf %mul3A_2213, %add3A_2211 : vector<16xf32>
        %sub3A_2215 = arith.subf %get3A_2168, %mul3A_2214 : vector<16xf32>
        %sub3A_2216 = arith.subf %broadcast_in_dim3A_857, %get3A_2150 : vector<16xf32>
        %sub3A_2217 = arith.subf %broadcast_in_dim3A_860, %get3A_2153 : vector<16xf32>
        %sub3A_2218 = arith.subf %broadcast_in_dim3A_863, %get3A_2156 : vector<16xf32>
        %mul3A_2219 = arith.mulf %sub3A_2216, %sub3A_2216 : vector<16xf32>
        %mul3A_2220 = arith.mulf %sub3A_2217, %sub3A_2217 : vector<16xf32>
        %add3A_2221 = arith.addf %mul3A_2219, %mul3A_2220 : vector<16xf32>
        %mul3A_2222 = arith.mulf %sub3A_2218, %sub3A_2218 : vector<16xf32>
        %add3A_2223 = arith.addf %add3A_2221, %mul3A_2222 : vector<16xf32>
        %lt3A_2224 = arith.cmpf olt, %sub3A_2215, %scan3A_2128 : vector<16xf32>
        %min3A_2225 = arith.minimumf %scan3A_2128, %sub3A_2215 : vector<16xf32>
        %max3A_2226 = arith.maximumf %scan3A_2128, %sub3A_2215 : vector<16xf32>
        %select_n3A_2227 = arith.select %lt3A_2224, %add3A_2223, %scan3A_2133 : vector<16xi1>, vector<16xf32>
        %select_n3A_2228 = arith.select %lt3A_2224, %scan3A_2133, %add3A_2223 : vector<16xi1>, vector<16xf32>
        %lt3A_2229 = arith.cmpf olt, %max3A_2226, %scan3A_2129 : vector<16xf32>
        %min3A_2230 = arith.minimumf %scan3A_2129, %max3A_2226 : vector<16xf32>
        %max3A_2231 = arith.maximumf %scan3A_2129, %max3A_2226 : vector<16xf32>
        %select_n3A_2232 = arith.select %lt3A_2229, %select_n3A_2228, %scan3A_2134 : vector<16xi1>, vector<16xf32>
        %select_n3A_2233 = arith.select %lt3A_2229, %scan3A_2134, %select_n3A_2228 : vector<16xi1>, vector<16xf32>
        %lt3A_2234 = arith.cmpf olt, %max3A_2231, %scan3A_2130 : vector<16xf32>
        %min3A_2235 = arith.minimumf %scan3A_2130, %max3A_2231 : vector<16xf32>
        %max3A_2236 = arith.maximumf %scan3A_2130, %max3A_2231 : vector<16xf32>
        %select_n3A_2237 = arith.select %lt3A_2234, %select_n3A_2233, %scan3A_2135 : vector<16xi1>, vector<16xf32>
        %select_n3A_2238 = arith.select %lt3A_2234, %scan3A_2135, %select_n3A_2233 : vector<16xi1>, vector<16xf32>
        %lt3A_2239 = arith.cmpf olt, %max3A_2236, %scan3A_2131 : vector<16xf32>
        %min3A_2240 = arith.minimumf %scan3A_2131, %max3A_2236 : vector<16xf32>
        %max3A_2241 = arith.maximumf %scan3A_2131, %max3A_2236 : vector<16xf32>
        %select_n3A_2242 = arith.select %lt3A_2239, %select_n3A_2238, %scan3A_2136 : vector<16xi1>, vector<16xf32>
        %select_n3A_2243 = arith.select %lt3A_2239, %scan3A_2136, %select_n3A_2238 : vector<16xi1>, vector<16xf32>
        %lt3A_2244 = arith.cmpf olt, %max3A_2241, %scan3A_2132 : vector<16xf32>
        %min3A_2245 = arith.minimumf %scan3A_2132, %max3A_2241 : vector<16xf32>
        %select_n3A_2246 = arith.select %lt3A_2244, %select_n3A_2243, %scan3A_2137 : vector<16xi1>, vector<16xf32>
        %scan3A_2247 = arith.constant 1 : i32
        %scan3A_2248 = arith.addi %scan3A_2117, %scan3A_2247 : i32
        %mul3A_2249 = arith.constant 16 : i32
        %mul3A_2250 = arith.muli %scan3A_2248, %mul3A_2249 : i32
        %mul3A_2251 = arith.constant 16 : i32
        %mul3A_2252 = arith.muli %scan3A_2248, %mul3A_2251 : i32
        %add3A_2253 = arith.constant 2048 : i32
        %add3A_2254 = arith.addi %add3A_2253, %mul3A_2252 : i32
        %mul3A_2255 = arith.constant 16 : i32
        %mul3A_2256 = arith.muli %scan3A_2248, %mul3A_2255 : i32
        %add3A_2257 = arith.constant 4096 : i32
        %add3A_2258 = arith.addi %add3A_2257, %mul3A_2256 : i32
        %get3A_2259 = arith.index_cast %mul3A_2250 : i32 to index
        %get3A_2260 = tpu.vector_load %arg6[%get3A_2259] {strides = array<i32>} : memref<6144xf32, #tpu.memory_space<vmem>>, vector<16xf32>,
        %get3A_2261 = vector.shape_cast %get3A_2260 : vector<16xf32> to vector<16xf32>
        %get3A_2262 = arith.index_cast %add3A_2254 : i32 to index
        %get3A_2263 = tpu.vector_load %arg6[%get3A_2262] {strides = array<i32>} : memref<6144xf32, #tpu.memory_space<vmem>>, vector<16xf32>,
        %get3A_2264 = vector.shape_cast %get3A_2263 : vector<16xf32> to vector<16xf32>
        %get3A_2265 = arith.index_cast %add3A_2258 : i32 to index
        %get3A_2266 = tpu.vector_load %arg6[%get3A_2265] {strides = array<i32>} : memref<6144xf32, #tpu.memory_space<vmem>>, vector<16xf32>,
        %get3A_2267 = vector.shape_cast %get3A_2266 : vector<16xf32> to vector<16xf32>
        %get3A_2268 = arith.index_cast %mul3A_2250 : i32 to index
        %get3A_2269 = tpu.vector_load %arg7[%get3A_2268] {strides = array<i32>} : memref<6144xf32, #tpu.memory_space<vmem>>, vector<16xf32>,
        %get3A_2270 = vector.shape_cast %get3A_2269 : vector<16xf32> to vector<16xf32>
        %get3A_2271 = arith.index_cast %add3A_2254 : i32 to index
        %get3A_2272 = tpu.vector_load %arg7[%get3A_2271] {strides = array<i32>} : memref<6144xf32, #tpu.memory_space<vmem>>, vector<16xf32>,
        %get3A_2273 = vector.shape_cast %get3A_2272 : vector<16xf32> to vector<16xf32>
        %get3A_2274 = arith.index_cast %add3A_2258 : i32 to index
        %get3A_2275 = tpu.vector_load %arg7[%get3A_2274] {strides = array<i32>} : memref<6144xf32, #tpu.memory_space<vmem>>, vector<16xf32>,
        %get3A_2276 = vector.shape_cast %get3A_2275 : vector<16xf32> to vector<16xf32>
        %get3A_2277 = arith.index_cast %mul3A_2250 : i32 to index
        %get3A_2278 = tpu.vector_load %arg8[%get3A_2277] {strides = array<i32>} : memref<2048xf32, #tpu.memory_space<vmem>>, vector<16xf32>,
        %get3A_2279 = vector.shape_cast %get3A_2278 : vector<16xf32> to vector<16xf32>
        %mul3A_2280 = arith.mulf %broadcast_in_dim3A_848, %get3A_2270 : vector<16xf32>
        %mul3A_2281 = arith.mulf %broadcast_in_dim3A_851, %get3A_2273 : vector<16xf32>
        %add3A_2282 = arith.addf %mul3A_2280, %mul3A_2281 : vector<16xf32>
        %mul3A_2283 = arith.mulf %broadcast_in_dim3A_854, %get3A_2276 : vector<16xf32>
        %add3A_2284 = arith.addf %add3A_2282, %mul3A_2283 : vector<16xf32>
        %mul3A_2285 = arith.constant 2.000000e+00 : f32
        %mul3A_2286 = vector.broadcast %mul3A_2285 : f32 to vector<16xf32>
        %mul3A_2287 = arith.mulf %mul3A_2286, %add3A_2284 : vector<16xf32>
        %sub3A_2288 = arith.subf %get3A_2279, %mul3A_2287 : vector<16xf32>
        %sub3A_2289 = arith.subf %broadcast_in_dim3A_839, %get3A_2261 : vector<16xf32>
        %sub3A_2290 = arith.subf %broadcast_in_dim3A_842, %get3A_2264 : vector<16xf32>
        %sub3A_2291 = arith.subf %broadcast_in_dim3A_845, %get3A_2267 : vector<16xf32>
        %mul3A_2292 = arith.mulf %sub3A_2289, %sub3A_2289 : vector<16xf32>
        %mul3A_2293 = arith.mulf %sub3A_2290, %sub3A_2290 : vector<16xf32>
        %add3A_2294 = arith.addf %mul3A_2292, %mul3A_2293 : vector<16xf32>
        %mul3A_2295 = arith.mulf %sub3A_2291, %sub3A_2291 : vector<16xf32>
        %add3A_2296 = arith.addf %add3A_2294, %mul3A_2295 : vector<16xf32>
        %lt3A_2297 = arith.cmpf olt, %sub3A_2288, %min3A : vector<16xf32>
        %min3A_2298 = arith.minimumf %min3A, %sub3A_2288 : vector<16xf32>
        %max3A_2299 = arith.maximumf %min3A, %sub3A_2288 : vector<16xf32>
        %select_n3A_2300 = arith.select %lt3A_2297, %add3A_2296, %select_n3A_2187 : vector<16xi1>, vector<16xf32>
        %select_n3A_2301 = arith.select %lt3A_2297, %select_n3A_2187, %add3A_2296 : vector<16xi1>, vector<16xf32>
        %lt3A_2302 = arith.cmpf olt, %max3A_2299, %min3A_2190 : vector<16xf32>
        %min3A_2303 = arith.minimumf %min3A_2190, %max3A_2299 : vector<16xf32>
        %max3A_2304 = arith.maximumf %min3A_2190, %max3A_2299 : vector<16xf32>
        %select_n3A_2305 = arith.select %lt3A_2302, %select_n3A_2301, %select_n3A_2192 : vector<16xi1>, vector<16xf32>
        %select_n3A_2306 = arith.select %lt3A_2302, %select_n3A_2192, %select_n3A_2301 : vector<16xi1>, vector<16xf32>
        %lt3A_2307 = arith.cmpf olt, %max3A_2304, %min3A_2195 : vector<16xf32>
        %min3A_2308 = arith.minimumf %min3A_2195, %max3A_2304 : vector<16xf32>
        %max3A_2309 = arith.maximumf %min3A_2195, %max3A_2304 : vector<16xf32>
        %select_n3A_2310 = arith.select %lt3A_2307, %select_n3A_2306, %select_n3A_2197 : vector<16xi1>, vector<16xf32>
        %select_n3A_2311 = arith.select %lt3A_2307, %select_n3A_2197, %select_n3A_2306 : vector<16xi1>, vector<16xf32>
        %lt3A_2312 = arith.cmpf olt, %max3A_2309, %min3A_2200 : vector<16xf32>
        %min3A_2313 = arith.minimumf %min3A_2200, %max3A_2309 : vector<16xf32>
        %max3A_2314 = arith.maximumf %min3A_2200, %max3A_2309 : vector<16xf32>
        %select_n3A_2315 = arith.select %lt3A_2312, %select_n3A_2311, %select_n3A_2202 : vector<16xi1>, vector<16xf32>
        %select_n3A_2316 = arith.select %lt3A_2312, %select_n3A_2202, %select_n3A_2311 : vector<16xi1>, vector<16xf32>
        %lt3A_2317 = arith.cmpf olt, %max3A_2314, %min3A_2205 : vector<16xf32>
        %min3A_2318 = arith.minimumf %min3A_2205, %max3A_2314 : vector<16xf32>
        %select_n3A_2319 = arith.select %lt3A_2317, %select_n3A_2316, %select_n3A_2206 : vector<16xi1>, vector<16xf32>
        %mul3A_2320 = arith.mulf %broadcast_in_dim3A_866, %get3A_2270 : vector<16xf32>
        %mul3A_2321 = arith.mulf %broadcast_in_dim3A_869, %get3A_2273 : vector<16xf32>
        %add3A_2322 = arith.addf %mul3A_2320, %mul3A_2321 : vector<16xf32>
        %mul3A_2323 = arith.mulf %broadcast_in_dim3A_872, %get3A_2276 : vector<16xf32>
        %add3A_2324 = arith.addf %add3A_2322, %mul3A_2323 : vector<16xf32>
        %mul3A_2325 = arith.constant 2.000000e+00 : f32
        %mul3A_2326 = vector.broadcast %mul3A_2325 : f32 to vector<16xf32>
        %mul3A_2327 = arith.mulf %mul3A_2326, %add3A_2324 : vector<16xf32>
        %sub3A_2328 = arith.subf %get3A_2279, %mul3A_2327 : vector<16xf32>
        %sub3A_2329 = arith.subf %broadcast_in_dim3A_857, %get3A_2261 : vector<16xf32>
        %sub3A_2330 = arith.subf %broadcast_in_dim3A_860, %get3A_2264 : vector<16xf32>
        %sub3A_2331 = arith.subf %broadcast_in_dim3A_863, %get3A_2267 : vector<16xf32>
        %mul3A_2332 = arith.mulf %sub3A_2329, %sub3A_2329 : vector<16xf32>
        %mul3A_2333 = arith.mulf %sub3A_2330, %sub3A_2330 : vector<16xf32>
        %add3A_2334 = arith.addf %mul3A_2332, %mul3A_2333 : vector<16xf32>
        %mul3A_2335 = arith.mulf %sub3A_2331, %sub3A_2331 : vector<16xf32>
        %add3A_2336 = arith.addf %add3A_2334, %mul3A_2335 : vector<16xf32>
        %lt3A_2337 = arith.cmpf olt, %sub3A_2328, %min3A_2225 : vector<16xf32>
        %min3A_2338 = arith.minimumf %min3A_2225, %sub3A_2328 : vector<16xf32>
        %max3A_2339 = arith.maximumf %min3A_2225, %sub3A_2328 : vector<16xf32>
        %select_n3A_2340 = arith.select %lt3A_2337, %add3A_2336, %select_n3A_2227 : vector<16xi1>, vector<16xf32>
        %select_n3A_2341 = arith.select %lt3A_2337, %select_n3A_2227, %add3A_2336 : vector<16xi1>, vector<16xf32>
        %lt3A_2342 = arith.cmpf olt, %max3A_2339, %min3A_2230 : vector<16xf32>
        %min3A_2343 = arith.minimumf %min3A_2230, %max3A_2339 : vector<16xf32>
        %max3A_2344 = arith.maximumf %min3A_2230, %max3A_2339 : vector<16xf32>
        %select_n3A_2345 = arith.select %lt3A_2342, %select_n3A_2341, %select_n3A_2232 : vector<16xi1>, vector<16xf32>
        %select_n3A_2346 = arith.select %lt3A_2342, %select_n3A_2232, %select_n3A_2341 : vector<16xi1>, vector<16xf32>
        %lt3A_2347 = arith.cmpf olt, %max3A_2344, %min3A_2235 : vector<16xf32>
        %min3A_2348 = arith.minimumf %min3A_2235, %max3A_2344 : vector<16xf32>
        %max3A_2349 = arith.maximumf %min3A_2235, %max3A_2344 : vector<16xf32>
        %select_n3A_2350 = arith.select %lt3A_2347, %select_n3A_2346, %select_n3A_2237 : vector<16xi1>, vector<16xf32>
        %select_n3A_2351 = arith.select %lt3A_2347, %select_n3A_2237, %select_n3A_2346 : vector<16xi1>, vector<16xf32>
        %lt3A_2352 = arith.cmpf olt, %max3A_2349, %min3A_2240 : vector<16xf32>
        %min3A_2353 = arith.minimumf %min3A_2240, %max3A_2349 : vector<16xf32>
        %max3A_2354 = arith.maximumf %min3A_2240, %max3A_2349 : vector<16xf32>
        %select_n3A_2355 = arith.select %lt3A_2352, %select_n3A_2351, %select_n3A_2242 : vector<16xi1>, vector<16xf32>
        %select_n3A_2356 = arith.select %lt3A_2352, %select_n3A_2242, %select_n3A_2351 : vector<16xi1>, vector<16xf32>
        %lt3A_2357 = arith.cmpf olt, %max3A_2354, %min3A_2245 : vector<16xf32>
        %min3A_2358 = arith.minimumf %min3A_2245, %max3A_2354 : vector<16xf32>
        %select_n3A_2359 = arith.select %lt3A_2357, %select_n3A_2356, %select_n3A_2246 : vector<16xi1>, vector<16xf32>
        scf.yield %min3A_2298, %min3A_2303, %min3A_2308, %min3A_2313, %min3A_2318, %select_n3A_2300, %select_n3A_2305, %select_n3A_2310, %select_n3A_2315, %select_n3A_2319, %min3A_2338, %min3A_2343, %min3A_2348, %min3A_2353, %min3A_2358, %select_n3A_2340, %select_n3A_2345, %select_n3A_2350, %select_n3A_2355, %select_n3A_2359 : vector<16xf32>, vector<16xf32>, vector<16xf32>, vector<16xf32>, vector<16xf32>, vector<16xf32>, vector<16xf32>, vector<16xf32>, vector<16xf32>, vector<16xf32>, vector<16xf32>, vector<16xf32>, vector<16xf32>, vector<16xf32>, vector<16xf32>, vector<16xf32>, vector<16xf32>, vector<16xf32>, vector<16xf32>, vector<16xf32>
      }
      %scan3A_880 = arith.constant 128 : i32
      %mul3A_881 = arith.constant 16 : i32
      %mul3A_882 = arith.muli %scan3A_44, %mul3A_881 : i32
      %add3A_883 = arith.constant 6 : i32
      %add3A_884 = arith.addi %mul3A_882, %add3A_883 : i32
      %add3A_885 = arith.constant 0 : i32
      %add3A_886 = arith.addi %add3A_884, %add3A_885 : i32
      %mul3A_887 = arith.constant 5 : i32
      %mul3A_888 = arith.muli %add3A_886, %mul3A_887 : i32
      %add3A_889 = arith.constant 0 : i32
      %add3A_890 = arith.addi %mul3A_888, %add3A_889 : i32
      %mul3A_891 = arith.constant 16 : i32
      %mul3A_892 = arith.muli %add3A_890, %mul3A_891 : i32
      %swap3A_893 = arith.index_cast %mul3A_892 : i32 to index
      %swap3A_894 = tpu.vector_load %arg9[%swap3A_893] {strides = array<i32>} : memref<40960xf32, #tpu.memory_space<vmem>>, vector<16xf32>,
      %swap3A_895 = vector.shape_cast %swap3A_894 : vector<16xf32> to vector<16xf32>
      %swap3A_896 = vector.shape_cast %scan3A_879#0 : vector<16xf32> to vector<16xf32>
      tpu.vector_store %arg9[%swap3A_893], %swap3A_896 {strides = array<i32>} : memref<40960xf32, #tpu.memory_space<vmem>>, vector<16xf32>,
      %mul3A_897 = arith.constant 5 : i32
      %mul3A_898 = arith.muli %add3A_886, %mul3A_897 : i32
      %add3A_899 = arith.constant 0 : i32
      %add3A_900 = arith.addi %mul3A_898, %add3A_899 : i32
      %mul3A_901 = arith.constant 16 : i32
      %mul3A_902 = arith.muli %add3A_900, %mul3A_901 : i32
      %swap3A_903 = arith.index_cast %mul3A_902 : i32 to index
      %swap3A_904 = tpu.vector_load %arg10[%swap3A_903] {strides = array<i32>} : memref<40960xf32, #tpu.memory_space<vmem>>, vector<16xf32>,
      %swap3A_905 = vector.shape_cast %swap3A_904 : vector<16xf32> to vector<16xf32>
      %swap3A_906 = vector.shape_cast %scan3A_879#5 : vector<16xf32> to vector<16xf32>
      tpu.vector_store %arg10[%swap3A_903], %swap3A_906 {strides = array<i32>} : memref<40960xf32, #tpu.memory_space<vmem>>, vector<16xf32>,
      %mul3A_907 = arith.constant 5 : i32
      %mul3A_908 = arith.muli %add3A_886, %mul3A_907 : i32
      %add3A_909 = arith.constant 1 : i32
      %add3A_910 = arith.addi %mul3A_908, %add3A_909 : i32
      %mul3A_911 = arith.constant 16 : i32
      %mul3A_912 = arith.muli %add3A_910, %mul3A_911 : i32
      %swap3A_913 = arith.index_cast %mul3A_912 : i32 to index
      %swap3A_914 = tpu.vector_load %arg9[%swap3A_913] {strides = array<i32>} : memref<40960xf32, #tpu.memory_space<vmem>>, vector<16xf32>,
      %swap3A_915 = vector.shape_cast %swap3A_914 : vector<16xf32> to vector<16xf32>
      %swap3A_916 = vector.shape_cast %scan3A_879#1 : vector<16xf32> to vector<16xf32>
      tpu.vector_store %arg9[%swap3A_913], %swap3A_916 {strides = array<i32>} : memref<40960xf32, #tpu.memory_space<vmem>>, vector<16xf32>,
      %mul3A_917 = arith.constant 5 : i32
      %mul3A_918 = arith.muli %add3A_886, %mul3A_917 : i32
      %add3A_919 = arith.constant 1 : i32
      %add3A_920 = arith.addi %mul3A_918, %add3A_919 : i32
      %mul3A_921 = arith.constant 16 : i32
      %mul3A_922 = arith.muli %add3A_920, %mul3A_921 : i32
      %swap3A_923 = arith.index_cast %mul3A_922 : i32 to index
      %swap3A_924 = tpu.vector_load %arg10[%swap3A_923] {strides = array<i32>} : memref<40960xf32, #tpu.memory_space<vmem>>, vector<16xf32>,
      %swap3A_925 = vector.shape_cast %swap3A_924 : vector<16xf32> to vector<16xf32>
      %swap3A_926 = vector.shape_cast %scan3A_879#6 : vector<16xf32> to vector<16xf32>
      tpu.vector_store %arg10[%swap3A_923], %swap3A_926 {strides = array<i32>} : memref<40960xf32, #tpu.memory_space<vmem>>, vector<16xf32>,
      %mul3A_927 = arith.constant 5 : i32
      %mul3A_928 = arith.muli %add3A_886, %mul3A_927 : i32
      %add3A_929 = arith.constant 2 : i32
      %add3A_930 = arith.addi %mul3A_928, %add3A_929 : i32
      %mul3A_931 = arith.constant 16 : i32
      %mul3A_932 = arith.muli %add3A_930, %mul3A_931 : i32
      %swap3A_933 = arith.index_cast %mul3A_932 : i32 to index
      %swap3A_934 = tpu.vector_load %arg9[%swap3A_933] {strides = array<i32>} : memref<40960xf32, #tpu.memory_space<vmem>>, vector<16xf32>,
      %swap3A_935 = vector.shape_cast %swap3A_934 : vector<16xf32> to vector<16xf32>
      %swap3A_936 = vector.shape_cast %scan3A_879#2 : vector<16xf32> to vector<16xf32>
      tpu.vector_store %arg9[%swap3A_933], %swap3A_936 {strides = array<i32>} : memref<40960xf32, #tpu.memory_space<vmem>>, vector<16xf32>,
      %mul3A_937 = arith.constant 5 : i32
      %mul3A_938 = arith.muli %add3A_886, %mul3A_937 : i32
      %add3A_939 = arith.constant 2 : i32
      %add3A_940 = arith.addi %mul3A_938, %add3A_939 : i32
      %mul3A_941 = arith.constant 16 : i32
      %mul3A_942 = arith.muli %add3A_940, %mul3A_941 : i32
      %swap3A_943 = arith.index_cast %mul3A_942 : i32 to index
      %swap3A_944 = tpu.vector_load %arg10[%swap3A_943] {strides = array<i32>} : memref<40960xf32, #tpu.memory_space<vmem>>, vector<16xf32>,
      %swap3A_945 = vector.shape_cast %swap3A_944 : vector<16xf32> to vector<16xf32>
      %swap3A_946 = vector.shape_cast %scan3A_879#7 : vector<16xf32> to vector<16xf32>
      tpu.vector_store %arg10[%swap3A_943], %swap3A_946 {strides = array<i32>} : memref<40960xf32, #tpu.memory_space<vmem>>, vector<16xf32>,
      %mul3A_947 = arith.constant 5 : i32
      %mul3A_948 = arith.muli %add3A_886, %mul3A_947 : i32
      %add3A_949 = arith.constant 3 : i32
      %add3A_950 = arith.addi %mul3A_948, %add3A_949 : i32
      %mul3A_951 = arith.constant 16 : i32
      %mul3A_952 = arith.muli %add3A_950, %mul3A_951 : i32
      %swap3A_953 = arith.index_cast %mul3A_952 : i32 to index
      %swap3A_954 = tpu.vector_load %arg9[%swap3A_953] {strides = array<i32>} : memref<40960xf32, #tpu.memory_space<vmem>>, vector<16xf32>,
      %swap3A_955 = vector.shape_cast %swap3A_954 : vector<16xf32> to vector<16xf32>
      %swap3A_956 = vector.shape_cast %scan3A_879#3 : vector<16xf32> to vector<16xf32>
      tpu.vector_store %arg9[%swap3A_953], %swap3A_956 {strides = array<i32>} : memref<40960xf32, #tpu.memory_space<vmem>>, vector<16xf32>,
      %mul3A_957 = arith.constant 5 : i32
      %mul3A_958 = arith.muli %add3A_886, %mul3A_957 : i32
      %add3A_959 = arith.constant 3 : i32
      %add3A_960 = arith.addi %mul3A_958, %add3A_959 : i32
      %mul3A_961 = arith.constant 16 : i32
      %mul3A_962 = arith.muli %add3A_960, %mul3A_961 : i32
      %swap3A_963 = arith.index_cast %mul3A_962 : i32 to index
      %swap3A_964 = tpu.vector_load %arg10[%swap3A_963] {strides = array<i32>} : memref<40960xf32, #tpu.memory_space<vmem>>, vector<16xf32>,
      %swap3A_965 = vector.shape_cast %swap3A_964 : vector<16xf32> to vector<16xf32>
      %swap3A_966 = vector.shape_cast %scan3A_879#8 : vector<16xf32> to vector<16xf32>
      tpu.vector_store %arg10[%swap3A_963], %swap3A_966 {strides = array<i32>} : memref<40960xf32, #tpu.memory_space<vmem>>, vector<16xf32>,
      %mul3A_967 = arith.constant 5 : i32
      %mul3A_968 = arith.muli %add3A_886, %mul3A_967 : i32
      %add3A_969 = arith.constant 4 : i32
      %add3A_970 = arith.addi %mul3A_968, %add3A_969 : i32
      %mul3A_971 = arith.constant 16 : i32
      %mul3A_972 = arith.muli %add3A_970, %mul3A_971 : i32
      %swap3A_973 = arith.index_cast %mul3A_972 : i32 to index
      %swap3A_974 = tpu.vector_load %arg9[%swap3A_973] {strides = array<i32>} : memref<40960xf32, #tpu.memory_space<vmem>>, vector<16xf32>,
      %swap3A_975 = vector.shape_cast %swap3A_974 : vector<16xf32> to vector<16xf32>
      %swap3A_976 = vector.shape_cast %scan3A_879#4 : vector<16xf32> to vector<16xf32>
      tpu.vector_store %arg9[%swap3A_973], %swap3A_976 {strides = array<i32>} : memref<40960xf32, #tpu.memory_space<vmem>>, vector<16xf32>,
      %mul3A_977 = arith.constant 5 : i32
      %mul3A_978 = arith.muli %add3A_886, %mul3A_977 : i32
      %add3A_979 = arith.constant 4 : i32
      %add3A_980 = arith.addi %mul3A_978, %add3A_979 : i32
      %mul3A_981 = arith.constant 16 : i32
      %mul3A_982 = arith.muli %add3A_980, %mul3A_981 : i32
      %swap3A_983 = arith.index_cast %mul3A_982 : i32 to index
      %swap3A_984 = tpu.vector_load %arg10[%swap3A_983] {strides = array<i32>} : memref<40960xf32, #tpu.memory_space<vmem>>, vector<16xf32>,
      %swap3A_985 = vector.shape_cast %swap3A_984 : vector<16xf32> to vector<16xf32>
      %swap3A_986 = vector.shape_cast %scan3A_879#9 : vector<16xf32> to vector<16xf32>
      tpu.vector_store %arg10[%swap3A_983], %swap3A_986 {strides = array<i32>} : memref<40960xf32, #tpu.memory_space<vmem>>, vector<16xf32>,
      %mul3A_987 = arith.constant 16 : i32
      %mul3A_988 = arith.muli %scan3A_44, %mul3A_987 : i32
      %add3A_989 = arith.constant 6 : i32
      %add3A_990 = arith.addi %mul3A_988, %add3A_989 : i32
      %add3A_991 = arith.constant 1 : i32
      %add3A_992 = arith.addi %add3A_990, %add3A_991 : i32
      %mul3A_993 = arith.constant 5 : i32
      %mul3A_994 = arith.muli %add3A_992, %mul3A_993 : i32
      %add3A_995 = arith.constant 0 : i32
      %add3A_996 = arith.addi %mul3A_994, %add3A_995 : i32
      %mul3A_997 = arith.constant 16 : i32
      %mul3A_998 = arith.muli %add3A_996, %mul3A_997 : i32
      %swap3A_999 = arith.index_cast %mul3A_998 : i32 to index
      %swap3A_1000 = tpu.vector_load %arg9[%swap3A_999] {strides = array<i32>} : memref<40960xf32, #tpu.memory_space<vmem>>, vector<16xf32>,
      %swap3A_1001 = vector.shape_cast %swap3A_1000 : vector<16xf32> to vector<16xf32>
      %swap3A_1002 = vector.shape_cast %scan3A_879#10 : vector<16xf32> to vector<16xf32>
      tpu.vector_store %arg9[%swap3A_999], %swap3A_1002 {strides = array<i32>} : memref<40960xf32, #tpu.memory_space<vmem>>, vector<16xf32>,
      %mul3A_1003 = arith.constant 5 : i32
      %mul3A_1004 = arith.muli %add3A_992, %mul3A_1003 : i32
      %add3A_1005 = arith.constant 0 : i32
      %add3A_1006 = arith.addi %mul3A_1004, %add3A_1005 : i32
      %mul3A_1007 = arith.constant 16 : i32
      %mul3A_1008 = arith.muli %add3A_1006, %mul3A_1007 : i32
      %swap3A_1009 = arith.index_cast %mul3A_1008 : i32 to index
      %swap3A_1010 = tpu.vector_load %arg10[%swap3A_1009] {strides = array<i32>} : memref<40960xf32, #tpu.memory_space<vmem>>, vector<16xf32>,
      %swap3A_1011 = vector.shape_cast %swap3A_1010 : vector<16xf32> to vector<16xf32>
      %swap3A_1012 = vector.shape_cast %scan3A_879#15 : vector<16xf32> to vector<16xf32>
      tpu.vector_store %arg10[%swap3A_1009], %swap3A_1012 {strides = array<i32>} : memref<40960xf32, #tpu.memory_space<vmem>>, vector<16xf32>,
      %mul3A_1013 = arith.constant 5 : i32
      %mul3A_1014 = arith.muli %add3A_992, %mul3A_1013 : i32
      %add3A_1015 = arith.constant 1 : i32
      %add3A_1016 = arith.addi %mul3A_1014, %add3A_1015 : i32
      %mul3A_1017 = arith.constant 16 : i32
      %mul3A_1018 = arith.muli %add3A_1016, %mul3A_1017 : i32
      %swap3A_1019 = arith.index_cast %mul3A_1018 : i32 to index
      %swap3A_1020 = tpu.vector_load %arg9[%swap3A_1019] {strides = array<i32>} : memref<40960xf32, #tpu.memory_space<vmem>>, vector<16xf32>,
      %swap3A_1021 = vector.shape_cast %swap3A_1020 : vector<16xf32> to vector<16xf32>
      %swap3A_1022 = vector.shape_cast %scan3A_879#11 : vector<16xf32> to vector<16xf32>
      tpu.vector_store %arg9[%swap3A_1019], %swap3A_1022 {strides = array<i32>} : memref<40960xf32, #tpu.memory_space<vmem>>, vector<16xf32>,
      %mul3A_1023 = arith.constant 5 : i32
      %mul3A_1024 = arith.muli %add3A_992, %mul3A_1023 : i32
      %add3A_1025 = arith.constant 1 : i32
      %add3A_1026 = arith.addi %mul3A_1024, %add3A_1025 : i32
      %mul3A_1027 = arith.constant 16 : i32
      %mul3A_1028 = arith.muli %add3A_1026, %mul3A_1027 : i32
      %swap3A_1029 = arith.index_cast %mul3A_1028 : i32 to index
      %swap3A_1030 = tpu.vector_load %arg10[%swap3A_1029] {strides = array<i32>} : memref<40960xf32, #tpu.memory_space<vmem>>, vector<16xf32>,
      %swap3A_1031 = vector.shape_cast %swap3A_1030 : vector<16xf32> to vector<16xf32>
      %swap3A_1032 = vector.shape_cast %scan3A_879#16 : vector<16xf32> to vector<16xf32>
      tpu.vector_store %arg10[%swap3A_1029], %swap3A_1032 {strides = array<i32>} : memref<40960xf32, #tpu.memory_space<vmem>>, vector<16xf32>,
      %mul3A_1033 = arith.constant 5 : i32
      %mul3A_1034 = arith.muli %add3A_992, %mul3A_1033 : i32
      %add3A_1035 = arith.constant 2 : i32
      %add3A_1036 = arith.addi %mul3A_1034, %add3A_1035 : i32
      %mul3A_1037 = arith.constant 16 : i32
      %mul3A_1038 = arith.muli %add3A_1036, %mul3A_1037 : i32
      %swap3A_1039 = arith.index_cast %mul3A_1038 : i32 to index
      %swap3A_1040 = tpu.vector_load %arg9[%swap3A_1039] {strides = array<i32>} : memref<40960xf32, #tpu.memory_space<vmem>>, vector<16xf32>,
      %swap3A_1041 = vector.shape_cast %swap3A_1040 : vector<16xf32> to vector<16xf32>
      %swap3A_1042 = vector.shape_cast %scan3A_879#12 : vector<16xf32> to vector<16xf32>
      tpu.vector_store %arg9[%swap3A_1039], %swap3A_1042 {strides = array<i32>} : memref<40960xf32, #tpu.memory_space<vmem>>, vector<16xf32>,
      %mul3A_1043 = arith.constant 5 : i32
      %mul3A_1044 = arith.muli %add3A_992, %mul3A_1043 : i32
      %add3A_1045 = arith.constant 2 : i32
      %add3A_1046 = arith.addi %mul3A_1044, %add3A_1045 : i32
      %mul3A_1047 = arith.constant 16 : i32
      %mul3A_1048 = arith.muli %add3A_1046, %mul3A_1047 : i32
      %swap3A_1049 = arith.index_cast %mul3A_1048 : i32 to index
      %swap3A_1050 = tpu.vector_load %arg10[%swap3A_1049] {strides = array<i32>} : memref<40960xf32, #tpu.memory_space<vmem>>, vector<16xf32>,
      %swap3A_1051 = vector.shape_cast %swap3A_1050 : vector<16xf32> to vector<16xf32>
      %swap3A_1052 = vector.shape_cast %scan3A_879#17 : vector<16xf32> to vector<16xf32>
      tpu.vector_store %arg10[%swap3A_1049], %swap3A_1052 {strides = array<i32>} : memref<40960xf32, #tpu.memory_space<vmem>>, vector<16xf32>,
      %mul3A_1053 = arith.constant 5 : i32
      %mul3A_1054 = arith.muli %add3A_992, %mul3A_1053 : i32
      %add3A_1055 = arith.constant 3 : i32
      %add3A_1056 = arith.addi %mul3A_1054, %add3A_1055 : i32
      %mul3A_1057 = arith.constant 16 : i32
      %mul3A_1058 = arith.muli %add3A_1056, %mul3A_1057 : i32
      %swap3A_1059 = arith.index_cast %mul3A_1058 : i32 to index
      %swap3A_1060 = tpu.vector_load %arg9[%swap3A_1059] {strides = array<i32>} : memref<40960xf32, #tpu.memory_space<vmem>>, vector<16xf32>,
      %swap3A_1061 = vector.shape_cast %swap3A_1060 : vector<16xf32> to vector<16xf32>
      %swap3A_1062 = vector.shape_cast %scan3A_879#13 : vector<16xf32> to vector<16xf32>
      tpu.vector_store %arg9[%swap3A_1059], %swap3A_1062 {strides = array<i32>} : memref<40960xf32, #tpu.memory_space<vmem>>, vector<16xf32>,
      %mul3A_1063 = arith.constant 5 : i32
      %mul3A_1064 = arith.muli %add3A_992, %mul3A_1063 : i32
      %add3A_1065 = arith.constant 3 : i32
      %add3A_1066 = arith.addi %mul3A_1064, %add3A_1065 : i32
      %mul3A_1067 = arith.constant 16 : i32
      %mul3A_1068 = arith.muli %add3A_1066, %mul3A_1067 : i32
      %swap3A_1069 = arith.index_cast %mul3A_1068 : i32 to index
      %swap3A_1070 = tpu.vector_load %arg10[%swap3A_1069] {strides = array<i32>} : memref<40960xf32, #tpu.memory_space<vmem>>, vector<16xf32>,
      %swap3A_1071 = vector.shape_cast %swap3A_1070 : vector<16xf32> to vector<16xf32>
      %swap3A_1072 = vector.shape_cast %scan3A_879#18 : vector<16xf32> to vector<16xf32>
      tpu.vector_store %arg10[%swap3A_1069], %swap3A_1072 {strides = array<i32>} : memref<40960xf32, #tpu.memory_space<vmem>>, vector<16xf32>,
      %mul3A_1073 = arith.constant 5 : i32
      %mul3A_1074 = arith.muli %add3A_992, %mul3A_1073 : i32
      %add3A_1075 = arith.constant 4 : i32
      %add3A_1076 = arith.addi %mul3A_1074, %add3A_1075 : i32
      %mul3A_1077 = arith.constant 16 : i32
      %mul3A_1078 = arith.muli %add3A_1076, %mul3A_1077 : i32
      %swap3A_1079 = arith.index_cast %mul3A_1078 : i32 to index
      %swap3A_1080 = tpu.vector_load %arg9[%swap3A_1079] {strides = array<i32>} : memref<40960xf32, #tpu.memory_space<vmem>>, vector<16xf32>,
      %swap3A_1081 = vector.shape_cast %swap3A_1080 : vector<16xf32> to vector<16xf32>
      %swap3A_1082 = vector.shape_cast %scan3A_879#14 : vector<16xf32> to vector<16xf32>
      tpu.vector_store %arg9[%swap3A_1079], %swap3A_1082 {strides = array<i32>} : memref<40960xf32, #tpu.memory_space<vmem>>, vector<16xf32>,
      %mul3A_1083 = arith.constant 5 : i32
      %mul3A_1084 = arith.muli %add3A_992, %mul3A_1083 : i32
      %add3A_1085 = arith.constant 4 : i32
      %add3A_1086 = arith.addi %mul3A_1084, %add3A_1085 : i32
      %mul3A_1087 = arith.constant 16 : i32
      %mul3A_1088 = arith.muli %add3A_1086, %mul3A_1087 : i32
      %swap3A_1089 = arith.index_cast %mul3A_1088 : i32 to index
      %swap3A_1090 = tpu.vector_load %arg10[%swap3A_1089] {strides = array<i32>} : memref<40960xf32, #tpu.memory_space<vmem>>, vector<16xf32>,
      %swap3A_1091 = vector.shape_cast %swap3A_1090 : vector<16xf32> to vector<16xf32>
      %swap3A_1092 = vector.shape_cast %scan3A_879#19 : vector<16xf32> to vector<16xf32>
      tpu.vector_store %arg10[%swap3A_1089], %swap3A_1092 {strides = array<i32>} : memref<40960xf32, #tpu.memory_space<vmem>>, vector<16xf32>,
      %slice3A_1093 = vector.extract_strided_slice %get3A_49 {offsets = [8], sizes = [1], strides = [1]} : vector<16xf32> to vector<1xf32>
      %squeeze3A_1094 = vector.extract %slice3A_1093[0] : f32 from vector<1xf32>
      %broadcast_in_dim3A_1095 = vector.broadcast %squeeze3A_1094 : f32 to vector<16xf32>
      %slice3A_1096 = vector.extract_strided_slice %get3A_54 {offsets = [8], sizes = [1], strides = [1]} : vector<16xf32> to vector<1xf32>
      %squeeze3A_1097 = vector.extract %slice3A_1096[0] : f32 from vector<1xf32>
      %broadcast_in_dim3A_1098 = vector.broadcast %squeeze3A_1097 : f32 to vector<16xf32>
      %slice3A_1099 = vector.extract_strided_slice %get3A_59 {offsets = [8], sizes = [1], strides = [1]} : vector<16xf32> to vector<1xf32>
      %squeeze3A_1100 = vector.extract %slice3A_1099[0] : f32 from vector<1xf32>
      %broadcast_in_dim3A_1101 = vector.broadcast %squeeze3A_1100 : f32 to vector<16xf32>
      %slice3A_1102 = vector.extract_strided_slice %get3A_62 {offsets = [8], sizes = [1], strides = [1]} : vector<16xf32> to vector<1xf32>
      %squeeze3A_1103 = vector.extract %slice3A_1102[0] : f32 from vector<1xf32>
      %broadcast_in_dim3A_1104 = vector.broadcast %squeeze3A_1103 : f32 to vector<16xf32>
      %slice3A_1105 = vector.extract_strided_slice %get3A_67 {offsets = [8], sizes = [1], strides = [1]} : vector<16xf32> to vector<1xf32>
      %squeeze3A_1106 = vector.extract %slice3A_1105[0] : f32 from vector<1xf32>
      %broadcast_in_dim3A_1107 = vector.broadcast %squeeze3A_1106 : f32 to vector<16xf32>
      %slice3A_1108 = vector.extract_strided_slice %get3A_72 {offsets = [8], sizes = [1], strides = [1]} : vector<16xf32> to vector<1xf32>
      %squeeze3A_1109 = vector.extract %slice3A_1108[0] : f32 from vector<1xf32>
      %broadcast_in_dim3A_1110 = vector.broadcast %squeeze3A_1109 : f32 to vector<16xf32>
      %slice3A_1111 = vector.extract_strided_slice %get3A_49 {offsets = [9], sizes = [1], strides = [1]} : vector<16xf32> to vector<1xf32>
      %squeeze3A_1112 = vector.extract %slice3A_1111[0] : f32 from vector<1xf32>
      %broadcast_in_dim3A_1113 = vector.broadcast %squeeze3A_1112 : f32 to vector<16xf32>
      %slice3A_1114 = vector.extract_strided_slice %get3A_54 {offsets = [9], sizes = [1], strides = [1]} : vector<16xf32> to vector<1xf32>
      %squeeze3A_1115 = vector.extract %slice3A_1114[0] : f32 from vector<1xf32>
      %broadcast_in_dim3A_1116 = vector.broadcast %squeeze3A_1115 : f32 to vector<16xf32>
      %slice3A_1117 = vector.extract_strided_slice %get3A_59 {offsets = [9], sizes = [1], strides = [1]} : vector<16xf32> to vector<1xf32>
      %squeeze3A_1118 = vector.extract %slice3A_1117[0] : f32 from vector<1xf32>
      %broadcast_in_dim3A_1119 = vector.broadcast %squeeze3A_1118 : f32 to vector<16xf32>
      %slice3A_1120 = vector.extract_strided_slice %get3A_62 {offsets = [9], sizes = [1], strides = [1]} : vector<16xf32> to vector<1xf32>
      %squeeze3A_1121 = vector.extract %slice3A_1120[0] : f32 from vector<1xf32>
      %broadcast_in_dim3A_1122 = vector.broadcast %squeeze3A_1121 : f32 to vector<16xf32>
      %slice3A_1123 = vector.extract_strided_slice %get3A_67 {offsets = [9], sizes = [1], strides = [1]} : vector<16xf32> to vector<1xf32>
      %squeeze3A_1124 = vector.extract %slice3A_1123[0] : f32 from vector<1xf32>
      %broadcast_in_dim3A_1125 = vector.broadcast %squeeze3A_1124 : f32 to vector<16xf32>
      %slice3A_1126 = vector.extract_strided_slice %get3A_72 {offsets = [9], sizes = [1], strides = [1]} : vector<16xf32> to vector<1xf32>
      %squeeze3A_1127 = vector.extract %slice3A_1126[0] : f32 from vector<1xf32>
      %broadcast_in_dim3A_1128 = vector.broadcast %squeeze3A_1127 : f32 to vector<16xf32>
      %broadcast_in_dim3A_1129 = arith.constant 3.000000e+38 : f32
      %broadcast_in_dim3A_1130 = vector.broadcast %broadcast_in_dim3A_1129 : f32 to vector<16xf32>
      %scan3A_1131 = arith.constant 0 : i32
      %scan3A_1132 = arith.constant 128 : i32
      %scan3A_1133 = arith.addi %scan3A_1131, %scan3A_1132 : i32
      %scan3A_1134 = arith.constant 2 : i32
      %scan3A_1135:20 = scf.for %scan3A_2117 = %scan3A_1131 to %scan3A_1133 step %scan3A_1134 iter_args(%scan3A_2118 = %broadcast_in_dim3A_1130, %scan3A_2119 = %broadcast_in_dim3A_1130, %scan3A_2120 = %broadcast_in_dim3A_1130, %scan3A_2121 = %broadcast_in_dim3A_1130, %scan3A_2122 = %broadcast_in_dim3A_1130, %scan3A_2123 = %broadcast_in_dim3A_1130, %scan3A_2124 = %broadcast_in_dim3A_1130, %scan3A_2125 = %broadcast_in_dim3A_1130, %scan3A_2126 = %broadcast_in_dim3A_1130, %scan3A_2127 = %broadcast_in_dim3A_1130, %scan3A_2128 = %broadcast_in_dim3A_1130, %scan3A_2129 = %broadcast_in_dim3A_1130, %scan3A_2130 = %broadcast_in_dim3A_1130, %scan3A_2131 = %broadcast_in_dim3A_1130, %scan3A_2132 = %broadcast_in_dim3A_1130, %scan3A_2133 = %broadcast_in_dim3A_1130, %scan3A_2134 = %broadcast_in_dim3A_1130, %scan3A_2135 = %broadcast_in_dim3A_1130, %scan3A_2136 = %broadcast_in_dim3A_1130, %scan3A_2137 = %broadcast_in_dim3A_1130) -> (vector<16xf32>, vector<16xf32>, vector<16xf32>, vector<16xf32>, vector<16xf32>, vector<16xf32>, vector<16xf32>, vector<16xf32>, vector<16xf32>, vector<16xf32>, vector<16xf32>, vector<16xf32>, vector<16xf32>, vector<16xf32>, vector<16xf32>, vector<16xf32>, vector<16xf32>, vector<16xf32>, vector<16xf32>, vector<16xf32>)  : i32 {
        %mul3A_2138 = arith.constant 16 : i32
        %mul3A_2139 = arith.muli %scan3A_2117, %mul3A_2138 : i32
        %mul3A_2140 = arith.constant 16 : i32
        %mul3A_2141 = arith.muli %scan3A_2117, %mul3A_2140 : i32
        %add3A_2142 = arith.constant 2048 : i32
        %add3A_2143 = arith.addi %add3A_2142, %mul3A_2141 : i32
        %mul3A_2144 = arith.constant 16 : i32
        %mul3A_2145 = arith.muli %scan3A_2117, %mul3A_2144 : i32
        %add3A_2146 = arith.constant 4096 : i32
        %add3A_2147 = arith.addi %add3A_2146, %mul3A_2145 : i32
        %get3A_2148 = arith.index_cast %mul3A_2139 : i32 to index
        %get3A_2149 = tpu.vector_load %arg6[%get3A_2148] {strides = array<i32>} : memref<6144xf32, #tpu.memory_space<vmem>>, vector<16xf32>,
        %get3A_2150 = vector.shape_cast %get3A_2149 : vector<16xf32> to vector<16xf32>
        %get3A_2151 = arith.index_cast %add3A_2143 : i32 to index
        %get3A_2152 = tpu.vector_load %arg6[%get3A_2151] {strides = array<i32>} : memref<6144xf32, #tpu.memory_space<vmem>>, vector<16xf32>,
        %get3A_2153 = vector.shape_cast %get3A_2152 : vector<16xf32> to vector<16xf32>
        %get3A_2154 = arith.index_cast %add3A_2147 : i32 to index
        %get3A_2155 = tpu.vector_load %arg6[%get3A_2154] {strides = array<i32>} : memref<6144xf32, #tpu.memory_space<vmem>>, vector<16xf32>,
        %get3A_2156 = vector.shape_cast %get3A_2155 : vector<16xf32> to vector<16xf32>
        %get3A_2157 = arith.index_cast %mul3A_2139 : i32 to index
        %get3A_2158 = tpu.vector_load %arg7[%get3A_2157] {strides = array<i32>} : memref<6144xf32, #tpu.memory_space<vmem>>, vector<16xf32>,
        %get3A_2159 = vector.shape_cast %get3A_2158 : vector<16xf32> to vector<16xf32>
        %get3A_2160 = arith.index_cast %add3A_2143 : i32 to index
        %get3A_2161 = tpu.vector_load %arg7[%get3A_2160] {strides = array<i32>} : memref<6144xf32, #tpu.memory_space<vmem>>, vector<16xf32>,
        %get3A_2162 = vector.shape_cast %get3A_2161 : vector<16xf32> to vector<16xf32>
        %get3A_2163 = arith.index_cast %add3A_2147 : i32 to index
        %get3A_2164 = tpu.vector_load %arg7[%get3A_2163] {strides = array<i32>} : memref<6144xf32, #tpu.memory_space<vmem>>, vector<16xf32>,
        %get3A_2165 = vector.shape_cast %get3A_2164 : vector<16xf32> to vector<16xf32>
        %get3A_2166 = arith.index_cast %mul3A_2139 : i32 to index
        %get3A_2167 = tpu.vector_load %arg8[%get3A_2166] {strides = array<i32>} : memref<2048xf32, #tpu.memory_space<vmem>>, vector<16xf32>,
        %get3A_2168 = vector.shape_cast %get3A_2167 : vector<16xf32> to vector<16xf32>
        %mul3A_2169 = arith.mulf %broadcast_in_dim3A_1104, %get3A_2159 : vector<16xf32>
        %mul3A_2170 = arith.mulf %broadcast_in_dim3A_1107, %get3A_2162 : vector<16xf32>
        %add3A_2171 = arith.addf %mul3A_2169, %mul3A_2170 : vector<16xf32>
        %mul3A_2172 = arith.mulf %broadcast_in_dim3A_1110, %get3A_2165 : vector<16xf32>
        %add3A_2173 = arith.addf %add3A_2171, %mul3A_2172 : vector<16xf32>
        %mul3A_2174 = arith.constant 2.000000e+00 : f32
        %mul3A_2175 = vector.broadcast %mul3A_2174 : f32 to vector<16xf32>
        %mul3A_2176 = arith.mulf %mul3A_2175, %add3A_2173 : vector<16xf32>
        %sub3A_2177 = arith.subf %get3A_2168, %mul3A_2176 : vector<16xf32>
        %sub3A_2178 = arith.subf %broadcast_in_dim3A_1095, %get3A_2150 : vector<16xf32>
        %sub3A_2179 = arith.subf %broadcast_in_dim3A_1098, %get3A_2153 : vector<16xf32>
        %sub3A_2180 = arith.subf %broadcast_in_dim3A_1101, %get3A_2156 : vector<16xf32>
        %mul3A_2181 = arith.mulf %sub3A_2178, %sub3A_2178 : vector<16xf32>
        %mul3A_2182 = arith.mulf %sub3A_2179, %sub3A_2179 : vector<16xf32>
        %add3A_2183 = arith.addf %mul3A_2181, %mul3A_2182 : vector<16xf32>
        %mul3A_2184 = arith.mulf %sub3A_2180, %sub3A_2180 : vector<16xf32>
        %add3A_2185 = arith.addf %add3A_2183, %mul3A_2184 : vector<16xf32>
        %lt3A_2186 = arith.cmpf olt, %sub3A_2177, %scan3A_2118 : vector<16xf32>
        %min3A = arith.minimumf %scan3A_2118, %sub3A_2177 : vector<16xf32>
        %max3A = arith.maximumf %scan3A_2118, %sub3A_2177 : vector<16xf32>
        %select_n3A_2187 = arith.select %lt3A_2186, %add3A_2185, %scan3A_2123 : vector<16xi1>, vector<16xf32>
        %select_n3A_2188 = arith.select %lt3A_2186, %scan3A_2123, %add3A_2185 : vector<16xi1>, vector<16xf32>
        %lt3A_2189 = arith.cmpf olt, %max3A, %scan3A_2119 : vector<16xf32>
        %min3A_2190 = arith.minimumf %scan3A_2119, %max3A : vector<16xf32>
        %max3A_2191 = arith.maximumf %scan3A_2119, %max3A : vector<16xf32>
        %select_n3A_2192 = arith.select %lt3A_2189, %select_n3A_2188, %scan3A_2124 : vector<16xi1>, vector<16xf32>
        %select_n3A_2193 = arith.select %lt3A_2189, %scan3A_2124, %select_n3A_2188 : vector<16xi1>, vector<16xf32>
        %lt3A_2194 = arith.cmpf olt, %max3A_2191, %scan3A_2120 : vector<16xf32>
        %min3A_2195 = arith.minimumf %scan3A_2120, %max3A_2191 : vector<16xf32>
        %max3A_2196 = arith.maximumf %scan3A_2120, %max3A_2191 : vector<16xf32>
        %select_n3A_2197 = arith.select %lt3A_2194, %select_n3A_2193, %scan3A_2125 : vector<16xi1>, vector<16xf32>
        %select_n3A_2198 = arith.select %lt3A_2194, %scan3A_2125, %select_n3A_2193 : vector<16xi1>, vector<16xf32>
        %lt3A_2199 = arith.cmpf olt, %max3A_2196, %scan3A_2121 : vector<16xf32>
        %min3A_2200 = arith.minimumf %scan3A_2121, %max3A_2196 : vector<16xf32>
        %max3A_2201 = arith.maximumf %scan3A_2121, %max3A_2196 : vector<16xf32>
        %select_n3A_2202 = arith.select %lt3A_2199, %select_n3A_2198, %scan3A_2126 : vector<16xi1>, vector<16xf32>
        %select_n3A_2203 = arith.select %lt3A_2199, %scan3A_2126, %select_n3A_2198 : vector<16xi1>, vector<16xf32>
        %lt3A_2204 = arith.cmpf olt, %max3A_2201, %scan3A_2122 : vector<16xf32>
        %min3A_2205 = arith.minimumf %scan3A_2122, %max3A_2201 : vector<16xf32>
        %select_n3A_2206 = arith.select %lt3A_2204, %select_n3A_2203, %scan3A_2127 : vector<16xi1>, vector<16xf32>
        %mul3A_2207 = arith.mulf %broadcast_in_dim3A_1122, %get3A_2159 : vector<16xf32>
        %mul3A_2208 = arith.mulf %broadcast_in_dim3A_1125, %get3A_2162 : vector<16xf32>
        %add3A_2209 = arith.addf %mul3A_2207, %mul3A_2208 : vector<16xf32>
        %mul3A_2210 = arith.mulf %broadcast_in_dim3A_1128, %get3A_2165 : vector<16xf32>
        %add3A_2211 = arith.addf %add3A_2209, %mul3A_2210 : vector<16xf32>
        %mul3A_2212 = arith.constant 2.000000e+00 : f32
        %mul3A_2213 = vector.broadcast %mul3A_2212 : f32 to vector<16xf32>
        %mul3A_2214 = arith.mulf %mul3A_2213, %add3A_2211 : vector<16xf32>
        %sub3A_2215 = arith.subf %get3A_2168, %mul3A_2214 : vector<16xf32>
        %sub3A_2216 = arith.subf %broadcast_in_dim3A_1113, %get3A_2150 : vector<16xf32>
        %sub3A_2217 = arith.subf %broadcast_in_dim3A_1116, %get3A_2153 : vector<16xf32>
        %sub3A_2218 = arith.subf %broadcast_in_dim3A_1119, %get3A_2156 : vector<16xf32>
        %mul3A_2219 = arith.mulf %sub3A_2216, %sub3A_2216 : vector<16xf32>
        %mul3A_2220 = arith.mulf %sub3A_2217, %sub3A_2217 : vector<16xf32>
        %add3A_2221 = arith.addf %mul3A_2219, %mul3A_2220 : vector<16xf32>
        %mul3A_2222 = arith.mulf %sub3A_2218, %sub3A_2218 : vector<16xf32>
        %add3A_2223 = arith.addf %add3A_2221, %mul3A_2222 : vector<16xf32>
        %lt3A_2224 = arith.cmpf olt, %sub3A_2215, %scan3A_2128 : vector<16xf32>
        %min3A_2225 = arith.minimumf %scan3A_2128, %sub3A_2215 : vector<16xf32>
        %max3A_2226 = arith.maximumf %scan3A_2128, %sub3A_2215 : vector<16xf32>
        %select_n3A_2227 = arith.select %lt3A_2224, %add3A_2223, %scan3A_2133 : vector<16xi1>, vector<16xf32>
        %select_n3A_2228 = arith.select %lt3A_2224, %scan3A_2133, %add3A_2223 : vector<16xi1>, vector<16xf32>
        %lt3A_2229 = arith.cmpf olt, %max3A_2226, %scan3A_2129 : vector<16xf32>
        %min3A_2230 = arith.minimumf %scan3A_2129, %max3A_2226 : vector<16xf32>
        %max3A_2231 = arith.maximumf %scan3A_2129, %max3A_2226 : vector<16xf32>
        %select_n3A_2232 = arith.select %lt3A_2229, %select_n3A_2228, %scan3A_2134 : vector<16xi1>, vector<16xf32>
        %select_n3A_2233 = arith.select %lt3A_2229, %scan3A_2134, %select_n3A_2228 : vector<16xi1>, vector<16xf32>
        %lt3A_2234 = arith.cmpf olt, %max3A_2231, %scan3A_2130 : vector<16xf32>
        %min3A_2235 = arith.minimumf %scan3A_2130, %max3A_2231 : vector<16xf32>
        %max3A_2236 = arith.maximumf %scan3A_2130, %max3A_2231 : vector<16xf32>
        %select_n3A_2237 = arith.select %lt3A_2234, %select_n3A_2233, %scan3A_2135 : vector<16xi1>, vector<16xf32>
        %select_n3A_2238 = arith.select %lt3A_2234, %scan3A_2135, %select_n3A_2233 : vector<16xi1>, vector<16xf32>
        %lt3A_2239 = arith.cmpf olt, %max3A_2236, %scan3A_2131 : vector<16xf32>
        %min3A_2240 = arith.minimumf %scan3A_2131, %max3A_2236 : vector<16xf32>
        %max3A_2241 = arith.maximumf %scan3A_2131, %max3A_2236 : vector<16xf32>
        %select_n3A_2242 = arith.select %lt3A_2239, %select_n3A_2238, %scan3A_2136 : vector<16xi1>, vector<16xf32>
        %select_n3A_2243 = arith.select %lt3A_2239, %scan3A_2136, %select_n3A_2238 : vector<16xi1>, vector<16xf32>
        %lt3A_2244 = arith.cmpf olt, %max3A_2241, %scan3A_2132 : vector<16xf32>
        %min3A_2245 = arith.minimumf %scan3A_2132, %max3A_2241 : vector<16xf32>
        %select_n3A_2246 = arith.select %lt3A_2244, %select_n3A_2243, %scan3A_2137 : vector<16xi1>, vector<16xf32>
        %scan3A_2247 = arith.constant 1 : i32
        %scan3A_2248 = arith.addi %scan3A_2117, %scan3A_2247 : i32
        %mul3A_2249 = arith.constant 16 : i32
        %mul3A_2250 = arith.muli %scan3A_2248, %mul3A_2249 : i32
        %mul3A_2251 = arith.constant 16 : i32
        %mul3A_2252 = arith.muli %scan3A_2248, %mul3A_2251 : i32
        %add3A_2253 = arith.constant 2048 : i32
        %add3A_2254 = arith.addi %add3A_2253, %mul3A_2252 : i32
        %mul3A_2255 = arith.constant 16 : i32
        %mul3A_2256 = arith.muli %scan3A_2248, %mul3A_2255 : i32
        %add3A_2257 = arith.constant 4096 : i32
        %add3A_2258 = arith.addi %add3A_2257, %mul3A_2256 : i32
        %get3A_2259 = arith.index_cast %mul3A_2250 : i32 to index
        %get3A_2260 = tpu.vector_load %arg6[%get3A_2259] {strides = array<i32>} : memref<6144xf32, #tpu.memory_space<vmem>>, vector<16xf32>,
        %get3A_2261 = vector.shape_cast %get3A_2260 : vector<16xf32> to vector<16xf32>
        %get3A_2262 = arith.index_cast %add3A_2254 : i32 to index
        %get3A_2263 = tpu.vector_load %arg6[%get3A_2262] {strides = array<i32>} : memref<6144xf32, #tpu.memory_space<vmem>>, vector<16xf32>,
        %get3A_2264 = vector.shape_cast %get3A_2263 : vector<16xf32> to vector<16xf32>
        %get3A_2265 = arith.index_cast %add3A_2258 : i32 to index
        %get3A_2266 = tpu.vector_load %arg6[%get3A_2265] {strides = array<i32>} : memref<6144xf32, #tpu.memory_space<vmem>>, vector<16xf32>,
        %get3A_2267 = vector.shape_cast %get3A_2266 : vector<16xf32> to vector<16xf32>
        %get3A_2268 = arith.index_cast %mul3A_2250 : i32 to index
        %get3A_2269 = tpu.vector_load %arg7[%get3A_2268] {strides = array<i32>} : memref<6144xf32, #tpu.memory_space<vmem>>, vector<16xf32>,
        %get3A_2270 = vector.shape_cast %get3A_2269 : vector<16xf32> to vector<16xf32>
        %get3A_2271 = arith.index_cast %add3A_2254 : i32 to index
        %get3A_2272 = tpu.vector_load %arg7[%get3A_2271] {strides = array<i32>} : memref<6144xf32, #tpu.memory_space<vmem>>, vector<16xf32>,
        %get3A_2273 = vector.shape_cast %get3A_2272 : vector<16xf32> to vector<16xf32>
        %get3A_2274 = arith.index_cast %add3A_2258 : i32 to index
        %get3A_2275 = tpu.vector_load %arg7[%get3A_2274] {strides = array<i32>} : memref<6144xf32, #tpu.memory_space<vmem>>, vector<16xf32>,
        %get3A_2276 = vector.shape_cast %get3A_2275 : vector<16xf32> to vector<16xf32>
        %get3A_2277 = arith.index_cast %mul3A_2250 : i32 to index
        %get3A_2278 = tpu.vector_load %arg8[%get3A_2277] {strides = array<i32>} : memref<2048xf32, #tpu.memory_space<vmem>>, vector<16xf32>,
        %get3A_2279 = vector.shape_cast %get3A_2278 : vector<16xf32> to vector<16xf32>
        %mul3A_2280 = arith.mulf %broadcast_in_dim3A_1104, %get3A_2270 : vector<16xf32>
        %mul3A_2281 = arith.mulf %broadcast_in_dim3A_1107, %get3A_2273 : vector<16xf32>
        %add3A_2282 = arith.addf %mul3A_2280, %mul3A_2281 : vector<16xf32>
        %mul3A_2283 = arith.mulf %broadcast_in_dim3A_1110, %get3A_2276 : vector<16xf32>
        %add3A_2284 = arith.addf %add3A_2282, %mul3A_2283 : vector<16xf32>
        %mul3A_2285 = arith.constant 2.000000e+00 : f32
        %mul3A_2286 = vector.broadcast %mul3A_2285 : f32 to vector<16xf32>
        %mul3A_2287 = arith.mulf %mul3A_2286, %add3A_2284 : vector<16xf32>
        %sub3A_2288 = arith.subf %get3A_2279, %mul3A_2287 : vector<16xf32>
        %sub3A_2289 = arith.subf %broadcast_in_dim3A_1095, %get3A_2261 : vector<16xf32>
        %sub3A_2290 = arith.subf %broadcast_in_dim3A_1098, %get3A_2264 : vector<16xf32>
        %sub3A_2291 = arith.subf %broadcast_in_dim3A_1101, %get3A_2267 : vector<16xf32>
        %mul3A_2292 = arith.mulf %sub3A_2289, %sub3A_2289 : vector<16xf32>
        %mul3A_2293 = arith.mulf %sub3A_2290, %sub3A_2290 : vector<16xf32>
        %add3A_2294 = arith.addf %mul3A_2292, %mul3A_2293 : vector<16xf32>
        %mul3A_2295 = arith.mulf %sub3A_2291, %sub3A_2291 : vector<16xf32>
        %add3A_2296 = arith.addf %add3A_2294, %mul3A_2295 : vector<16xf32>
        %lt3A_2297 = arith.cmpf olt, %sub3A_2288, %min3A : vector<16xf32>
        %min3A_2298 = arith.minimumf %min3A, %sub3A_2288 : vector<16xf32>
        %max3A_2299 = arith.maximumf %min3A, %sub3A_2288 : vector<16xf32>
        %select_n3A_2300 = arith.select %lt3A_2297, %add3A_2296, %select_n3A_2187 : vector<16xi1>, vector<16xf32>
        %select_n3A_2301 = arith.select %lt3A_2297, %select_n3A_2187, %add3A_2296 : vector<16xi1>, vector<16xf32>
        %lt3A_2302 = arith.cmpf olt, %max3A_2299, %min3A_2190 : vector<16xf32>
        %min3A_2303 = arith.minimumf %min3A_2190, %max3A_2299 : vector<16xf32>
        %max3A_2304 = arith.maximumf %min3A_2190, %max3A_2299 : vector<16xf32>
        %select_n3A_2305 = arith.select %lt3A_2302, %select_n3A_2301, %select_n3A_2192 : vector<16xi1>, vector<16xf32>
        %select_n3A_2306 = arith.select %lt3A_2302, %select_n3A_2192, %select_n3A_2301 : vector<16xi1>, vector<16xf32>
        %lt3A_2307 = arith.cmpf olt, %max3A_2304, %min3A_2195 : vector<16xf32>
        %min3A_2308 = arith.minimumf %min3A_2195, %max3A_2304 : vector<16xf32>
        %max3A_2309 = arith.maximumf %min3A_2195, %max3A_2304 : vector<16xf32>
        %select_n3A_2310 = arith.select %lt3A_2307, %select_n3A_2306, %select_n3A_2197 : vector<16xi1>, vector<16xf32>
        %select_n3A_2311 = arith.select %lt3A_2307, %select_n3A_2197, %select_n3A_2306 : vector<16xi1>, vector<16xf32>
        %lt3A_2312 = arith.cmpf olt, %max3A_2309, %min3A_2200 : vector<16xf32>
        %min3A_2313 = arith.minimumf %min3A_2200, %max3A_2309 : vector<16xf32>
        %max3A_2314 = arith.maximumf %min3A_2200, %max3A_2309 : vector<16xf32>
        %select_n3A_2315 = arith.select %lt3A_2312, %select_n3A_2311, %select_n3A_2202 : vector<16xi1>, vector<16xf32>
        %select_n3A_2316 = arith.select %lt3A_2312, %select_n3A_2202, %select_n3A_2311 : vector<16xi1>, vector<16xf32>
        %lt3A_2317 = arith.cmpf olt, %max3A_2314, %min3A_2205 : vector<16xf32>
        %min3A_2318 = arith.minimumf %min3A_2205, %max3A_2314 : vector<16xf32>
        %select_n3A_2319 = arith.select %lt3A_2317, %select_n3A_2316, %select_n3A_2206 : vector<16xi1>, vector<16xf32>
        %mul3A_2320 = arith.mulf %broadcast_in_dim3A_1122, %get3A_2270 : vector<16xf32>
        %mul3A_2321 = arith.mulf %broadcast_in_dim3A_1125, %get3A_2273 : vector<16xf32>
        %add3A_2322 = arith.addf %mul3A_2320, %mul3A_2321 : vector<16xf32>
        %mul3A_2323 = arith.mulf %broadcast_in_dim3A_1128, %get3A_2276 : vector<16xf32>
        %add3A_2324 = arith.addf %add3A_2322, %mul3A_2323 : vector<16xf32>
        %mul3A_2325 = arith.constant 2.000000e+00 : f32
        %mul3A_2326 = vector.broadcast %mul3A_2325 : f32 to vector<16xf32>
        %mul3A_2327 = arith.mulf %mul3A_2326, %add3A_2324 : vector<16xf32>
        %sub3A_2328 = arith.subf %get3A_2279, %mul3A_2327 : vector<16xf32>
        %sub3A_2329 = arith.subf %broadcast_in_dim3A_1113, %get3A_2261 : vector<16xf32>
        %sub3A_2330 = arith.subf %broadcast_in_dim3A_1116, %get3A_2264 : vector<16xf32>
        %sub3A_2331 = arith.subf %broadcast_in_dim3A_1119, %get3A_2267 : vector<16xf32>
        %mul3A_2332 = arith.mulf %sub3A_2329, %sub3A_2329 : vector<16xf32>
        %mul3A_2333 = arith.mulf %sub3A_2330, %sub3A_2330 : vector<16xf32>
        %add3A_2334 = arith.addf %mul3A_2332, %mul3A_2333 : vector<16xf32>
        %mul3A_2335 = arith.mulf %sub3A_2331, %sub3A_2331 : vector<16xf32>
        %add3A_2336 = arith.addf %add3A_2334, %mul3A_2335 : vector<16xf32>
        %lt3A_2337 = arith.cmpf olt, %sub3A_2328, %min3A_2225 : vector<16xf32>
        %min3A_2338 = arith.minimumf %min3A_2225, %sub3A_2328 : vector<16xf32>
        %max3A_2339 = arith.maximumf %min3A_2225, %sub3A_2328 : vector<16xf32>
        %select_n3A_2340 = arith.select %lt3A_2337, %add3A_2336, %select_n3A_2227 : vector<16xi1>, vector<16xf32>
        %select_n3A_2341 = arith.select %lt3A_2337, %select_n3A_2227, %add3A_2336 : vector<16xi1>, vector<16xf32>
        %lt3A_2342 = arith.cmpf olt, %max3A_2339, %min3A_2230 : vector<16xf32>
        %min3A_2343 = arith.minimumf %min3A_2230, %max3A_2339 : vector<16xf32>
        %max3A_2344 = arith.maximumf %min3A_2230, %max3A_2339 : vector<16xf32>
        %select_n3A_2345 = arith.select %lt3A_2342, %select_n3A_2341, %select_n3A_2232 : vector<16xi1>, vector<16xf32>
        %select_n3A_2346 = arith.select %lt3A_2342, %select_n3A_2232, %select_n3A_2341 : vector<16xi1>, vector<16xf32>
        %lt3A_2347 = arith.cmpf olt, %max3A_2344, %min3A_2235 : vector<16xf32>
        %min3A_2348 = arith.minimumf %min3A_2235, %max3A_2344 : vector<16xf32>
        %max3A_2349 = arith.maximumf %min3A_2235, %max3A_2344 : vector<16xf32>
        %select_n3A_2350 = arith.select %lt3A_2347, %select_n3A_2346, %select_n3A_2237 : vector<16xi1>, vector<16xf32>
        %select_n3A_2351 = arith.select %lt3A_2347, %select_n3A_2237, %select_n3A_2346 : vector<16xi1>, vector<16xf32>
        %lt3A_2352 = arith.cmpf olt, %max3A_2349, %min3A_2240 : vector<16xf32>
        %min3A_2353 = arith.minimumf %min3A_2240, %max3A_2349 : vector<16xf32>
        %max3A_2354 = arith.maximumf %min3A_2240, %max3A_2349 : vector<16xf32>
        %select_n3A_2355 = arith.select %lt3A_2352, %select_n3A_2351, %select_n3A_2242 : vector<16xi1>, vector<16xf32>
        %select_n3A_2356 = arith.select %lt3A_2352, %select_n3A_2242, %select_n3A_2351 : vector<16xi1>, vector<16xf32>
        %lt3A_2357 = arith.cmpf olt, %max3A_2354, %min3A_2245 : vector<16xf32>
        %min3A_2358 = arith.minimumf %min3A_2245, %max3A_2354 : vector<16xf32>
        %select_n3A_2359 = arith.select %lt3A_2357, %select_n3A_2356, %select_n3A_2246 : vector<16xi1>, vector<16xf32>
        scf.yield %min3A_2298, %min3A_2303, %min3A_2308, %min3A_2313, %min3A_2318, %select_n3A_2300, %select_n3A_2305, %select_n3A_2310, %select_n3A_2315, %select_n3A_2319, %min3A_2338, %min3A_2343, %min3A_2348, %min3A_2353, %min3A_2358, %select_n3A_2340, %select_n3A_2345, %select_n3A_2350, %select_n3A_2355, %select_n3A_2359 : vector<16xf32>, vector<16xf32>, vector<16xf32>, vector<16xf32>, vector<16xf32>, vector<16xf32>, vector<16xf32>, vector<16xf32>, vector<16xf32>, vector<16xf32>, vector<16xf32>, vector<16xf32>, vector<16xf32>, vector<16xf32>, vector<16xf32>, vector<16xf32>, vector<16xf32>, vector<16xf32>, vector<16xf32>, vector<16xf32>
      }
      %scan3A_1136 = arith.constant 128 : i32
      %mul3A_1137 = arith.constant 16 : i32
      %mul3A_1138 = arith.muli %scan3A_44, %mul3A_1137 : i32
      %add3A_1139 = arith.constant 8 : i32
      %add3A_1140 = arith.addi %mul3A_1138, %add3A_1139 : i32
      %add3A_1141 = arith.constant 0 : i32
      %add3A_1142 = arith.addi %add3A_1140, %add3A_1141 : i32
      %mul3A_1143 = arith.constant 5 : i32
      %mul3A_1144 = arith.muli %add3A_1142, %mul3A_1143 : i32
      %add3A_1145 = arith.constant 0 : i32
      %add3A_1146 = arith.addi %mul3A_1144, %add3A_1145 : i32
      %mul3A_1147 = arith.constant 16 : i32
      %mul3A_1148 = arith.muli %add3A_1146, %mul3A_1147 : i32
      %swap3A_1149 = arith.index_cast %mul3A_1148 : i32 to index
      %swap3A_1150 = tpu.vector_load %arg9[%swap3A_1149] {strides = array<i32>} : memref<40960xf32, #tpu.memory_space<vmem>>, vector<16xf32>,
      %swap3A_1151 = vector.shape_cast %swap3A_1150 : vector<16xf32> to vector<16xf32>
      %swap3A_1152 = vector.shape_cast %scan3A_1135#0 : vector<16xf32> to vector<16xf32>
      tpu.vector_store %arg9[%swap3A_1149], %swap3A_1152 {strides = array<i32>} : memref<40960xf32, #tpu.memory_space<vmem>>, vector<16xf32>,
      %mul3A_1153 = arith.constant 5 : i32
      %mul3A_1154 = arith.muli %add3A_1142, %mul3A_1153 : i32
      %add3A_1155 = arith.constant 0 : i32
      %add3A_1156 = arith.addi %mul3A_1154, %add3A_1155 : i32
      %mul3A_1157 = arith.constant 16 : i32
      %mul3A_1158 = arith.muli %add3A_1156, %mul3A_1157 : i32
      %swap3A_1159 = arith.index_cast %mul3A_1158 : i32 to index
      %swap3A_1160 = tpu.vector_load %arg10[%swap3A_1159] {strides = array<i32>} : memref<40960xf32, #tpu.memory_space<vmem>>, vector<16xf32>,
      %swap3A_1161 = vector.shape_cast %swap3A_1160 : vector<16xf32> to vector<16xf32>
      %swap3A_1162 = vector.shape_cast %scan3A_1135#5 : vector<16xf32> to vector<16xf32>
      tpu.vector_store %arg10[%swap3A_1159], %swap3A_1162 {strides = array<i32>} : memref<40960xf32, #tpu.memory_space<vmem>>, vector<16xf32>,
      %mul3A_1163 = arith.constant 5 : i32
      %mul3A_1164 = arith.muli %add3A_1142, %mul3A_1163 : i32
      %add3A_1165 = arith.constant 1 : i32
      %add3A_1166 = arith.addi %mul3A_1164, %add3A_1165 : i32
      %mul3A_1167 = arith.constant 16 : i32
      %mul3A_1168 = arith.muli %add3A_1166, %mul3A_1167 : i32
      %swap3A_1169 = arith.index_cast %mul3A_1168 : i32 to index
      %swap3A_1170 = tpu.vector_load %arg9[%swap3A_1169] {strides = array<i32>} : memref<40960xf32, #tpu.memory_space<vmem>>, vector<16xf32>,
      %swap3A_1171 = vector.shape_cast %swap3A_1170 : vector<16xf32> to vector<16xf32>
      %swap3A_1172 = vector.shape_cast %scan3A_1135#1 : vector<16xf32> to vector<16xf32>
      tpu.vector_store %arg9[%swap3A_1169], %swap3A_1172 {strides = array<i32>} : memref<40960xf32, #tpu.memory_space<vmem>>, vector<16xf32>,
      %mul3A_1173 = arith.constant 5 : i32
      %mul3A_1174 = arith.muli %add3A_1142, %mul3A_1173 : i32
      %add3A_1175 = arith.constant 1 : i32
      %add3A_1176 = arith.addi %mul3A_1174, %add3A_1175 : i32
      %mul3A_1177 = arith.constant 16 : i32
      %mul3A_1178 = arith.muli %add3A_1176, %mul3A_1177 : i32
      %swap3A_1179 = arith.index_cast %mul3A_1178 : i32 to index
      %swap3A_1180 = tpu.vector_load %arg10[%swap3A_1179] {strides = array<i32>} : memref<40960xf32, #tpu.memory_space<vmem>>, vector<16xf32>,
      %swap3A_1181 = vector.shape_cast %swap3A_1180 : vector<16xf32> to vector<16xf32>
      %swap3A_1182 = vector.shape_cast %scan3A_1135#6 : vector<16xf32> to vector<16xf32>
      tpu.vector_store %arg10[%swap3A_1179], %swap3A_1182 {strides = array<i32>} : memref<40960xf32, #tpu.memory_space<vmem>>, vector<16xf32>,
      %mul3A_1183 = arith.constant 5 : i32
      %mul3A_1184 = arith.muli %add3A_1142, %mul3A_1183 : i32
      %add3A_1185 = arith.constant 2 : i32
      %add3A_1186 = arith.addi %mul3A_1184, %add3A_1185 : i32
      %mul3A_1187 = arith.constant 16 : i32
      %mul3A_1188 = arith.muli %add3A_1186, %mul3A_1187 : i32
      %swap3A_1189 = arith.index_cast %mul3A_1188 : i32 to index
      %swap3A_1190 = tpu.vector_load %arg9[%swap3A_1189] {strides = array<i32>} : memref<40960xf32, #tpu.memory_space<vmem>>, vector<16xf32>,
      %swap3A_1191 = vector.shape_cast %swap3A_1190 : vector<16xf32> to vector<16xf32>
      %swap3A_1192 = vector.shape_cast %scan3A_1135#2 : vector<16xf32> to vector<16xf32>
      tpu.vector_store %arg9[%swap3A_1189], %swap3A_1192 {strides = array<i32>} : memref<40960xf32, #tpu.memory_space<vmem>>, vector<16xf32>,
      %mul3A_1193 = arith.constant 5 : i32
      %mul3A_1194 = arith.muli %add3A_1142, %mul3A_1193 : i32
      %add3A_1195 = arith.constant 2 : i32
      %add3A_1196 = arith.addi %mul3A_1194, %add3A_1195 : i32
      %mul3A_1197 = arith.constant 16 : i32
      %mul3A_1198 = arith.muli %add3A_1196, %mul3A_1197 : i32
      %swap3A_1199 = arith.index_cast %mul3A_1198 : i32 to index
      %swap3A_1200 = tpu.vector_load %arg10[%swap3A_1199] {strides = array<i32>} : memref<40960xf32, #tpu.memory_space<vmem>>, vector<16xf32>,
      %swap3A_1201 = vector.shape_cast %swap3A_1200 : vector<16xf32> to vector<16xf32>
      %swap3A_1202 = vector.shape_cast %scan3A_1135#7 : vector<16xf32> to vector<16xf32>
      tpu.vector_store %arg10[%swap3A_1199], %swap3A_1202 {strides = array<i32>} : memref<40960xf32, #tpu.memory_space<vmem>>, vector<16xf32>,
      %mul3A_1203 = arith.constant 5 : i32
      %mul3A_1204 = arith.muli %add3A_1142, %mul3A_1203 : i32
      %add3A_1205 = arith.constant 3 : i32
      %add3A_1206 = arith.addi %mul3A_1204, %add3A_1205 : i32
      %mul3A_1207 = arith.constant 16 : i32
      %mul3A_1208 = arith.muli %add3A_1206, %mul3A_1207 : i32
      %swap3A_1209 = arith.index_cast %mul3A_1208 : i32 to index
      %swap3A_1210 = tpu.vector_load %arg9[%swap3A_1209] {strides = array<i32>} : memref<40960xf32, #tpu.memory_space<vmem>>, vector<16xf32>,
      %swap3A_1211 = vector.shape_cast %swap3A_1210 : vector<16xf32> to vector<16xf32>
      %swap3A_1212 = vector.shape_cast %scan3A_1135#3 : vector<16xf32> to vector<16xf32>
      tpu.vector_store %arg9[%swap3A_1209], %swap3A_1212 {strides = array<i32>} : memref<40960xf32, #tpu.memory_space<vmem>>, vector<16xf32>,
      %mul3A_1213 = arith.constant 5 : i32
      %mul3A_1214 = arith.muli %add3A_1142, %mul3A_1213 : i32
      %add3A_1215 = arith.constant 3 : i32
      %add3A_1216 = arith.addi %mul3A_1214, %add3A_1215 : i32
      %mul3A_1217 = arith.constant 16 : i32
      %mul3A_1218 = arith.muli %add3A_1216, %mul3A_1217 : i32
      %swap3A_1219 = arith.index_cast %mul3A_1218 : i32 to index
      %swap3A_1220 = tpu.vector_load %arg10[%swap3A_1219] {strides = array<i32>} : memref<40960xf32, #tpu.memory_space<vmem>>, vector<16xf32>,
      %swap3A_1221 = vector.shape_cast %swap3A_1220 : vector<16xf32> to vector<16xf32>
      %swap3A_1222 = vector.shape_cast %scan3A_1135#8 : vector<16xf32> to vector<16xf32>
      tpu.vector_store %arg10[%swap3A_1219], %swap3A_1222 {strides = array<i32>} : memref<40960xf32, #tpu.memory_space<vmem>>, vector<16xf32>,
      %mul3A_1223 = arith.constant 5 : i32
      %mul3A_1224 = arith.muli %add3A_1142, %mul3A_1223 : i32
      %add3A_1225 = arith.constant 4 : i32
      %add3A_1226 = arith.addi %mul3A_1224, %add3A_1225 : i32
      %mul3A_1227 = arith.constant 16 : i32
      %mul3A_1228 = arith.muli %add3A_1226, %mul3A_1227 : i32
      %swap3A_1229 = arith.index_cast %mul3A_1228 : i32 to index
      %swap3A_1230 = tpu.vector_load %arg9[%swap3A_1229] {strides = array<i32>} : memref<40960xf32, #tpu.memory_space<vmem>>, vector<16xf32>,
      %swap3A_1231 = vector.shape_cast %swap3A_1230 : vector<16xf32> to vector<16xf32>
      %swap3A_1232 = vector.shape_cast %scan3A_1135#4 : vector<16xf32> to vector<16xf32>
      tpu.vector_store %arg9[%swap3A_1229], %swap3A_1232 {strides = array<i32>} : memref<40960xf32, #tpu.memory_space<vmem>>, vector<16xf32>,
      %mul3A_1233 = arith.constant 5 : i32
      %mul3A_1234 = arith.muli %add3A_1142, %mul3A_1233 : i32
      %add3A_1235 = arith.constant 4 : i32
      %add3A_1236 = arith.addi %mul3A_1234, %add3A_1235 : i32
      %mul3A_1237 = arith.constant 16 : i32
      %mul3A_1238 = arith.muli %add3A_1236, %mul3A_1237 : i32
      %swap3A_1239 = arith.index_cast %mul3A_1238 : i32 to index
      %swap3A_1240 = tpu.vector_load %arg10[%swap3A_1239] {strides = array<i32>} : memref<40960xf32, #tpu.memory_space<vmem>>, vector<16xf32>,
      %swap3A_1241 = vector.shape_cast %swap3A_1240 : vector<16xf32> to vector<16xf32>
      %swap3A_1242 = vector.shape_cast %scan3A_1135#9 : vector<16xf32> to vector<16xf32>
      tpu.vector_store %arg10[%swap3A_1239], %swap3A_1242 {strides = array<i32>} : memref<40960xf32, #tpu.memory_space<vmem>>, vector<16xf32>,
      %mul3A_1243 = arith.constant 16 : i32
      %mul3A_1244 = arith.muli %scan3A_44, %mul3A_1243 : i32
      %add3A_1245 = arith.constant 8 : i32
      %add3A_1246 = arith.addi %mul3A_1244, %add3A_1245 : i32
      %add3A_1247 = arith.constant 1 : i32
      %add3A_1248 = arith.addi %add3A_1246, %add3A_1247 : i32
      %mul3A_1249 = arith.constant 5 : i32
      %mul3A_1250 = arith.muli %add3A_1248, %mul3A_1249 : i32
      %add3A_1251 = arith.constant 0 : i32
      %add3A_1252 = arith.addi %mul3A_1250, %add3A_1251 : i32
      %mul3A_1253 = arith.constant 16 : i32
      %mul3A_1254 = arith.muli %add3A_1252, %mul3A_1253 : i32
      %swap3A_1255 = arith.index_cast %mul3A_1254 : i32 to index
      %swap3A_1256 = tpu.vector_load %arg9[%swap3A_1255] {strides = array<i32>} : memref<40960xf32, #tpu.memory_space<vmem>>, vector<16xf32>,
      %swap3A_1257 = vector.shape_cast %swap3A_1256 : vector<16xf32> to vector<16xf32>
      %swap3A_1258 = vector.shape_cast %scan3A_1135#10 : vector<16xf32> to vector<16xf32>
      tpu.vector_store %arg9[%swap3A_1255], %swap3A_1258 {strides = array<i32>} : memref<40960xf32, #tpu.memory_space<vmem>>, vector<16xf32>,
      %mul3A_1259 = arith.constant 5 : i32
      %mul3A_1260 = arith.muli %add3A_1248, %mul3A_1259 : i32
      %add3A_1261 = arith.constant 0 : i32
      %add3A_1262 = arith.addi %mul3A_1260, %add3A_1261 : i32
      %mul3A_1263 = arith.constant 16 : i32
      %mul3A_1264 = arith.muli %add3A_1262, %mul3A_1263 : i32
      %swap3A_1265 = arith.index_cast %mul3A_1264 : i32 to index
      %swap3A_1266 = tpu.vector_load %arg10[%swap3A_1265] {strides = array<i32>} : memref<40960xf32, #tpu.memory_space<vmem>>, vector<16xf32>,
      %swap3A_1267 = vector.shape_cast %swap3A_1266 : vector<16xf32> to vector<16xf32>
      %swap3A_1268 = vector.shape_cast %scan3A_1135#15 : vector<16xf32> to vector<16xf32>
      tpu.vector_store %arg10[%swap3A_1265], %swap3A_1268 {strides = array<i32>} : memref<40960xf32, #tpu.memory_space<vmem>>, vector<16xf32>,
      %mul3A_1269 = arith.constant 5 : i32
      %mul3A_1270 = arith.muli %add3A_1248, %mul3A_1269 : i32
      %add3A_1271 = arith.constant 1 : i32
      %add3A_1272 = arith.addi %mul3A_1270, %add3A_1271 : i32
      %mul3A_1273 = arith.constant 16 : i32
      %mul3A_1274 = arith.muli %add3A_1272, %mul3A_1273 : i32
      %swap3A_1275 = arith.index_cast %mul3A_1274 : i32 to index
      %swap3A_1276 = tpu.vector_load %arg9[%swap3A_1275] {strides = array<i32>} : memref<40960xf32, #tpu.memory_space<vmem>>, vector<16xf32>,
      %swap3A_1277 = vector.shape_cast %swap3A_1276 : vector<16xf32> to vector<16xf32>
      %swap3A_1278 = vector.shape_cast %scan3A_1135#11 : vector<16xf32> to vector<16xf32>
      tpu.vector_store %arg9[%swap3A_1275], %swap3A_1278 {strides = array<i32>} : memref<40960xf32, #tpu.memory_space<vmem>>, vector<16xf32>,
      %mul3A_1279 = arith.constant 5 : i32
      %mul3A_1280 = arith.muli %add3A_1248, %mul3A_1279 : i32
      %add3A_1281 = arith.constant 1 : i32
      %add3A_1282 = arith.addi %mul3A_1280, %add3A_1281 : i32
      %mul3A_1283 = arith.constant 16 : i32
      %mul3A_1284 = arith.muli %add3A_1282, %mul3A_1283 : i32
      %swap3A_1285 = arith.index_cast %mul3A_1284 : i32 to index
      %swap3A_1286 = tpu.vector_load %arg10[%swap3A_1285] {strides = array<i32>} : memref<40960xf32, #tpu.memory_space<vmem>>, vector<16xf32>,
      %swap3A_1287 = vector.shape_cast %swap3A_1286 : vector<16xf32> to vector<16xf32>
      %swap3A_1288 = vector.shape_cast %scan3A_1135#16 : vector<16xf32> to vector<16xf32>
      tpu.vector_store %arg10[%swap3A_1285], %swap3A_1288 {strides = array<i32>} : memref<40960xf32, #tpu.memory_space<vmem>>, vector<16xf32>,
      %mul3A_1289 = arith.constant 5 : i32
      %mul3A_1290 = arith.muli %add3A_1248, %mul3A_1289 : i32
      %add3A_1291 = arith.constant 2 : i32
      %add3A_1292 = arith.addi %mul3A_1290, %add3A_1291 : i32
      %mul3A_1293 = arith.constant 16 : i32
      %mul3A_1294 = arith.muli %add3A_1292, %mul3A_1293 : i32
      %swap3A_1295 = arith.index_cast %mul3A_1294 : i32 to index
      %swap3A_1296 = tpu.vector_load %arg9[%swap3A_1295] {strides = array<i32>} : memref<40960xf32, #tpu.memory_space<vmem>>, vector<16xf32>,
      %swap3A_1297 = vector.shape_cast %swap3A_1296 : vector<16xf32> to vector<16xf32>
      %swap3A_1298 = vector.shape_cast %scan3A_1135#12 : vector<16xf32> to vector<16xf32>
      tpu.vector_store %arg9[%swap3A_1295], %swap3A_1298 {strides = array<i32>} : memref<40960xf32, #tpu.memory_space<vmem>>, vector<16xf32>,
      %mul3A_1299 = arith.constant 5 : i32
      %mul3A_1300 = arith.muli %add3A_1248, %mul3A_1299 : i32
      %add3A_1301 = arith.constant 2 : i32
      %add3A_1302 = arith.addi %mul3A_1300, %add3A_1301 : i32
      %mul3A_1303 = arith.constant 16 : i32
      %mul3A_1304 = arith.muli %add3A_1302, %mul3A_1303 : i32
      %swap3A_1305 = arith.index_cast %mul3A_1304 : i32 to index
      %swap3A_1306 = tpu.vector_load %arg10[%swap3A_1305] {strides = array<i32>} : memref<40960xf32, #tpu.memory_space<vmem>>, vector<16xf32>,
      %swap3A_1307 = vector.shape_cast %swap3A_1306 : vector<16xf32> to vector<16xf32>
      %swap3A_1308 = vector.shape_cast %scan3A_1135#17 : vector<16xf32> to vector<16xf32>
      tpu.vector_store %arg10[%swap3A_1305], %swap3A_1308 {strides = array<i32>} : memref<40960xf32, #tpu.memory_space<vmem>>, vector<16xf32>,
      %mul3A_1309 = arith.constant 5 : i32
      %mul3A_1310 = arith.muli %add3A_1248, %mul3A_1309 : i32
      %add3A_1311 = arith.constant 3 : i32
      %add3A_1312 = arith.addi %mul3A_1310, %add3A_1311 : i32
      %mul3A_1313 = arith.constant 16 : i32
      %mul3A_1314 = arith.muli %add3A_1312, %mul3A_1313 : i32
      %swap3A_1315 = arith.index_cast %mul3A_1314 : i32 to index
      %swap3A_1316 = tpu.vector_load %arg9[%swap3A_1315] {strides = array<i32>} : memref<40960xf32, #tpu.memory_space<vmem>>, vector<16xf32>,
      %swap3A_1317 = vector.shape_cast %swap3A_1316 : vector<16xf32> to vector<16xf32>
      %swap3A_1318 = vector.shape_cast %scan3A_1135#13 : vector<16xf32> to vector<16xf32>
      tpu.vector_store %arg9[%swap3A_1315], %swap3A_1318 {strides = array<i32>} : memref<40960xf32, #tpu.memory_space<vmem>>, vector<16xf32>,
      %mul3A_1319 = arith.constant 5 : i32
      %mul3A_1320 = arith.muli %add3A_1248, %mul3A_1319 : i32
      %add3A_1321 = arith.constant 3 : i32
      %add3A_1322 = arith.addi %mul3A_1320, %add3A_1321 : i32
      %mul3A_1323 = arith.constant 16 : i32
      %mul3A_1324 = arith.muli %add3A_1322, %mul3A_1323 : i32
      %swap3A_1325 = arith.index_cast %mul3A_1324 : i32 to index
      %swap3A_1326 = tpu.vector_load %arg10[%swap3A_1325] {strides = array<i32>} : memref<40960xf32, #tpu.memory_space<vmem>>, vector<16xf32>,
      %swap3A_1327 = vector.shape_cast %swap3A_1326 : vector<16xf32> to vector<16xf32>
      %swap3A_1328 = vector.shape_cast %scan3A_1135#18 : vector<16xf32> to vector<16xf32>
      tpu.vector_store %arg10[%swap3A_1325], %swap3A_1328 {strides = array<i32>} : memref<40960xf32, #tpu.memory_space<vmem>>, vector<16xf32>,
      %mul3A_1329 = arith.constant 5 : i32
      %mul3A_1330 = arith.muli %add3A_1248, %mul3A_1329 : i32
      %add3A_1331 = arith.constant 4 : i32
      %add3A_1332 = arith.addi %mul3A_1330, %add3A_1331 : i32
      %mul3A_1333 = arith.constant 16 : i32
      %mul3A_1334 = arith.muli %add3A_1332, %mul3A_1333 : i32
      %swap3A_1335 = arith.index_cast %mul3A_1334 : i32 to index
      %swap3A_1336 = tpu.vector_load %arg9[%swap3A_1335] {strides = array<i32>} : memref<40960xf32, #tpu.memory_space<vmem>>, vector<16xf32>,
      %swap3A_1337 = vector.shape_cast %swap3A_1336 : vector<16xf32> to vector<16xf32>
      %swap3A_1338 = vector.shape_cast %scan3A_1135#14 : vector<16xf32> to vector<16xf32>
      tpu.vector_store %arg9[%swap3A_1335], %swap3A_1338 {strides = array<i32>} : memref<40960xf32, #tpu.memory_space<vmem>>, vector<16xf32>,
      %mul3A_1339 = arith.constant 5 : i32
      %mul3A_1340 = arith.muli %add3A_1248, %mul3A_1339 : i32
      %add3A_1341 = arith.constant 4 : i32
      %add3A_1342 = arith.addi %mul3A_1340, %add3A_1341 : i32
      %mul3A_1343 = arith.constant 16 : i32
      %mul3A_1344 = arith.muli %add3A_1342, %mul3A_1343 : i32
      %swap3A_1345 = arith.index_cast %mul3A_1344 : i32 to index
      %swap3A_1346 = tpu.vector_load %arg10[%swap3A_1345] {strides = array<i32>} : memref<40960xf32, #tpu.memory_space<vmem>>, vector<16xf32>,
      %swap3A_1347 = vector.shape_cast %swap3A_1346 : vector<16xf32> to vector<16xf32>
      %swap3A_1348 = vector.shape_cast %scan3A_1135#19 : vector<16xf32> to vector<16xf32>
      tpu.vector_store %arg10[%swap3A_1345], %swap3A_1348 {strides = array<i32>} : memref<40960xf32, #tpu.memory_space<vmem>>, vector<16xf32>,
      %slice3A_1349 = vector.extract_strided_slice %get3A_49 {offsets = [10], sizes = [1], strides = [1]} : vector<16xf32> to vector<1xf32>
      %squeeze3A_1350 = vector.extract %slice3A_1349[0] : f32 from vector<1xf32>
      %broadcast_in_dim3A_1351 = vector.broadcast %squeeze3A_1350 : f32 to vector<16xf32>
      %slice3A_1352 = vector.extract_strided_slice %get3A_54 {offsets = [10], sizes = [1], strides = [1]} : vector<16xf32> to vector<1xf32>
      %squeeze3A_1353 = vector.extract %slice3A_1352[0] : f32 from vector<1xf32>
      %broadcast_in_dim3A_1354 = vector.broadcast %squeeze3A_1353 : f32 to vector<16xf32>
      %slice3A_1355 = vector.extract_strided_slice %get3A_59 {offsets = [10], sizes = [1], strides = [1]} : vector<16xf32> to vector<1xf32>
      %squeeze3A_1356 = vector.extract %slice3A_1355[0] : f32 from vector<1xf32>
      %broadcast_in_dim3A_1357 = vector.broadcast %squeeze3A_1356 : f32 to vector<16xf32>
      %slice3A_1358 = vector.extract_strided_slice %get3A_62 {offsets = [10], sizes = [1], strides = [1]} : vector<16xf32> to vector<1xf32>
      %squeeze3A_1359 = vector.extract %slice3A_1358[0] : f32 from vector<1xf32>
      %broadcast_in_dim3A_1360 = vector.broadcast %squeeze3A_1359 : f32 to vector<16xf32>
      %slice3A_1361 = vector.extract_strided_slice %get3A_67 {offsets = [10], sizes = [1], strides = [1]} : vector<16xf32> to vector<1xf32>
      %squeeze3A_1362 = vector.extract %slice3A_1361[0] : f32 from vector<1xf32>
      %broadcast_in_dim3A_1363 = vector.broadcast %squeeze3A_1362 : f32 to vector<16xf32>
      %slice3A_1364 = vector.extract_strided_slice %get3A_72 {offsets = [10], sizes = [1], strides = [1]} : vector<16xf32> to vector<1xf32>
      %squeeze3A_1365 = vector.extract %slice3A_1364[0] : f32 from vector<1xf32>
      %broadcast_in_dim3A_1366 = vector.broadcast %squeeze3A_1365 : f32 to vector<16xf32>
      %slice3A_1367 = vector.extract_strided_slice %get3A_49 {offsets = [11], sizes = [1], strides = [1]} : vector<16xf32> to vector<1xf32>
      %squeeze3A_1368 = vector.extract %slice3A_1367[0] : f32 from vector<1xf32>
      %broadcast_in_dim3A_1369 = vector.broadcast %squeeze3A_1368 : f32 to vector<16xf32>
      %slice3A_1370 = vector.extract_strided_slice %get3A_54 {offsets = [11], sizes = [1], strides = [1]} : vector<16xf32> to vector<1xf32>
      %squeeze3A_1371 = vector.extract %slice3A_1370[0] : f32 from vector<1xf32>
      %broadcast_in_dim3A_1372 = vector.broadcast %squeeze3A_1371 : f32 to vector<16xf32>
      %slice3A_1373 = vector.extract_strided_slice %get3A_59 {offsets = [11], sizes = [1], strides = [1]} : vector<16xf32> to vector<1xf32>
      %squeeze3A_1374 = vector.extract %slice3A_1373[0] : f32 from vector<1xf32>
      %broadcast_in_dim3A_1375 = vector.broadcast %squeeze3A_1374 : f32 to vector<16xf32>
      %slice3A_1376 = vector.extract_strided_slice %get3A_62 {offsets = [11], sizes = [1], strides = [1]} : vector<16xf32> to vector<1xf32>
      %squeeze3A_1377 = vector.extract %slice3A_1376[0] : f32 from vector<1xf32>
      %broadcast_in_dim3A_1378 = vector.broadcast %squeeze3A_1377 : f32 to vector<16xf32>
      %slice3A_1379 = vector.extract_strided_slice %get3A_67 {offsets = [11], sizes = [1], strides = [1]} : vector<16xf32> to vector<1xf32>
      %squeeze3A_1380 = vector.extract %slice3A_1379[0] : f32 from vector<1xf32>
      %broadcast_in_dim3A_1381 = vector.broadcast %squeeze3A_1380 : f32 to vector<16xf32>
      %slice3A_1382 = vector.extract_strided_slice %get3A_72 {offsets = [11], sizes = [1], strides = [1]} : vector<16xf32> to vector<1xf32>
      %squeeze3A_1383 = vector.extract %slice3A_1382[0] : f32 from vector<1xf32>
      %broadcast_in_dim3A_1384 = vector.broadcast %squeeze3A_1383 : f32 to vector<16xf32>
      %broadcast_in_dim3A_1385 = arith.constant 3.000000e+38 : f32
      %broadcast_in_dim3A_1386 = vector.broadcast %broadcast_in_dim3A_1385 : f32 to vector<16xf32>
      %scan3A_1387 = arith.constant 0 : i32
      %scan3A_1388 = arith.constant 128 : i32
      %scan3A_1389 = arith.addi %scan3A_1387, %scan3A_1388 : i32
      %scan3A_1390 = arith.constant 2 : i32
      %scan3A_1391:20 = scf.for %scan3A_2117 = %scan3A_1387 to %scan3A_1389 step %scan3A_1390 iter_args(%scan3A_2118 = %broadcast_in_dim3A_1386, %scan3A_2119 = %broadcast_in_dim3A_1386, %scan3A_2120 = %broadcast_in_dim3A_1386, %scan3A_2121 = %broadcast_in_dim3A_1386, %scan3A_2122 = %broadcast_in_dim3A_1386, %scan3A_2123 = %broadcast_in_dim3A_1386, %scan3A_2124 = %broadcast_in_dim3A_1386, %scan3A_2125 = %broadcast_in_dim3A_1386, %scan3A_2126 = %broadcast_in_dim3A_1386, %scan3A_2127 = %broadcast_in_dim3A_1386, %scan3A_2128 = %broadcast_in_dim3A_1386, %scan3A_2129 = %broadcast_in_dim3A_1386, %scan3A_2130 = %broadcast_in_dim3A_1386, %scan3A_2131 = %broadcast_in_dim3A_1386, %scan3A_2132 = %broadcast_in_dim3A_1386, %scan3A_2133 = %broadcast_in_dim3A_1386, %scan3A_2134 = %broadcast_in_dim3A_1386, %scan3A_2135 = %broadcast_in_dim3A_1386, %scan3A_2136 = %broadcast_in_dim3A_1386, %scan3A_2137 = %broadcast_in_dim3A_1386) -> (vector<16xf32>, vector<16xf32>, vector<16xf32>, vector<16xf32>, vector<16xf32>, vector<16xf32>, vector<16xf32>, vector<16xf32>, vector<16xf32>, vector<16xf32>, vector<16xf32>, vector<16xf32>, vector<16xf32>, vector<16xf32>, vector<16xf32>, vector<16xf32>, vector<16xf32>, vector<16xf32>, vector<16xf32>, vector<16xf32>)  : i32 {
        %mul3A_2138 = arith.constant 16 : i32
        %mul3A_2139 = arith.muli %scan3A_2117, %mul3A_2138 : i32
        %mul3A_2140 = arith.constant 16 : i32
        %mul3A_2141 = arith.muli %scan3A_2117, %mul3A_2140 : i32
        %add3A_2142 = arith.constant 2048 : i32
        %add3A_2143 = arith.addi %add3A_2142, %mul3A_2141 : i32
        %mul3A_2144 = arith.constant 16 : i32
        %mul3A_2145 = arith.muli %scan3A_2117, %mul3A_2144 : i32
        %add3A_2146 = arith.constant 4096 : i32
        %add3A_2147 = arith.addi %add3A_2146, %mul3A_2145 : i32
        %get3A_2148 = arith.index_cast %mul3A_2139 : i32 to index
        %get3A_2149 = tpu.vector_load %arg6[%get3A_2148] {strides = array<i32>} : memref<6144xf32, #tpu.memory_space<vmem>>, vector<16xf32>,
        %get3A_2150 = vector.shape_cast %get3A_2149 : vector<16xf32> to vector<16xf32>
        %get3A_2151 = arith.index_cast %add3A_2143 : i32 to index
        %get3A_2152 = tpu.vector_load %arg6[%get3A_2151] {strides = array<i32>} : memref<6144xf32, #tpu.memory_space<vmem>>, vector<16xf32>,
        %get3A_2153 = vector.shape_cast %get3A_2152 : vector<16xf32> to vector<16xf32>
        %get3A_2154 = arith.index_cast %add3A_2147 : i32 to index
        %get3A_2155 = tpu.vector_load %arg6[%get3A_2154] {strides = array<i32>} : memref<6144xf32, #tpu.memory_space<vmem>>, vector<16xf32>,
        %get3A_2156 = vector.shape_cast %get3A_2155 : vector<16xf32> to vector<16xf32>
        %get3A_2157 = arith.index_cast %mul3A_2139 : i32 to index
        %get3A_2158 = tpu.vector_load %arg7[%get3A_2157] {strides = array<i32>} : memref<6144xf32, #tpu.memory_space<vmem>>, vector<16xf32>,
        %get3A_2159 = vector.shape_cast %get3A_2158 : vector<16xf32> to vector<16xf32>
        %get3A_2160 = arith.index_cast %add3A_2143 : i32 to index
        %get3A_2161 = tpu.vector_load %arg7[%get3A_2160] {strides = array<i32>} : memref<6144xf32, #tpu.memory_space<vmem>>, vector<16xf32>,
        %get3A_2162 = vector.shape_cast %get3A_2161 : vector<16xf32> to vector<16xf32>
        %get3A_2163 = arith.index_cast %add3A_2147 : i32 to index
        %get3A_2164 = tpu.vector_load %arg7[%get3A_2163] {strides = array<i32>} : memref<6144xf32, #tpu.memory_space<vmem>>, vector<16xf32>,
        %get3A_2165 = vector.shape_cast %get3A_2164 : vector<16xf32> to vector<16xf32>
        %get3A_2166 = arith.index_cast %mul3A_2139 : i32 to index
        %get3A_2167 = tpu.vector_load %arg8[%get3A_2166] {strides = array<i32>} : memref<2048xf32, #tpu.memory_space<vmem>>, vector<16xf32>,
        %get3A_2168 = vector.shape_cast %get3A_2167 : vector<16xf32> to vector<16xf32>
        %mul3A_2169 = arith.mulf %broadcast_in_dim3A_1360, %get3A_2159 : vector<16xf32>
        %mul3A_2170 = arith.mulf %broadcast_in_dim3A_1363, %get3A_2162 : vector<16xf32>
        %add3A_2171 = arith.addf %mul3A_2169, %mul3A_2170 : vector<16xf32>
        %mul3A_2172 = arith.mulf %broadcast_in_dim3A_1366, %get3A_2165 : vector<16xf32>
        %add3A_2173 = arith.addf %add3A_2171, %mul3A_2172 : vector<16xf32>
        %mul3A_2174 = arith.constant 2.000000e+00 : f32
        %mul3A_2175 = vector.broadcast %mul3A_2174 : f32 to vector<16xf32>
        %mul3A_2176 = arith.mulf %mul3A_2175, %add3A_2173 : vector<16xf32>
        %sub3A_2177 = arith.subf %get3A_2168, %mul3A_2176 : vector<16xf32>
        %sub3A_2178 = arith.subf %broadcast_in_dim3A_1351, %get3A_2150 : vector<16xf32>
        %sub3A_2179 = arith.subf %broadcast_in_dim3A_1354, %get3A_2153 : vector<16xf32>
        %sub3A_2180 = arith.subf %broadcast_in_dim3A_1357, %get3A_2156 : vector<16xf32>
        %mul3A_2181 = arith.mulf %sub3A_2178, %sub3A_2178 : vector<16xf32>
        %mul3A_2182 = arith.mulf %sub3A_2179, %sub3A_2179 : vector<16xf32>
        %add3A_2183 = arith.addf %mul3A_2181, %mul3A_2182 : vector<16xf32>
        %mul3A_2184 = arith.mulf %sub3A_2180, %sub3A_2180 : vector<16xf32>
        %add3A_2185 = arith.addf %add3A_2183, %mul3A_2184 : vector<16xf32>
        %lt3A_2186 = arith.cmpf olt, %sub3A_2177, %scan3A_2118 : vector<16xf32>
        %min3A = arith.minimumf %scan3A_2118, %sub3A_2177 : vector<16xf32>
        %max3A = arith.maximumf %scan3A_2118, %sub3A_2177 : vector<16xf32>
        %select_n3A_2187 = arith.select %lt3A_2186, %add3A_2185, %scan3A_2123 : vector<16xi1>, vector<16xf32>
        %select_n3A_2188 = arith.select %lt3A_2186, %scan3A_2123, %add3A_2185 : vector<16xi1>, vector<16xf32>
        %lt3A_2189 = arith.cmpf olt, %max3A, %scan3A_2119 : vector<16xf32>
        %min3A_2190 = arith.minimumf %scan3A_2119, %max3A : vector<16xf32>
        %max3A_2191 = arith.maximumf %scan3A_2119, %max3A : vector<16xf32>
        %select_n3A_2192 = arith.select %lt3A_2189, %select_n3A_2188, %scan3A_2124 : vector<16xi1>, vector<16xf32>
        %select_n3A_2193 = arith.select %lt3A_2189, %scan3A_2124, %select_n3A_2188 : vector<16xi1>, vector<16xf32>
        %lt3A_2194 = arith.cmpf olt, %max3A_2191, %scan3A_2120 : vector<16xf32>
        %min3A_2195 = arith.minimumf %scan3A_2120, %max3A_2191 : vector<16xf32>
        %max3A_2196 = arith.maximumf %scan3A_2120, %max3A_2191 : vector<16xf32>
        %select_n3A_2197 = arith.select %lt3A_2194, %select_n3A_2193, %scan3A_2125 : vector<16xi1>, vector<16xf32>
        %select_n3A_2198 = arith.select %lt3A_2194, %scan3A_2125, %select_n3A_2193 : vector<16xi1>, vector<16xf32>
        %lt3A_2199 = arith.cmpf olt, %max3A_2196, %scan3A_2121 : vector<16xf32>
        %min3A_2200 = arith.minimumf %scan3A_2121, %max3A_2196 : vector<16xf32>
        %max3A_2201 = arith.maximumf %scan3A_2121, %max3A_2196 : vector<16xf32>
        %select_n3A_2202 = arith.select %lt3A_2199, %select_n3A_2198, %scan3A_2126 : vector<16xi1>, vector<16xf32>
        %select_n3A_2203 = arith.select %lt3A_2199, %scan3A_2126, %select_n3A_2198 : vector<16xi1>, vector<16xf32>
        %lt3A_2204 = arith.cmpf olt, %max3A_2201, %scan3A_2122 : vector<16xf32>
        %min3A_2205 = arith.minimumf %scan3A_2122, %max3A_2201 : vector<16xf32>
        %select_n3A_2206 = arith.select %lt3A_2204, %select_n3A_2203, %scan3A_2127 : vector<16xi1>, vector<16xf32>
        %mul3A_2207 = arith.mulf %broadcast_in_dim3A_1378, %get3A_2159 : vector<16xf32>
        %mul3A_2208 = arith.mulf %broadcast_in_dim3A_1381, %get3A_2162 : vector<16xf32>
        %add3A_2209 = arith.addf %mul3A_2207, %mul3A_2208 : vector<16xf32>
        %mul3A_2210 = arith.mulf %broadcast_in_dim3A_1384, %get3A_2165 : vector<16xf32>
        %add3A_2211 = arith.addf %add3A_2209, %mul3A_2210 : vector<16xf32>
        %mul3A_2212 = arith.constant 2.000000e+00 : f32
        %mul3A_2213 = vector.broadcast %mul3A_2212 : f32 to vector<16xf32>
        %mul3A_2214 = arith.mulf %mul3A_2213, %add3A_2211 : vector<16xf32>
        %sub3A_2215 = arith.subf %get3A_2168, %mul3A_2214 : vector<16xf32>
        %sub3A_2216 = arith.subf %broadcast_in_dim3A_1369, %get3A_2150 : vector<16xf32>
        %sub3A_2217 = arith.subf %broadcast_in_dim3A_1372, %get3A_2153 : vector<16xf32>
        %sub3A_2218 = arith.subf %broadcast_in_dim3A_1375, %get3A_2156 : vector<16xf32>
        %mul3A_2219 = arith.mulf %sub3A_2216, %sub3A_2216 : vector<16xf32>
        %mul3A_2220 = arith.mulf %sub3A_2217, %sub3A_2217 : vector<16xf32>
        %add3A_2221 = arith.addf %mul3A_2219, %mul3A_2220 : vector<16xf32>
        %mul3A_2222 = arith.mulf %sub3A_2218, %sub3A_2218 : vector<16xf32>
        %add3A_2223 = arith.addf %add3A_2221, %mul3A_2222 : vector<16xf32>
        %lt3A_2224 = arith.cmpf olt, %sub3A_2215, %scan3A_2128 : vector<16xf32>
        %min3A_2225 = arith.minimumf %scan3A_2128, %sub3A_2215 : vector<16xf32>
        %max3A_2226 = arith.maximumf %scan3A_2128, %sub3A_2215 : vector<16xf32>
        %select_n3A_2227 = arith.select %lt3A_2224, %add3A_2223, %scan3A_2133 : vector<16xi1>, vector<16xf32>
        %select_n3A_2228 = arith.select %lt3A_2224, %scan3A_2133, %add3A_2223 : vector<16xi1>, vector<16xf32>
        %lt3A_2229 = arith.cmpf olt, %max3A_2226, %scan3A_2129 : vector<16xf32>
        %min3A_2230 = arith.minimumf %scan3A_2129, %max3A_2226 : vector<16xf32>
        %max3A_2231 = arith.maximumf %scan3A_2129, %max3A_2226 : vector<16xf32>
        %select_n3A_2232 = arith.select %lt3A_2229, %select_n3A_2228, %scan3A_2134 : vector<16xi1>, vector<16xf32>
        %select_n3A_2233 = arith.select %lt3A_2229, %scan3A_2134, %select_n3A_2228 : vector<16xi1>, vector<16xf32>
        %lt3A_2234 = arith.cmpf olt, %max3A_2231, %scan3A_2130 : vector<16xf32>
        %min3A_2235 = arith.minimumf %scan3A_2130, %max3A_2231 : vector<16xf32>
        %max3A_2236 = arith.maximumf %scan3A_2130, %max3A_2231 : vector<16xf32>
        %select_n3A_2237 = arith.select %lt3A_2234, %select_n3A_2233, %scan3A_2135 : vector<16xi1>, vector<16xf32>
        %select_n3A_2238 = arith.select %lt3A_2234, %scan3A_2135, %select_n3A_2233 : vector<16xi1>, vector<16xf32>
        %lt3A_2239 = arith.cmpf olt, %max3A_2236, %scan3A_2131 : vector<16xf32>
        %min3A_2240 = arith.minimumf %scan3A_2131, %max3A_2236 : vector<16xf32>
        %max3A_2241 = arith.maximumf %scan3A_2131, %max3A_2236 : vector<16xf32>
        %select_n3A_2242 = arith.select %lt3A_2239, %select_n3A_2238, %scan3A_2136 : vector<16xi1>, vector<16xf32>
        %select_n3A_2243 = arith.select %lt3A_2239, %scan3A_2136, %select_n3A_2238 : vector<16xi1>, vector<16xf32>
        %lt3A_2244 = arith.cmpf olt, %max3A_2241, %scan3A_2132 : vector<16xf32>
        %min3A_2245 = arith.minimumf %scan3A_2132, %max3A_2241 : vector<16xf32>
        %select_n3A_2246 = arith.select %lt3A_2244, %select_n3A_2243, %scan3A_2137 : vector<16xi1>, vector<16xf32>
        %scan3A_2247 = arith.constant 1 : i32
        %scan3A_2248 = arith.addi %scan3A_2117, %scan3A_2247 : i32
        %mul3A_2249 = arith.constant 16 : i32
        %mul3A_2250 = arith.muli %scan3A_2248, %mul3A_2249 : i32
        %mul3A_2251 = arith.constant 16 : i32
        %mul3A_2252 = arith.muli %scan3A_2248, %mul3A_2251 : i32
        %add3A_2253 = arith.constant 2048 : i32
        %add3A_2254 = arith.addi %add3A_2253, %mul3A_2252 : i32
        %mul3A_2255 = arith.constant 16 : i32
        %mul3A_2256 = arith.muli %scan3A_2248, %mul3A_2255 : i32
        %add3A_2257 = arith.constant 4096 : i32
        %add3A_2258 = arith.addi %add3A_2257, %mul3A_2256 : i32
        %get3A_2259 = arith.index_cast %mul3A_2250 : i32 to index
        %get3A_2260 = tpu.vector_load %arg6[%get3A_2259] {strides = array<i32>} : memref<6144xf32, #tpu.memory_space<vmem>>, vector<16xf32>,
        %get3A_2261 = vector.shape_cast %get3A_2260 : vector<16xf32> to vector<16xf32>
        %get3A_2262 = arith.index_cast %add3A_2254 : i32 to index
        %get3A_2263 = tpu.vector_load %arg6[%get3A_2262] {strides = array<i32>} : memref<6144xf32, #tpu.memory_space<vmem>>, vector<16xf32>,
        %get3A_2264 = vector.shape_cast %get3A_2263 : vector<16xf32> to vector<16xf32>
        %get3A_2265 = arith.index_cast %add3A_2258 : i32 to index
        %get3A_2266 = tpu.vector_load %arg6[%get3A_2265] {strides = array<i32>} : memref<6144xf32, #tpu.memory_space<vmem>>, vector<16xf32>,
        %get3A_2267 = vector.shape_cast %get3A_2266 : vector<16xf32> to vector<16xf32>
        %get3A_2268 = arith.index_cast %mul3A_2250 : i32 to index
        %get3A_2269 = tpu.vector_load %arg7[%get3A_2268] {strides = array<i32>} : memref<6144xf32, #tpu.memory_space<vmem>>, vector<16xf32>,
        %get3A_2270 = vector.shape_cast %get3A_2269 : vector<16xf32> to vector<16xf32>
        %get3A_2271 = arith.index_cast %add3A_2254 : i32 to index
        %get3A_2272 = tpu.vector_load %arg7[%get3A_2271] {strides = array<i32>} : memref<6144xf32, #tpu.memory_space<vmem>>, vector<16xf32>,
        %get3A_2273 = vector.shape_cast %get3A_2272 : vector<16xf32> to vector<16xf32>
        %get3A_2274 = arith.index_cast %add3A_2258 : i32 to index
        %get3A_2275 = tpu.vector_load %arg7[%get3A_2274] {strides = array<i32>} : memref<6144xf32, #tpu.memory_space<vmem>>, vector<16xf32>,
        %get3A_2276 = vector.shape_cast %get3A_2275 : vector<16xf32> to vector<16xf32>
        %get3A_2277 = arith.index_cast %mul3A_2250 : i32 to index
        %get3A_2278 = tpu.vector_load %arg8[%get3A_2277] {strides = array<i32>} : memref<2048xf32, #tpu.memory_space<vmem>>, vector<16xf32>,
        %get3A_2279 = vector.shape_cast %get3A_2278 : vector<16xf32> to vector<16xf32>
        %mul3A_2280 = arith.mulf %broadcast_in_dim3A_1360, %get3A_2270 : vector<16xf32>
        %mul3A_2281 = arith.mulf %broadcast_in_dim3A_1363, %get3A_2273 : vector<16xf32>
        %add3A_2282 = arith.addf %mul3A_2280, %mul3A_2281 : vector<16xf32>
        %mul3A_2283 = arith.mulf %broadcast_in_dim3A_1366, %get3A_2276 : vector<16xf32>
        %add3A_2284 = arith.addf %add3A_2282, %mul3A_2283 : vector<16xf32>
        %mul3A_2285 = arith.constant 2.000000e+00 : f32
        %mul3A_2286 = vector.broadcast %mul3A_2285 : f32 to vector<16xf32>
        %mul3A_2287 = arith.mulf %mul3A_2286, %add3A_2284 : vector<16xf32>
        %sub3A_2288 = arith.subf %get3A_2279, %mul3A_2287 : vector<16xf32>
        %sub3A_2289 = arith.subf %broadcast_in_dim3A_1351, %get3A_2261 : vector<16xf32>
        %sub3A_2290 = arith.subf %broadcast_in_dim3A_1354, %get3A_2264 : vector<16xf32>
        %sub3A_2291 = arith.subf %broadcast_in_dim3A_1357, %get3A_2267 : vector<16xf32>
        %mul3A_2292 = arith.mulf %sub3A_2289, %sub3A_2289 : vector<16xf32>
        %mul3A_2293 = arith.mulf %sub3A_2290, %sub3A_2290 : vector<16xf32>
        %add3A_2294 = arith.addf %mul3A_2292, %mul3A_2293 : vector<16xf32>
        %mul3A_2295 = arith.mulf %sub3A_2291, %sub3A_2291 : vector<16xf32>
        %add3A_2296 = arith.addf %add3A_2294, %mul3A_2295 : vector<16xf32>
        %lt3A_2297 = arith.cmpf olt, %sub3A_2288, %min3A : vector<16xf32>
        %min3A_2298 = arith.minimumf %min3A, %sub3A_2288 : vector<16xf32>
        %max3A_2299 = arith.maximumf %min3A, %sub3A_2288 : vector<16xf32>
        %select_n3A_2300 = arith.select %lt3A_2297, %add3A_2296, %select_n3A_2187 : vector<16xi1>, vector<16xf32>
        %select_n3A_2301 = arith.select %lt3A_2297, %select_n3A_2187, %add3A_2296 : vector<16xi1>, vector<16xf32>
        %lt3A_2302 = arith.cmpf olt, %max3A_2299, %min3A_2190 : vector<16xf32>
        %min3A_2303 = arith.minimumf %min3A_2190, %max3A_2299 : vector<16xf32>
        %max3A_2304 = arith.maximumf %min3A_2190, %max3A_2299 : vector<16xf32>
        %select_n3A_2305 = arith.select %lt3A_2302, %select_n3A_2301, %select_n3A_2192 : vector<16xi1>, vector<16xf32>
        %select_n3A_2306 = arith.select %lt3A_2302, %select_n3A_2192, %select_n3A_2301 : vector<16xi1>, vector<16xf32>
        %lt3A_2307 = arith.cmpf olt, %max3A_2304, %min3A_2195 : vector<16xf32>
        %min3A_2308 = arith.minimumf %min3A_2195, %max3A_2304 : vector<16xf32>
        %max3A_2309 = arith.maximumf %min3A_2195, %max3A_2304 : vector<16xf32>
        %select_n3A_2310 = arith.select %lt3A_2307, %select_n3A_2306, %select_n3A_2197 : vector<16xi1>, vector<16xf32>
        %select_n3A_2311 = arith.select %lt3A_2307, %select_n3A_2197, %select_n3A_2306 : vector<16xi1>, vector<16xf32>
        %lt3A_2312 = arith.cmpf olt, %max3A_2309, %min3A_2200 : vector<16xf32>
        %min3A_2313 = arith.minimumf %min3A_2200, %max3A_2309 : vector<16xf32>
        %max3A_2314 = arith.maximumf %min3A_2200, %max3A_2309 : vector<16xf32>
        %select_n3A_2315 = arith.select %lt3A_2312, %select_n3A_2311, %select_n3A_2202 : vector<16xi1>, vector<16xf32>
        %select_n3A_2316 = arith.select %lt3A_2312, %select_n3A_2202, %select_n3A_2311 : vector<16xi1>, vector<16xf32>
        %lt3A_2317 = arith.cmpf olt, %max3A_2314, %min3A_2205 : vector<16xf32>
        %min3A_2318 = arith.minimumf %min3A_2205, %max3A_2314 : vector<16xf32>
        %select_n3A_2319 = arith.select %lt3A_2317, %select_n3A_2316, %select_n3A_2206 : vector<16xi1>, vector<16xf32>
        %mul3A_2320 = arith.mulf %broadcast_in_dim3A_1378, %get3A_2270 : vector<16xf32>
        %mul3A_2321 = arith.mulf %broadcast_in_dim3A_1381, %get3A_2273 : vector<16xf32>
        %add3A_2322 = arith.addf %mul3A_2320, %mul3A_2321 : vector<16xf32>
        %mul3A_2323 = arith.mulf %broadcast_in_dim3A_1384, %get3A_2276 : vector<16xf32>
        %add3A_2324 = arith.addf %add3A_2322, %mul3A_2323 : vector<16xf32>
        %mul3A_2325 = arith.constant 2.000000e+00 : f32
        %mul3A_2326 = vector.broadcast %mul3A_2325 : f32 to vector<16xf32>
        %mul3A_2327 = arith.mulf %mul3A_2326, %add3A_2324 : vector<16xf32>
        %sub3A_2328 = arith.subf %get3A_2279, %mul3A_2327 : vector<16xf32>
        %sub3A_2329 = arith.subf %broadcast_in_dim3A_1369, %get3A_2261 : vector<16xf32>
        %sub3A_2330 = arith.subf %broadcast_in_dim3A_1372, %get3A_2264 : vector<16xf32>
        %sub3A_2331 = arith.subf %broadcast_in_dim3A_1375, %get3A_2267 : vector<16xf32>
        %mul3A_2332 = arith.mulf %sub3A_2329, %sub3A_2329 : vector<16xf32>
        %mul3A_2333 = arith.mulf %sub3A_2330, %sub3A_2330 : vector<16xf32>
        %add3A_2334 = arith.addf %mul3A_2332, %mul3A_2333 : vector<16xf32>
        %mul3A_2335 = arith.mulf %sub3A_2331, %sub3A_2331 : vector<16xf32>
        %add3A_2336 = arith.addf %add3A_2334, %mul3A_2335 : vector<16xf32>
        %lt3A_2337 = arith.cmpf olt, %sub3A_2328, %min3A_2225 : vector<16xf32>
        %min3A_2338 = arith.minimumf %min3A_2225, %sub3A_2328 : vector<16xf32>
        %max3A_2339 = arith.maximumf %min3A_2225, %sub3A_2328 : vector<16xf32>
        %select_n3A_2340 = arith.select %lt3A_2337, %add3A_2336, %select_n3A_2227 : vector<16xi1>, vector<16xf32>
        %select_n3A_2341 = arith.select %lt3A_2337, %select_n3A_2227, %add3A_2336 : vector<16xi1>, vector<16xf32>
        %lt3A_2342 = arith.cmpf olt, %max3A_2339, %min3A_2230 : vector<16xf32>
        %min3A_2343 = arith.minimumf %min3A_2230, %max3A_2339 : vector<16xf32>
        %max3A_2344 = arith.maximumf %min3A_2230, %max3A_2339 : vector<16xf32>
        %select_n3A_2345 = arith.select %lt3A_2342, %select_n3A_2341, %select_n3A_2232 : vector<16xi1>, vector<16xf32>
        %select_n3A_2346 = arith.select %lt3A_2342, %select_n3A_2232, %select_n3A_2341 : vector<16xi1>, vector<16xf32>
        %lt3A_2347 = arith.cmpf olt, %max3A_2344, %min3A_2235 : vector<16xf32>
        %min3A_2348 = arith.minimumf %min3A_2235, %max3A_2344 : vector<16xf32>
        %max3A_2349 = arith.maximumf %min3A_2235, %max3A_2344 : vector<16xf32>
        %select_n3A_2350 = arith.select %lt3A_2347, %select_n3A_2346, %select_n3A_2237 : vector<16xi1>, vector<16xf32>
        %select_n3A_2351 = arith.select %lt3A_2347, %select_n3A_2237, %select_n3A_2346 : vector<16xi1>, vector<16xf32>
        %lt3A_2352 = arith.cmpf olt, %max3A_2349, %min3A_2240 : vector<16xf32>
        %min3A_2353 = arith.minimumf %min3A_2240, %max3A_2349 : vector<16xf32>
        %max3A_2354 = arith.maximumf %min3A_2240, %max3A_2349 : vector<16xf32>
        %select_n3A_2355 = arith.select %lt3A_2352, %select_n3A_2351, %select_n3A_2242 : vector<16xi1>, vector<16xf32>
        %select_n3A_2356 = arith.select %lt3A_2352, %select_n3A_2242, %select_n3A_2351 : vector<16xi1>, vector<16xf32>
        %lt3A_2357 = arith.cmpf olt, %max3A_2354, %min3A_2245 : vector<16xf32>
        %min3A_2358 = arith.minimumf %min3A_2245, %max3A_2354 : vector<16xf32>
        %select_n3A_2359 = arith.select %lt3A_2357, %select_n3A_2356, %select_n3A_2246 : vector<16xi1>, vector<16xf32>
        scf.yield %min3A_2298, %min3A_2303, %min3A_2308, %min3A_2313, %min3A_2318, %select_n3A_2300, %select_n3A_2305, %select_n3A_2310, %select_n3A_2315, %select_n3A_2319, %min3A_2338, %min3A_2343, %min3A_2348, %min3A_2353, %min3A_2358, %select_n3A_2340, %select_n3A_2345, %select_n3A_2350, %select_n3A_2355, %select_n3A_2359 : vector<16xf32>, vector<16xf32>, vector<16xf32>, vector<16xf32>, vector<16xf32>, vector<16xf32>, vector<16xf32>, vector<16xf32>, vector<16xf32>, vector<16xf32>, vector<16xf32>, vector<16xf32>, vector<16xf32>, vector<16xf32>, vector<16xf32>, vector<16xf32>, vector<16xf32>, vector<16xf32>, vector<16xf32>, vector<16xf32>
      }
      %scan3A_1392 = arith.constant 128 : i32
      %mul3A_1393 = arith.constant 16 : i32
      %mul3A_1394 = arith.muli %scan3A_44, %mul3A_1393 : i32
      %add3A_1395 = arith.constant 10 : i32
      %add3A_1396 = arith.addi %mul3A_1394, %add3A_1395 : i32
      %add3A_1397 = arith.constant 0 : i32
      %add3A_1398 = arith.addi %add3A_1396, %add3A_1397 : i32
      %mul3A_1399 = arith.constant 5 : i32
      %mul3A_1400 = arith.muli %add3A_1398, %mul3A_1399 : i32
      %add3A_1401 = arith.constant 0 : i32
      %add3A_1402 = arith.addi %mul3A_1400, %add3A_1401 : i32
      %mul3A_1403 = arith.constant 16 : i32
      %mul3A_1404 = arith.muli %add3A_1402, %mul3A_1403 : i32
      %swap3A_1405 = arith.index_cast %mul3A_1404 : i32 to index
      %swap3A_1406 = tpu.vector_load %arg9[%swap3A_1405] {strides = array<i32>} : memref<40960xf32, #tpu.memory_space<vmem>>, vector<16xf32>,
      %swap3A_1407 = vector.shape_cast %swap3A_1406 : vector<16xf32> to vector<16xf32>
      %swap3A_1408 = vector.shape_cast %scan3A_1391#0 : vector<16xf32> to vector<16xf32>
      tpu.vector_store %arg9[%swap3A_1405], %swap3A_1408 {strides = array<i32>} : memref<40960xf32, #tpu.memory_space<vmem>>, vector<16xf32>,
      %mul3A_1409 = arith.constant 5 : i32
      %mul3A_1410 = arith.muli %add3A_1398, %mul3A_1409 : i32
      %add3A_1411 = arith.constant 0 : i32
      %add3A_1412 = arith.addi %mul3A_1410, %add3A_1411 : i32
      %mul3A_1413 = arith.constant 16 : i32
      %mul3A_1414 = arith.muli %add3A_1412, %mul3A_1413 : i32
      %swap3A_1415 = arith.index_cast %mul3A_1414 : i32 to index
      %swap3A_1416 = tpu.vector_load %arg10[%swap3A_1415] {strides = array<i32>} : memref<40960xf32, #tpu.memory_space<vmem>>, vector<16xf32>,
      %swap3A_1417 = vector.shape_cast %swap3A_1416 : vector<16xf32> to vector<16xf32>
      %swap3A_1418 = vector.shape_cast %scan3A_1391#5 : vector<16xf32> to vector<16xf32>
      tpu.vector_store %arg10[%swap3A_1415], %swap3A_1418 {strides = array<i32>} : memref<40960xf32, #tpu.memory_space<vmem>>, vector<16xf32>,
      %mul3A_1419 = arith.constant 5 : i32
      %mul3A_1420 = arith.muli %add3A_1398, %mul3A_1419 : i32
      %add3A_1421 = arith.constant 1 : i32
      %add3A_1422 = arith.addi %mul3A_1420, %add3A_1421 : i32
      %mul3A_1423 = arith.constant 16 : i32
      %mul3A_1424 = arith.muli %add3A_1422, %mul3A_1423 : i32
      %swap3A_1425 = arith.index_cast %mul3A_1424 : i32 to index
      %swap3A_1426 = tpu.vector_load %arg9[%swap3A_1425] {strides = array<i32>} : memref<40960xf32, #tpu.memory_space<vmem>>, vector<16xf32>,
      %swap3A_1427 = vector.shape_cast %swap3A_1426 : vector<16xf32> to vector<16xf32>
      %swap3A_1428 = vector.shape_cast %scan3A_1391#1 : vector<16xf32> to vector<16xf32>
      tpu.vector_store %arg9[%swap3A_1425], %swap3A_1428 {strides = array<i32>} : memref<40960xf32, #tpu.memory_space<vmem>>, vector<16xf32>,
      %mul3A_1429 = arith.constant 5 : i32
      %mul3A_1430 = arith.muli %add3A_1398, %mul3A_1429 : i32
      %add3A_1431 = arith.constant 1 : i32
      %add3A_1432 = arith.addi %mul3A_1430, %add3A_1431 : i32
      %mul3A_1433 = arith.constant 16 : i32
      %mul3A_1434 = arith.muli %add3A_1432, %mul3A_1433 : i32
      %swap3A_1435 = arith.index_cast %mul3A_1434 : i32 to index
      %swap3A_1436 = tpu.vector_load %arg10[%swap3A_1435] {strides = array<i32>} : memref<40960xf32, #tpu.memory_space<vmem>>, vector<16xf32>,
      %swap3A_1437 = vector.shape_cast %swap3A_1436 : vector<16xf32> to vector<16xf32>
      %swap3A_1438 = vector.shape_cast %scan3A_1391#6 : vector<16xf32> to vector<16xf32>
      tpu.vector_store %arg10[%swap3A_1435], %swap3A_1438 {strides = array<i32>} : memref<40960xf32, #tpu.memory_space<vmem>>, vector<16xf32>,
      %mul3A_1439 = arith.constant 5 : i32
      %mul3A_1440 = arith.muli %add3A_1398, %mul3A_1439 : i32
      %add3A_1441 = arith.constant 2 : i32
      %add3A_1442 = arith.addi %mul3A_1440, %add3A_1441 : i32
      %mul3A_1443 = arith.constant 16 : i32
      %mul3A_1444 = arith.muli %add3A_1442, %mul3A_1443 : i32
      %swap3A_1445 = arith.index_cast %mul3A_1444 : i32 to index
      %swap3A_1446 = tpu.vector_load %arg9[%swap3A_1445] {strides = array<i32>} : memref<40960xf32, #tpu.memory_space<vmem>>, vector<16xf32>,
      %swap3A_1447 = vector.shape_cast %swap3A_1446 : vector<16xf32> to vector<16xf32>
      %swap3A_1448 = vector.shape_cast %scan3A_1391#2 : vector<16xf32> to vector<16xf32>
      tpu.vector_store %arg9[%swap3A_1445], %swap3A_1448 {strides = array<i32>} : memref<40960xf32, #tpu.memory_space<vmem>>, vector<16xf32>,
      %mul3A_1449 = arith.constant 5 : i32
      %mul3A_1450 = arith.muli %add3A_1398, %mul3A_1449 : i32
      %add3A_1451 = arith.constant 2 : i32
      %add3A_1452 = arith.addi %mul3A_1450, %add3A_1451 : i32
      %mul3A_1453 = arith.constant 16 : i32
      %mul3A_1454 = arith.muli %add3A_1452, %mul3A_1453 : i32
      %swap3A_1455 = arith.index_cast %mul3A_1454 : i32 to index
      %swap3A_1456 = tpu.vector_load %arg10[%swap3A_1455] {strides = array<i32>} : memref<40960xf32, #tpu.memory_space<vmem>>, vector<16xf32>,
      %swap3A_1457 = vector.shape_cast %swap3A_1456 : vector<16xf32> to vector<16xf32>
      %swap3A_1458 = vector.shape_cast %scan3A_1391#7 : vector<16xf32> to vector<16xf32>
      tpu.vector_store %arg10[%swap3A_1455], %swap3A_1458 {strides = array<i32>} : memref<40960xf32, #tpu.memory_space<vmem>>, vector<16xf32>,
      %mul3A_1459 = arith.constant 5 : i32
      %mul3A_1460 = arith.muli %add3A_1398, %mul3A_1459 : i32
      %add3A_1461 = arith.constant 3 : i32
      %add3A_1462 = arith.addi %mul3A_1460, %add3A_1461 : i32
      %mul3A_1463 = arith.constant 16 : i32
      %mul3A_1464 = arith.muli %add3A_1462, %mul3A_1463 : i32
      %swap3A_1465 = arith.index_cast %mul3A_1464 : i32 to index
      %swap3A_1466 = tpu.vector_load %arg9[%swap3A_1465] {strides = array<i32>} : memref<40960xf32, #tpu.memory_space<vmem>>, vector<16xf32>,
      %swap3A_1467 = vector.shape_cast %swap3A_1466 : vector<16xf32> to vector<16xf32>
      %swap3A_1468 = vector.shape_cast %scan3A_1391#3 : vector<16xf32> to vector<16xf32>
      tpu.vector_store %arg9[%swap3A_1465], %swap3A_1468 {strides = array<i32>} : memref<40960xf32, #tpu.memory_space<vmem>>, vector<16xf32>,
      %mul3A_1469 = arith.constant 5 : i32
      %mul3A_1470 = arith.muli %add3A_1398, %mul3A_1469 : i32
      %add3A_1471 = arith.constant 3 : i32
      %add3A_1472 = arith.addi %mul3A_1470, %add3A_1471 : i32
      %mul3A_1473 = arith.constant 16 : i32
      %mul3A_1474 = arith.muli %add3A_1472, %mul3A_1473 : i32
      %swap3A_1475 = arith.index_cast %mul3A_1474 : i32 to index
      %swap3A_1476 = tpu.vector_load %arg10[%swap3A_1475] {strides = array<i32>} : memref<40960xf32, #tpu.memory_space<vmem>>, vector<16xf32>,
      %swap3A_1477 = vector.shape_cast %swap3A_1476 : vector<16xf32> to vector<16xf32>
      %swap3A_1478 = vector.shape_cast %scan3A_1391#8 : vector<16xf32> to vector<16xf32>
      tpu.vector_store %arg10[%swap3A_1475], %swap3A_1478 {strides = array<i32>} : memref<40960xf32, #tpu.memory_space<vmem>>, vector<16xf32>,
      %mul3A_1479 = arith.constant 5 : i32
      %mul3A_1480 = arith.muli %add3A_1398, %mul3A_1479 : i32
      %add3A_1481 = arith.constant 4 : i32
      %add3A_1482 = arith.addi %mul3A_1480, %add3A_1481 : i32
      %mul3A_1483 = arith.constant 16 : i32
      %mul3A_1484 = arith.muli %add3A_1482, %mul3A_1483 : i32
      %swap3A_1485 = arith.index_cast %mul3A_1484 : i32 to index
      %swap3A_1486 = tpu.vector_load %arg9[%swap3A_1485] {strides = array<i32>} : memref<40960xf32, #tpu.memory_space<vmem>>, vector<16xf32>,
      %swap3A_1487 = vector.shape_cast %swap3A_1486 : vector<16xf32> to vector<16xf32>
      %swap3A_1488 = vector.shape_cast %scan3A_1391#4 : vector<16xf32> to vector<16xf32>
      tpu.vector_store %arg9[%swap3A_1485], %swap3A_1488 {strides = array<i32>} : memref<40960xf32, #tpu.memory_space<vmem>>, vector<16xf32>,
      %mul3A_1489 = arith.constant 5 : i32
      %mul3A_1490 = arith.muli %add3A_1398, %mul3A_1489 : i32
      %add3A_1491 = arith.constant 4 : i32
      %add3A_1492 = arith.addi %mul3A_1490, %add3A_1491 : i32
      %mul3A_1493 = arith.constant 16 : i32
      %mul3A_1494 = arith.muli %add3A_1492, %mul3A_1493 : i32
      %swap3A_1495 = arith.index_cast %mul3A_1494 : i32 to index
      %swap3A_1496 = tpu.vector_load %arg10[%swap3A_1495] {strides = array<i32>} : memref<40960xf32, #tpu.memory_space<vmem>>, vector<16xf32>,
      %swap3A_1497 = vector.shape_cast %swap3A_1496 : vector<16xf32> to vector<16xf32>
      %swap3A_1498 = vector.shape_cast %scan3A_1391#9 : vector<16xf32> to vector<16xf32>
      tpu.vector_store %arg10[%swap3A_1495], %swap3A_1498 {strides = array<i32>} : memref<40960xf32, #tpu.memory_space<vmem>>, vector<16xf32>,
      %mul3A_1499 = arith.constant 16 : i32
      %mul3A_1500 = arith.muli %scan3A_44, %mul3A_1499 : i32
      %add3A_1501 = arith.constant 10 : i32
      %add3A_1502 = arith.addi %mul3A_1500, %add3A_1501 : i32
      %add3A_1503 = arith.constant 1 : i32
      %add3A_1504 = arith.addi %add3A_1502, %add3A_1503 : i32
      %mul3A_1505 = arith.constant 5 : i32
      %mul3A_1506 = arith.muli %add3A_1504, %mul3A_1505 : i32
      %add3A_1507 = arith.constant 0 : i32
      %add3A_1508 = arith.addi %mul3A_1506, %add3A_1507 : i32
      %mul3A_1509 = arith.constant 16 : i32
      %mul3A_1510 = arith.muli %add3A_1508, %mul3A_1509 : i32
      %swap3A_1511 = arith.index_cast %mul3A_1510 : i32 to index
      %swap3A_1512 = tpu.vector_load %arg9[%swap3A_1511] {strides = array<i32>} : memref<40960xf32, #tpu.memory_space<vmem>>, vector<16xf32>,
      %swap3A_1513 = vector.shape_cast %swap3A_1512 : vector<16xf32> to vector<16xf32>
      %swap3A_1514 = vector.shape_cast %scan3A_1391#10 : vector<16xf32> to vector<16xf32>
      tpu.vector_store %arg9[%swap3A_1511], %swap3A_1514 {strides = array<i32>} : memref<40960xf32, #tpu.memory_space<vmem>>, vector<16xf32>,
      %mul3A_1515 = arith.constant 5 : i32
      %mul3A_1516 = arith.muli %add3A_1504, %mul3A_1515 : i32
      %add3A_1517 = arith.constant 0 : i32
      %add3A_1518 = arith.addi %mul3A_1516, %add3A_1517 : i32
      %mul3A_1519 = arith.constant 16 : i32
      %mul3A_1520 = arith.muli %add3A_1518, %mul3A_1519 : i32
      %swap3A_1521 = arith.index_cast %mul3A_1520 : i32 to index
      %swap3A_1522 = tpu.vector_load %arg10[%swap3A_1521] {strides = array<i32>} : memref<40960xf32, #tpu.memory_space<vmem>>, vector<16xf32>,
      %swap3A_1523 = vector.shape_cast %swap3A_1522 : vector<16xf32> to vector<16xf32>
      %swap3A_1524 = vector.shape_cast %scan3A_1391#15 : vector<16xf32> to vector<16xf32>
      tpu.vector_store %arg10[%swap3A_1521], %swap3A_1524 {strides = array<i32>} : memref<40960xf32, #tpu.memory_space<vmem>>, vector<16xf32>,
      %mul3A_1525 = arith.constant 5 : i32
      %mul3A_1526 = arith.muli %add3A_1504, %mul3A_1525 : i32
      %add3A_1527 = arith.constant 1 : i32
      %add3A_1528 = arith.addi %mul3A_1526, %add3A_1527 : i32
      %mul3A_1529 = arith.constant 16 : i32
      %mul3A_1530 = arith.muli %add3A_1528, %mul3A_1529 : i32
      %swap3A_1531 = arith.index_cast %mul3A_1530 : i32 to index
      %swap3A_1532 = tpu.vector_load %arg9[%swap3A_1531] {strides = array<i32>} : memref<40960xf32, #tpu.memory_space<vmem>>, vector<16xf32>,
      %swap3A_1533 = vector.shape_cast %swap3A_1532 : vector<16xf32> to vector<16xf32>
      %swap3A_1534 = vector.shape_cast %scan3A_1391#11 : vector<16xf32> to vector<16xf32>
      tpu.vector_store %arg9[%swap3A_1531], %swap3A_1534 {strides = array<i32>} : memref<40960xf32, #tpu.memory_space<vmem>>, vector<16xf32>,
      %mul3A_1535 = arith.constant 5 : i32
      %mul3A_1536 = arith.muli %add3A_1504, %mul3A_1535 : i32
      %add3A_1537 = arith.constant 1 : i32
      %add3A_1538 = arith.addi %mul3A_1536, %add3A_1537 : i32
      %mul3A_1539 = arith.constant 16 : i32
      %mul3A_1540 = arith.muli %add3A_1538, %mul3A_1539 : i32
      %swap3A_1541 = arith.index_cast %mul3A_1540 : i32 to index
      %swap3A_1542 = tpu.vector_load %arg10[%swap3A_1541] {strides = array<i32>} : memref<40960xf32, #tpu.memory_space<vmem>>, vector<16xf32>,
      %swap3A_1543 = vector.shape_cast %swap3A_1542 : vector<16xf32> to vector<16xf32>
      %swap3A_1544 = vector.shape_cast %scan3A_1391#16 : vector<16xf32> to vector<16xf32>
      tpu.vector_store %arg10[%swap3A_1541], %swap3A_1544 {strides = array<i32>} : memref<40960xf32, #tpu.memory_space<vmem>>, vector<16xf32>,
      %mul3A_1545 = arith.constant 5 : i32
      %mul3A_1546 = arith.muli %add3A_1504, %mul3A_1545 : i32
      %add3A_1547 = arith.constant 2 : i32
      %add3A_1548 = arith.addi %mul3A_1546, %add3A_1547 : i32
      %mul3A_1549 = arith.constant 16 : i32
      %mul3A_1550 = arith.muli %add3A_1548, %mul3A_1549 : i32
      %swap3A_1551 = arith.index_cast %mul3A_1550 : i32 to index
      %swap3A_1552 = tpu.vector_load %arg9[%swap3A_1551] {strides = array<i32>} : memref<40960xf32, #tpu.memory_space<vmem>>, vector<16xf32>,
      %swap3A_1553 = vector.shape_cast %swap3A_1552 : vector<16xf32> to vector<16xf32>
      %swap3A_1554 = vector.shape_cast %scan3A_1391#12 : vector<16xf32> to vector<16xf32>
      tpu.vector_store %arg9[%swap3A_1551], %swap3A_1554 {strides = array<i32>} : memref<40960xf32, #tpu.memory_space<vmem>>, vector<16xf32>,
      %mul3A_1555 = arith.constant 5 : i32
      %mul3A_1556 = arith.muli %add3A_1504, %mul3A_1555 : i32
      %add3A_1557 = arith.constant 2 : i32
      %add3A_1558 = arith.addi %mul3A_1556, %add3A_1557 : i32
      %mul3A_1559 = arith.constant 16 : i32
      %mul3A_1560 = arith.muli %add3A_1558, %mul3A_1559 : i32
      %swap3A_1561 = arith.index_cast %mul3A_1560 : i32 to index
      %swap3A_1562 = tpu.vector_load %arg10[%swap3A_1561] {strides = array<i32>} : memref<40960xf32, #tpu.memory_space<vmem>>, vector<16xf32>,
      %swap3A_1563 = vector.shape_cast %swap3A_1562 : vector<16xf32> to vector<16xf32>
      %swap3A_1564 = vector.shape_cast %scan3A_1391#17 : vector<16xf32> to vector<16xf32>
      tpu.vector_store %arg10[%swap3A_1561], %swap3A_1564 {strides = array<i32>} : memref<40960xf32, #tpu.memory_space<vmem>>, vector<16xf32>,
      %mul3A_1565 = arith.constant 5 : i32
      %mul3A_1566 = arith.muli %add3A_1504, %mul3A_1565 : i32
      %add3A_1567 = arith.constant 3 : i32
      %add3A_1568 = arith.addi %mul3A_1566, %add3A_1567 : i32
      %mul3A_1569 = arith.constant 16 : i32
      %mul3A_1570 = arith.muli %add3A_1568, %mul3A_1569 : i32
      %swap3A_1571 = arith.index_cast %mul3A_1570 : i32 to index
      %swap3A_1572 = tpu.vector_load %arg9[%swap3A_1571] {strides = array<i32>} : memref<40960xf32, #tpu.memory_space<vmem>>, vector<16xf32>,
      %swap3A_1573 = vector.shape_cast %swap3A_1572 : vector<16xf32> to vector<16xf32>
      %swap3A_1574 = vector.shape_cast %scan3A_1391#13 : vector<16xf32> to vector<16xf32>
      tpu.vector_store %arg9[%swap3A_1571], %swap3A_1574 {strides = array<i32>} : memref<40960xf32, #tpu.memory_space<vmem>>, vector<16xf32>,
      %mul3A_1575 = arith.constant 5 : i32
      %mul3A_1576 = arith.muli %add3A_1504, %mul3A_1575 : i32
      %add3A_1577 = arith.constant 3 : i32
      %add3A_1578 = arith.addi %mul3A_1576, %add3A_1577 : i32
      %mul3A_1579 = arith.constant 16 : i32
      %mul3A_1580 = arith.muli %add3A_1578, %mul3A_1579 : i32
      %swap3A_1581 = arith.index_cast %mul3A_1580 : i32 to index
      %swap3A_1582 = tpu.vector_load %arg10[%swap3A_1581] {strides = array<i32>} : memref<40960xf32, #tpu.memory_space<vmem>>, vector<16xf32>,
      %swap3A_1583 = vector.shape_cast %swap3A_1582 : vector<16xf32> to vector<16xf32>
      %swap3A_1584 = vector.shape_cast %scan3A_1391#18 : vector<16xf32> to vector<16xf32>
      tpu.vector_store %arg10[%swap3A_1581], %swap3A_1584 {strides = array<i32>} : memref<40960xf32, #tpu.memory_space<vmem>>, vector<16xf32>,
      %mul3A_1585 = arith.constant 5 : i32
      %mul3A_1586 = arith.muli %add3A_1504, %mul3A_1585 : i32
      %add3A_1587 = arith.constant 4 : i32
      %add3A_1588 = arith.addi %mul3A_1586, %add3A_1587 : i32
      %mul3A_1589 = arith.constant 16 : i32
      %mul3A_1590 = arith.muli %add3A_1588, %mul3A_1589 : i32
      %swap3A_1591 = arith.index_cast %mul3A_1590 : i32 to index
      %swap3A_1592 = tpu.vector_load %arg9[%swap3A_1591] {strides = array<i32>} : memref<40960xf32, #tpu.memory_space<vmem>>, vector<16xf32>,
      %swap3A_1593 = vector.shape_cast %swap3A_1592 : vector<16xf32> to vector<16xf32>
      %swap3A_1594 = vector.shape_cast %scan3A_1391#14 : vector<16xf32> to vector<16xf32>
      tpu.vector_store %arg9[%swap3A_1591], %swap3A_1594 {strides = array<i32>} : memref<40960xf32, #tpu.memory_space<vmem>>, vector<16xf32>,
      %mul3A_1595 = arith.constant 5 : i32
      %mul3A_1596 = arith.muli %add3A_1504, %mul3A_1595 : i32
      %add3A_1597 = arith.constant 4 : i32
      %add3A_1598 = arith.addi %mul3A_1596, %add3A_1597 : i32
      %mul3A_1599 = arith.constant 16 : i32
      %mul3A_1600 = arith.muli %add3A_1598, %mul3A_1599 : i32
      %swap3A_1601 = arith.index_cast %mul3A_1600 : i32 to index
      %swap3A_1602 = tpu.vector_load %arg10[%swap3A_1601] {strides = array<i32>} : memref<40960xf32, #tpu.memory_space<vmem>>, vector<16xf32>,
      %swap3A_1603 = vector.shape_cast %swap3A_1602 : vector<16xf32> to vector<16xf32>
      %swap3A_1604 = vector.shape_cast %scan3A_1391#19 : vector<16xf32> to vector<16xf32>
      tpu.vector_store %arg10[%swap3A_1601], %swap3A_1604 {strides = array<i32>} : memref<40960xf32, #tpu.memory_space<vmem>>, vector<16xf32>,
      %slice3A_1605 = vector.extract_strided_slice %get3A_49 {offsets = [12], sizes = [1], strides = [1]} : vector<16xf32> to vector<1xf32>
      %squeeze3A_1606 = vector.extract %slice3A_1605[0] : f32 from vector<1xf32>
      %broadcast_in_dim3A_1607 = vector.broadcast %squeeze3A_1606 : f32 to vector<16xf32>
      %slice3A_1608 = vector.extract_strided_slice %get3A_54 {offsets = [12], sizes = [1], strides = [1]} : vector<16xf32> to vector<1xf32>
      %squeeze3A_1609 = vector.extract %slice3A_1608[0] : f32 from vector<1xf32>
      %broadcast_in_dim3A_1610 = vector.broadcast %squeeze3A_1609 : f32 to vector<16xf32>
      %slice3A_1611 = vector.extract_strided_slice %get3A_59 {offsets = [12], sizes = [1], strides = [1]} : vector<16xf32> to vector<1xf32>
      %squeeze3A_1612 = vector.extract %slice3A_1611[0] : f32 from vector<1xf32>
      %broadcast_in_dim3A_1613 = vector.broadcast %squeeze3A_1612 : f32 to vector<16xf32>
      %slice3A_1614 = vector.extract_strided_slice %get3A_62 {offsets = [12], sizes = [1], strides = [1]} : vector<16xf32> to vector<1xf32>
      %squeeze3A_1615 = vector.extract %slice3A_1614[0] : f32 from vector<1xf32>
      %broadcast_in_dim3A_1616 = vector.broadcast %squeeze3A_1615 : f32 to vector<16xf32>
      %slice3A_1617 = vector.extract_strided_slice %get3A_67 {offsets = [12], sizes = [1], strides = [1]} : vector<16xf32> to vector<1xf32>
      %squeeze3A_1618 = vector.extract %slice3A_1617[0] : f32 from vector<1xf32>
      %broadcast_in_dim3A_1619 = vector.broadcast %squeeze3A_1618 : f32 to vector<16xf32>
      %slice3A_1620 = vector.extract_strided_slice %get3A_72 {offsets = [12], sizes = [1], strides = [1]} : vector<16xf32> to vector<1xf32>
      %squeeze3A_1621 = vector.extract %slice3A_1620[0] : f32 from vector<1xf32>
      %broadcast_in_dim3A_1622 = vector.broadcast %squeeze3A_1621 : f32 to vector<16xf32>
      %slice3A_1623 = vector.extract_strided_slice %get3A_49 {offsets = [13], sizes = [1], strides = [1]} : vector<16xf32> to vector<1xf32>
      %squeeze3A_1624 = vector.extract %slice3A_1623[0] : f32 from vector<1xf32>
      %broadcast_in_dim3A_1625 = vector.broadcast %squeeze3A_1624 : f32 to vector<16xf32>
      %slice3A_1626 = vector.extract_strided_slice %get3A_54 {offsets = [13], sizes = [1], strides = [1]} : vector<16xf32> to vector<1xf32>
      %squeeze3A_1627 = vector.extract %slice3A_1626[0] : f32 from vector<1xf32>
      %broadcast_in_dim3A_1628 = vector.broadcast %squeeze3A_1627 : f32 to vector<16xf32>
      %slice3A_1629 = vector.extract_strided_slice %get3A_59 {offsets = [13], sizes = [1], strides = [1]} : vector<16xf32> to vector<1xf32>
      %squeeze3A_1630 = vector.extract %slice3A_1629[0] : f32 from vector<1xf32>
      %broadcast_in_dim3A_1631 = vector.broadcast %squeeze3A_1630 : f32 to vector<16xf32>
      %slice3A_1632 = vector.extract_strided_slice %get3A_62 {offsets = [13], sizes = [1], strides = [1]} : vector<16xf32> to vector<1xf32>
      %squeeze3A_1633 = vector.extract %slice3A_1632[0] : f32 from vector<1xf32>
      %broadcast_in_dim3A_1634 = vector.broadcast %squeeze3A_1633 : f32 to vector<16xf32>
      %slice3A_1635 = vector.extract_strided_slice %get3A_67 {offsets = [13], sizes = [1], strides = [1]} : vector<16xf32> to vector<1xf32>
      %squeeze3A_1636 = vector.extract %slice3A_1635[0] : f32 from vector<1xf32>
      %broadcast_in_dim3A_1637 = vector.broadcast %squeeze3A_1636 : f32 to vector<16xf32>
      %slice3A_1638 = vector.extract_strided_slice %get3A_72 {offsets = [13], sizes = [1], strides = [1]} : vector<16xf32> to vector<1xf32>
      %squeeze3A_1639 = vector.extract %slice3A_1638[0] : f32 from vector<1xf32>
      %broadcast_in_dim3A_1640 = vector.broadcast %squeeze3A_1639 : f32 to vector<16xf32>
      %broadcast_in_dim3A_1641 = arith.constant 3.000000e+38 : f32
      %broadcast_in_dim3A_1642 = vector.broadcast %broadcast_in_dim3A_1641 : f32 to vector<16xf32>
      %scan3A_1643 = arith.constant 0 : i32
      %scan3A_1644 = arith.constant 128 : i32
      %scan3A_1645 = arith.addi %scan3A_1643, %scan3A_1644 : i32
      %scan3A_1646 = arith.constant 2 : i32
      %scan3A_1647:20 = scf.for %scan3A_2117 = %scan3A_1643 to %scan3A_1645 step %scan3A_1646 iter_args(%scan3A_2118 = %broadcast_in_dim3A_1642, %scan3A_2119 = %broadcast_in_dim3A_1642, %scan3A_2120 = %broadcast_in_dim3A_1642, %scan3A_2121 = %broadcast_in_dim3A_1642, %scan3A_2122 = %broadcast_in_dim3A_1642, %scan3A_2123 = %broadcast_in_dim3A_1642, %scan3A_2124 = %broadcast_in_dim3A_1642, %scan3A_2125 = %broadcast_in_dim3A_1642, %scan3A_2126 = %broadcast_in_dim3A_1642, %scan3A_2127 = %broadcast_in_dim3A_1642, %scan3A_2128 = %broadcast_in_dim3A_1642, %scan3A_2129 = %broadcast_in_dim3A_1642, %scan3A_2130 = %broadcast_in_dim3A_1642, %scan3A_2131 = %broadcast_in_dim3A_1642, %scan3A_2132 = %broadcast_in_dim3A_1642, %scan3A_2133 = %broadcast_in_dim3A_1642, %scan3A_2134 = %broadcast_in_dim3A_1642, %scan3A_2135 = %broadcast_in_dim3A_1642, %scan3A_2136 = %broadcast_in_dim3A_1642, %scan3A_2137 = %broadcast_in_dim3A_1642) -> (vector<16xf32>, vector<16xf32>, vector<16xf32>, vector<16xf32>, vector<16xf32>, vector<16xf32>, vector<16xf32>, vector<16xf32>, vector<16xf32>, vector<16xf32>, vector<16xf32>, vector<16xf32>, vector<16xf32>, vector<16xf32>, vector<16xf32>, vector<16xf32>, vector<16xf32>, vector<16xf32>, vector<16xf32>, vector<16xf32>)  : i32 {
        %mul3A_2138 = arith.constant 16 : i32
        %mul3A_2139 = arith.muli %scan3A_2117, %mul3A_2138 : i32
        %mul3A_2140 = arith.constant 16 : i32
        %mul3A_2141 = arith.muli %scan3A_2117, %mul3A_2140 : i32
        %add3A_2142 = arith.constant 2048 : i32
        %add3A_2143 = arith.addi %add3A_2142, %mul3A_2141 : i32
        %mul3A_2144 = arith.constant 16 : i32
        %mul3A_2145 = arith.muli %scan3A_2117, %mul3A_2144 : i32
        %add3A_2146 = arith.constant 4096 : i32
        %add3A_2147 = arith.addi %add3A_2146, %mul3A_2145 : i32
        %get3A_2148 = arith.index_cast %mul3A_2139 : i32 to index
        %get3A_2149 = tpu.vector_load %arg6[%get3A_2148] {strides = array<i32>} : memref<6144xf32, #tpu.memory_space<vmem>>, vector<16xf32>,
        %get3A_2150 = vector.shape_cast %get3A_2149 : vector<16xf32> to vector<16xf32>
        %get3A_2151 = arith.index_cast %add3A_2143 : i32 to index
        %get3A_2152 = tpu.vector_load %arg6[%get3A_2151] {strides = array<i32>} : memref<6144xf32, #tpu.memory_space<vmem>>, vector<16xf32>,
        %get3A_2153 = vector.shape_cast %get3A_2152 : vector<16xf32> to vector<16xf32>
        %get3A_2154 = arith.index_cast %add3A_2147 : i32 to index
        %get3A_2155 = tpu.vector_load %arg6[%get3A_2154] {strides = array<i32>} : memref<6144xf32, #tpu.memory_space<vmem>>, vector<16xf32>,
        %get3A_2156 = vector.shape_cast %get3A_2155 : vector<16xf32> to vector<16xf32>
        %get3A_2157 = arith.index_cast %mul3A_2139 : i32 to index
        %get3A_2158 = tpu.vector_load %arg7[%get3A_2157] {strides = array<i32>} : memref<6144xf32, #tpu.memory_space<vmem>>, vector<16xf32>,
        %get3A_2159 = vector.shape_cast %get3A_2158 : vector<16xf32> to vector<16xf32>
        %get3A_2160 = arith.index_cast %add3A_2143 : i32 to index
        %get3A_2161 = tpu.vector_load %arg7[%get3A_2160] {strides = array<i32>} : memref<6144xf32, #tpu.memory_space<vmem>>, vector<16xf32>,
        %get3A_2162 = vector.shape_cast %get3A_2161 : vector<16xf32> to vector<16xf32>
        %get3A_2163 = arith.index_cast %add3A_2147 : i32 to index
        %get3A_2164 = tpu.vector_load %arg7[%get3A_2163] {strides = array<i32>} : memref<6144xf32, #tpu.memory_space<vmem>>, vector<16xf32>,
        %get3A_2165 = vector.shape_cast %get3A_2164 : vector<16xf32> to vector<16xf32>
        %get3A_2166 = arith.index_cast %mul3A_2139 : i32 to index
        %get3A_2167 = tpu.vector_load %arg8[%get3A_2166] {strides = array<i32>} : memref<2048xf32, #tpu.memory_space<vmem>>, vector<16xf32>,
        %get3A_2168 = vector.shape_cast %get3A_2167 : vector<16xf32> to vector<16xf32>
        %mul3A_2169 = arith.mulf %broadcast_in_dim3A_1616, %get3A_2159 : vector<16xf32>
        %mul3A_2170 = arith.mulf %broadcast_in_dim3A_1619, %get3A_2162 : vector<16xf32>
        %add3A_2171 = arith.addf %mul3A_2169, %mul3A_2170 : vector<16xf32>
        %mul3A_2172 = arith.mulf %broadcast_in_dim3A_1622, %get3A_2165 : vector<16xf32>
        %add3A_2173 = arith.addf %add3A_2171, %mul3A_2172 : vector<16xf32>
        %mul3A_2174 = arith.constant 2.000000e+00 : f32
        %mul3A_2175 = vector.broadcast %mul3A_2174 : f32 to vector<16xf32>
        %mul3A_2176 = arith.mulf %mul3A_2175, %add3A_2173 : vector<16xf32>
        %sub3A_2177 = arith.subf %get3A_2168, %mul3A_2176 : vector<16xf32>
        %sub3A_2178 = arith.subf %broadcast_in_dim3A_1607, %get3A_2150 : vector<16xf32>
        %sub3A_2179 = arith.subf %broadcast_in_dim3A_1610, %get3A_2153 : vector<16xf32>
        %sub3A_2180 = arith.subf %broadcast_in_dim3A_1613, %get3A_2156 : vector<16xf32>
        %mul3A_2181 = arith.mulf %sub3A_2178, %sub3A_2178 : vector<16xf32>
        %mul3A_2182 = arith.mulf %sub3A_2179, %sub3A_2179 : vector<16xf32>
        %add3A_2183 = arith.addf %mul3A_2181, %mul3A_2182 : vector<16xf32>
        %mul3A_2184 = arith.mulf %sub3A_2180, %sub3A_2180 : vector<16xf32>
        %add3A_2185 = arith.addf %add3A_2183, %mul3A_2184 : vector<16xf32>
        %lt3A_2186 = arith.cmpf olt, %sub3A_2177, %scan3A_2118 : vector<16xf32>
        %min3A = arith.minimumf %scan3A_2118, %sub3A_2177 : vector<16xf32>
        %max3A = arith.maximumf %scan3A_2118, %sub3A_2177 : vector<16xf32>
        %select_n3A_2187 = arith.select %lt3A_2186, %add3A_2185, %scan3A_2123 : vector<16xi1>, vector<16xf32>
        %select_n3A_2188 = arith.select %lt3A_2186, %scan3A_2123, %add3A_2185 : vector<16xi1>, vector<16xf32>
        %lt3A_2189 = arith.cmpf olt, %max3A, %scan3A_2119 : vector<16xf32>
        %min3A_2190 = arith.minimumf %scan3A_2119, %max3A : vector<16xf32>
        %max3A_2191 = arith.maximumf %scan3A_2119, %max3A : vector<16xf32>
        %select_n3A_2192 = arith.select %lt3A_2189, %select_n3A_2188, %scan3A_2124 : vector<16xi1>, vector<16xf32>
        %select_n3A_2193 = arith.select %lt3A_2189, %scan3A_2124, %select_n3A_2188 : vector<16xi1>, vector<16xf32>
        %lt3A_2194 = arith.cmpf olt, %max3A_2191, %scan3A_2120 : vector<16xf32>
        %min3A_2195 = arith.minimumf %scan3A_2120, %max3A_2191 : vector<16xf32>
        %max3A_2196 = arith.maximumf %scan3A_2120, %max3A_2191 : vector<16xf32>
        %select_n3A_2197 = arith.select %lt3A_2194, %select_n3A_2193, %scan3A_2125 : vector<16xi1>, vector<16xf32>
        %select_n3A_2198 = arith.select %lt3A_2194, %scan3A_2125, %select_n3A_2193 : vector<16xi1>, vector<16xf32>
        %lt3A_2199 = arith.cmpf olt, %max3A_2196, %scan3A_2121 : vector<16xf32>
        %min3A_2200 = arith.minimumf %scan3A_2121, %max3A_2196 : vector<16xf32>
        %max3A_2201 = arith.maximumf %scan3A_2121, %max3A_2196 : vector<16xf32>
        %select_n3A_2202 = arith.select %lt3A_2199, %select_n3A_2198, %scan3A_2126 : vector<16xi1>, vector<16xf32>
        %select_n3A_2203 = arith.select %lt3A_2199, %scan3A_2126, %select_n3A_2198 : vector<16xi1>, vector<16xf32>
        %lt3A_2204 = arith.cmpf olt, %max3A_2201, %scan3A_2122 : vector<16xf32>
        %min3A_2205 = arith.minimumf %scan3A_2122, %max3A_2201 : vector<16xf32>
        %select_n3A_2206 = arith.select %lt3A_2204, %select_n3A_2203, %scan3A_2127 : vector<16xi1>, vector<16xf32>
        %mul3A_2207 = arith.mulf %broadcast_in_dim3A_1634, %get3A_2159 : vector<16xf32>
        %mul3A_2208 = arith.mulf %broadcast_in_dim3A_1637, %get3A_2162 : vector<16xf32>
        %add3A_2209 = arith.addf %mul3A_2207, %mul3A_2208 : vector<16xf32>
        %mul3A_2210 = arith.mulf %broadcast_in_dim3A_1640, %get3A_2165 : vector<16xf32>
        %add3A_2211 = arith.addf %add3A_2209, %mul3A_2210 : vector<16xf32>
        %mul3A_2212 = arith.constant 2.000000e+00 : f32
        %mul3A_2213 = vector.broadcast %mul3A_2212 : f32 to vector<16xf32>
        %mul3A_2214 = arith.mulf %mul3A_2213, %add3A_2211 : vector<16xf32>
        %sub3A_2215 = arith.subf %get3A_2168, %mul3A_2214 : vector<16xf32>
        %sub3A_2216 = arith.subf %broadcast_in_dim3A_1625, %get3A_2150 : vector<16xf32>
        %sub3A_2217 = arith.subf %broadcast_in_dim3A_1628, %get3A_2153 : vector<16xf32>
        %sub3A_2218 = arith.subf %broadcast_in_dim3A_1631, %get3A_2156 : vector<16xf32>
        %mul3A_2219 = arith.mulf %sub3A_2216, %sub3A_2216 : vector<16xf32>
        %mul3A_2220 = arith.mulf %sub3A_2217, %sub3A_2217 : vector<16xf32>
        %add3A_2221 = arith.addf %mul3A_2219, %mul3A_2220 : vector<16xf32>
        %mul3A_2222 = arith.mulf %sub3A_2218, %sub3A_2218 : vector<16xf32>
        %add3A_2223 = arith.addf %add3A_2221, %mul3A_2222 : vector<16xf32>
        %lt3A_2224 = arith.cmpf olt, %sub3A_2215, %scan3A_2128 : vector<16xf32>
        %min3A_2225 = arith.minimumf %scan3A_2128, %sub3A_2215 : vector<16xf32>
        %max3A_2226 = arith.maximumf %scan3A_2128, %sub3A_2215 : vector<16xf32>
        %select_n3A_2227 = arith.select %lt3A_2224, %add3A_2223, %scan3A_2133 : vector<16xi1>, vector<16xf32>
        %select_n3A_2228 = arith.select %lt3A_2224, %scan3A_2133, %add3A_2223 : vector<16xi1>, vector<16xf32>
        %lt3A_2229 = arith.cmpf olt, %max3A_2226, %scan3A_2129 : vector<16xf32>
        %min3A_2230 = arith.minimumf %scan3A_2129, %max3A_2226 : vector<16xf32>
        %max3A_2231 = arith.maximumf %scan3A_2129, %max3A_2226 : vector<16xf32>
        %select_n3A_2232 = arith.select %lt3A_2229, %select_n3A_2228, %scan3A_2134 : vector<16xi1>, vector<16xf32>
        %select_n3A_2233 = arith.select %lt3A_2229, %scan3A_2134, %select_n3A_2228 : vector<16xi1>, vector<16xf32>
        %lt3A_2234 = arith.cmpf olt, %max3A_2231, %scan3A_2130 : vector<16xf32>
        %min3A_2235 = arith.minimumf %scan3A_2130, %max3A_2231 : vector<16xf32>
        %max3A_2236 = arith.maximumf %scan3A_2130, %max3A_2231 : vector<16xf32>
        %select_n3A_2237 = arith.select %lt3A_2234, %select_n3A_2233, %scan3A_2135 : vector<16xi1>, vector<16xf32>
        %select_n3A_2238 = arith.select %lt3A_2234, %scan3A_2135, %select_n3A_2233 : vector<16xi1>, vector<16xf32>
        %lt3A_2239 = arith.cmpf olt, %max3A_2236, %scan3A_2131 : vector<16xf32>
        %min3A_2240 = arith.minimumf %scan3A_2131, %max3A_2236 : vector<16xf32>
        %max3A_2241 = arith.maximumf %scan3A_2131, %max3A_2236 : vector<16xf32>
        %select_n3A_2242 = arith.select %lt3A_2239, %select_n3A_2238, %scan3A_2136 : vector<16xi1>, vector<16xf32>
        %select_n3A_2243 = arith.select %lt3A_2239, %scan3A_2136, %select_n3A_2238 : vector<16xi1>, vector<16xf32>
        %lt3A_2244 = arith.cmpf olt, %max3A_2241, %scan3A_2132 : vector<16xf32>
        %min3A_2245 = arith.minimumf %scan3A_2132, %max3A_2241 : vector<16xf32>
        %select_n3A_2246 = arith.select %lt3A_2244, %select_n3A_2243, %scan3A_2137 : vector<16xi1>, vector<16xf32>
        %scan3A_2247 = arith.constant 1 : i32
        %scan3A_2248 = arith.addi %scan3A_2117, %scan3A_2247 : i32
        %mul3A_2249 = arith.constant 16 : i32
        %mul3A_2250 = arith.muli %scan3A_2248, %mul3A_2249 : i32
        %mul3A_2251 = arith.constant 16 : i32
        %mul3A_2252 = arith.muli %scan3A_2248, %mul3A_2251 : i32
        %add3A_2253 = arith.constant 2048 : i32
        %add3A_2254 = arith.addi %add3A_2253, %mul3A_2252 : i32
        %mul3A_2255 = arith.constant 16 : i32
        %mul3A_2256 = arith.muli %scan3A_2248, %mul3A_2255 : i32
        %add3A_2257 = arith.constant 4096 : i32
        %add3A_2258 = arith.addi %add3A_2257, %mul3A_2256 : i32
        %get3A_2259 = arith.index_cast %mul3A_2250 : i32 to index
        %get3A_2260 = tpu.vector_load %arg6[%get3A_2259] {strides = array<i32>} : memref<6144xf32, #tpu.memory_space<vmem>>, vector<16xf32>,
        %get3A_2261 = vector.shape_cast %get3A_2260 : vector<16xf32> to vector<16xf32>
        %get3A_2262 = arith.index_cast %add3A_2254 : i32 to index
        %get3A_2263 = tpu.vector_load %arg6[%get3A_2262] {strides = array<i32>} : memref<6144xf32, #tpu.memory_space<vmem>>, vector<16xf32>,
        %get3A_2264 = vector.shape_cast %get3A_2263 : vector<16xf32> to vector<16xf32>
        %get3A_2265 = arith.index_cast %add3A_2258 : i32 to index
        %get3A_2266 = tpu.vector_load %arg6[%get3A_2265] {strides = array<i32>} : memref<6144xf32, #tpu.memory_space<vmem>>, vector<16xf32>,
        %get3A_2267 = vector.shape_cast %get3A_2266 : vector<16xf32> to vector<16xf32>
        %get3A_2268 = arith.index_cast %mul3A_2250 : i32 to index
        %get3A_2269 = tpu.vector_load %arg7[%get3A_2268] {strides = array<i32>} : memref<6144xf32, #tpu.memory_space<vmem>>, vector<16xf32>,
        %get3A_2270 = vector.shape_cast %get3A_2269 : vector<16xf32> to vector<16xf32>
        %get3A_2271 = arith.index_cast %add3A_2254 : i32 to index
        %get3A_2272 = tpu.vector_load %arg7[%get3A_2271] {strides = array<i32>} : memref<6144xf32, #tpu.memory_space<vmem>>, vector<16xf32>,
        %get3A_2273 = vector.shape_cast %get3A_2272 : vector<16xf32> to vector<16xf32>
        %get3A_2274 = arith.index_cast %add3A_2258 : i32 to index
        %get3A_2275 = tpu.vector_load %arg7[%get3A_2274] {strides = array<i32>} : memref<6144xf32, #tpu.memory_space<vmem>>, vector<16xf32>,
        %get3A_2276 = vector.shape_cast %get3A_2275 : vector<16xf32> to vector<16xf32>
        %get3A_2277 = arith.index_cast %mul3A_2250 : i32 to index
        %get3A_2278 = tpu.vector_load %arg8[%get3A_2277] {strides = array<i32>} : memref<2048xf32, #tpu.memory_space<vmem>>, vector<16xf32>,
        %get3A_2279 = vector.shape_cast %get3A_2278 : vector<16xf32> to vector<16xf32>
        %mul3A_2280 = arith.mulf %broadcast_in_dim3A_1616, %get3A_2270 : vector<16xf32>
        %mul3A_2281 = arith.mulf %broadcast_in_dim3A_1619, %get3A_2273 : vector<16xf32>
        %add3A_2282 = arith.addf %mul3A_2280, %mul3A_2281 : vector<16xf32>
        %mul3A_2283 = arith.mulf %broadcast_in_dim3A_1622, %get3A_2276 : vector<16xf32>
        %add3A_2284 = arith.addf %add3A_2282, %mul3A_2283 : vector<16xf32>
        %mul3A_2285 = arith.constant 2.000000e+00 : f32
        %mul3A_2286 = vector.broadcast %mul3A_2285 : f32 to vector<16xf32>
        %mul3A_2287 = arith.mulf %mul3A_2286, %add3A_2284 : vector<16xf32>
        %sub3A_2288 = arith.subf %get3A_2279, %mul3A_2287 : vector<16xf32>
        %sub3A_2289 = arith.subf %broadcast_in_dim3A_1607, %get3A_2261 : vector<16xf32>
        %sub3A_2290 = arith.subf %broadcast_in_dim3A_1610, %get3A_2264 : vector<16xf32>
        %sub3A_2291 = arith.subf %broadcast_in_dim3A_1613, %get3A_2267 : vector<16xf32>
        %mul3A_2292 = arith.mulf %sub3A_2289, %sub3A_2289 : vector<16xf32>
        %mul3A_2293 = arith.mulf %sub3A_2290, %sub3A_2290 : vector<16xf32>
        %add3A_2294 = arith.addf %mul3A_2292, %mul3A_2293 : vector<16xf32>
        %mul3A_2295 = arith.mulf %sub3A_2291, %sub3A_2291 : vector<16xf32>
        %add3A_2296 = arith.addf %add3A_2294, %mul3A_2295 : vector<16xf32>
        %lt3A_2297 = arith.cmpf olt, %sub3A_2288, %min3A : vector<16xf32>
        %min3A_2298 = arith.minimumf %min3A, %sub3A_2288 : vector<16xf32>
        %max3A_2299 = arith.maximumf %min3A, %sub3A_2288 : vector<16xf32>
        %select_n3A_2300 = arith.select %lt3A_2297, %add3A_2296, %select_n3A_2187 : vector<16xi1>, vector<16xf32>
        %select_n3A_2301 = arith.select %lt3A_2297, %select_n3A_2187, %add3A_2296 : vector<16xi1>, vector<16xf32>
        %lt3A_2302 = arith.cmpf olt, %max3A_2299, %min3A_2190 : vector<16xf32>
        %min3A_2303 = arith.minimumf %min3A_2190, %max3A_2299 : vector<16xf32>
        %max3A_2304 = arith.maximumf %min3A_2190, %max3A_2299 : vector<16xf32>
        %select_n3A_2305 = arith.select %lt3A_2302, %select_n3A_2301, %select_n3A_2192 : vector<16xi1>, vector<16xf32>
        %select_n3A_2306 = arith.select %lt3A_2302, %select_n3A_2192, %select_n3A_2301 : vector<16xi1>, vector<16xf32>
        %lt3A_2307 = arith.cmpf olt, %max3A_2304, %min3A_2195 : vector<16xf32>
        %min3A_2308 = arith.minimumf %min3A_2195, %max3A_2304 : vector<16xf32>
        %max3A_2309 = arith.maximumf %min3A_2195, %max3A_2304 : vector<16xf32>
        %select_n3A_2310 = arith.select %lt3A_2307, %select_n3A_2306, %select_n3A_2197 : vector<16xi1>, vector<16xf32>
        %select_n3A_2311 = arith.select %lt3A_2307, %select_n3A_2197, %select_n3A_2306 : vector<16xi1>, vector<16xf32>
        %lt3A_2312 = arith.cmpf olt, %max3A_2309, %min3A_2200 : vector<16xf32>
        %min3A_2313 = arith.minimumf %min3A_2200, %max3A_2309 : vector<16xf32>
        %max3A_2314 = arith.maximumf %min3A_2200, %max3A_2309 : vector<16xf32>
        %select_n3A_2315 = arith.select %lt3A_2312, %select_n3A_2311, %select_n3A_2202 : vector<16xi1>, vector<16xf32>
        %select_n3A_2316 = arith.select %lt3A_2312, %select_n3A_2202, %select_n3A_2311 : vector<16xi1>, vector<16xf32>
        %lt3A_2317 = arith.cmpf olt, %max3A_2314, %min3A_2205 : vector<16xf32>
        %min3A_2318 = arith.minimumf %min3A_2205, %max3A_2314 : vector<16xf32>
        %select_n3A_2319 = arith.select %lt3A_2317, %select_n3A_2316, %select_n3A_2206 : vector<16xi1>, vector<16xf32>
        %mul3A_2320 = arith.mulf %broadcast_in_dim3A_1634, %get3A_2270 : vector<16xf32>
        %mul3A_2321 = arith.mulf %broadcast_in_dim3A_1637, %get3A_2273 : vector<16xf32>
        %add3A_2322 = arith.addf %mul3A_2320, %mul3A_2321 : vector<16xf32>
        %mul3A_2323 = arith.mulf %broadcast_in_dim3A_1640, %get3A_2276 : vector<16xf32>
        %add3A_2324 = arith.addf %add3A_2322, %mul3A_2323 : vector<16xf32>
        %mul3A_2325 = arith.constant 2.000000e+00 : f32
        %mul3A_2326 = vector.broadcast %mul3A_2325 : f32 to vector<16xf32>
        %mul3A_2327 = arith.mulf %mul3A_2326, %add3A_2324 : vector<16xf32>
        %sub3A_2328 = arith.subf %get3A_2279, %mul3A_2327 : vector<16xf32>
        %sub3A_2329 = arith.subf %broadcast_in_dim3A_1625, %get3A_2261 : vector<16xf32>
        %sub3A_2330 = arith.subf %broadcast_in_dim3A_1628, %get3A_2264 : vector<16xf32>
        %sub3A_2331 = arith.subf %broadcast_in_dim3A_1631, %get3A_2267 : vector<16xf32>
        %mul3A_2332 = arith.mulf %sub3A_2329, %sub3A_2329 : vector<16xf32>
        %mul3A_2333 = arith.mulf %sub3A_2330, %sub3A_2330 : vector<16xf32>
        %add3A_2334 = arith.addf %mul3A_2332, %mul3A_2333 : vector<16xf32>
        %mul3A_2335 = arith.mulf %sub3A_2331, %sub3A_2331 : vector<16xf32>
        %add3A_2336 = arith.addf %add3A_2334, %mul3A_2335 : vector<16xf32>
        %lt3A_2337 = arith.cmpf olt, %sub3A_2328, %min3A_2225 : vector<16xf32>
        %min3A_2338 = arith.minimumf %min3A_2225, %sub3A_2328 : vector<16xf32>
        %max3A_2339 = arith.maximumf %min3A_2225, %sub3A_2328 : vector<16xf32>
        %select_n3A_2340 = arith.select %lt3A_2337, %add3A_2336, %select_n3A_2227 : vector<16xi1>, vector<16xf32>
        %select_n3A_2341 = arith.select %lt3A_2337, %select_n3A_2227, %add3A_2336 : vector<16xi1>, vector<16xf32>
        %lt3A_2342 = arith.cmpf olt, %max3A_2339, %min3A_2230 : vector<16xf32>
        %min3A_2343 = arith.minimumf %min3A_2230, %max3A_2339 : vector<16xf32>
        %max3A_2344 = arith.maximumf %min3A_2230, %max3A_2339 : vector<16xf32>
        %select_n3A_2345 = arith.select %lt3A_2342, %select_n3A_2341, %select_n3A_2232 : vector<16xi1>, vector<16xf32>
        %select_n3A_2346 = arith.select %lt3A_2342, %select_n3A_2232, %select_n3A_2341 : vector<16xi1>, vector<16xf32>
        %lt3A_2347 = arith.cmpf olt, %max3A_2344, %min3A_2235 : vector<16xf32>
        %min3A_2348 = arith.minimumf %min3A_2235, %max3A_2344 : vector<16xf32>
        %max3A_2349 = arith.maximumf %min3A_2235, %max3A_2344 : vector<16xf32>
        %select_n3A_2350 = arith.select %lt3A_2347, %select_n3A_2346, %select_n3A_2237 : vector<16xi1>, vector<16xf32>
        %select_n3A_2351 = arith.select %lt3A_2347, %select_n3A_2237, %select_n3A_2346 : vector<16xi1>, vector<16xf32>
        %lt3A_2352 = arith.cmpf olt, %max3A_2349, %min3A_2240 : vector<16xf32>
        %min3A_2353 = arith.minimumf %min3A_2240, %max3A_2349 : vector<16xf32>
        %max3A_2354 = arith.maximumf %min3A_2240, %max3A_2349 : vector<16xf32>
        %select_n3A_2355 = arith.select %lt3A_2352, %select_n3A_2351, %select_n3A_2242 : vector<16xi1>, vector<16xf32>
        %select_n3A_2356 = arith.select %lt3A_2352, %select_n3A_2242, %select_n3A_2351 : vector<16xi1>, vector<16xf32>
        %lt3A_2357 = arith.cmpf olt, %max3A_2354, %min3A_2245 : vector<16xf32>
        %min3A_2358 = arith.minimumf %min3A_2245, %max3A_2354 : vector<16xf32>
        %select_n3A_2359 = arith.select %lt3A_2357, %select_n3A_2356, %select_n3A_2246 : vector<16xi1>, vector<16xf32>
        scf.yield %min3A_2298, %min3A_2303, %min3A_2308, %min3A_2313, %min3A_2318, %select_n3A_2300, %select_n3A_2305, %select_n3A_2310, %select_n3A_2315, %select_n3A_2319, %min3A_2338, %min3A_2343, %min3A_2348, %min3A_2353, %min3A_2358, %select_n3A_2340, %select_n3A_2345, %select_n3A_2350, %select_n3A_2355, %select_n3A_2359 : vector<16xf32>, vector<16xf32>, vector<16xf32>, vector<16xf32>, vector<16xf32>, vector<16xf32>, vector<16xf32>, vector<16xf32>, vector<16xf32>, vector<16xf32>, vector<16xf32>, vector<16xf32>, vector<16xf32>, vector<16xf32>, vector<16xf32>, vector<16xf32>, vector<16xf32>, vector<16xf32>, vector<16xf32>, vector<16xf32>
      }
      %scan3A_1648 = arith.constant 128 : i32
      %mul3A_1649 = arith.constant 16 : i32
      %mul3A_1650 = arith.muli %scan3A_44, %mul3A_1649 : i32
      %add3A_1651 = arith.constant 12 : i32
      %add3A_1652 = arith.addi %mul3A_1650, %add3A_1651 : i32
      %add3A_1653 = arith.constant 0 : i32
      %add3A_1654 = arith.addi %add3A_1652, %add3A_1653 : i32
      %mul3A_1655 = arith.constant 5 : i32
      %mul3A_1656 = arith.muli %add3A_1654, %mul3A_1655 : i32
      %add3A_1657 = arith.constant 0 : i32
      %add3A_1658 = arith.addi %mul3A_1656, %add3A_1657 : i32
      %mul3A_1659 = arith.constant 16 : i32
      %mul3A_1660 = arith.muli %add3A_1658, %mul3A_1659 : i32
      %swap3A_1661 = arith.index_cast %mul3A_1660 : i32 to index
      %swap3A_1662 = tpu.vector_load %arg9[%swap3A_1661] {strides = array<i32>} : memref<40960xf32, #tpu.memory_space<vmem>>, vector<16xf32>,
      %swap3A_1663 = vector.shape_cast %swap3A_1662 : vector<16xf32> to vector<16xf32>
      %swap3A_1664 = vector.shape_cast %scan3A_1647#0 : vector<16xf32> to vector<16xf32>
      tpu.vector_store %arg9[%swap3A_1661], %swap3A_1664 {strides = array<i32>} : memref<40960xf32, #tpu.memory_space<vmem>>, vector<16xf32>,
      %mul3A_1665 = arith.constant 5 : i32
      %mul3A_1666 = arith.muli %add3A_1654, %mul3A_1665 : i32
      %add3A_1667 = arith.constant 0 : i32
      %add3A_1668 = arith.addi %mul3A_1666, %add3A_1667 : i32
      %mul3A_1669 = arith.constant 16 : i32
      %mul3A_1670 = arith.muli %add3A_1668, %mul3A_1669 : i32
      %swap3A_1671 = arith.index_cast %mul3A_1670 : i32 to index
      %swap3A_1672 = tpu.vector_load %arg10[%swap3A_1671] {strides = array<i32>} : memref<40960xf32, #tpu.memory_space<vmem>>, vector<16xf32>,
      %swap3A_1673 = vector.shape_cast %swap3A_1672 : vector<16xf32> to vector<16xf32>
      %swap3A_1674 = vector.shape_cast %scan3A_1647#5 : vector<16xf32> to vector<16xf32>
      tpu.vector_store %arg10[%swap3A_1671], %swap3A_1674 {strides = array<i32>} : memref<40960xf32, #tpu.memory_space<vmem>>, vector<16xf32>,
      %mul3A_1675 = arith.constant 5 : i32
      %mul3A_1676 = arith.muli %add3A_1654, %mul3A_1675 : i32
      %add3A_1677 = arith.constant 1 : i32
      %add3A_1678 = arith.addi %mul3A_1676, %add3A_1677 : i32
      %mul3A_1679 = arith.constant 16 : i32
      %mul3A_1680 = arith.muli %add3A_1678, %mul3A_1679 : i32
      %swap3A_1681 = arith.index_cast %mul3A_1680 : i32 to index
      %swap3A_1682 = tpu.vector_load %arg9[%swap3A_1681] {strides = array<i32>} : memref<40960xf32, #tpu.memory_space<vmem>>, vector<16xf32>,
      %swap3A_1683 = vector.shape_cast %swap3A_1682 : vector<16xf32> to vector<16xf32>
      %swap3A_1684 = vector.shape_cast %scan3A_1647#1 : vector<16xf32> to vector<16xf32>
      tpu.vector_store %arg9[%swap3A_1681], %swap3A_1684 {strides = array<i32>} : memref<40960xf32, #tpu.memory_space<vmem>>, vector<16xf32>,
      %mul3A_1685 = arith.constant 5 : i32
      %mul3A_1686 = arith.muli %add3A_1654, %mul3A_1685 : i32
      %add3A_1687 = arith.constant 1 : i32
      %add3A_1688 = arith.addi %mul3A_1686, %add3A_1687 : i32
      %mul3A_1689 = arith.constant 16 : i32
      %mul3A_1690 = arith.muli %add3A_1688, %mul3A_1689 : i32
      %swap3A_1691 = arith.index_cast %mul3A_1690 : i32 to index
      %swap3A_1692 = tpu.vector_load %arg10[%swap3A_1691] {strides = array<i32>} : memref<40960xf32, #tpu.memory_space<vmem>>, vector<16xf32>,
      %swap3A_1693 = vector.shape_cast %swap3A_1692 : vector<16xf32> to vector<16xf32>
      %swap3A_1694 = vector.shape_cast %scan3A_1647#6 : vector<16xf32> to vector<16xf32>
      tpu.vector_store %arg10[%swap3A_1691], %swap3A_1694 {strides = array<i32>} : memref<40960xf32, #tpu.memory_space<vmem>>, vector<16xf32>,
      %mul3A_1695 = arith.constant 5 : i32
      %mul3A_1696 = arith.muli %add3A_1654, %mul3A_1695 : i32
      %add3A_1697 = arith.constant 2 : i32
      %add3A_1698 = arith.addi %mul3A_1696, %add3A_1697 : i32
      %mul3A_1699 = arith.constant 16 : i32
      %mul3A_1700 = arith.muli %add3A_1698, %mul3A_1699 : i32
      %swap3A_1701 = arith.index_cast %mul3A_1700 : i32 to index
      %swap3A_1702 = tpu.vector_load %arg9[%swap3A_1701] {strides = array<i32>} : memref<40960xf32, #tpu.memory_space<vmem>>, vector<16xf32>,
      %swap3A_1703 = vector.shape_cast %swap3A_1702 : vector<16xf32> to vector<16xf32>
      %swap3A_1704 = vector.shape_cast %scan3A_1647#2 : vector<16xf32> to vector<16xf32>
      tpu.vector_store %arg9[%swap3A_1701], %swap3A_1704 {strides = array<i32>} : memref<40960xf32, #tpu.memory_space<vmem>>, vector<16xf32>,
      %mul3A_1705 = arith.constant 5 : i32
      %mul3A_1706 = arith.muli %add3A_1654, %mul3A_1705 : i32
      %add3A_1707 = arith.constant 2 : i32
      %add3A_1708 = arith.addi %mul3A_1706, %add3A_1707 : i32
      %mul3A_1709 = arith.constant 16 : i32
      %mul3A_1710 = arith.muli %add3A_1708, %mul3A_1709 : i32
      %swap3A_1711 = arith.index_cast %mul3A_1710 : i32 to index
      %swap3A_1712 = tpu.vector_load %arg10[%swap3A_1711] {strides = array<i32>} : memref<40960xf32, #tpu.memory_space<vmem>>, vector<16xf32>,
      %swap3A_1713 = vector.shape_cast %swap3A_1712 : vector<16xf32> to vector<16xf32>
      %swap3A_1714 = vector.shape_cast %scan3A_1647#7 : vector<16xf32> to vector<16xf32>
      tpu.vector_store %arg10[%swap3A_1711], %swap3A_1714 {strides = array<i32>} : memref<40960xf32, #tpu.memory_space<vmem>>, vector<16xf32>,
      %mul3A_1715 = arith.constant 5 : i32
      %mul3A_1716 = arith.muli %add3A_1654, %mul3A_1715 : i32
      %add3A_1717 = arith.constant 3 : i32
      %add3A_1718 = arith.addi %mul3A_1716, %add3A_1717 : i32
      %mul3A_1719 = arith.constant 16 : i32
      %mul3A_1720 = arith.muli %add3A_1718, %mul3A_1719 : i32
      %swap3A_1721 = arith.index_cast %mul3A_1720 : i32 to index
      %swap3A_1722 = tpu.vector_load %arg9[%swap3A_1721] {strides = array<i32>} : memref<40960xf32, #tpu.memory_space<vmem>>, vector<16xf32>,
      %swap3A_1723 = vector.shape_cast %swap3A_1722 : vector<16xf32> to vector<16xf32>
      %swap3A_1724 = vector.shape_cast %scan3A_1647#3 : vector<16xf32> to vector<16xf32>
      tpu.vector_store %arg9[%swap3A_1721], %swap3A_1724 {strides = array<i32>} : memref<40960xf32, #tpu.memory_space<vmem>>, vector<16xf32>,
      %mul3A_1725 = arith.constant 5 : i32
      %mul3A_1726 = arith.muli %add3A_1654, %mul3A_1725 : i32
      %add3A_1727 = arith.constant 3 : i32
      %add3A_1728 = arith.addi %mul3A_1726, %add3A_1727 : i32
      %mul3A_1729 = arith.constant 16 : i32
      %mul3A_1730 = arith.muli %add3A_1728, %mul3A_1729 : i32
      %swap3A_1731 = arith.index_cast %mul3A_1730 : i32 to index
      %swap3A_1732 = tpu.vector_load %arg10[%swap3A_1731] {strides = array<i32>} : memref<40960xf32, #tpu.memory_space<vmem>>, vector<16xf32>,
      %swap3A_1733 = vector.shape_cast %swap3A_1732 : vector<16xf32> to vector<16xf32>
      %swap3A_1734 = vector.shape_cast %scan3A_1647#8 : vector<16xf32> to vector<16xf32>
      tpu.vector_store %arg10[%swap3A_1731], %swap3A_1734 {strides = array<i32>} : memref<40960xf32, #tpu.memory_space<vmem>>, vector<16xf32>,
      %mul3A_1735 = arith.constant 5 : i32
      %mul3A_1736 = arith.muli %add3A_1654, %mul3A_1735 : i32
      %add3A_1737 = arith.constant 4 : i32
      %add3A_1738 = arith.addi %mul3A_1736, %add3A_1737 : i32
      %mul3A_1739 = arith.constant 16 : i32
      %mul3A_1740 = arith.muli %add3A_1738, %mul3A_1739 : i32
      %swap3A_1741 = arith.index_cast %mul3A_1740 : i32 to index
      %swap3A_1742 = tpu.vector_load %arg9[%swap3A_1741] {strides = array<i32>} : memref<40960xf32, #tpu.memory_space<vmem>>, vector<16xf32>,
      %swap3A_1743 = vector.shape_cast %swap3A_1742 : vector<16xf32> to vector<16xf32>
      %swap3A_1744 = vector.shape_cast %scan3A_1647#4 : vector<16xf32> to vector<16xf32>
      tpu.vector_store %arg9[%swap3A_1741], %swap3A_1744 {strides = array<i32>} : memref<40960xf32, #tpu.memory_space<vmem>>, vector<16xf32>,
      %mul3A_1745 = arith.constant 5 : i32
      %mul3A_1746 = arith.muli %add3A_1654, %mul3A_1745 : i32
      %add3A_1747 = arith.constant 4 : i32
      %add3A_1748 = arith.addi %mul3A_1746, %add3A_1747 : i32
      %mul3A_1749 = arith.constant 16 : i32
      %mul3A_1750 = arith.muli %add3A_1748, %mul3A_1749 : i32
      %swap3A_1751 = arith.index_cast %mul3A_1750 : i32 to index
      %swap3A_1752 = tpu.vector_load %arg10[%swap3A_1751] {strides = array<i32>} : memref<40960xf32, #tpu.memory_space<vmem>>, vector<16xf32>,
      %swap3A_1753 = vector.shape_cast %swap3A_1752 : vector<16xf32> to vector<16xf32>
      %swap3A_1754 = vector.shape_cast %scan3A_1647#9 : vector<16xf32> to vector<16xf32>
      tpu.vector_store %arg10[%swap3A_1751], %swap3A_1754 {strides = array<i32>} : memref<40960xf32, #tpu.memory_space<vmem>>, vector<16xf32>,
      %mul3A_1755 = arith.constant 16 : i32
      %mul3A_1756 = arith.muli %scan3A_44, %mul3A_1755 : i32
      %add3A_1757 = arith.constant 12 : i32
      %add3A_1758 = arith.addi %mul3A_1756, %add3A_1757 : i32
      %add3A_1759 = arith.constant 1 : i32
      %add3A_1760 = arith.addi %add3A_1758, %add3A_1759 : i32
      %mul3A_1761 = arith.constant 5 : i32
      %mul3A_1762 = arith.muli %add3A_1760, %mul3A_1761 : i32
      %add3A_1763 = arith.constant 0 : i32
      %add3A_1764 = arith.addi %mul3A_1762, %add3A_1763 : i32
      %mul3A_1765 = arith.constant 16 : i32
      %mul3A_1766 = arith.muli %add3A_1764, %mul3A_1765 : i32
      %swap3A_1767 = arith.index_cast %mul3A_1766 : i32 to index
      %swap3A_1768 = tpu.vector_load %arg9[%swap3A_1767] {strides = array<i32>} : memref<40960xf32, #tpu.memory_space<vmem>>, vector<16xf32>,
      %swap3A_1769 = vector.shape_cast %swap3A_1768 : vector<16xf32> to vector<16xf32>
      %swap3A_1770 = vector.shape_cast %scan3A_1647#10 : vector<16xf32> to vector<16xf32>
      tpu.vector_store %arg9[%swap3A_1767], %swap3A_1770 {strides = array<i32>} : memref<40960xf32, #tpu.memory_space<vmem>>, vector<16xf32>,
      %mul3A_1771 = arith.constant 5 : i32
      %mul3A_1772 = arith.muli %add3A_1760, %mul3A_1771 : i32
      %add3A_1773 = arith.constant 0 : i32
      %add3A_1774 = arith.addi %mul3A_1772, %add3A_1773 : i32
      %mul3A_1775 = arith.constant 16 : i32
      %mul3A_1776 = arith.muli %add3A_1774, %mul3A_1775 : i32
      %swap3A_1777 = arith.index_cast %mul3A_1776 : i32 to index
      %swap3A_1778 = tpu.vector_load %arg10[%swap3A_1777] {strides = array<i32>} : memref<40960xf32, #tpu.memory_space<vmem>>, vector<16xf32>,
      %swap3A_1779 = vector.shape_cast %swap3A_1778 : vector<16xf32> to vector<16xf32>
      %swap3A_1780 = vector.shape_cast %scan3A_1647#15 : vector<16xf32> to vector<16xf32>
      tpu.vector_store %arg10[%swap3A_1777], %swap3A_1780 {strides = array<i32>} : memref<40960xf32, #tpu.memory_space<vmem>>, vector<16xf32>,
      %mul3A_1781 = arith.constant 5 : i32
      %mul3A_1782 = arith.muli %add3A_1760, %mul3A_1781 : i32
      %add3A_1783 = arith.constant 1 : i32
      %add3A_1784 = arith.addi %mul3A_1782, %add3A_1783 : i32
      %mul3A_1785 = arith.constant 16 : i32
      %mul3A_1786 = arith.muli %add3A_1784, %mul3A_1785 : i32
      %swap3A_1787 = arith.index_cast %mul3A_1786 : i32 to index
      %swap3A_1788 = tpu.vector_load %arg9[%swap3A_1787] {strides = array<i32>} : memref<40960xf32, #tpu.memory_space<vmem>>, vector<16xf32>,
      %swap3A_1789 = vector.shape_cast %swap3A_1788 : vector<16xf32> to vector<16xf32>
      %swap3A_1790 = vector.shape_cast %scan3A_1647#11 : vector<16xf32> to vector<16xf32>
      tpu.vector_store %arg9[%swap3A_1787], %swap3A_1790 {strides = array<i32>} : memref<40960xf32, #tpu.memory_space<vmem>>, vector<16xf32>,
      %mul3A_1791 = arith.constant 5 : i32
      %mul3A_1792 = arith.muli %add3A_1760, %mul3A_1791 : i32
      %add3A_1793 = arith.constant 1 : i32
      %add3A_1794 = arith.addi %mul3A_1792, %add3A_1793 : i32
      %mul3A_1795 = arith.constant 16 : i32
      %mul3A_1796 = arith.muli %add3A_1794, %mul3A_1795 : i32
      %swap3A_1797 = arith.index_cast %mul3A_1796 : i32 to index
      %swap3A_1798 = tpu.vector_load %arg10[%swap3A_1797] {strides = array<i32>} : memref<40960xf32, #tpu.memory_space<vmem>>, vector<16xf32>,
      %swap3A_1799 = vector.shape_cast %swap3A_1798 : vector<16xf32> to vector<16xf32>
      %swap3A_1800 = vector.shape_cast %scan3A_1647#16 : vector<16xf32> to vector<16xf32>
      tpu.vector_store %arg10[%swap3A_1797], %swap3A_1800 {strides = array<i32>} : memref<40960xf32, #tpu.memory_space<vmem>>, vector<16xf32>,
      %mul3A_1801 = arith.constant 5 : i32
      %mul3A_1802 = arith.muli %add3A_1760, %mul3A_1801 : i32
      %add3A_1803 = arith.constant 2 : i32
      %add3A_1804 = arith.addi %mul3A_1802, %add3A_1803 : i32
      %mul3A_1805 = arith.constant 16 : i32
      %mul3A_1806 = arith.muli %add3A_1804, %mul3A_1805 : i32
      %swap3A_1807 = arith.index_cast %mul3A_1806 : i32 to index
      %swap3A_1808 = tpu.vector_load %arg9[%swap3A_1807] {strides = array<i32>} : memref<40960xf32, #tpu.memory_space<vmem>>, vector<16xf32>,
      %swap3A_1809 = vector.shape_cast %swap3A_1808 : vector<16xf32> to vector<16xf32>
      %swap3A_1810 = vector.shape_cast %scan3A_1647#12 : vector<16xf32> to vector<16xf32>
      tpu.vector_store %arg9[%swap3A_1807], %swap3A_1810 {strides = array<i32>} : memref<40960xf32, #tpu.memory_space<vmem>>, vector<16xf32>,
      %mul3A_1811 = arith.constant 5 : i32
      %mul3A_1812 = arith.muli %add3A_1760, %mul3A_1811 : i32
      %add3A_1813 = arith.constant 2 : i32
      %add3A_1814 = arith.addi %mul3A_1812, %add3A_1813 : i32
      %mul3A_1815 = arith.constant 16 : i32
      %mul3A_1816 = arith.muli %add3A_1814, %mul3A_1815 : i32
      %swap3A_1817 = arith.index_cast %mul3A_1816 : i32 to index
      %swap3A_1818 = tpu.vector_load %arg10[%swap3A_1817] {strides = array<i32>} : memref<40960xf32, #tpu.memory_space<vmem>>, vector<16xf32>,
      %swap3A_1819 = vector.shape_cast %swap3A_1818 : vector<16xf32> to vector<16xf32>
      %swap3A_1820 = vector.shape_cast %scan3A_1647#17 : vector<16xf32> to vector<16xf32>
      tpu.vector_store %arg10[%swap3A_1817], %swap3A_1820 {strides = array<i32>} : memref<40960xf32, #tpu.memory_space<vmem>>, vector<16xf32>,
      %mul3A_1821 = arith.constant 5 : i32
      %mul3A_1822 = arith.muli %add3A_1760, %mul3A_1821 : i32
      %add3A_1823 = arith.constant 3 : i32
      %add3A_1824 = arith.addi %mul3A_1822, %add3A_1823 : i32
      %mul3A_1825 = arith.constant 16 : i32
      %mul3A_1826 = arith.muli %add3A_1824, %mul3A_1825 : i32
      %swap3A_1827 = arith.index_cast %mul3A_1826 : i32 to index
      %swap3A_1828 = tpu.vector_load %arg9[%swap3A_1827] {strides = array<i32>} : memref<40960xf32, #tpu.memory_space<vmem>>, vector<16xf32>,
      %swap3A_1829 = vector.shape_cast %swap3A_1828 : vector<16xf32> to vector<16xf32>
      %swap3A_1830 = vector.shape_cast %scan3A_1647#13 : vector<16xf32> to vector<16xf32>
      tpu.vector_store %arg9[%swap3A_1827], %swap3A_1830 {strides = array<i32>} : memref<40960xf32, #tpu.memory_space<vmem>>, vector<16xf32>,
      %mul3A_1831 = arith.constant 5 : i32
      %mul3A_1832 = arith.muli %add3A_1760, %mul3A_1831 : i32
      %add3A_1833 = arith.constant 3 : i32
      %add3A_1834 = arith.addi %mul3A_1832, %add3A_1833 : i32
      %mul3A_1835 = arith.constant 16 : i32
      %mul3A_1836 = arith.muli %add3A_1834, %mul3A_1835 : i32
      %swap3A_1837 = arith.index_cast %mul3A_1836 : i32 to index
      %swap3A_1838 = tpu.vector_load %arg10[%swap3A_1837] {strides = array<i32>} : memref<40960xf32, #tpu.memory_space<vmem>>, vector<16xf32>,
      %swap3A_1839 = vector.shape_cast %swap3A_1838 : vector<16xf32> to vector<16xf32>
      %swap3A_1840 = vector.shape_cast %scan3A_1647#18 : vector<16xf32> to vector<16xf32>
      tpu.vector_store %arg10[%swap3A_1837], %swap3A_1840 {strides = array<i32>} : memref<40960xf32, #tpu.memory_space<vmem>>, vector<16xf32>,
      %mul3A_1841 = arith.constant 5 : i32
      %mul3A_1842 = arith.muli %add3A_1760, %mul3A_1841 : i32
      %add3A_1843 = arith.constant 4 : i32
      %add3A_1844 = arith.addi %mul3A_1842, %add3A_1843 : i32
      %mul3A_1845 = arith.constant 16 : i32
      %mul3A_1846 = arith.muli %add3A_1844, %mul3A_1845 : i32
      %swap3A_1847 = arith.index_cast %mul3A_1846 : i32 to index
      %swap3A_1848 = tpu.vector_load %arg9[%swap3A_1847] {strides = array<i32>} : memref<40960xf32, #tpu.memory_space<vmem>>, vector<16xf32>,
      %swap3A_1849 = vector.shape_cast %swap3A_1848 : vector<16xf32> to vector<16xf32>
      %swap3A_1850 = vector.shape_cast %scan3A_1647#14 : vector<16xf32> to vector<16xf32>
      tpu.vector_store %arg9[%swap3A_1847], %swap3A_1850 {strides = array<i32>} : memref<40960xf32, #tpu.memory_space<vmem>>, vector<16xf32>,
      %mul3A_1851 = arith.constant 5 : i32
      %mul3A_1852 = arith.muli %add3A_1760, %mul3A_1851 : i32
      %add3A_1853 = arith.constant 4 : i32
      %add3A_1854 = arith.addi %mul3A_1852, %add3A_1853 : i32
      %mul3A_1855 = arith.constant 16 : i32
      %mul3A_1856 = arith.muli %add3A_1854, %mul3A_1855 : i32
      %swap3A_1857 = arith.index_cast %mul3A_1856 : i32 to index
      %swap3A_1858 = tpu.vector_load %arg10[%swap3A_1857] {strides = array<i32>} : memref<40960xf32, #tpu.memory_space<vmem>>, vector<16xf32>,
      %swap3A_1859 = vector.shape_cast %swap3A_1858 : vector<16xf32> to vector<16xf32>
      %swap3A_1860 = vector.shape_cast %scan3A_1647#19 : vector<16xf32> to vector<16xf32>
      tpu.vector_store %arg10[%swap3A_1857], %swap3A_1860 {strides = array<i32>} : memref<40960xf32, #tpu.memory_space<vmem>>, vector<16xf32>,
      %slice3A_1861 = vector.extract_strided_slice %get3A_49 {offsets = [14], sizes = [1], strides = [1]} : vector<16xf32> to vector<1xf32>
      %squeeze3A_1862 = vector.extract %slice3A_1861[0] : f32 from vector<1xf32>
      %broadcast_in_dim3A_1863 = vector.broadcast %squeeze3A_1862 : f32 to vector<16xf32>
      %slice3A_1864 = vector.extract_strided_slice %get3A_54 {offsets = [14], sizes = [1], strides = [1]} : vector<16xf32> to vector<1xf32>
      %squeeze3A_1865 = vector.extract %slice3A_1864[0] : f32 from vector<1xf32>
      %broadcast_in_dim3A_1866 = vector.broadcast %squeeze3A_1865 : f32 to vector<16xf32>
      %slice3A_1867 = vector.extract_strided_slice %get3A_59 {offsets = [14], sizes = [1], strides = [1]} : vector<16xf32> to vector<1xf32>
      %squeeze3A_1868 = vector.extract %slice3A_1867[0] : f32 from vector<1xf32>
      %broadcast_in_dim3A_1869 = vector.broadcast %squeeze3A_1868 : f32 to vector<16xf32>
      %slice3A_1870 = vector.extract_strided_slice %get3A_62 {offsets = [14], sizes = [1], strides = [1]} : vector<16xf32> to vector<1xf32>
      %squeeze3A_1871 = vector.extract %slice3A_1870[0] : f32 from vector<1xf32>
      %broadcast_in_dim3A_1872 = vector.broadcast %squeeze3A_1871 : f32 to vector<16xf32>
      %slice3A_1873 = vector.extract_strided_slice %get3A_67 {offsets = [14], sizes = [1], strides = [1]} : vector<16xf32> to vector<1xf32>
      %squeeze3A_1874 = vector.extract %slice3A_1873[0] : f32 from vector<1xf32>
      %broadcast_in_dim3A_1875 = vector.broadcast %squeeze3A_1874 : f32 to vector<16xf32>
      %slice3A_1876 = vector.extract_strided_slice %get3A_72 {offsets = [14], sizes = [1], strides = [1]} : vector<16xf32> to vector<1xf32>
      %squeeze3A_1877 = vector.extract %slice3A_1876[0] : f32 from vector<1xf32>
      %broadcast_in_dim3A_1878 = vector.broadcast %squeeze3A_1877 : f32 to vector<16xf32>
      %slice3A_1879 = vector.extract_strided_slice %get3A_49 {offsets = [15], sizes = [1], strides = [1]} : vector<16xf32> to vector<1xf32>
      %squeeze3A_1880 = vector.extract %slice3A_1879[0] : f32 from vector<1xf32>
      %broadcast_in_dim3A_1881 = vector.broadcast %squeeze3A_1880 : f32 to vector<16xf32>
      %slice3A_1882 = vector.extract_strided_slice %get3A_54 {offsets = [15], sizes = [1], strides = [1]} : vector<16xf32> to vector<1xf32>
      %squeeze3A_1883 = vector.extract %slice3A_1882[0] : f32 from vector<1xf32>
      %broadcast_in_dim3A_1884 = vector.broadcast %squeeze3A_1883 : f32 to vector<16xf32>
      %slice3A_1885 = vector.extract_strided_slice %get3A_59 {offsets = [15], sizes = [1], strides = [1]} : vector<16xf32> to vector<1xf32>
      %squeeze3A_1886 = vector.extract %slice3A_1885[0] : f32 from vector<1xf32>
      %broadcast_in_dim3A_1887 = vector.broadcast %squeeze3A_1886 : f32 to vector<16xf32>
      %slice3A_1888 = vector.extract_strided_slice %get3A_62 {offsets = [15], sizes = [1], strides = [1]} : vector<16xf32> to vector<1xf32>
      %squeeze3A_1889 = vector.extract %slice3A_1888[0] : f32 from vector<1xf32>
      %broadcast_in_dim3A_1890 = vector.broadcast %squeeze3A_1889 : f32 to vector<16xf32>
      %slice3A_1891 = vector.extract_strided_slice %get3A_67 {offsets = [15], sizes = [1], strides = [1]} : vector<16xf32> to vector<1xf32>
      %squeeze3A_1892 = vector.extract %slice3A_1891[0] : f32 from vector<1xf32>
      %broadcast_in_dim3A_1893 = vector.broadcast %squeeze3A_1892 : f32 to vector<16xf32>
      %slice3A_1894 = vector.extract_strided_slice %get3A_72 {offsets = [15], sizes = [1], strides = [1]} : vector<16xf32> to vector<1xf32>
      %squeeze3A_1895 = vector.extract %slice3A_1894[0] : f32 from vector<1xf32>
      %broadcast_in_dim3A_1896 = vector.broadcast %squeeze3A_1895 : f32 to vector<16xf32>
      %broadcast_in_dim3A_1897 = arith.constant 3.000000e+38 : f32
      %broadcast_in_dim3A_1898 = vector.broadcast %broadcast_in_dim3A_1897 : f32 to vector<16xf32>
      %scan3A_1899 = arith.constant 0 : i32
      %scan3A_1900 = arith.constant 128 : i32
      %scan3A_1901 = arith.addi %scan3A_1899, %scan3A_1900 : i32
      %scan3A_1902 = arith.constant 2 : i32
      %scan3A_1903:20 = scf.for %scan3A_2117 = %scan3A_1899 to %scan3A_1901 step %scan3A_1902 iter_args(%scan3A_2118 = %broadcast_in_dim3A_1898, %scan3A_2119 = %broadcast_in_dim3A_1898, %scan3A_2120 = %broadcast_in_dim3A_1898, %scan3A_2121 = %broadcast_in_dim3A_1898, %scan3A_2122 = %broadcast_in_dim3A_1898, %scan3A_2123 = %broadcast_in_dim3A_1898, %scan3A_2124 = %broadcast_in_dim3A_1898, %scan3A_2125 = %broadcast_in_dim3A_1898, %scan3A_2126 = %broadcast_in_dim3A_1898, %scan3A_2127 = %broadcast_in_dim3A_1898, %scan3A_2128 = %broadcast_in_dim3A_1898, %scan3A_2129 = %broadcast_in_dim3A_1898, %scan3A_2130 = %broadcast_in_dim3A_1898, %scan3A_2131 = %broadcast_in_dim3A_1898, %scan3A_2132 = %broadcast_in_dim3A_1898, %scan3A_2133 = %broadcast_in_dim3A_1898, %scan3A_2134 = %broadcast_in_dim3A_1898, %scan3A_2135 = %broadcast_in_dim3A_1898, %scan3A_2136 = %broadcast_in_dim3A_1898, %scan3A_2137 = %broadcast_in_dim3A_1898) -> (vector<16xf32>, vector<16xf32>, vector<16xf32>, vector<16xf32>, vector<16xf32>, vector<16xf32>, vector<16xf32>, vector<16xf32>, vector<16xf32>, vector<16xf32>, vector<16xf32>, vector<16xf32>, vector<16xf32>, vector<16xf32>, vector<16xf32>, vector<16xf32>, vector<16xf32>, vector<16xf32>, vector<16xf32>, vector<16xf32>)  : i32 {
        %mul3A_2138 = arith.constant 16 : i32
        %mul3A_2139 = arith.muli %scan3A_2117, %mul3A_2138 : i32
        %mul3A_2140 = arith.constant 16 : i32
        %mul3A_2141 = arith.muli %scan3A_2117, %mul3A_2140 : i32
        %add3A_2142 = arith.constant 2048 : i32
        %add3A_2143 = arith.addi %add3A_2142, %mul3A_2141 : i32
        %mul3A_2144 = arith.constant 16 : i32
        %mul3A_2145 = arith.muli %scan3A_2117, %mul3A_2144 : i32
        %add3A_2146 = arith.constant 4096 : i32
        %add3A_2147 = arith.addi %add3A_2146, %mul3A_2145 : i32
        %get3A_2148 = arith.index_cast %mul3A_2139 : i32 to index
        %get3A_2149 = tpu.vector_load %arg6[%get3A_2148] {strides = array<i32>} : memref<6144xf32, #tpu.memory_space<vmem>>, vector<16xf32>,
        %get3A_2150 = vector.shape_cast %get3A_2149 : vector<16xf32> to vector<16xf32>
        %get3A_2151 = arith.index_cast %add3A_2143 : i32 to index
        %get3A_2152 = tpu.vector_load %arg6[%get3A_2151] {strides = array<i32>} : memref<6144xf32, #tpu.memory_space<vmem>>, vector<16xf32>,
        %get3A_2153 = vector.shape_cast %get3A_2152 : vector<16xf32> to vector<16xf32>
        %get3A_2154 = arith.index_cast %add3A_2147 : i32 to index
        %get3A_2155 = tpu.vector_load %arg6[%get3A_2154] {strides = array<i32>} : memref<6144xf32, #tpu.memory_space<vmem>>, vector<16xf32>,
        %get3A_2156 = vector.shape_cast %get3A_2155 : vector<16xf32> to vector<16xf32>
        %get3A_2157 = arith.index_cast %mul3A_2139 : i32 to index
        %get3A_2158 = tpu.vector_load %arg7[%get3A_2157] {strides = array<i32>} : memref<6144xf32, #tpu.memory_space<vmem>>, vector<16xf32>,
        %get3A_2159 = vector.shape_cast %get3A_2158 : vector<16xf32> to vector<16xf32>
        %get3A_2160 = arith.index_cast %add3A_2143 : i32 to index
        %get3A_2161 = tpu.vector_load %arg7[%get3A_2160] {strides = array<i32>} : memref<6144xf32, #tpu.memory_space<vmem>>, vector<16xf32>,
        %get3A_2162 = vector.shape_cast %get3A_2161 : vector<16xf32> to vector<16xf32>
        %get3A_2163 = arith.index_cast %add3A_2147 : i32 to index
        %get3A_2164 = tpu.vector_load %arg7[%get3A_2163] {strides = array<i32>} : memref<6144xf32, #tpu.memory_space<vmem>>, vector<16xf32>,
        %get3A_2165 = vector.shape_cast %get3A_2164 : vector<16xf32> to vector<16xf32>
        %get3A_2166 = arith.index_cast %mul3A_2139 : i32 to index
        %get3A_2167 = tpu.vector_load %arg8[%get3A_2166] {strides = array<i32>} : memref<2048xf32, #tpu.memory_space<vmem>>, vector<16xf32>,
        %get3A_2168 = vector.shape_cast %get3A_2167 : vector<16xf32> to vector<16xf32>
        %mul3A_2169 = arith.mulf %broadcast_in_dim3A_1872, %get3A_2159 : vector<16xf32>
        %mul3A_2170 = arith.mulf %broadcast_in_dim3A_1875, %get3A_2162 : vector<16xf32>
        %add3A_2171 = arith.addf %mul3A_2169, %mul3A_2170 : vector<16xf32>
        %mul3A_2172 = arith.mulf %broadcast_in_dim3A_1878, %get3A_2165 : vector<16xf32>
        %add3A_2173 = arith.addf %add3A_2171, %mul3A_2172 : vector<16xf32>
        %mul3A_2174 = arith.constant 2.000000e+00 : f32
        %mul3A_2175 = vector.broadcast %mul3A_2174 : f32 to vector<16xf32>
        %mul3A_2176 = arith.mulf %mul3A_2175, %add3A_2173 : vector<16xf32>
        %sub3A_2177 = arith.subf %get3A_2168, %mul3A_2176 : vector<16xf32>
        %sub3A_2178 = arith.subf %broadcast_in_dim3A_1863, %get3A_2150 : vector<16xf32>
        %sub3A_2179 = arith.subf %broadcast_in_dim3A_1866, %get3A_2153 : vector<16xf32>
        %sub3A_2180 = arith.subf %broadcast_in_dim3A_1869, %get3A_2156 : vector<16xf32>
        %mul3A_2181 = arith.mulf %sub3A_2178, %sub3A_2178 : vector<16xf32>
        %mul3A_2182 = arith.mulf %sub3A_2179, %sub3A_2179 : vector<16xf32>
        %add3A_2183 = arith.addf %mul3A_2181, %mul3A_2182 : vector<16xf32>
        %mul3A_2184 = arith.mulf %sub3A_2180, %sub3A_2180 : vector<16xf32>
        %add3A_2185 = arith.addf %add3A_2183, %mul3A_2184 : vector<16xf32>
        %lt3A_2186 = arith.cmpf olt, %sub3A_2177, %scan3A_2118 : vector<16xf32>
        %min3A = arith.minimumf %scan3A_2118, %sub3A_2177 : vector<16xf32>
        %max3A = arith.maximumf %scan3A_2118, %sub3A_2177 : vector<16xf32>
        %select_n3A_2187 = arith.select %lt3A_2186, %add3A_2185, %scan3A_2123 : vector<16xi1>, vector<16xf32>
        %select_n3A_2188 = arith.select %lt3A_2186, %scan3A_2123, %add3A_2185 : vector<16xi1>, vector<16xf32>
        %lt3A_2189 = arith.cmpf olt, %max3A, %scan3A_2119 : vector<16xf32>
        %min3A_2190 = arith.minimumf %scan3A_2119, %max3A : vector<16xf32>
        %max3A_2191 = arith.maximumf %scan3A_2119, %max3A : vector<16xf32>
        %select_n3A_2192 = arith.select %lt3A_2189, %select_n3A_2188, %scan3A_2124 : vector<16xi1>, vector<16xf32>
        %select_n3A_2193 = arith.select %lt3A_2189, %scan3A_2124, %select_n3A_2188 : vector<16xi1>, vector<16xf32>
        %lt3A_2194 = arith.cmpf olt, %max3A_2191, %scan3A_2120 : vector<16xf32>
        %min3A_2195 = arith.minimumf %scan3A_2120, %max3A_2191 : vector<16xf32>
        %max3A_2196 = arith.maximumf %scan3A_2120, %max3A_2191 : vector<16xf32>
        %select_n3A_2197 = arith.select %lt3A_2194, %select_n3A_2193, %scan3A_2125 : vector<16xi1>, vector<16xf32>
        %select_n3A_2198 = arith.select %lt3A_2194, %scan3A_2125, %select_n3A_2193 : vector<16xi1>, vector<16xf32>
        %lt3A_2199 = arith.cmpf olt, %max3A_2196, %scan3A_2121 : vector<16xf32>
        %min3A_2200 = arith.minimumf %scan3A_2121, %max3A_2196 : vector<16xf32>
        %max3A_2201 = arith.maximumf %scan3A_2121, %max3A_2196 : vector<16xf32>
        %select_n3A_2202 = arith.select %lt3A_2199, %select_n3A_2198, %scan3A_2126 : vector<16xi1>, vector<16xf32>
        %select_n3A_2203 = arith.select %lt3A_2199, %scan3A_2126, %select_n3A_2198 : vector<16xi1>, vector<16xf32>
        %lt3A_2204 = arith.cmpf olt, %max3A_2201, %scan3A_2122 : vector<16xf32>
        %min3A_2205 = arith.minimumf %scan3A_2122, %max3A_2201 : vector<16xf32>
        %select_n3A_2206 = arith.select %lt3A_2204, %select_n3A_2203, %scan3A_2127 : vector<16xi1>, vector<16xf32>
        %mul3A_2207 = arith.mulf %broadcast_in_dim3A_1890, %get3A_2159 : vector<16xf32>
        %mul3A_2208 = arith.mulf %broadcast_in_dim3A_1893, %get3A_2162 : vector<16xf32>
        %add3A_2209 = arith.addf %mul3A_2207, %mul3A_2208 : vector<16xf32>
        %mul3A_2210 = arith.mulf %broadcast_in_dim3A_1896, %get3A_2165 : vector<16xf32>
        %add3A_2211 = arith.addf %add3A_2209, %mul3A_2210 : vector<16xf32>
        %mul3A_2212 = arith.constant 2.000000e+00 : f32
        %mul3A_2213 = vector.broadcast %mul3A_2212 : f32 to vector<16xf32>
        %mul3A_2214 = arith.mulf %mul3A_2213, %add3A_2211 : vector<16xf32>
        %sub3A_2215 = arith.subf %get3A_2168, %mul3A_2214 : vector<16xf32>
        %sub3A_2216 = arith.subf %broadcast_in_dim3A_1881, %get3A_2150 : vector<16xf32>
        %sub3A_2217 = arith.subf %broadcast_in_dim3A_1884, %get3A_2153 : vector<16xf32>
        %sub3A_2218 = arith.subf %broadcast_in_dim3A_1887, %get3A_2156 : vector<16xf32>
        %mul3A_2219 = arith.mulf %sub3A_2216, %sub3A_2216 : vector<16xf32>
        %mul3A_2220 = arith.mulf %sub3A_2217, %sub3A_2217 : vector<16xf32>
        %add3A_2221 = arith.addf %mul3A_2219, %mul3A_2220 : vector<16xf32>
        %mul3A_2222 = arith.mulf %sub3A_2218, %sub3A_2218 : vector<16xf32>
        %add3A_2223 = arith.addf %add3A_2221, %mul3A_2222 : vector<16xf32>
        %lt3A_2224 = arith.cmpf olt, %sub3A_2215, %scan3A_2128 : vector<16xf32>
        %min3A_2225 = arith.minimumf %scan3A_2128, %sub3A_2215 : vector<16xf32>
        %max3A_2226 = arith.maximumf %scan3A_2128, %sub3A_2215 : vector<16xf32>
        %select_n3A_2227 = arith.select %lt3A_2224, %add3A_2223, %scan3A_2133 : vector<16xi1>, vector<16xf32>
        %select_n3A_2228 = arith.select %lt3A_2224, %scan3A_2133, %add3A_2223 : vector<16xi1>, vector<16xf32>
        %lt3A_2229 = arith.cmpf olt, %max3A_2226, %scan3A_2129 : vector<16xf32>
        %min3A_2230 = arith.minimumf %scan3A_2129, %max3A_2226 : vector<16xf32>
        %max3A_2231 = arith.maximumf %scan3A_2129, %max3A_2226 : vector<16xf32>
        %select_n3A_2232 = arith.select %lt3A_2229, %select_n3A_2228, %scan3A_2134 : vector<16xi1>, vector<16xf32>
        %select_n3A_2233 = arith.select %lt3A_2229, %scan3A_2134, %select_n3A_2228 : vector<16xi1>, vector<16xf32>
        %lt3A_2234 = arith.cmpf olt, %max3A_2231, %scan3A_2130 : vector<16xf32>
        %min3A_2235 = arith.minimumf %scan3A_2130, %max3A_2231 : vector<16xf32>
        %max3A_2236 = arith.maximumf %scan3A_2130, %max3A_2231 : vector<16xf32>
        %select_n3A_2237 = arith.select %lt3A_2234, %select_n3A_2233, %scan3A_2135 : vector<16xi1>, vector<16xf32>
        %select_n3A_2238 = arith.select %lt3A_2234, %scan3A_2135, %select_n3A_2233 : vector<16xi1>, vector<16xf32>
        %lt3A_2239 = arith.cmpf olt, %max3A_2236, %scan3A_2131 : vector<16xf32>
        %min3A_2240 = arith.minimumf %scan3A_2131, %max3A_2236 : vector<16xf32>
        %max3A_2241 = arith.maximumf %scan3A_2131, %max3A_2236 : vector<16xf32>
        %select_n3A_2242 = arith.select %lt3A_2239, %select_n3A_2238, %scan3A_2136 : vector<16xi1>, vector<16xf32>
        %select_n3A_2243 = arith.select %lt3A_2239, %scan3A_2136, %select_n3A_2238 : vector<16xi1>, vector<16xf32>
        %lt3A_2244 = arith.cmpf olt, %max3A_2241, %scan3A_2132 : vector<16xf32>
        %min3A_2245 = arith.minimumf %scan3A_2132, %max3A_2241 : vector<16xf32>
        %select_n3A_2246 = arith.select %lt3A_2244, %select_n3A_2243, %scan3A_2137 : vector<16xi1>, vector<16xf32>
        %scan3A_2247 = arith.constant 1 : i32
        %scan3A_2248 = arith.addi %scan3A_2117, %scan3A_2247 : i32
        %mul3A_2249 = arith.constant 16 : i32
        %mul3A_2250 = arith.muli %scan3A_2248, %mul3A_2249 : i32
        %mul3A_2251 = arith.constant 16 : i32
        %mul3A_2252 = arith.muli %scan3A_2248, %mul3A_2251 : i32
        %add3A_2253 = arith.constant 2048 : i32
        %add3A_2254 = arith.addi %add3A_2253, %mul3A_2252 : i32
        %mul3A_2255 = arith.constant 16 : i32
        %mul3A_2256 = arith.muli %scan3A_2248, %mul3A_2255 : i32
        %add3A_2257 = arith.constant 4096 : i32
        %add3A_2258 = arith.addi %add3A_2257, %mul3A_2256 : i32
        %get3A_2259 = arith.index_cast %mul3A_2250 : i32 to index
        %get3A_2260 = tpu.vector_load %arg6[%get3A_2259] {strides = array<i32>} : memref<6144xf32, #tpu.memory_space<vmem>>, vector<16xf32>,
        %get3A_2261 = vector.shape_cast %get3A_2260 : vector<16xf32> to vector<16xf32>
        %get3A_2262 = arith.index_cast %add3A_2254 : i32 to index
        %get3A_2263 = tpu.vector_load %arg6[%get3A_2262] {strides = array<i32>} : memref<6144xf32, #tpu.memory_space<vmem>>, vector<16xf32>,
        %get3A_2264 = vector.shape_cast %get3A_2263 : vector<16xf32> to vector<16xf32>
        %get3A_2265 = arith.index_cast %add3A_2258 : i32 to index
        %get3A_2266 = tpu.vector_load %arg6[%get3A_2265] {strides = array<i32>} : memref<6144xf32, #tpu.memory_space<vmem>>, vector<16xf32>,
        %get3A_2267 = vector.shape_cast %get3A_2266 : vector<16xf32> to vector<16xf32>
        %get3A_2268 = arith.index_cast %mul3A_2250 : i32 to index
        %get3A_2269 = tpu.vector_load %arg7[%get3A_2268] {strides = array<i32>} : memref<6144xf32, #tpu.memory_space<vmem>>, vector<16xf32>,
        %get3A_2270 = vector.shape_cast %get3A_2269 : vector<16xf32> to vector<16xf32>
        %get3A_2271 = arith.index_cast %add3A_2254 : i32 to index
        %get3A_2272 = tpu.vector_load %arg7[%get3A_2271] {strides = array<i32>} : memref<6144xf32, #tpu.memory_space<vmem>>, vector<16xf32>,
        %get3A_2273 = vector.shape_cast %get3A_2272 : vector<16xf32> to vector<16xf32>
        %get3A_2274 = arith.index_cast %add3A_2258 : i32 to index
        %get3A_2275 = tpu.vector_load %arg7[%get3A_2274] {strides = array<i32>} : memref<6144xf32, #tpu.memory_space<vmem>>, vector<16xf32>,
        %get3A_2276 = vector.shape_cast %get3A_2275 : vector<16xf32> to vector<16xf32>
        %get3A_2277 = arith.index_cast %mul3A_2250 : i32 to index
        %get3A_2278 = tpu.vector_load %arg8[%get3A_2277] {strides = array<i32>} : memref<2048xf32, #tpu.memory_space<vmem>>, vector<16xf32>,
        %get3A_2279 = vector.shape_cast %get3A_2278 : vector<16xf32> to vector<16xf32>
        %mul3A_2280 = arith.mulf %broadcast_in_dim3A_1872, %get3A_2270 : vector<16xf32>
        %mul3A_2281 = arith.mulf %broadcast_in_dim3A_1875, %get3A_2273 : vector<16xf32>
        %add3A_2282 = arith.addf %mul3A_2280, %mul3A_2281 : vector<16xf32>
        %mul3A_2283 = arith.mulf %broadcast_in_dim3A_1878, %get3A_2276 : vector<16xf32>
        %add3A_2284 = arith.addf %add3A_2282, %mul3A_2283 : vector<16xf32>
        %mul3A_2285 = arith.constant 2.000000e+00 : f32
        %mul3A_2286 = vector.broadcast %mul3A_2285 : f32 to vector<16xf32>
        %mul3A_2287 = arith.mulf %mul3A_2286, %add3A_2284 : vector<16xf32>
        %sub3A_2288 = arith.subf %get3A_2279, %mul3A_2287 : vector<16xf32>
        %sub3A_2289 = arith.subf %broadcast_in_dim3A_1863, %get3A_2261 : vector<16xf32>
        %sub3A_2290 = arith.subf %broadcast_in_dim3A_1866, %get3A_2264 : vector<16xf32>
        %sub3A_2291 = arith.subf %broadcast_in_dim3A_1869, %get3A_2267 : vector<16xf32>
        %mul3A_2292 = arith.mulf %sub3A_2289, %sub3A_2289 : vector<16xf32>
        %mul3A_2293 = arith.mulf %sub3A_2290, %sub3A_2290 : vector<16xf32>
        %add3A_2294 = arith.addf %mul3A_2292, %mul3A_2293 : vector<16xf32>
        %mul3A_2295 = arith.mulf %sub3A_2291, %sub3A_2291 : vector<16xf32>
        %add3A_2296 = arith.addf %add3A_2294, %mul3A_2295 : vector<16xf32>
        %lt3A_2297 = arith.cmpf olt, %sub3A_2288, %min3A : vector<16xf32>
        %min3A_2298 = arith.minimumf %min3A, %sub3A_2288 : vector<16xf32>
        %max3A_2299 = arith.maximumf %min3A, %sub3A_2288 : vector<16xf32>
        %select_n3A_2300 = arith.select %lt3A_2297, %add3A_2296, %select_n3A_2187 : vector<16xi1>, vector<16xf32>
        %select_n3A_2301 = arith.select %lt3A_2297, %select_n3A_2187, %add3A_2296 : vector<16xi1>, vector<16xf32>
        %lt3A_2302 = arith.cmpf olt, %max3A_2299, %min3A_2190 : vector<16xf32>
        %min3A_2303 = arith.minimumf %min3A_2190, %max3A_2299 : vector<16xf32>
        %max3A_2304 = arith.maximumf %min3A_2190, %max3A_2299 : vector<16xf32>
        %select_n3A_2305 = arith.select %lt3A_2302, %select_n3A_2301, %select_n3A_2192 : vector<16xi1>, vector<16xf32>
        %select_n3A_2306 = arith.select %lt3A_2302, %select_n3A_2192, %select_n3A_2301 : vector<16xi1>, vector<16xf32>
        %lt3A_2307 = arith.cmpf olt, %max3A_2304, %min3A_2195 : vector<16xf32>
        %min3A_2308 = arith.minimumf %min3A_2195, %max3A_2304 : vector<16xf32>
        %max3A_2309 = arith.maximumf %min3A_2195, %max3A_2304 : vector<16xf32>
        %select_n3A_2310 = arith.select %lt3A_2307, %select_n3A_2306, %select_n3A_2197 : vector<16xi1>, vector<16xf32>
        %select_n3A_2311 = arith.select %lt3A_2307, %select_n3A_2197, %select_n3A_2306 : vector<16xi1>, vector<16xf32>
        %lt3A_2312 = arith.cmpf olt, %max3A_2309, %min3A_2200 : vector<16xf32>
        %min3A_2313 = arith.minimumf %min3A_2200, %max3A_2309 : vector<16xf32>
        %max3A_2314 = arith.maximumf %min3A_2200, %max3A_2309 : vector<16xf32>
        %select_n3A_2315 = arith.select %lt3A_2312, %select_n3A_2311, %select_n3A_2202 : vector<16xi1>, vector<16xf32>
        %select_n3A_2316 = arith.select %lt3A_2312, %select_n3A_2202, %select_n3A_2311 : vector<16xi1>, vector<16xf32>
        %lt3A_2317 = arith.cmpf olt, %max3A_2314, %min3A_2205 : vector<16xf32>
        %min3A_2318 = arith.minimumf %min3A_2205, %max3A_2314 : vector<16xf32>
        %select_n3A_2319 = arith.select %lt3A_2317, %select_n3A_2316, %select_n3A_2206 : vector<16xi1>, vector<16xf32>
        %mul3A_2320 = arith.mulf %broadcast_in_dim3A_1890, %get3A_2270 : vector<16xf32>
        %mul3A_2321 = arith.mulf %broadcast_in_dim3A_1893, %get3A_2273 : vector<16xf32>
        %add3A_2322 = arith.addf %mul3A_2320, %mul3A_2321 : vector<16xf32>
        %mul3A_2323 = arith.mulf %broadcast_in_dim3A_1896, %get3A_2276 : vector<16xf32>
        %add3A_2324 = arith.addf %add3A_2322, %mul3A_2323 : vector<16xf32>
        %mul3A_2325 = arith.constant 2.000000e+00 : f32
        %mul3A_2326 = vector.broadcast %mul3A_2325 : f32 to vector<16xf32>
        %mul3A_2327 = arith.mulf %mul3A_2326, %add3A_2324 : vector<16xf32>
        %sub3A_2328 = arith.subf %get3A_2279, %mul3A_2327 : vector<16xf32>
        %sub3A_2329 = arith.subf %broadcast_in_dim3A_1881, %get3A_2261 : vector<16xf32>
        %sub3A_2330 = arith.subf %broadcast_in_dim3A_1884, %get3A_2264 : vector<16xf32>
        %sub3A_2331 = arith.subf %broadcast_in_dim3A_1887, %get3A_2267 : vector<16xf32>
        %mul3A_2332 = arith.mulf %sub3A_2329, %sub3A_2329 : vector<16xf32>
        %mul3A_2333 = arith.mulf %sub3A_2330, %sub3A_2330 : vector<16xf32>
        %add3A_2334 = arith.addf %mul3A_2332, %mul3A_2333 : vector<16xf32>
        %mul3A_2335 = arith.mulf %sub3A_2331, %sub3A_2331 : vector<16xf32>
        %add3A_2336 = arith.addf %add3A_2334, %mul3A_2335 : vector<16xf32>
        %lt3A_2337 = arith.cmpf olt, %sub3A_2328, %min3A_2225 : vector<16xf32>
        %min3A_2338 = arith.minimumf %min3A_2225, %sub3A_2328 : vector<16xf32>
        %max3A_2339 = arith.maximumf %min3A_2225, %sub3A_2328 : vector<16xf32>
        %select_n3A_2340 = arith.select %lt3A_2337, %add3A_2336, %select_n3A_2227 : vector<16xi1>, vector<16xf32>
        %select_n3A_2341 = arith.select %lt3A_2337, %select_n3A_2227, %add3A_2336 : vector<16xi1>, vector<16xf32>
        %lt3A_2342 = arith.cmpf olt, %max3A_2339, %min3A_2230 : vector<16xf32>
        %min3A_2343 = arith.minimumf %min3A_2230, %max3A_2339 : vector<16xf32>
        %max3A_2344 = arith.maximumf %min3A_2230, %max3A_2339 : vector<16xf32>
        %select_n3A_2345 = arith.select %lt3A_2342, %select_n3A_2341, %select_n3A_2232 : vector<16xi1>, vector<16xf32>
        %select_n3A_2346 = arith.select %lt3A_2342, %select_n3A_2232, %select_n3A_2341 : vector<16xi1>, vector<16xf32>
        %lt3A_2347 = arith.cmpf olt, %max3A_2344, %min3A_2235 : vector<16xf32>
        %min3A_2348 = arith.minimumf %min3A_2235, %max3A_2344 : vector<16xf32>
        %max3A_2349 = arith.maximumf %min3A_2235, %max3A_2344 : vector<16xf32>
        %select_n3A_2350 = arith.select %lt3A_2347, %select_n3A_2346, %select_n3A_2237 : vector<16xi1>, vector<16xf32>
        %select_n3A_2351 = arith.select %lt3A_2347, %select_n3A_2237, %select_n3A_2346 : vector<16xi1>, vector<16xf32>
        %lt3A_2352 = arith.cmpf olt, %max3A_2349, %min3A_2240 : vector<16xf32>
        %min3A_2353 = arith.minimumf %min3A_2240, %max3A_2349 : vector<16xf32>
        %max3A_2354 = arith.maximumf %min3A_2240, %max3A_2349 : vector<16xf32>
        %select_n3A_2355 = arith.select %lt3A_2352, %select_n3A_2351, %select_n3A_2242 : vector<16xi1>, vector<16xf32>
        %select_n3A_2356 = arith.select %lt3A_2352, %select_n3A_2242, %select_n3A_2351 : vector<16xi1>, vector<16xf32>
        %lt3A_2357 = arith.cmpf olt, %max3A_2354, %min3A_2245 : vector<16xf32>
        %min3A_2358 = arith.minimumf %min3A_2245, %max3A_2354 : vector<16xf32>
        %select_n3A_2359 = arith.select %lt3A_2357, %select_n3A_2356, %select_n3A_2246 : vector<16xi1>, vector<16xf32>
        scf.yield %min3A_2298, %min3A_2303, %min3A_2308, %min3A_2313, %min3A_2318, %select_n3A_2300, %select_n3A_2305, %select_n3A_2310, %select_n3A_2315, %select_n3A_2319, %min3A_2338, %min3A_2343, %min3A_2348, %min3A_2353, %min3A_2358, %select_n3A_2340, %select_n3A_2345, %select_n3A_2350, %select_n3A_2355, %select_n3A_2359 : vector<16xf32>, vector<16xf32>, vector<16xf32>, vector<16xf32>, vector<16xf32>, vector<16xf32>, vector<16xf32>, vector<16xf32>, vector<16xf32>, vector<16xf32>, vector<16xf32>, vector<16xf32>, vector<16xf32>, vector<16xf32>, vector<16xf32>, vector<16xf32>, vector<16xf32>, vector<16xf32>, vector<16xf32>, vector<16xf32>
      }
      %scan3A_1904 = arith.constant 128 : i32
      %mul3A_1905 = arith.constant 16 : i32
      %mul3A_1906 = arith.muli %scan3A_44, %mul3A_1905 : i32
      %add3A_1907 = arith.constant 14 : i32
      %add3A_1908 = arith.addi %mul3A_1906, %add3A_1907 : i32
      %add3A_1909 = arith.constant 0 : i32
      %add3A_1910 = arith.addi %add3A_1908, %add3A_1909 : i32
      %mul3A_1911 = arith.constant 5 : i32
      %mul3A_1912 = arith.muli %add3A_1910, %mul3A_1911 : i32
      %add3A_1913 = arith.constant 0 : i32
      %add3A_1914 = arith.addi %mul3A_1912, %add3A_1913 : i32
      %mul3A_1915 = arith.constant 16 : i32
      %mul3A_1916 = arith.muli %add3A_1914, %mul3A_1915 : i32
      %swap3A_1917 = arith.index_cast %mul3A_1916 : i32 to index
      %swap3A_1918 = tpu.vector_load %arg9[%swap3A_1917] {strides = array<i32>} : memref<40960xf32, #tpu.memory_space<vmem>>, vector<16xf32>,
      %swap3A_1919 = vector.shape_cast %swap3A_1918 : vector<16xf32> to vector<16xf32>
      %swap3A_1920 = vector.shape_cast %scan3A_1903#0 : vector<16xf32> to vector<16xf32>
      tpu.vector_store %arg9[%swap3A_1917], %swap3A_1920 {strides = array<i32>} : memref<40960xf32, #tpu.memory_space<vmem>>, vector<16xf32>,
      %mul3A_1921 = arith.constant 5 : i32
      %mul3A_1922 = arith.muli %add3A_1910, %mul3A_1921 : i32
      %add3A_1923 = arith.constant 0 : i32
      %add3A_1924 = arith.addi %mul3A_1922, %add3A_1923 : i32
      %mul3A_1925 = arith.constant 16 : i32
      %mul3A_1926 = arith.muli %add3A_1924, %mul3A_1925 : i32
      %swap3A_1927 = arith.index_cast %mul3A_1926 : i32 to index
      %swap3A_1928 = tpu.vector_load %arg10[%swap3A_1927] {strides = array<i32>} : memref<40960xf32, #tpu.memory_space<vmem>>, vector<16xf32>,
      %swap3A_1929 = vector.shape_cast %swap3A_1928 : vector<16xf32> to vector<16xf32>
      %swap3A_1930 = vector.shape_cast %scan3A_1903#5 : vector<16xf32> to vector<16xf32>
      tpu.vector_store %arg10[%swap3A_1927], %swap3A_1930 {strides = array<i32>} : memref<40960xf32, #tpu.memory_space<vmem>>, vector<16xf32>,
      %mul3A_1931 = arith.constant 5 : i32
      %mul3A_1932 = arith.muli %add3A_1910, %mul3A_1931 : i32
      %add3A_1933 = arith.constant 1 : i32
      %add3A_1934 = arith.addi %mul3A_1932, %add3A_1933 : i32
      %mul3A_1935 = arith.constant 16 : i32
      %mul3A_1936 = arith.muli %add3A_1934, %mul3A_1935 : i32
      %swap3A_1937 = arith.index_cast %mul3A_1936 : i32 to index
      %swap3A_1938 = tpu.vector_load %arg9[%swap3A_1937] {strides = array<i32>} : memref<40960xf32, #tpu.memory_space<vmem>>, vector<16xf32>,
      %swap3A_1939 = vector.shape_cast %swap3A_1938 : vector<16xf32> to vector<16xf32>
      %swap3A_1940 = vector.shape_cast %scan3A_1903#1 : vector<16xf32> to vector<16xf32>
      tpu.vector_store %arg9[%swap3A_1937], %swap3A_1940 {strides = array<i32>} : memref<40960xf32, #tpu.memory_space<vmem>>, vector<16xf32>,
      %mul3A_1941 = arith.constant 5 : i32
      %mul3A_1942 = arith.muli %add3A_1910, %mul3A_1941 : i32
      %add3A_1943 = arith.constant 1 : i32
      %add3A_1944 = arith.addi %mul3A_1942, %add3A_1943 : i32
      %mul3A_1945 = arith.constant 16 : i32
      %mul3A_1946 = arith.muli %add3A_1944, %mul3A_1945 : i32
      %swap3A_1947 = arith.index_cast %mul3A_1946 : i32 to index
      %swap3A_1948 = tpu.vector_load %arg10[%swap3A_1947] {strides = array<i32>} : memref<40960xf32, #tpu.memory_space<vmem>>, vector<16xf32>,
      %swap3A_1949 = vector.shape_cast %swap3A_1948 : vector<16xf32> to vector<16xf32>
      %swap3A_1950 = vector.shape_cast %scan3A_1903#6 : vector<16xf32> to vector<16xf32>
      tpu.vector_store %arg10[%swap3A_1947], %swap3A_1950 {strides = array<i32>} : memref<40960xf32, #tpu.memory_space<vmem>>, vector<16xf32>,
      %mul3A_1951 = arith.constant 5 : i32
      %mul3A_1952 = arith.muli %add3A_1910, %mul3A_1951 : i32
      %add3A_1953 = arith.constant 2 : i32
      %add3A_1954 = arith.addi %mul3A_1952, %add3A_1953 : i32
      %mul3A_1955 = arith.constant 16 : i32
      %mul3A_1956 = arith.muli %add3A_1954, %mul3A_1955 : i32
      %swap3A_1957 = arith.index_cast %mul3A_1956 : i32 to index
      %swap3A_1958 = tpu.vector_load %arg9[%swap3A_1957] {strides = array<i32>} : memref<40960xf32, #tpu.memory_space<vmem>>, vector<16xf32>,
      %swap3A_1959 = vector.shape_cast %swap3A_1958 : vector<16xf32> to vector<16xf32>
      %swap3A_1960 = vector.shape_cast %scan3A_1903#2 : vector<16xf32> to vector<16xf32>
      tpu.vector_store %arg9[%swap3A_1957], %swap3A_1960 {strides = array<i32>} : memref<40960xf32, #tpu.memory_space<vmem>>, vector<16xf32>,
      %mul3A_1961 = arith.constant 5 : i32
      %mul3A_1962 = arith.muli %add3A_1910, %mul3A_1961 : i32
      %add3A_1963 = arith.constant 2 : i32
      %add3A_1964 = arith.addi %mul3A_1962, %add3A_1963 : i32
      %mul3A_1965 = arith.constant 16 : i32
      %mul3A_1966 = arith.muli %add3A_1964, %mul3A_1965 : i32
      %swap3A_1967 = arith.index_cast %mul3A_1966 : i32 to index
      %swap3A_1968 = tpu.vector_load %arg10[%swap3A_1967] {strides = array<i32>} : memref<40960xf32, #tpu.memory_space<vmem>>, vector<16xf32>,
      %swap3A_1969 = vector.shape_cast %swap3A_1968 : vector<16xf32> to vector<16xf32>
      %swap3A_1970 = vector.shape_cast %scan3A_1903#7 : vector<16xf32> to vector<16xf32>
      tpu.vector_store %arg10[%swap3A_1967], %swap3A_1970 {strides = array<i32>} : memref<40960xf32, #tpu.memory_space<vmem>>, vector<16xf32>,
      %mul3A_1971 = arith.constant 5 : i32
      %mul3A_1972 = arith.muli %add3A_1910, %mul3A_1971 : i32
      %add3A_1973 = arith.constant 3 : i32
      %add3A_1974 = arith.addi %mul3A_1972, %add3A_1973 : i32
      %mul3A_1975 = arith.constant 16 : i32
      %mul3A_1976 = arith.muli %add3A_1974, %mul3A_1975 : i32
      %swap3A_1977 = arith.index_cast %mul3A_1976 : i32 to index
      %swap3A_1978 = tpu.vector_load %arg9[%swap3A_1977] {strides = array<i32>} : memref<40960xf32, #tpu.memory_space<vmem>>, vector<16xf32>,
      %swap3A_1979 = vector.shape_cast %swap3A_1978 : vector<16xf32> to vector<16xf32>
      %swap3A_1980 = vector.shape_cast %scan3A_1903#3 : vector<16xf32> to vector<16xf32>
      tpu.vector_store %arg9[%swap3A_1977], %swap3A_1980 {strides = array<i32>} : memref<40960xf32, #tpu.memory_space<vmem>>, vector<16xf32>,
      %mul3A_1981 = arith.constant 5 : i32
      %mul3A_1982 = arith.muli %add3A_1910, %mul3A_1981 : i32
      %add3A_1983 = arith.constant 3 : i32
      %add3A_1984 = arith.addi %mul3A_1982, %add3A_1983 : i32
      %mul3A_1985 = arith.constant 16 : i32
      %mul3A_1986 = arith.muli %add3A_1984, %mul3A_1985 : i32
      %swap3A_1987 = arith.index_cast %mul3A_1986 : i32 to index
      %swap3A_1988 = tpu.vector_load %arg10[%swap3A_1987] {strides = array<i32>} : memref<40960xf32, #tpu.memory_space<vmem>>, vector<16xf32>,
      %swap3A_1989 = vector.shape_cast %swap3A_1988 : vector<16xf32> to vector<16xf32>
      %swap3A_1990 = vector.shape_cast %scan3A_1903#8 : vector<16xf32> to vector<16xf32>
      tpu.vector_store %arg10[%swap3A_1987], %swap3A_1990 {strides = array<i32>} : memref<40960xf32, #tpu.memory_space<vmem>>, vector<16xf32>,
      %mul3A_1991 = arith.constant 5 : i32
      %mul3A_1992 = arith.muli %add3A_1910, %mul3A_1991 : i32
      %add3A_1993 = arith.constant 4 : i32
      %add3A_1994 = arith.addi %mul3A_1992, %add3A_1993 : i32
      %mul3A_1995 = arith.constant 16 : i32
      %mul3A_1996 = arith.muli %add3A_1994, %mul3A_1995 : i32
      %swap3A_1997 = arith.index_cast %mul3A_1996 : i32 to index
      %swap3A_1998 = tpu.vector_load %arg9[%swap3A_1997] {strides = array<i32>} : memref<40960xf32, #tpu.memory_space<vmem>>, vector<16xf32>,
      %swap3A_1999 = vector.shape_cast %swap3A_1998 : vector<16xf32> to vector<16xf32>
      %swap3A_2000 = vector.shape_cast %scan3A_1903#4 : vector<16xf32> to vector<16xf32>
      tpu.vector_store %arg9[%swap3A_1997], %swap3A_2000 {strides = array<i32>} : memref<40960xf32, #tpu.memory_space<vmem>>, vector<16xf32>,
      %mul3A_2001 = arith.constant 5 : i32
      %mul3A_2002 = arith.muli %add3A_1910, %mul3A_2001 : i32
      %add3A_2003 = arith.constant 4 : i32
      %add3A_2004 = arith.addi %mul3A_2002, %add3A_2003 : i32
      %mul3A_2005 = arith.constant 16 : i32
      %mul3A_2006 = arith.muli %add3A_2004, %mul3A_2005 : i32
      %swap3A_2007 = arith.index_cast %mul3A_2006 : i32 to index
      %swap3A_2008 = tpu.vector_load %arg10[%swap3A_2007] {strides = array<i32>} : memref<40960xf32, #tpu.memory_space<vmem>>, vector<16xf32>,
      %swap3A_2009 = vector.shape_cast %swap3A_2008 : vector<16xf32> to vector<16xf32>
      %swap3A_2010 = vector.shape_cast %scan3A_1903#9 : vector<16xf32> to vector<16xf32>
      tpu.vector_store %arg10[%swap3A_2007], %swap3A_2010 {strides = array<i32>} : memref<40960xf32, #tpu.memory_space<vmem>>, vector<16xf32>,
      %mul3A_2011 = arith.constant 16 : i32
      %mul3A_2012 = arith.muli %scan3A_44, %mul3A_2011 : i32
      %add3A_2013 = arith.constant 14 : i32
      %add3A_2014 = arith.addi %mul3A_2012, %add3A_2013 : i32
      %add3A_2015 = arith.constant 1 : i32
      %add3A_2016 = arith.addi %add3A_2014, %add3A_2015 : i32
      %mul3A_2017 = arith.constant 5 : i32
      %mul3A_2018 = arith.muli %add3A_2016, %mul3A_2017 : i32
      %add3A_2019 = arith.constant 0 : i32
      %add3A_2020 = arith.addi %mul3A_2018, %add3A_2019 : i32
      %mul3A_2021 = arith.constant 16 : i32
      %mul3A_2022 = arith.muli %add3A_2020, %mul3A_2021 : i32
      %swap3A_2023 = arith.index_cast %mul3A_2022 : i32 to index
      %swap3A_2024 = tpu.vector_load %arg9[%swap3A_2023] {strides = array<i32>} : memref<40960xf32, #tpu.memory_space<vmem>>, vector<16xf32>,
      %swap3A_2025 = vector.shape_cast %swap3A_2024 : vector<16xf32> to vector<16xf32>
      %swap3A_2026 = vector.shape_cast %scan3A_1903#10 : vector<16xf32> to vector<16xf32>
      tpu.vector_store %arg9[%swap3A_2023], %swap3A_2026 {strides = array<i32>} : memref<40960xf32, #tpu.memory_space<vmem>>, vector<16xf32>,
      %mul3A_2027 = arith.constant 5 : i32
      %mul3A_2028 = arith.muli %add3A_2016, %mul3A_2027 : i32
      %add3A_2029 = arith.constant 0 : i32
      %add3A_2030 = arith.addi %mul3A_2028, %add3A_2029 : i32
      %mul3A_2031 = arith.constant 16 : i32
      %mul3A_2032 = arith.muli %add3A_2030, %mul3A_2031 : i32
      %swap3A_2033 = arith.index_cast %mul3A_2032 : i32 to index
      %swap3A_2034 = tpu.vector_load %arg10[%swap3A_2033] {strides = array<i32>} : memref<40960xf32, #tpu.memory_space<vmem>>, vector<16xf32>,
      %swap3A_2035 = vector.shape_cast %swap3A_2034 : vector<16xf32> to vector<16xf32>
      %swap3A_2036 = vector.shape_cast %scan3A_1903#15 : vector<16xf32> to vector<16xf32>
      tpu.vector_store %arg10[%swap3A_2033], %swap3A_2036 {strides = array<i32>} : memref<40960xf32, #tpu.memory_space<vmem>>, vector<16xf32>,
      %mul3A_2037 = arith.constant 5 : i32
      %mul3A_2038 = arith.muli %add3A_2016, %mul3A_2037 : i32
      %add3A_2039 = arith.constant 1 : i32
      %add3A_2040 = arith.addi %mul3A_2038, %add3A_2039 : i32
      %mul3A_2041 = arith.constant 16 : i32
      %mul3A_2042 = arith.muli %add3A_2040, %mul3A_2041 : i32
      %swap3A_2043 = arith.index_cast %mul3A_2042 : i32 to index
      %swap3A_2044 = tpu.vector_load %arg9[%swap3A_2043] {strides = array<i32>} : memref<40960xf32, #tpu.memory_space<vmem>>, vector<16xf32>,
      %swap3A_2045 = vector.shape_cast %swap3A_2044 : vector<16xf32> to vector<16xf32>
      %swap3A_2046 = vector.shape_cast %scan3A_1903#11 : vector<16xf32> to vector<16xf32>
      tpu.vector_store %arg9[%swap3A_2043], %swap3A_2046 {strides = array<i32>} : memref<40960xf32, #tpu.memory_space<vmem>>, vector<16xf32>,
      %mul3A_2047 = arith.constant 5 : i32
      %mul3A_2048 = arith.muli %add3A_2016, %mul3A_2047 : i32
      %add3A_2049 = arith.constant 1 : i32
      %add3A_2050 = arith.addi %mul3A_2048, %add3A_2049 : i32
      %mul3A_2051 = arith.constant 16 : i32
      %mul3A_2052 = arith.muli %add3A_2050, %mul3A_2051 : i32
      %swap3A_2053 = arith.index_cast %mul3A_2052 : i32 to index
      %swap3A_2054 = tpu.vector_load %arg10[%swap3A_2053] {strides = array<i32>} : memref<40960xf32, #tpu.memory_space<vmem>>, vector<16xf32>,
      %swap3A_2055 = vector.shape_cast %swap3A_2054 : vector<16xf32> to vector<16xf32>
      %swap3A_2056 = vector.shape_cast %scan3A_1903#16 : vector<16xf32> to vector<16xf32>
      tpu.vector_store %arg10[%swap3A_2053], %swap3A_2056 {strides = array<i32>} : memref<40960xf32, #tpu.memory_space<vmem>>, vector<16xf32>,
      %mul3A_2057 = arith.constant 5 : i32
      %mul3A_2058 = arith.muli %add3A_2016, %mul3A_2057 : i32
      %add3A_2059 = arith.constant 2 : i32
      %add3A_2060 = arith.addi %mul3A_2058, %add3A_2059 : i32
      %mul3A_2061 = arith.constant 16 : i32
      %mul3A_2062 = arith.muli %add3A_2060, %mul3A_2061 : i32
      %swap3A_2063 = arith.index_cast %mul3A_2062 : i32 to index
      %swap3A_2064 = tpu.vector_load %arg9[%swap3A_2063] {strides = array<i32>} : memref<40960xf32, #tpu.memory_space<vmem>>, vector<16xf32>,
      %swap3A_2065 = vector.shape_cast %swap3A_2064 : vector<16xf32> to vector<16xf32>
      %swap3A_2066 = vector.shape_cast %scan3A_1903#12 : vector<16xf32> to vector<16xf32>
      tpu.vector_store %arg9[%swap3A_2063], %swap3A_2066 {strides = array<i32>} : memref<40960xf32, #tpu.memory_space<vmem>>, vector<16xf32>,
      %mul3A_2067 = arith.constant 5 : i32
      %mul3A_2068 = arith.muli %add3A_2016, %mul3A_2067 : i32
      %add3A_2069 = arith.constant 2 : i32
      %add3A_2070 = arith.addi %mul3A_2068, %add3A_2069 : i32
      %mul3A_2071 = arith.constant 16 : i32
      %mul3A_2072 = arith.muli %add3A_2070, %mul3A_2071 : i32
      %swap3A_2073 = arith.index_cast %mul3A_2072 : i32 to index
      %swap3A_2074 = tpu.vector_load %arg10[%swap3A_2073] {strides = array<i32>} : memref<40960xf32, #tpu.memory_space<vmem>>, vector<16xf32>,
      %swap3A_2075 = vector.shape_cast %swap3A_2074 : vector<16xf32> to vector<16xf32>
      %swap3A_2076 = vector.shape_cast %scan3A_1903#17 : vector<16xf32> to vector<16xf32>
      tpu.vector_store %arg10[%swap3A_2073], %swap3A_2076 {strides = array<i32>} : memref<40960xf32, #tpu.memory_space<vmem>>, vector<16xf32>,
      %mul3A_2077 = arith.constant 5 : i32
      %mul3A_2078 = arith.muli %add3A_2016, %mul3A_2077 : i32
      %add3A_2079 = arith.constant 3 : i32
      %add3A_2080 = arith.addi %mul3A_2078, %add3A_2079 : i32
      %mul3A_2081 = arith.constant 16 : i32
      %mul3A_2082 = arith.muli %add3A_2080, %mul3A_2081 : i32
      %swap3A_2083 = arith.index_cast %mul3A_2082 : i32 to index
      %swap3A_2084 = tpu.vector_load %arg9[%swap3A_2083] {strides = array<i32>} : memref<40960xf32, #tpu.memory_space<vmem>>, vector<16xf32>,
      %swap3A_2085 = vector.shape_cast %swap3A_2084 : vector<16xf32> to vector<16xf32>
      %swap3A_2086 = vector.shape_cast %scan3A_1903#13 : vector<16xf32> to vector<16xf32>
      tpu.vector_store %arg9[%swap3A_2083], %swap3A_2086 {strides = array<i32>} : memref<40960xf32, #tpu.memory_space<vmem>>, vector<16xf32>,
      %mul3A_2087 = arith.constant 5 : i32
      %mul3A_2088 = arith.muli %add3A_2016, %mul3A_2087 : i32
      %add3A_2089 = arith.constant 3 : i32
      %add3A_2090 = arith.addi %mul3A_2088, %add3A_2089 : i32
      %mul3A_2091 = arith.constant 16 : i32
      %mul3A_2092 = arith.muli %add3A_2090, %mul3A_2091 : i32
      %swap3A_2093 = arith.index_cast %mul3A_2092 : i32 to index
      %swap3A_2094 = tpu.vector_load %arg10[%swap3A_2093] {strides = array<i32>} : memref<40960xf32, #tpu.memory_space<vmem>>, vector<16xf32>,
      %swap3A_2095 = vector.shape_cast %swap3A_2094 : vector<16xf32> to vector<16xf32>
      %swap3A_2096 = vector.shape_cast %scan3A_1903#18 : vector<16xf32> to vector<16xf32>
      tpu.vector_store %arg10[%swap3A_2093], %swap3A_2096 {strides = array<i32>} : memref<40960xf32, #tpu.memory_space<vmem>>, vector<16xf32>,
      %mul3A_2097 = arith.constant 5 : i32
      %mul3A_2098 = arith.muli %add3A_2016, %mul3A_2097 : i32
      %add3A_2099 = arith.constant 4 : i32
      %add3A_2100 = arith.addi %mul3A_2098, %add3A_2099 : i32
      %mul3A_2101 = arith.constant 16 : i32
      %mul3A_2102 = arith.muli %add3A_2100, %mul3A_2101 : i32
      %swap3A_2103 = arith.index_cast %mul3A_2102 : i32 to index
      %swap3A_2104 = tpu.vector_load %arg9[%swap3A_2103] {strides = array<i32>} : memref<40960xf32, #tpu.memory_space<vmem>>, vector<16xf32>,
      %swap3A_2105 = vector.shape_cast %swap3A_2104 : vector<16xf32> to vector<16xf32>
      %swap3A_2106 = vector.shape_cast %scan3A_1903#14 : vector<16xf32> to vector<16xf32>
      tpu.vector_store %arg9[%swap3A_2103], %swap3A_2106 {strides = array<i32>} : memref<40960xf32, #tpu.memory_space<vmem>>, vector<16xf32>,
      %mul3A_2107 = arith.constant 5 : i32
      %mul3A_2108 = arith.muli %add3A_2016, %mul3A_2107 : i32
      %add3A_2109 = arith.constant 4 : i32
      %add3A_2110 = arith.addi %mul3A_2108, %add3A_2109 : i32
      %mul3A_2111 = arith.constant 16 : i32
      %mul3A_2112 = arith.muli %add3A_2110, %mul3A_2111 : i32
      %swap3A_2113 = arith.index_cast %mul3A_2112 : i32 to index
      %swap3A_2114 = tpu.vector_load %arg10[%swap3A_2113] {strides = array<i32>} : memref<40960xf32, #tpu.memory_space<vmem>>, vector<16xf32>,
      %swap3A_2115 = vector.shape_cast %swap3A_2114 : vector<16xf32> to vector<16xf32>
      %swap3A_2116 = vector.shape_cast %scan3A_1903#19 : vector<16xf32> to vector<16xf32>
      tpu.vector_store %arg10[%swap3A_2113], %swap3A_2116 {strides = array<i32>} : memref<40960xf32, #tpu.memory_space<vmem>>, vector<16xf32>,
    }
    %scan3A_43 = arith.constant 32 : i32
    "tpu.region"() ({
      %run_scoped3A = tpu.sem_alloc : memref<!tpu.dma_semaphore, #tpu.memory_space<semaphore_mem>>
      %dma_start3A = arith.constant 0 : i32
      %dma_start3A_44 = tpu.memref_slice %arg4[%add3A, %dma_start3A] : memref<32x40960xf32, #tpu.memory_space<hbm>> -> memref<1x40960xf32, #tpu.memory_space<hbm>>
      %dma_start3A_45 = tpu.memref_squeeze %dma_start3A_44 : memref<1x40960xf32, #tpu.memory_space<hbm>> -> memref<40960xf32, #tpu.memory_space<hbm>>
      %dma_start3A_46 = arith.constant 0 : i32
      %dma_start3A_47 = tpu.memref_slice %arg4[%add3A, %dma_start3A_46] : memref<32x40960xf32, #tpu.memory_space<hbm>> -> memref<1x40960xf32, #tpu.memory_space<hbm>>
      %dma_start3A_48 = tpu.memref_squeeze %dma_start3A_47 : memref<1x40960xf32, #tpu.memory_space<hbm>> -> memref<40960xf32, #tpu.memory_space<hbm>>
      tpu.enqueue_dma source(%arg9 : memref<40960xf32, #tpu.memory_space<vmem>>) target(%dma_start3A_48 : memref<40960xf32, #tpu.memory_space<hbm>>) target_semaphore(%run_scoped3A : memref<!tpu.dma_semaphore, #tpu.memory_space<semaphore_mem>>)
      %dma_wait3A = arith.constant 0 : i32
      %dma_wait3A_49 = tpu.memref_slice %arg4[%add3A, %dma_wait3A] : memref<32x40960xf32, #tpu.memory_space<hbm>> -> memref<1x40960xf32, #tpu.memory_space<hbm>>
      %dma_wait3A_50 = tpu.memref_squeeze %dma_wait3A_49 : memref<1x40960xf32, #tpu.memory_space<hbm>> -> memref<40960xf32, #tpu.memory_space<hbm>>
      %dma_wait3A_51 = arith.constant 0 : i32
      %dma_wait3A_52 = tpu.memref_slice %arg4[%add3A, %dma_wait3A_51] : memref<32x40960xf32, #tpu.memory_space<hbm>> -> memref<1x40960xf32, #tpu.memory_space<hbm>>
      %dma_wait3A_53 = tpu.memref_squeeze %dma_wait3A_52 : memref<1x40960xf32, #tpu.memory_space<hbm>> -> memref<40960xf32, #tpu.memory_space<hbm>>
      tpu.wait_dma2 semaphore(%run_scoped3A : memref<!tpu.dma_semaphore, #tpu.memory_space<semaphore_mem>>) src(%arg9 : memref<40960xf32, #tpu.memory_space<vmem>>) dst(%dma_wait3A_53 : memref<40960xf32, #tpu.memory_space<hbm>>)
      tpu.yield
    }) : () -> ()
    "tpu.region"() ({
      %run_scoped3A = tpu.sem_alloc : memref<!tpu.dma_semaphore, #tpu.memory_space<semaphore_mem>>
      %dma_start3A = arith.constant 0 : i32
      %dma_start3A_44 = tpu.memref_slice %arg5[%add3A, %dma_start3A] : memref<32x40960xf32, #tpu.memory_space<hbm>> -> memref<1x40960xf32, #tpu.memory_space<hbm>>
      %dma_start3A_45 = tpu.memref_squeeze %dma_start3A_44 : memref<1x40960xf32, #tpu.memory_space<hbm>> -> memref<40960xf32, #tpu.memory_space<hbm>>
      %dma_start3A_46 = arith.constant 0 : i32
      %dma_start3A_47 = tpu.memref_slice %arg5[%add3A, %dma_start3A_46] : memref<32x40960xf32, #tpu.memory_space<hbm>> -> memref<1x40960xf32, #tpu.memory_space<hbm>>
      %dma_start3A_48 = tpu.memref_squeeze %dma_start3A_47 : memref<1x40960xf32, #tpu.memory_space<hbm>> -> memref<40960xf32, #tpu.memory_space<hbm>>
      tpu.enqueue_dma source(%arg10 : memref<40960xf32, #tpu.memory_space<vmem>>) target(%dma_start3A_48 : memref<40960xf32, #tpu.memory_space<hbm>>) target_semaphore(%run_scoped3A : memref<!tpu.dma_semaphore, #tpu.memory_space<semaphore_mem>>)
      %dma_wait3A = arith.constant 0 : i32
      %dma_wait3A_49 = tpu.memref_slice %arg5[%add3A, %dma_wait3A] : memref<32x40960xf32, #tpu.memory_space<hbm>> -> memref<1x40960xf32, #tpu.memory_space<hbm>>
      %dma_wait3A_50 = tpu.memref_squeeze %dma_wait3A_49 : memref<1x40960xf32, #tpu.memory_space<hbm>> -> memref<40960xf32, #tpu.memory_space<hbm>>
      %dma_wait3A_51 = arith.constant 0 : i32
      %dma_wait3A_52 = tpu.memref_slice %arg5[%add3A, %dma_wait3A_51] : memref<32x40960xf32, #tpu.memory_space<hbm>> -> memref<1x40960xf32, #tpu.memory_space<hbm>>
      %dma_wait3A_53 = tpu.memref_squeeze %dma_wait3A_52 : memref<1x40960xf32, #tpu.memory_space<hbm>> -> memref<40960xf32, #tpu.memory_space<hbm>>
      tpu.wait_dma2 semaphore(%run_scoped3A : memref<!tpu.dma_semaphore, #tpu.memory_space<semaphore_mem>>) src(%arg10 : memref<40960xf32, #tpu.memory_space<vmem>>) dst(%dma_wait3A_53 : memref<40960xf32, #tpu.memory_space<hbm>>)
      tpu.yield
    }) : () -> ()
    return
  }
}

module attributes {stable_mosaic.version = 14 : i64} {
  func.func @_emd_body(%arg0: i32, %arg1: i32, %arg2: memref<1x512x8xf32, #tpu.memory_space<vmem>>, %arg3: memref<1x512x8xf32, #tpu.memory_space<vmem>>, %arg4: memref<1x8x2048xf32, #tpu.memory_space<vmem>>, %arg5: memref<1x8x2048xf32, #tpu.memory_space<vmem>>, %arg6: memref<8x4xf32, #tpu.memory_space<smem>>) attributes {dimension_semantics = [#tpu.dimension_semantics<arbitrary>, #tpu.dimension_semantics<arbitrary>], iteration_bounds = array<i64: 8, 4>, scalar_prefetch = 0 : i64, scratch_operands = 0 : i64, tpu.core_type = #tpu.core_type<tc>, window_params = [{transform_indices = @transform_0, window_bounds = array<i64: 1, 512, 8>}, {transform_indices = @transform_1, window_bounds = array<i64: 1, 512, 8>}, {transform_indices = @transform_2, window_bounds = array<i64: 1, 8, 2048>}, {transform_indices = @transform_3, window_bounds = array<i64: 1, 8, 2048>}, {transform_indices = @transform_4, window_bounds = array<i64: 8, 4>}]} {
    %get3A = arith.constant 0 : index
    %get3A_0 = arith.constant 0 : index
    %get3A_1 = arith.constant 0 : index
    %get3A_2 = vector.load %arg2[%get3A, %get3A_0, %get3A_1] : memref<1x512x8xf32, #tpu.memory_space<vmem>>, vector<1x512x8xf32>
    %get3A_3 = vector.shape_cast %get3A_2 : vector<1x512x8xf32> to vector<512x8xf32>
    %get3A_4 = arith.constant 0 : index
    %get3A_5 = arith.constant 0 : index
    %get3A_6 = arith.constant 0 : index
    %get3A_7 = vector.load %arg3[%get3A_4, %get3A_5, %get3A_6] : memref<1x512x8xf32, #tpu.memory_space<vmem>>, vector<1x512x8xf32>
    %get3A_8 = vector.shape_cast %get3A_7 : vector<1x512x8xf32> to vector<512x8xf32>
    %get3A_9 = arith.constant 0 : index
    %get3A_10 = arith.constant 0 : index
    %get3A_11 = arith.constant 0 : index
    %get3A_12 = vector.load %arg4[%get3A_9, %get3A_10, %get3A_11] : memref<1x8x2048xf32, #tpu.memory_space<vmem>>, vector<1x8x2048xf32>
    %get3A_13 = vector.shape_cast %get3A_12 : vector<1x8x2048xf32> to vector<8x2048xf32>
    %get3A_14 = arith.constant 0 : index
    %get3A_15 = arith.constant 0 : index
    %get3A_16 = arith.constant 0 : index
    %get3A_17 = vector.load %arg5[%get3A_14, %get3A_15, %get3A_16] : memref<1x8x2048xf32, #tpu.memory_space<vmem>>, vector<1x8x2048xf32>
    %get3A_18 = vector.shape_cast %get3A_17 : vector<1x8x2048xf32> to vector<8x2048xf32>
    %mul3A = arith.mulf %get3A_3, %get3A_3 : vector<512x8xf32>
    %reduce_sum3A = arith.constant dense<0.000000e+00> : vector<512xf32>
    %reduce_sum3A_19 = vector.multi_reduction <add>, %mul3A, %reduce_sum3A [1] : vector<512x8xf32> to vector<512xf32>
    %broadcast_in_dim3A = vector.shape_cast %reduce_sum3A_19 : vector<512xf32> to vector<512x1xf32>
    %mul3A_20 = arith.mulf %get3A_13, %get3A_13 : vector<8x2048xf32>
    %reduce_sum3A_21 = arith.constant dense<0.000000e+00> : vector<2048xf32>
    %reduce_sum3A_22 = vector.multi_reduction <add>, %mul3A_20, %reduce_sum3A_21 [0] : vector<8x2048xf32> to vector<2048xf32>
    %broadcast_in_dim3A_23 = vector.shape_cast %reduce_sum3A_22 : vector<2048xf32> to vector<1x2048xf32>
    %dot_general3A = arith.constant dense<0.000000e+00> : vector<512x2048xf32>
    %dot_general3A_24 = tpu.matmul %get3A_8, %get3A_18, %dot_general3A {dimension_numbers = #tpu.dot_dimension_numbers<[1], [0], [0], [1], [0, 0, 1, 1], [], []>, transpose_lhs_hint = false} : vector<512x8xf32>, vector<8x2048xf32>, vector<512x2048xf32> -> vector<512x2048xf32>
    %mul3A_25 = arith.constant 2.000000e+00 : f32
    %mul3A_26 = vector.broadcast %mul3A_25 : f32 to vector<512x2048xf32>
    %mul3A_27 = arith.mulf %mul3A_26, %dot_general3A_24 : vector<512x2048xf32>
    %sub3A = vector.broadcast %broadcast_in_dim3A_23 : vector<1x2048xf32> to vector<512x2048xf32>
    %sub3A_28 = arith.subf %sub3A, %mul3A_27 : vector<512x2048xf32>
    %dot_general3A_29 = arith.constant dense<0.000000e+00> : vector<512x2048xf32>
    %dot_general3A_30 = tpu.matmul %get3A_3, %get3A_13, %dot_general3A_29 {dimension_numbers = #tpu.dot_dimension_numbers<[1], [0], [0], [1], [0, 0, 1, 1], [], []>, precision = #tpu.contract_precision<fp32>, transpose_lhs_hint = false} : vector<512x8xf32>, vector<8x2048xf32>, vector<512x2048xf32> -> vector<512x2048xf32>
    %add3A = vector.broadcast %broadcast_in_dim3A : vector<512x1xf32> to vector<512x2048xf32>
    %add3A_31 = vector.broadcast %broadcast_in_dim3A_23 : vector<1x2048xf32> to vector<512x2048xf32>
    %add3A_32 = arith.addf %add3A, %add3A_31 : vector<512x2048xf32>
    %mul3A_33 = arith.constant 2.000000e+00 : f32
    %mul3A_34 = vector.broadcast %mul3A_33 : f32 to vector<512x2048xf32>
    %mul3A_35 = arith.mulf %mul3A_34, %dot_general3A_30 : vector<512x2048xf32>
    %sub3A_36 = arith.subf %add3A_32, %mul3A_35 : vector<512x2048xf32>
    %reduce_min3A = arith.constant dense<0x7F800000> : vector<512xf32>
    %reduce_min3A_37 = vector.multi_reduction <minimumf>, %sub3A_28, %reduce_min3A [1] : vector<512x2048xf32> to vector<512xf32>
    %broadcast_in_dim3A_38 = vector.shape_cast %reduce_min3A_37 : vector<512xf32> to vector<512x1xf32>
    %eq3A = vector.broadcast %broadcast_in_dim3A_38 : vector<512x1xf32> to vector<512x2048xf32>
    %eq3A_39 = arith.cmpf oeq, %sub3A_28, %eq3A : vector<512x2048xf32>
    %jit3A = arith.constant 3.000000e+38 : f32
    %broadcast_in_dim3A_40 = vector.broadcast %jit3A : f32 to vector<512x2048xf32>
    %select_n3A = arith.select %eq3A_39, %sub3A_36, %broadcast_in_dim3A_40 : vector<512x2048xi1>, vector<512x2048xf32>
    %reduce_min3A_41 = arith.constant dense<0x7F800000> : vector<512xf32>
    %reduce_min3A_42 = vector.multi_reduction <minimumf>, %select_n3A, %reduce_min3A_41 [1] : vector<512x2048xf32> to vector<512xf32>
    %broadcast_in_dim3A_43 = vector.shape_cast %reduce_min3A_42 : vector<512xf32> to vector<512x1xf32>
    %reduce_sum3A_44 = vector.shape_cast %broadcast_in_dim3A_43 : vector<512x1xf32> to vector<1x512x1xf32>
    %reduce_sum3A_45 = arith.constant dense<0.000000e+00> : vector<1xf32>
    %reduce_sum3A_46 = vector.multi_reduction <add>, %reduce_sum3A_44, %reduce_sum3A_45 [1, 2] : vector<1x512x1xf32> to vector<1xf32>
    %reduce_sum3A_47 = vector.shape_cast %reduce_sum3A_46 : vector<1xf32> to vector<1x1x1xf32>
    %reduce_sum3A_48 = vector.extract %reduce_sum3A_47[0, 0, 0] : f32 from vector<1x1x1xf32>
    %swap3A = arith.index_cast %arg0 : i32 to index
    %swap3A_49 = arith.index_cast %arg1 : i32 to index
    %swap3A_50 = memref.load %arg6[%swap3A, %swap3A_49] : memref<8x4xf32, #tpu.memory_space<smem>>
    memref.store %reduce_sum3A_48, %arg6[%swap3A, %swap3A_49] : memref<8x4xf32, #tpu.memory_space<smem>>
    return
  }
  func.func @transform_0(%arg0: i32, %arg1: i32) -> (i32, i32, i32) {
    %c0_i32 = arith.constant 0 : i32
    %c0_i32_0 = arith.constant 0 : i32
    return %arg0, %arg1, %c0_i32 : i32, i32, i32
  }
  func.func @transform_1(%arg0: i32, %arg1: i32) -> (i32, i32, i32) {
    %c0_i32 = arith.constant 0 : i32
    %c0_i32_0 = arith.constant 0 : i32
    return %arg0, %arg1, %c0_i32 : i32, i32, i32
  }
  func.func @transform_2(%arg0: i32, %arg1: i32) -> (i32, i32, i32) {
    %c0_i32 = arith.constant 0 : i32
    %c0_i32_0 = arith.constant 0 : i32
    %c0_i32_1 = arith.constant 0 : i32
    return %arg0, %c0_i32, %c0_i32_0 : i32, i32, i32
  }
  func.func @transform_3(%arg0: i32, %arg1: i32) -> (i32, i32, i32) {
    %c0_i32 = arith.constant 0 : i32
    %c0_i32_0 = arith.constant 0 : i32
    %c0_i32_1 = arith.constant 0 : i32
    return %arg0, %c0_i32, %c0_i32_0 : i32, i32, i32
  }
  func.func @transform_4(%arg0: i32, %arg1: i32) -> (i32, i32) {
    %c0_i32 = arith.constant 0 : i32
    %c0_i32_0 = arith.constant 0 : i32
    %c0_i32_1 = arith.constant 0 : i32
    return %c0_i32, %c0_i32_0 : i32, i32
  }
}

module attributes {stable_mosaic.version = 14 : i64} {
  func.func @_reduce_body(%arg0: memref<8x4xf32, #tpu.memory_space<smem>>, %arg1: memref<16384x80xf32, #tpu.memory_space<vmem>>, %arg2: memref<16384x80xf32, #tpu.memory_space<vmem>>, %arg3: memref<8x1xf32, #tpu.memory_space<smem>>, %arg4: memref<1x1xf32, #tpu.memory_space<smem>>, %arg5: memref<1x1xf32, #tpu.memory_space<smem>>) attributes {dimension_semantics = [], scalar_prefetch = 0 : i64, scratch_operands = 0 : i64, tpu.core_type = #tpu.core_type<tc>} {
    %get3A = arith.constant 0 : index
    %get3A_0 = arith.constant 0 : index
    %get3A_1 = memref.load %arg0[%get3A, %get3A_0] : memref<8x4xf32, #tpu.memory_space<smem>>
    %add3A = arith.constant 0.000000e+00 : f32
    %add3A_2 = arith.addf %add3A, %get3A_1 : f32
    %get3A_3 = arith.constant 0 : index
    %get3A_4 = arith.constant 1 : index
    %get3A_5 = memref.load %arg0[%get3A_3, %get3A_4] : memref<8x4xf32, #tpu.memory_space<smem>>
    %add3A_6 = arith.addf %add3A_2, %get3A_5 : f32
    %get3A_7 = arith.constant 0 : index
    %get3A_8 = arith.constant 2 : index
    %get3A_9 = memref.load %arg0[%get3A_7, %get3A_8] : memref<8x4xf32, #tpu.memory_space<smem>>
    %add3A_10 = arith.addf %add3A_6, %get3A_9 : f32
    %get3A_11 = arith.constant 0 : index
    %get3A_12 = arith.constant 3 : index
    %get3A_13 = memref.load %arg0[%get3A_11, %get3A_12] : memref<8x4xf32, #tpu.memory_space<smem>>
    %add3A_14 = arith.addf %add3A_10, %get3A_13 : f32
    %get3A_15 = arith.constant 0 : index
    %get3A_16 = arith.constant 0 : index
    %get3A_17 = memref.load %arg3[%get3A_15, %get3A_16] : memref<8x1xf32, #tpu.memory_space<smem>>
    %div3A = arith.divf %add3A_14, %get3A_17 : f32
    %add3A_18 = arith.constant 0.000000e+00 : f32
    %add3A_19 = arith.addf %add3A_18, %div3A : f32
    %get3A_20 = arith.constant 1 : index
    %get3A_21 = arith.constant 0 : index
    %get3A_22 = memref.load %arg0[%get3A_20, %get3A_21] : memref<8x4xf32, #tpu.memory_space<smem>>
    %add3A_23 = arith.constant 0.000000e+00 : f32
    %add3A_24 = arith.addf %add3A_23, %get3A_22 : f32
    %get3A_25 = arith.constant 1 : index
    %get3A_26 = arith.constant 1 : index
    %get3A_27 = memref.load %arg0[%get3A_25, %get3A_26] : memref<8x4xf32, #tpu.memory_space<smem>>
    %add3A_28 = arith.addf %add3A_24, %get3A_27 : f32
    %get3A_29 = arith.constant 1 : index
    %get3A_30 = arith.constant 2 : index
    %get3A_31 = memref.load %arg0[%get3A_29, %get3A_30] : memref<8x4xf32, #tpu.memory_space<smem>>
    %add3A_32 = arith.addf %add3A_28, %get3A_31 : f32
    %get3A_33 = arith.constant 1 : index
    %get3A_34 = arith.constant 3 : index
    %get3A_35 = memref.load %arg0[%get3A_33, %get3A_34] : memref<8x4xf32, #tpu.memory_space<smem>>
    %add3A_36 = arith.addf %add3A_32, %get3A_35 : f32
    %get3A_37 = arith.constant 1 : index
    %get3A_38 = arith.constant 0 : index
    %get3A_39 = memref.load %arg3[%get3A_37, %get3A_38] : memref<8x1xf32, #tpu.memory_space<smem>>
    %div3A_40 = arith.divf %add3A_36, %get3A_39 : f32
    %add3A_41 = arith.addf %add3A_19, %div3A_40 : f32
    %get3A_42 = arith.constant 2 : index
    %get3A_43 = arith.constant 0 : index
    %get3A_44 = memref.load %arg0[%get3A_42, %get3A_43] : memref<8x4xf32, #tpu.memory_space<smem>>
    %add3A_45 = arith.constant 0.000000e+00 : f32
    %add3A_46 = arith.addf %add3A_45, %get3A_44 : f32
    %get3A_47 = arith.constant 2 : index
    %get3A_48 = arith.constant 1 : index
    %get3A_49 = memref.load %arg0[%get3A_47, %get3A_48] : memref<8x4xf32, #tpu.memory_space<smem>>
    %add3A_50 = arith.addf %add3A_46, %get3A_49 : f32
    %get3A_51 = arith.constant 2 : index
    %get3A_52 = arith.constant 2 : index
    %get3A_53 = memref.load %arg0[%get3A_51, %get3A_52] : memref<8x4xf32, #tpu.memory_space<smem>>
    %add3A_54 = arith.addf %add3A_50, %get3A_53 : f32
    %get3A_55 = arith.constant 2 : index
    %get3A_56 = arith.constant 3 : index
    %get3A_57 = memref.load %arg0[%get3A_55, %get3A_56] : memref<8x4xf32, #tpu.memory_space<smem>>
    %add3A_58 = arith.addf %add3A_54, %get3A_57 : f32
    %get3A_59 = arith.constant 2 : index
    %get3A_60 = arith.constant 0 : index
    %get3A_61 = memref.load %arg3[%get3A_59, %get3A_60] : memref<8x1xf32, #tpu.memory_space<smem>>
    %div3A_62 = arith.divf %add3A_58, %get3A_61 : f32
    %add3A_63 = arith.addf %add3A_41, %div3A_62 : f32
    %get3A_64 = arith.constant 3 : index
    %get3A_65 = arith.constant 0 : index
    %get3A_66 = memref.load %arg0[%get3A_64, %get3A_65] : memref<8x4xf32, #tpu.memory_space<smem>>
    %add3A_67 = arith.constant 0.000000e+00 : f32
    %add3A_68 = arith.addf %add3A_67, %get3A_66 : f32
    %get3A_69 = arith.constant 3 : index
    %get3A_70 = arith.constant 1 : index
    %get3A_71 = memref.load %arg0[%get3A_69, %get3A_70] : memref<8x4xf32, #tpu.memory_space<smem>>
    %add3A_72 = arith.addf %add3A_68, %get3A_71 : f32
    %get3A_73 = arith.constant 3 : index
    %get3A_74 = arith.constant 2 : index
    %get3A_75 = memref.load %arg0[%get3A_73, %get3A_74] : memref<8x4xf32, #tpu.memory_space<smem>>
    %add3A_76 = arith.addf %add3A_72, %get3A_75 : f32
    %get3A_77 = arith.constant 3 : index
    %get3A_78 = arith.constant 3 : index
    %get3A_79 = memref.load %arg0[%get3A_77, %get3A_78] : memref<8x4xf32, #tpu.memory_space<smem>>
    %add3A_80 = arith.addf %add3A_76, %get3A_79 : f32
    %get3A_81 = arith.constant 3 : index
    %get3A_82 = arith.constant 0 : index
    %get3A_83 = memref.load %arg3[%get3A_81, %get3A_82] : memref<8x1xf32, #tpu.memory_space<smem>>
    %div3A_84 = arith.divf %add3A_80, %get3A_83 : f32
    %add3A_85 = arith.addf %add3A_63, %div3A_84 : f32
    %get3A_86 = arith.constant 4 : index
    %get3A_87 = arith.constant 0 : index
    %get3A_88 = memref.load %arg0[%get3A_86, %get3A_87] : memref<8x4xf32, #tpu.memory_space<smem>>
    %add3A_89 = arith.constant 0.000000e+00 : f32
    %add3A_90 = arith.addf %add3A_89, %get3A_88 : f32
    %get3A_91 = arith.constant 4 : index
    %get3A_92 = arith.constant 1 : index
    %get3A_93 = memref.load %arg0[%get3A_91, %get3A_92] : memref<8x4xf32, #tpu.memory_space<smem>>
    %add3A_94 = arith.addf %add3A_90, %get3A_93 : f32
    %get3A_95 = arith.constant 4 : index
    %get3A_96 = arith.constant 2 : index
    %get3A_97 = memref.load %arg0[%get3A_95, %get3A_96] : memref<8x4xf32, #tpu.memory_space<smem>>
    %add3A_98 = arith.addf %add3A_94, %get3A_97 : f32
    %get3A_99 = arith.constant 4 : index
    %get3A_100 = arith.constant 3 : index
    %get3A_101 = memref.load %arg0[%get3A_99, %get3A_100] : memref<8x4xf32, #tpu.memory_space<smem>>
    %add3A_102 = arith.addf %add3A_98, %get3A_101 : f32
    %get3A_103 = arith.constant 4 : index
    %get3A_104 = arith.constant 0 : index
    %get3A_105 = memref.load %arg3[%get3A_103, %get3A_104] : memref<8x1xf32, #tpu.memory_space<smem>>
    %div3A_106 = arith.divf %add3A_102, %get3A_105 : f32
    %add3A_107 = arith.addf %add3A_85, %div3A_106 : f32
    %get3A_108 = arith.constant 5 : index
    %get3A_109 = arith.constant 0 : index
    %get3A_110 = memref.load %arg0[%get3A_108, %get3A_109] : memref<8x4xf32, #tpu.memory_space<smem>>
    %add3A_111 = arith.constant 0.000000e+00 : f32
    %add3A_112 = arith.addf %add3A_111, %get3A_110 : f32
    %get3A_113 = arith.constant 5 : index
    %get3A_114 = arith.constant 1 : index
    %get3A_115 = memref.load %arg0[%get3A_113, %get3A_114] : memref<8x4xf32, #tpu.memory_space<smem>>
    %add3A_116 = arith.addf %add3A_112, %get3A_115 : f32
    %get3A_117 = arith.constant 5 : index
    %get3A_118 = arith.constant 2 : index
    %get3A_119 = memref.load %arg0[%get3A_117, %get3A_118] : memref<8x4xf32, #tpu.memory_space<smem>>
    %add3A_120 = arith.addf %add3A_116, %get3A_119 : f32
    %get3A_121 = arith.constant 5 : index
    %get3A_122 = arith.constant 3 : index
    %get3A_123 = memref.load %arg0[%get3A_121, %get3A_122] : memref<8x4xf32, #tpu.memory_space<smem>>
    %add3A_124 = arith.addf %add3A_120, %get3A_123 : f32
    %get3A_125 = arith.constant 5 : index
    %get3A_126 = arith.constant 0 : index
    %get3A_127 = memref.load %arg3[%get3A_125, %get3A_126] : memref<8x1xf32, #tpu.memory_space<smem>>
    %div3A_128 = arith.divf %add3A_124, %get3A_127 : f32
    %add3A_129 = arith.addf %add3A_107, %div3A_128 : f32
    %get3A_130 = arith.constant 6 : index
    %get3A_131 = arith.constant 0 : index
    %get3A_132 = memref.load %arg0[%get3A_130, %get3A_131] : memref<8x4xf32, #tpu.memory_space<smem>>
    %add3A_133 = arith.constant 0.000000e+00 : f32
    %add3A_134 = arith.addf %add3A_133, %get3A_132 : f32
    %get3A_135 = arith.constant 6 : index
    %get3A_136 = arith.constant 1 : index
    %get3A_137 = memref.load %arg0[%get3A_135, %get3A_136] : memref<8x4xf32, #tpu.memory_space<smem>>
    %add3A_138 = arith.addf %add3A_134, %get3A_137 : f32
    %get3A_139 = arith.constant 6 : index
    %get3A_140 = arith.constant 2 : index
    %get3A_141 = memref.load %arg0[%get3A_139, %get3A_140] : memref<8x4xf32, #tpu.memory_space<smem>>
    %add3A_142 = arith.addf %add3A_138, %get3A_141 : f32
    %get3A_143 = arith.constant 6 : index
    %get3A_144 = arith.constant 3 : index
    %get3A_145 = memref.load %arg0[%get3A_143, %get3A_144] : memref<8x4xf32, #tpu.memory_space<smem>>
    %add3A_146 = arith.addf %add3A_142, %get3A_145 : f32
    %get3A_147 = arith.constant 6 : index
    %get3A_148 = arith.constant 0 : index
    %get3A_149 = memref.load %arg3[%get3A_147, %get3A_148] : memref<8x1xf32, #tpu.memory_space<smem>>
    %div3A_150 = arith.divf %add3A_146, %get3A_149 : f32
    %add3A_151 = arith.addf %add3A_129, %div3A_150 : f32
    %get3A_152 = arith.constant 7 : index
    %get3A_153 = arith.constant 0 : index
    %get3A_154 = memref.load %arg0[%get3A_152, %get3A_153] : memref<8x4xf32, #tpu.memory_space<smem>>
    %add3A_155 = arith.constant 0.000000e+00 : f32
    %add3A_156 = arith.addf %add3A_155, %get3A_154 : f32
    %get3A_157 = arith.constant 7 : index
    %get3A_158 = arith.constant 1 : index
    %get3A_159 = memref.load %arg0[%get3A_157, %get3A_158] : memref<8x4xf32, #tpu.memory_space<smem>>
    %add3A_160 = arith.addf %add3A_156, %get3A_159 : f32
    %get3A_161 = arith.constant 7 : index
    %get3A_162 = arith.constant 2 : index
    %get3A_163 = memref.load %arg0[%get3A_161, %get3A_162] : memref<8x4xf32, #tpu.memory_space<smem>>
    %add3A_164 = arith.addf %add3A_160, %get3A_163 : f32
    %get3A_165 = arith.constant 7 : index
    %get3A_166 = arith.constant 3 : index
    %get3A_167 = memref.load %arg0[%get3A_165, %get3A_166] : memref<8x4xf32, #tpu.memory_space<smem>>
    %add3A_168 = arith.addf %add3A_164, %get3A_167 : f32
    %get3A_169 = arith.constant 7 : index
    %get3A_170 = arith.constant 0 : index
    %get3A_171 = memref.load %arg3[%get3A_169, %get3A_170] : memref<8x1xf32, #tpu.memory_space<smem>>
    %div3A_172 = arith.divf %add3A_168, %get3A_171 : f32
    %add3A_173 = arith.addf %add3A_151, %div3A_172 : f32
    %mul3A = arith.constant 0.00508626318 : f32
    %mul3A_174 = arith.mulf %add3A_173, %mul3A : f32
    %swap3A = arith.constant 0 : index
    %swap3A_175 = arith.constant 0 : index
    %swap3A_176 = memref.load %arg4[%swap3A, %swap3A_175] : memref<1x1xf32, #tpu.memory_space<smem>>
    memref.store %mul3A_174, %arg4[%swap3A, %swap3A_175] : memref<1x1xf32, #tpu.memory_space<smem>>
    %get3A_177 = arith.constant 0 : index
    %get3A_178 = arith.constant 0 : index
    %get3A_179 = vector.load %arg1[%get3A_177, %get3A_178] : memref<16384x80xf32, #tpu.memory_space<vmem>>, vector<16384x80xf32>
    %get3A_180 = arith.constant 0 : index
    %get3A_181 = arith.constant 0 : index
    %get3A_182 = vector.load %arg2[%get3A_180, %get3A_181] : memref<16384x80xf32, #tpu.memory_space<vmem>>, vector<16384x80xf32>
    %reduce_min3A = arith.constant dense<0x7F800000> : vector<16384xf32>
    %reduce_min3A_183 = vector.multi_reduction <minimumf>, %get3A_179, %reduce_min3A [1] : vector<16384x80xf32> to vector<16384xf32>
    %broadcast_in_dim3A = vector.shape_cast %reduce_min3A_183 : vector<16384xf32> to vector<16384x1xf32>
    %eq3A = vector.broadcast %broadcast_in_dim3A : vector<16384x1xf32> to vector<16384x80xf32>
    %eq3A_184 = arith.cmpf oeq, %get3A_179, %eq3A : vector<16384x80xf32>
    %jit3A = arith.constant 3.000000e+38 : f32
    %broadcast_in_dim3A_185 = vector.broadcast %jit3A : f32 to vector<16384x80xf32>
    %select_n3A = arith.select %eq3A_184, %broadcast_in_dim3A_185, %get3A_179 : vector<16384x80xi1>, vector<16384x80xf32>
    %reduce_min3A_186 = arith.constant dense<0x7F800000> : vector<16384xf32>
    %reduce_min3A_187 = vector.multi_reduction <minimumf>, %select_n3A, %reduce_min3A_186 [1] : vector<16384x80xf32> to vector<16384xf32>
    %broadcast_in_dim3A_188 = vector.shape_cast %reduce_min3A_187 : vector<16384xf32> to vector<16384x1xf32>
    %eq3A_189 = vector.broadcast %broadcast_in_dim3A_188 : vector<16384x1xf32> to vector<16384x80xf32>
    %eq3A_190 = arith.cmpf oeq, %select_n3A, %eq3A_189 : vector<16384x80xf32>
    %jit3A_191 = arith.constant 3.000000e+38 : f32
    %broadcast_in_dim3A_192 = vector.broadcast %jit3A_191 : f32 to vector<16384x80xf32>
    %select_n3A_193 = arith.select %eq3A_190, %get3A_182, %broadcast_in_dim3A_192 : vector<16384x80xi1>, vector<16384x80xf32>
    %reduce_min3A_194 = arith.constant dense<0x7F800000> : vector<16384xf32>
    %reduce_min3A_195 = vector.multi_reduction <minimumf>, %select_n3A_193, %reduce_min3A_194 [1] : vector<16384x80xf32> to vector<16384xf32>
    %broadcast_in_dim3A_196 = vector.shape_cast %reduce_min3A_195 : vector<16384xf32> to vector<16384x1xf32>
    %max3A = arith.constant 9.99999996E-13 : f32
    %max3A_197 = vector.broadcast %max3A : f32 to vector<16384x1xf32>
    %max3A_198 = arith.maximumf %broadcast_in_dim3A_196, %max3A_197 : vector<16384x1xf32>
    %sqrt3A = math.sqrt %max3A_198 : vector<16384x1xf32>
    %mul3A_199 = arith.constant -1111.11108 : f32
    %mul3A_200 = vector.broadcast %mul3A_199 : f32 to vector<16384x1xf32>
    %mul3A_201 = arith.mulf %max3A_198, %mul3A_200 : vector<16384x1xf32>
    %exp3A = math.exp %mul3A_201 : vector<16384x1xf32>
    %sub3A = arith.constant 7.000000e-02 : f32
    %sub3A_202 = vector.broadcast %sub3A : f32 to vector<16384x1xf32>
    %sub3A_203 = arith.subf %sub3A_202, %sqrt3A : vector<16384x1xf32>
    %mul3A_204 = arith.mulf %sub3A_203, %exp3A : vector<16384x1xf32>
    %reduce_sum3A = vector.shape_cast %mul3A_204 : vector<16384x1xf32> to vector<1x16384x1xf32>
    %reduce_sum3A_205 = arith.constant dense<0.000000e+00> : vector<1xf32>
    %reduce_sum3A_206 = vector.multi_reduction <add>, %reduce_sum3A, %reduce_sum3A_205 [1, 2] : vector<1x16384x1xf32> to vector<1xf32>
    %reduce_sum3A_207 = vector.shape_cast %reduce_sum3A_206 : vector<1xf32> to vector<1x1x1xf32>
    %reduce_sum3A_208 = vector.extract %reduce_sum3A_207[0, 0, 0] : f32 from vector<1x1x1xf32>
    %add3A_209 = arith.constant 0.000000e+00 : f32
    %add3A_210 = arith.addf %add3A_209, %reduce_sum3A_208 : f32
    %jit3A_211 = arith.constant 3.000000e+38 : f32
    %broadcast_in_dim3A_212 = vector.broadcast %jit3A_211 : f32 to vector<16384x80xf32>
    %select_n3A_213 = arith.select %eq3A_190, %broadcast_in_dim3A_212, %select_n3A : vector<16384x80xi1>, vector<16384x80xf32>
    %reduce_min3A_214 = arith.constant dense<0x7F800000> : vector<16384xf32>
    %reduce_min3A_215 = vector.multi_reduction <minimumf>, %select_n3A_213, %reduce_min3A_214 [1] : vector<16384x80xf32> to vector<16384xf32>
    %broadcast_in_dim3A_216 = vector.shape_cast %reduce_min3A_215 : vector<16384xf32> to vector<16384x1xf32>
    %eq3A_217 = vector.broadcast %broadcast_in_dim3A_216 : vector<16384x1xf32> to vector<16384x80xf32>
    %eq3A_218 = arith.cmpf oeq, %select_n3A_213, %eq3A_217 : vector<16384x80xf32>
    %jit3A_219 = arith.constant 3.000000e+38 : f32
    %broadcast_in_dim3A_220 = vector.broadcast %jit3A_219 : f32 to vector<16384x80xf32>
    %select_n3A_221 = arith.select %eq3A_218, %get3A_182, %broadcast_in_dim3A_220 : vector<16384x80xi1>, vector<16384x80xf32>
    %reduce_min3A_222 = arith.constant dense<0x7F800000> : vector<16384xf32>
    %reduce_min3A_223 = vector.multi_reduction <minimumf>, %select_n3A_221, %reduce_min3A_222 [1] : vector<16384x80xf32> to vector<16384xf32>
    %broadcast_in_dim3A_224 = vector.shape_cast %reduce_min3A_223 : vector<16384xf32> to vector<16384x1xf32>
    %max3A_225 = arith.constant 9.99999996E-13 : f32
    %max3A_226 = vector.broadcast %max3A_225 : f32 to vector<16384x1xf32>
    %max3A_227 = arith.maximumf %broadcast_in_dim3A_224, %max3A_226 : vector<16384x1xf32>
    %sqrt3A_228 = math.sqrt %max3A_227 : vector<16384x1xf32>
    %mul3A_229 = arith.constant -1111.11108 : f32
    %mul3A_230 = vector.broadcast %mul3A_229 : f32 to vector<16384x1xf32>
    %mul3A_231 = arith.mulf %max3A_227, %mul3A_230 : vector<16384x1xf32>
    %exp3A_232 = math.exp %mul3A_231 : vector<16384x1xf32>
    %sub3A_233 = arith.constant 7.000000e-02 : f32
    %sub3A_234 = vector.broadcast %sub3A_233 : f32 to vector<16384x1xf32>
    %sub3A_235 = arith.subf %sub3A_234, %sqrt3A_228 : vector<16384x1xf32>
    %mul3A_236 = arith.mulf %sub3A_235, %exp3A_232 : vector<16384x1xf32>
    %reduce_sum3A_237 = vector.shape_cast %mul3A_236 : vector<16384x1xf32> to vector<1x16384x1xf32>
    %reduce_sum3A_238 = arith.constant dense<0.000000e+00> : vector<1xf32>
    %reduce_sum3A_239 = vector.multi_reduction <add>, %reduce_sum3A_237, %reduce_sum3A_238 [1, 2] : vector<1x16384x1xf32> to vector<1xf32>
    %reduce_sum3A_240 = vector.shape_cast %reduce_sum3A_239 : vector<1xf32> to vector<1x1x1xf32>
    %reduce_sum3A_241 = vector.extract %reduce_sum3A_240[0, 0, 0] : f32 from vector<1x1x1xf32>
    %add3A_242 = arith.addf %add3A_210, %reduce_sum3A_241 : f32
    %jit3A_243 = arith.constant 3.000000e+38 : f32
    %broadcast_in_dim3A_244 = vector.broadcast %jit3A_243 : f32 to vector<16384x80xf32>
    %select_n3A_245 = arith.select %eq3A_218, %broadcast_in_dim3A_244, %select_n3A_213 : vector<16384x80xi1>, vector<16384x80xf32>
    %reduce_min3A_246 = arith.constant dense<0x7F800000> : vector<16384xf32>
    %reduce_min3A_247 = vector.multi_reduction <minimumf>, %select_n3A_245, %reduce_min3A_246 [1] : vector<16384x80xf32> to vector<16384xf32>
    %broadcast_in_dim3A_248 = vector.shape_cast %reduce_min3A_247 : vector<16384xf32> to vector<16384x1xf32>
    %eq3A_249 = vector.broadcast %broadcast_in_dim3A_248 : vector<16384x1xf32> to vector<16384x80xf32>
    %eq3A_250 = arith.cmpf oeq, %select_n3A_245, %eq3A_249 : vector<16384x80xf32>
    %jit3A_251 = arith.constant 3.000000e+38 : f32
    %broadcast_in_dim3A_252 = vector.broadcast %jit3A_251 : f32 to vector<16384x80xf32>
    %select_n3A_253 = arith.select %eq3A_250, %get3A_182, %broadcast_in_dim3A_252 : vector<16384x80xi1>, vector<16384x80xf32>
    %reduce_min3A_254 = arith.constant dense<0x7F800000> : vector<16384xf32>
    %reduce_min3A_255 = vector.multi_reduction <minimumf>, %select_n3A_253, %reduce_min3A_254 [1] : vector<16384x80xf32> to vector<16384xf32>
    %broadcast_in_dim3A_256 = vector.shape_cast %reduce_min3A_255 : vector<16384xf32> to vector<16384x1xf32>
    %max3A_257 = arith.constant 9.99999996E-13 : f32
    %max3A_258 = vector.broadcast %max3A_257 : f32 to vector<16384x1xf32>
    %max3A_259 = arith.maximumf %broadcast_in_dim3A_256, %max3A_258 : vector<16384x1xf32>
    %sqrt3A_260 = math.sqrt %max3A_259 : vector<16384x1xf32>
    %mul3A_261 = arith.constant -1111.11108 : f32
    %mul3A_262 = vector.broadcast %mul3A_261 : f32 to vector<16384x1xf32>
    %mul3A_263 = arith.mulf %max3A_259, %mul3A_262 : vector<16384x1xf32>
    %exp3A_264 = math.exp %mul3A_263 : vector<16384x1xf32>
    %sub3A_265 = arith.constant 7.000000e-02 : f32
    %sub3A_266 = vector.broadcast %sub3A_265 : f32 to vector<16384x1xf32>
    %sub3A_267 = arith.subf %sub3A_266, %sqrt3A_260 : vector<16384x1xf32>
    %mul3A_268 = arith.mulf %sub3A_267, %exp3A_264 : vector<16384x1xf32>
    %reduce_sum3A_269 = vector.shape_cast %mul3A_268 : vector<16384x1xf32> to vector<1x16384x1xf32>
    %reduce_sum3A_270 = arith.constant dense<0.000000e+00> : vector<1xf32>
    %reduce_sum3A_271 = vector.multi_reduction <add>, %reduce_sum3A_269, %reduce_sum3A_270 [1, 2] : vector<1x16384x1xf32> to vector<1xf32>
    %reduce_sum3A_272 = vector.shape_cast %reduce_sum3A_271 : vector<1xf32> to vector<1x1x1xf32>
    %reduce_sum3A_273 = vector.extract %reduce_sum3A_272[0, 0, 0] : f32 from vector<1x1x1xf32>
    %add3A_274 = arith.addf %add3A_242, %reduce_sum3A_273 : f32
    %jit3A_275 = arith.constant 3.000000e+38 : f32
    %broadcast_in_dim3A_276 = vector.broadcast %jit3A_275 : f32 to vector<16384x80xf32>
    %select_n3A_277 = arith.select %eq3A_250, %broadcast_in_dim3A_276, %select_n3A_245 : vector<16384x80xi1>, vector<16384x80xf32>
    %reduce_min3A_278 = arith.constant dense<0x7F800000> : vector<16384xf32>
    %reduce_min3A_279 = vector.multi_reduction <minimumf>, %select_n3A_277, %reduce_min3A_278 [1] : vector<16384x80xf32> to vector<16384xf32>
    %broadcast_in_dim3A_280 = vector.shape_cast %reduce_min3A_279 : vector<16384xf32> to vector<16384x1xf32>
    %eq3A_281 = vector.broadcast %broadcast_in_dim3A_280 : vector<16384x1xf32> to vector<16384x80xf32>
    %eq3A_282 = arith.cmpf oeq, %select_n3A_277, %eq3A_281 : vector<16384x80xf32>
    %jit3A_283 = arith.constant 3.000000e+38 : f32
    %broadcast_in_dim3A_284 = vector.broadcast %jit3A_283 : f32 to vector<16384x80xf32>
    %select_n3A_285 = arith.select %eq3A_282, %get3A_182, %broadcast_in_dim3A_284 : vector<16384x80xi1>, vector<16384x80xf32>
    %reduce_min3A_286 = arith.constant dense<0x7F800000> : vector<16384xf32>
    %reduce_min3A_287 = vector.multi_reduction <minimumf>, %select_n3A_285, %reduce_min3A_286 [1] : vector<16384x80xf32> to vector<16384xf32>
    %broadcast_in_dim3A_288 = vector.shape_cast %reduce_min3A_287 : vector<16384xf32> to vector<16384x1xf32>
    %max3A_289 = arith.constant 9.99999996E-13 : f32
    %max3A_290 = vector.broadcast %max3A_289 : f32 to vector<16384x1xf32>
    %max3A_291 = arith.maximumf %broadcast_in_dim3A_288, %max3A_290 : vector<16384x1xf32>
    %sqrt3A_292 = math.sqrt %max3A_291 : vector<16384x1xf32>
    %mul3A_293 = arith.constant -1111.11108 : f32
    %mul3A_294 = vector.broadcast %mul3A_293 : f32 to vector<16384x1xf32>
    %mul3A_295 = arith.mulf %max3A_291, %mul3A_294 : vector<16384x1xf32>
    %exp3A_296 = math.exp %mul3A_295 : vector<16384x1xf32>
    %sub3A_297 = arith.constant 7.000000e-02 : f32
    %sub3A_298 = vector.broadcast %sub3A_297 : f32 to vector<16384x1xf32>
    %sub3A_299 = arith.subf %sub3A_298, %sqrt3A_292 : vector<16384x1xf32>
    %mul3A_300 = arith.mulf %sub3A_299, %exp3A_296 : vector<16384x1xf32>
    %reduce_sum3A_301 = vector.shape_cast %mul3A_300 : vector<16384x1xf32> to vector<1x16384x1xf32>
    %reduce_sum3A_302 = arith.constant dense<0.000000e+00> : vector<1xf32>
    %reduce_sum3A_303 = vector.multi_reduction <add>, %reduce_sum3A_301, %reduce_sum3A_302 [1, 2] : vector<1x16384x1xf32> to vector<1xf32>
    %reduce_sum3A_304 = vector.shape_cast %reduce_sum3A_303 : vector<1xf32> to vector<1x1x1xf32>
    %reduce_sum3A_305 = vector.extract %reduce_sum3A_304[0, 0, 0] : f32 from vector<1x1x1xf32>
    %add3A_306 = arith.addf %add3A_274, %reduce_sum3A_305 : f32
    %div3A_307 = arith.constant 6.553600e+04 : f32
    %div3A_308 = arith.divf %add3A_306, %div3A_307 : f32
    %swap3A_309 = arith.constant 0 : index
    %swap3A_310 = arith.constant 0 : index
    %swap3A_311 = memref.load %arg5[%swap3A_309, %swap3A_310] : memref<1x1xf32, #tpu.memory_space<smem>>
    memref.store %div3A_308, %arg5[%swap3A_309, %swap3A_310] : memref<1x1xf32, #tpu.memory_space<smem>>
    return
  }
}

</mosaic_0001>

<sc_bundles>
// kernel: kernel.5.cloned.1.call-start
scs
__scs_entry_jumppad:
0x0: {  	(pc) =	sbr.rel $0x88, $3  }
0x1: {  	(tag) =	ssettag $0x0;
	lr =	simm.s32 $0x1  }
0x2: {  	[smem:$0x3F9E] =	sst lr;
	_ =	strace $0xD0000000  }
0x3: {  	_ = 	snop  }
0x4: {  	_ = 	snop  }
0x5: {  	_ = 	snop  }
0x6: {  	_ = 	snop  }
0x7: {  	_ = 	snop  }
__scs_overlays_trampoline_lowered:
0x8: {  	[smem:$0x3FAD] =	sst s0  }
0x9: {  	[smem:$0x3FAE] =	sst s1  }
0xa: {  	[smem:$0x3FAF] =	sst s2  }
0xb: {  	[smem:$0x3FB0] =	sst s3  }
0xc: {  	[smem:$0x3FB1] =	sst s4  }
0xd: {  	[smem:$0x3FB2] =	sst s5  }
0xe: {  	[smem:$0x3FB3] =	sst s6  }
0xf: {  	[smem:$0x3FB4] =	sst s7  }
0x10: {  	[smem:$0x3FB5] =	sst s8  }
0x11: {  	[smem:$0x3FB6] =	sst s9;
	s0 =	simm.s32 @!p0 $0x0  }
0x12: {  	s1 =	sld [smem:$0x3F9C];
	s0 =	simm.s32 @p0 $0x1  }
0x13: {  	[smem:$0x3FB7] =	sst s0;
	s0 =	simm.s32 @!p1 $0x0  }
0x14: {  	s2 =	sld [smem:$0x3F9B];
	s0 =	simm.s32 @p1 $0x1  }
0x15: {  	[smem:$0x3FB8] =	sst s0;
	s0 =	simm.s32 @!p2 $0x0  }
0x16: {  	s3 =	sld [smem:$0x3FDB];
	s0 =	simm.s32 @p2 $0x1  }
0x17: {  	s4 =	simm.s32 $0x1BF5;
	[smem:$0x3FBA] =	sst s0  }
0x18: {  	s0 =	sld [smem:$0x3F9D];
	_ =	swait.ge [sflag:s4], $0x0  }
0x19: {  	s7 =	sld [smem:$0x3F9E]  }
0x1a: {  	s8 =	sadd.s32 $0xFFFFE003, lr  }
0x1b: {  	s9 =	sadd.s32 $0xFFFFFEF7, lr;
	s5 =	simm.s32 $0xFFFFFFFF;
	p2 =	slt.u32 s8, $0xFFFFF086  }
0x1c: {  	p1 =	slt.u32 s9, $0xF7A;
	s5 =	simm.s32 @!p2 $0x0  }
0x1d: {  	s5 =	simm.s32 @p1 $0x1;
	p0 =	seq.s32 s7, s2  }
0x1e: {  	s7 =	smul.u32 @!p0 $0xF7A, s2;
	p2 =	seq.s32 @!p0 s5, $0x0  }
0x1f: {  	s9 =	smul.u32 $0xF7A, s1;
	s8 =	simm.s32 @!p0 $0x1BF5;
	p2 =	por !p2, p0  }
0x20: {  	[sflag:s8] =	ssyncset.s32 @!p0 $0xFFFFF086;
	s6 =	sadd.s32 @!p0 s3, s7;
	s7 =	simm.s32 @!p0 $0x108  }
0x21: {  	s3 =	sadd.s32 s3, s9;
	s6 =	sadd.s32 @!p0 $0x88, s6;
	s7 =	simm.s32 @p2 $0x1082  }
0x22: {  	[simem:s7], [sflag:s8] =	dma.local @!p0 [hbm:s6], $0xF7A  }
0x23: {  	s9 =	sor.u32 $0xD0000000, s2;
	s6 =	simm.s32 $0x108;
	_ =	swait.ge @!p0 [sflag:s8], $0x0  }
0x24: {  	s3 =	sadd.s32 $0x88, s3;
	s6 =	simm.s32 @!p1 $0x1082;
	[sflag:s4] =	ssyncset.s32 $0xFFFFF086  }
0x25: {  	[simem:s6], [sflag:s4] =	dma.local [hbm:s3], $0xF7A  }
0x26: {  	[smem:$0x3F9E] =	sst s1;
	(tag) =	ssettag s2;
	_ =	strace s9  }
0x27: {  	s1 =	sld [smem:$0x3FAE]  }
0x28: {  	s2 =	sld [smem:$0x3FAF]  }
0x29: {  	s4 =	sld [smem:$0x3FB1]  }
0x2a: {  	p0 =	seq.s32 s5, $0x0;
	s5 =	sld [smem:$0x3FB2]  }
0x2b: {  	s6 =	sld [smem:$0x3FB3]  }
0x2c: {  	s7 =	sld [smem:$0x3FB4]  }
0x2d: {  	s3 =	simm.s32 $0x108;
	s8 =	sld [smem:$0x3FB5]  }
0x2e: {  	s3 =	simm.s32 @!p0 $0x1082;
	s9 =	sld [smem:$0x3FB6]  }
0x2f: {  	lr =	sadd.s32 s0, s3;
	s0 =	sld [smem:$0x3FAD]  }
0x30: {  	s3 =	sld [smem:$0x3FB0]  }
0x31: {  	[smem:$0x3FB9] =	sst s10  }
0x32: {  	s10 =	sld [smem:$0x3FB7];
	_ =	sdelay $0x3  }
0x33: {  	p0 =	seq.s32 s10, $0x1;
	s10 =	sld [smem:$0x3FB9];
	_ =	sdelay $0x3  }
0x34: {  	[smem:$0x3FB9] =	sst s10  }
0x35: {  	s10 =	sld [smem:$0x3FB8];
	_ =	sdelay $0x3  }
0x36: {  	p1 =	seq.s32 s10, $0x1;
	s10 =	sld [smem:$0x3FB9];
	_ =	sdelay $0x3  }
0x37: {  	[smem:$0x3FB9] =	sst s10  }
0x38: {  	s10 =	sld [smem:$0x3FBA]  }
0x39: {  	_ = 	snop;
	(pc) =	sbr.ind lr, $3  }
0x3a: {  	_ = 	snop  }
0x3b: {  	_ = 	snop  }
0x3c: {  	p2 =	seq.s32 s10, $0x1;
	s10 =	sld [smem:$0x3FB9]  }
0x3d: {  	_ =	shalt  }
0x3e: {  	_ =	shalt  }
0x3f: {  	_ =	shalt  }
0x40: {  	_ =	shalt  }
0x41: {  	_ =	shalt  }
0x42: {  	_ =	shalt  }
0x43: {  	_ =	shalt  }
0x44: {  	_ =	shalt  }
0x45: {  	_ =	shalt  }
0x46: {  	_ =	shalt  }
0x47: {  	_ =	shalt  }
0x48: {  	_ =	shalt  }
0x49: {  	_ =	shalt  }
0x4a: {  	_ =	shalt  }
0x4b: {  	_ =	shalt  }
0x4c: {  	_ =	shalt  }
0x4d: {  	_ =	shalt  }
0x4e: {  	_ =	shalt  }
0x4f: {  	_ =	shalt  }
0x50: {  	_ =	shalt  }
0x51: {  	_ =	shalt  }
0x52: {  	_ =	shalt  }
0x53: {  	_ =	shalt  }
0x54: {  	_ =	shalt  }
0x55: {  	_ =	shalt  }
0x56: {  	_ =	shalt  }
0x57: {  	_ =	shalt  }
0x58: {  	_ =	shalt  }
0x59: {  	_ =	shalt  }
0x5a: {  	_ =	shalt  }
0x5b: {  	_ =	shalt  }
0x5c: {  	_ =	shalt  }
0x5d: {  	_ =	shalt  }
0x5e: {  	_ =	shalt  }
0x5f: {  	_ =	shalt  }
0x60: {  	_ =	shalt  }
0x61: {  	_ =	shalt  }
0x62: {  	_ =	shalt  }
0x63: {  	_ =	shalt  }
0x64: {  	_ =	shalt  }
0x65: {  	_ =	shalt  }
0x66: {  	_ =	shalt  }
0x67: {  	_ =	shalt  }
0x68: {  	_ =	shalt  }
0x69: {  	_ =	shalt  }
0x6a: {  	_ =	shalt  }
0x6b: {  	_ =	shalt  }
0x6c: {  	_ =	shalt  }
0x6d: {  	_ =	shalt  }
0x6e: {  	_ =	shalt  }
0x6f: {  	_ =	shalt  }
0x70: {  	_ =	shalt  }
0x71: {  	_ =	shalt  }
0x72: {  	_ =	shalt  }
0x73: {  	_ =	shalt  }
0x74: {  	_ =	shalt  }
0x75: {  	_ =	shalt  }
0x76: {  	_ =	shalt  }
0x77: {  	_ =	shalt  }
0x78: {  	_ =	shalt  }
0x79: {  	_ =	shalt  }
0x7a: {  	_ =	shalt  }
0x7b: {  	_ =	shalt  }
0x7c: {  	_ =	shalt  }
0x7d: {  	_ =	shalt  }
0x7e: {  	_ =	shalt  }
0x7f: {  	_ =	shalt  }
0x80: {  	_ =	shalt  }
0x81: {  	_ =	shalt  }
0x82: {  	_ =	shalt  }
0x83: {  	_ =	shalt  }
0x84: {  	_ =	shalt  }
0x85: {  	_ =	shalt  }
0x86: {  	_ =	shalt  }
0x87: {  	_ =	shalt  }
.Lfunc_end0:
.L_simem_size_0:
called_computation_lowered:
.L_overlay_start_0:
0x88: {  	s2 =	sld [smem:$0x3FD9]  }
0x89: {  	s3 =	sld [smem:$0x3FFE];
	_ =	sdelay $0x1  }
0x8a: {  	s1 =	srdreg.scid  }
0x8b: {  	s0 =	sand.u32 $0x1, s1  }
0x8c: {  	s17 =	sshll.u32 s0, $0xA;
	s2 =	sadd.s32 s3, s2  }
0x8d: {  	s2 =	sadd.s32 s2, s17  }
0x8e: {  	[smem:$0x3FC5] =	sst s2  }
0x8f: {  	_ = 	snop  }
0x90: {  	s2 =	sld [smem:$0x3FC9];
	(tm) =	ssettm $0x1  }
0x91: {  	s18 =	sld [smem:$0x3FFB];
	_ =	sdelay $0x3  }
0x92: {  	_ =	strace s18  }
0x93: {  	s3 =	sld [smem:$0x3FFC];
	_ =	sdelay $0x3  }
0x94: {  	_ =	strace s3  }
0x95: {  	s3 =	sld [smem:$0x3FFD];
	_ =	sdelay $0x3  }
0x96: {  	_ =	strace s3  }
0x97: {  	_ =	strace $0x8FFFFFFF  }
0x98: {  	s19 =	sld [smem:$0x3FDB];
	_ =	sdelay $0x1  }
0x99: {  	s4 =	simm.s32 $_scs_section_size  }
0x9a: {  	s5 =	simm.s32 $_size__tile_overlayer_lowered;
	s6 =	simm.s32 $_tile_overlayer_lowered  }
0x9b: {  	s22 =	simm.s32 $0x1BFF;
	s21 =	sshll.u32 s6, $0x1;
	s3 =	sadd.s32 s4, s19  }
0x9c: {  	s7 =	simm.s32 $0x0;
	s20 =	sshll.u32 s5, $0x1;
	s5 =	sadd.s32 s21, s3  }
0x9d: {  	[timem:s7], [sflag:s22] =	dma.local [hbm:s5], s20  }
0x9e: {  	_ =	swait.ge [sflag:s22], s20  }
0x9f: {  	s4 =	ssub.s32 $0x0, s20;
	[sflag:s22] =	ssyncset.done $0x0  }
0xa0: {  	[sflag:s22] =	ssyncadd.s32 s4;
	_ =	sdelay $0x1  }
0xa1: {  	s23 =	simm.s32 $0x1B8B  }
0xa2: {  	_ =	swait.ge [sflag:s23], $0x1  }
0xa3: {  	[sflag:s23] =	ssyncset.done $0x0  }
0xa4: {  	s25 =	simm.s32 $0x1B8E;
	s24 =	sld [smem:$0x3FFE];
	[sflag:s23] =	ssyncadd.s32 $0xFFFFFFFF  }
0xa5: {  	s26 =	simm.s32 $execute0_lowered;
	[smem:$0x3FD2] =	sst s25  }
0xa6: {  	s5 =	sshll.u32 s26, $0x1;
	_ =	strace $0x80000046;
	[dreg:$0x1] =	wrdreg $0xFFFFFFFF  }
0xa7: {  	s28 =	simm.s32 $_size_execute0_lowered;
	s3 =	sadd.s32 s3, s5;
	[dreg:$0x0] =	wrdreg $0x0  }
0xa8: {  	s5 =	sshll.u32 s28, $0x1;
	[dreg:$0x2] =	wrdreg s3  }
0xa9: {  	[dreg:$0x3] =	wrdreg s5  }
0xaa: {  	[dreg:$0x4] =	wrdreg $0xC0  }
0xab: {  	_ =	task [dreg:s7], $0x5FFFF  }
0xac: {  	[dreg:$0x1] =	wrdreg $0xFFFFFFFF  }
0xad: {  	[dreg:$0x0] =	wrdreg $0x60  }
0xae: {  	[dreg:$0x2] =	wrdreg s2  }
0xaf: {  	[dreg:$0x3] =	wrdreg s24  }
0xb0: {  	[dreg:$0x4] =	wrdreg $0x9  }
0xb1: {  	_ =	task.clear_ibuf [dreg:s7], $0x5FFFF;
	_ =	strace $0x90000046  }
0xb2: {  	s29 =	simm.s32 $0x9;
	_ =	strace $0x80000048  }
0xb3: {  	_ =	swait.ge [sflag:s29], $0x1  }
0xb4: {  	[sflag:s29] =	ssyncadd.s32 $0xFFFFFFFF  }
0xb5: {  	_ =	strace $0x90000048  }
0xb6: {  	_ =	sfence  }
0xb7: {  	s30 =	sld [smem:$0x0];
	_ =	sdelay $0x2  }
0xb8: {  	s31 =	sshll.u32 s1, $0xD;
	s1 =	sshrl.u32 s1, $0x2  }
0xb9: {  	s3 =	sand.u32 $0x4000, s31;
	s1 =	sadd.s32 s1, s30  }
0xba: {  	s0 =	sor.u32 s3, s0;
	s1 =	sshll.u32 s1, $0x11  }
0xbb: {  	s0 =	sor.u32 s1, s0  }
0xbc: {  	s0 =	sadd.s32 $0x8F2B, s0  }
0xbd: {  	[sflag:s0] =	ssyncadd.remote.s32 $0x1  }
0xbe: {  	_ =	sfence.sel $0xFFFF  }
0xbf: {  	[dreg:$0x0] =	wrdreg $0xFFFFFFFF;
	(pc) =	sbr.abs _section_cstart, $3  }
0xc0: {  	[dreg:$0x1] =	wrdreg $0xFFFFFFFF  }
0xc1: {  	_ =	task.clear_ibuf [dreg:s7], $0x2FFFF;
	_ =	strace $0x9FFFFFFF  }
0xc2: {  	(tm) =	ssettm $0x7FFFFFFF  }
0xc3: {  	_ =	shalt  }
tec
execute0_lowered:
.L_overlay_start_1:
0x0: {  	(tag) =	ssettag $0x1  }
0x1: {  	s4 =	rddreg [dreg:$0x0]  }
0x2: {  	s3 =	rddreg [dreg:$0x1]  }
0x3: {  	s0 =	rddreg [dreg:$0x2]  }
0x4: {  	s1 =	stileid.u32;
	s5 =	srdreg.scid  }
0x5: {  	s2 =	simm.s32 $0x0;
	s11 =	simm.s32 $0x1;
	s12 =	simm.s32 $0x1800  }
0x6: {  	s13 =	simm.s32 $0x3800;
	s14 =	simm.s32 $0xD800;
	s15 =	simm.s32 $0x0  }
0x7: {  	s5 =	sand.u32 $0x1, s5;
	s6 =	sshll.u32 s1, $0x1;
	[smem:$0x7FF] =	sst s2  }
0x8: {  	s7 =	sshrl.u32 s1, $0x2;
	s8 =	sshll.u32 s1, $0x3;
	s6 =	sor.u32 s5, s6  }
0x9: {  	s7 =	smul.u32 $0x50000, s7;
	_ =	strace $0x80000047;
	s8 =	sand.u32 $0x70, s8  }
0xa: {  	s5 =	ssub.s32 $0x2, s5;
	s9 =	sshll.u32 s6, $0x7;
	s10 =	sadd.s32 s8, s3  }
0xb: {  	s31 =	sshrl.u32 s5, $0x1;
	s6 =	sshll.u32 s6, $0x9;
	s9 =	sand.u32 $0x380, s9  }
0xc: {  	s4 =	sadd.s32 s4, s8;
	s7 =	sor.u32 s7, s9;
	s9 =	ssub.s32 s5, s31  }
0xd: {  	s5 =	sadd.s32 $0x1A00, s10;
	s10 =	simm.s32 $0x400;
	s7 =	sshrl.u32 s7, $0x3  }
0xe: {  	s8 =	smax.u32 s9, $0x1;
	s7 =	sadd.s32 s7, s3;
	s3 =	sand.u32 $0x600, s6  }
0xf: {  	s9 =	simm.s32 $0x80;
	s6 =	sadd.s32 $0x3200, s7;
	s7 =	sadd.s32 $0x2B200, s7;
	v0 =	vmov s3  }
.LBB2_1:
0x10: {  	[tilespmem:s2], [sflag:$0x1] =	stream.strided.gather [hbm4b:s4+s9], $0x1800, s10, s9, $0x38;
	[tilespmem:$0x17800] =	vst v63  }
0x11: {  	_ =	swait.ge [sflag:s11], $0x1800  }
0x12: {  	[sflag:s11] =	ssyncset.done $0x0  }
0x13: {  	[sflag:s11] =	ssyncadd.s32 $0xFFFFE800  }
0x14: {  	[tilespmem:s12], [sflag:$0x1] =	stream.strided.gather [hbm4b:s5+s9], $0x1800, s10, s9, $0x38;
	[tilespmem:$0x17800] =	vst v63  }
0x15: {  	_ =	swait.ge [sflag:s11], $0x1800  }
0x16: {  	[sflag:s11] =	ssyncset.done $0x0  }
0x17: {  	[sflag:s11] =	ssyncadd.s32 $0xFFFFE800  }
0x18: {  	s16 =	sand.u32 $0x7F0, s2;
	v1 =	vld [tilespmem:s2+$0x0]  }
0x19: {  	v2 =	vld [tilespmem:s16+$0x800];
	_ =	sdelay $0x1  }
0x1a: {  	v3 =	vld [tilespmem:s16+$0x1000];
	_ =	sdelay $0x2  }
0x1b: {  	v1 =	vmul.f32 v1, v1;
	v2 =	vmul.f32 v2, v2;
	_ =	sdelay $0x1  }
0x1c: {  	v1 =	vadd.f32 v2, v1;
	v2 =	vmul.f32 v3, v3;
	_ =	sdelay $0x1  }
0x1d: {  	v1 =	vadd.f32 v2, v1  }
0x1e: {  	s16 =	simm.s32 $0x3000  }
0x1f: {  	s17 =	simm.s32 $0x10;
	[tilespmem:s16+$0x0] =	vst v1  }
0x20: {  	s18 =	simm.s32 $0x20;
	s19 =	sand.u32 $0x7F0, s17;
	v1 =	vld [tilespmem:s17+$0x0]  }
.LBB2_2:
0x21: {  	p0 =	sne.s32 s18, $0x7F0;
	v2 =	vld [tilespmem:s19+$0x800];
	_ =	sdelay $0x1  }
0x22: {  	v3 =	vld [tilespmem:s19+$0x1000];
	_ =	sdelay $0x2  }
0x23: {  	v1 =	vmul.f32 v1, v1;
	v2 =	vmul.f32 v2, v2;
	_ =	sdelay $0x1  }
0x24: {  	v1 =	vadd.f32 v2, v1;
	v2 =	vmul.f32 v3, v3  }
.Ltmp0:
0x25: {  	(pc) =	sbr.rel @p0 .LBB2_2-.Ltmp0, $4  }
0x26: {  	v1 =	vadd.f32 v2, v1  }
0x27: {  	s16 =	sadd.s32 $0x10, s16  }
0x28: {  	s17 =	sadd.s32 $0x10, s17;
	[tilespmem:s16+$0x0] =	vst v1  }
0x29: {  	s19 =	sand.u32 $0x7F0, s18;
	s18 =	sadd.s32 $0x10, s18;
	v1 =	vld [tilespmem:s17+$0x0]  }
0x2a: {  	v2 =	vld [tilespmem:s19+$0x800];
	_ =	sdelay $0x1  }
0x2b: {  	v3 =	vld [tilespmem:s19+$0x1000];
	_ =	sdelay $0x2  }
0x2c: {  	v1 =	vmul.f32 v1, v1;
	v2 =	vmul.f32 v2, v2;
	_ =	sdelay $0x1  }
0x2d: {  	v1 =	vadd.f32 v2, v1;
	v2 =	vmul.f32 v3, v3;
	_ =	sdelay $0x1  }
0x2e: {  	v1 =	vadd.f32 v2, v1  }
0x2f: {  	s16 =	sadd.s32 $0x10, s16  }
0x30: {  	[tilespmem:s16+$0x0] =	vst v1;
	s16 =	simm.s32 $0x0  }
.LBB2_4:
0x31: {  	_ =	sdelay $0x2  }
0x32: {  	s17 =	sshll.u32 s16, $0x4  }
0x33: {  	v1 =	vld.idx.msk [tilespmem:v0+s17+$0x0 ss:$0x1], $0xffff  }
0x34: {  	v6 =	vld.idx.msk [tilespmem:v0+s17+$0x1800 ss:$0x1], $0xffff  }
0x35: {  	v2 =	vld.idx.msk [tilespmem:v0+s17+$0x2000 ss:$0x1], $0xffff  }
0x36: {  	s30 =	simm.s32 $0x2010;
	v3 =	vld.idx.msk [tilespmem:v0+s17+$0x2800 ss:$0x1], $0xffff  }
0x37: {  	s31 =	simm.s32 $0x810;
	v20 =	vld [tilespmem:s30+$0xFFFFF7F0]  }
0x38: {  	s18 =	sadd.s32 s3, s17;
	v21 =	vld [tilespmem:s31+$0x0]  }
0x39: {  	v22 =	vld [tilespmem:s31+$0xFFFFF800];
	s19 =	sor.u32 $0x800, s18  }
0x3a: {  	s18 =	sor.u32 $0x1000, s18;
	v4 =	vld [tilespmem:s19+$0x0]  }
0x3b: {  	v5 =	vld [tilespmem:s18+$0x0]  }
0x3c: {  	v24 =	vld [tilespmem:s30+$0x800];
	v7 =	vbroadcast v1, $0x0;
	v10 =	vbroadcast v6, $0x0  }
0x3d: {  	v26 =	vld [tilespmem:s30+$0x7F0];
	v11 =	vbroadcast v2, $0x0;
	v12 =	vbroadcast v3, $0x0  }
0x3e: {  	v30 =	vld [tilespmem:s31+$0xFFFFF7F0];
	v13 =	vbroadcast v1, $0x1;
	v16 =	vbroadcast v6, $0x1  }
0x3f: {  	v33 =	vld [tilespmem:s30+$0xFFFFFFF0];
	v17 =	vbroadcast v2, $0x1;
	v18 =	vbroadcast v3, $0x1  }
0x40: {  	v36 =	vld [tilespmem:s30+$0xFFFFF800];
	v8 =	vbroadcast v4, $0x0;
	v9 =	vbroadcast v5, $0x0  }
0x41: {  	v23 =	vld [tilespmem:s31+$0x7F0];
	v14 =	vbroadcast v4, $0x1;
	v15 =	vbroadcast v5, $0x1  }
0x42: {  	v25 =	vld [tilespmem:s31+$0x800];
	v29 =	vsub.f32 v7, v22;
	v31 =	vmul.f32 v20, v10;
	v22 =	vsub.f32 v13, v22  }
0x43: {  	v20 =	vmul.f32 v20, v16;
	v37 =	vsub.f32 v7, v30;
	v38 =	vmul.f32 v26, v18  }
0x44: {  	v30 =	vsub.f32 v13, v30;
	v39 =	vmul.f32 v33, v17;
	v40 =	vmul.f32 v24, v12  }
0x45: {  	v48 =	vmul.f32 v36, v16;
	v33 =	vmul.f32 v33, v11;
	v28 =	vsub.f32 v8, v21  }
0x46: {  	v34 =	vld [tilespmem:s30+$0x0];
	v36 =	vmul.f32 v36, v10;
	v32 =	vsub.f32 v15, v23;
	v21 =	vsub.f32 v14, v21  }
0x47: {  	v27 =	vld [tilespmem:s31+$0xFFFFFFF0];
	v29 =	vmul.f32 v29, v29;
	v35 =	vsub.f32 v15, v25;
	v25 =	vsub.f32 v9, v25  }
0x48: {  	s17 =	simm.s32 $0x3010;
	v22 =	vmul.f32 v22, v22;
	v20 =	vadd.f32 v39, v20;
	v28 =	vmul.f32 v28, v28  }
0x49: {  	v41 =	vld [tilespmem:s17+$0xFFFFFFF0];
	v23 =	vsub.f32 v9, v23;
	v31 =	vadd.f32 v33, v31;
	v21 =	vmul.f32 v21, v21  }
0x4a: {  	v35 =	vmul.f32 v35, v35;
	v20 =	vadd.f32 v38, v20;
	v28 =	vadd.f32 v28, v29  }
0x4b: {  	v21 =	vadd.f32 v21, v22;
	v22 =	vmul.f32 v34, v11;
	v34 =	vmul.f32 v34, v17  }
0x4c: {  	v24 =	vmul.f32 v24, v18;
	v29 =	vsub.f32 v14, v27;
	v20 =	vadd.f32 v20, v20  }
0x4d: {  	v25 =	vmul.f32 v25, v25;
	v35 =	vadd.f32 v35, v21;
	v21 =	vadd.f32 v34, v48  }
0x4e: {  	v26 =	vmul.f32 v26, v12;
	v22 =	vadd.f32 v22, v36;
	v20 =	vsub.f32 v41, v20  }
0x4f: {  	v19 =	vimm.f32 $3.000000010e+38;
	v53 =	vadd.f32 v25, v28;
	v21 =	vadd.f32 v24, v21  }
0x50: {  	v49 =	vmul.f32 v37, v37;
	v24 =	vadd.f32 v26, v31;
	v26 =	vsub.f32 v8, v27  }
0x51: {  	v27 =	vmul.f32 v29, v29;
	v29 =	vmul.f32 v30, v30;
	v22 =	vadd.f32 v40, v22  }
0x52: {  	v31 =	vmul.f32 v32, v32;
	vm0 =	vlt.f32 v20, v19;
	v50 =	vmax.f32 v19, v20  }
0x53: {  	v30 =	vld [tilespmem:s17+$0x0];
	v20 =	vmin.f32 v19, v20;
	v32 =	vimm.f32 $3.000000010e+38;
	v52 =	vmin.f32 v19, v50  }
0x54: {  	vm2 =	vlt.f32 v50, v19;
	v24 =	vadd.f32 v24, v24;
	v27 =	vadd.f32 v27, v29  }
0x55: {  	v26 =	vmul.f32 v26, v26;
	v21 =	vadd.f32 v21, v21;
	v29 =	vmax.f32 v19, v50  }
0x56: {  	v51 =	vadd.f32 v22, v22;
	vm1 =	vlt.f32 v29, v19;
	v22 =	vadd.f32 v31, v27  }
0x57: {  	v26 =	vadd.f32 v26, v49;
	v31 =	vmul.f32 v23, v23;
	v59 =	vsub.f32 v41, v24  }
0x58: {  	v27 =	vsub.f32 v30, v21;
	v30 =	vsub.f32 v30, v51;
	v23 =	vsel vm0, v19, v22  }
0x59: {  	v25 =	vsel vm0, v22, v19;
	v22 =	vmax.f32 v19, v29;
	v29 =	vmin.f32 v19, v29  }
0x5a: {  	v31 =	vadd.f32 v31, v26;
	v61 =	vmin.f32 v19, v59;
	v33 =	vmax.f32 v19, v59  }
0x5b: {  	vm3 =	vlt.f32 v27, v20;
	v21 =	vmin.f32 v20, v27;
	v27 =	vmax.f32 v20, v27  }
0x5c: {  	v28 =	vsel vm2, v19, v23;
	vm0 =	vlt.f32 v22, v19;
	v38 =	vmin.f32 v19, v22  }
0x5d: {  	v54 =	vsel vm2, v23, v19;
	v56 =	vmax.f32 v19, v22;
	vm15 =	vlt.f32 v30, v61  }
0x5e: {  	vm5 =	vlt.f32 v33, v19;
	v63 =	vmax.f32 v19, v33;
	v33 =	vmin.f32 v19, v33  }
0x5f: {  	v34 =	vmax.f32 v61, v30;
	v20 =	vsel vm3, v35, v25;
	vm4 =	vlt.f32 v27, v52  }
0x60: {  	v23 =	vsel vm1, v19, v28;
	v55 =	vmax.f32 v52, v27;
	v25 =	vsel vm3, v25, v35  }
0x61: {  	v57 =	vsel vm1, v28, v19;
	v58 =	vmin.f32 v19, v56;
	vm1 =	vlt.f32 v56, v19  }
0x62: {  	v28 =	vmin.f32 v52, v27;
	v44 =	vmin.f32 v19, v63;
	v37 =	vmax.f32 v19, v63  }
0x63: {  	v46 =	vmax.f32 v33, v34;
	v35 =	vimm.f32 $3.000000010e+38;
	v42 =	vsel vm0, v19, v23  }
0x64: {  	v22 =	vmin.f32 v29, v55;
	v43 =	vsel vm0, v23, v19;
	vm0 =	vlt.f32 v55, v29  }
0x65: {  	v39 =	vmax.f32 v29, v55;
	v23 =	vsel vm4, v25, v54;
	v25 =	vsel vm4, v54, v25  }
0x66: {  	v41 =	vmin.f32 v19, v37;
	vm2 =	vlt.f32 v39, v38;
	v29 =	vmax.f32 v38, v39  }
0x67: {  	v60 =	vsel vm0, v57, v25;
	v24 =	vsel vm0, v25, v57;
	vm0 =	vlt.f32 v59, v19  }
0x68: {  	v25 =	vsel vm1, v42, v19;
	vm1 =	vlt.f32 v34, v33;
	vm3 =	vlt.f32 v29, v58  }
0x69: {  	v62 =	vsel vm0, v19, v31;
	v26 =	vmin.f32 v58, v29;
	v27 =	vsel vm2, v60, v43  }
0x6a: {  	v36 =	vsel vm2, v43, v60;
	v29 =	vmin.f32 v61, v30;
	v31 =	vsel vm0, v31, v19  }
0x6b: {  	vm2 =	vlt.f32 v63, v19;
	v30 =	vmin.f32 v33, v34;
	v43 =	vmax.f32 v19, v37  }
0x6c: {  	vm0 =	vlt.f32 v46, v44;
	v34 =	vimm.f32 $3.000000010e+38;
	v33 =	vimm.f32 $3.000000010e+38  }
0x6d: {  	v25 =	vsel vm3, v36, v25;
	v42 =	vsel vm5, v62, v19;
	v45 =	vsel vm15, v31, v53  }
0x6e: {  	s20 =	simm.s32 $0x2030;
	s18 =	simm.s32 $0x0;
	s19 =	simm.s32 $0x830;
	v47 =	vsel vm5, v19, v62;
	v31 =	vsel vm15, v53, v31;
	v40 =	vsel vm1, v42, v45  }
.LBB2_5:
0x6f: {  	v48 =	vld [tilespmem:s20+$0xFFFFF7F0];
	s18 =	sadd.s32 $0x2, s18;
	v49 =	vsel vm2, v47, v19;
	v47 =	vsel vm2, v19, v47;
	v36 =	vmin.f32 v44, v46;
	s17 =	sadd.s32 $0x20, s17  }
0x70: {  	vm2 =	vlt.f32 v37, v35;
	v37 =	vsel vm1, v45, v42;
	v35 =	vmax.f32 v44, v46;
	v50 =	vld [tilespmem:s19+$0x0];
	p0 =	slt.u32 s18, $0x7E  }
0x71: {  	v39 =	vmin.f32 v38, v39;
	v44 =	vsel vm2, v34, v47;
	v19 =	vsel vm0, v40, v49;
	v42 =	vld [tilespmem:s19+$0xFFFFF800]  }
0x72: {  	v46 =	vmin.f32 v33, v43;
	v45 =	vsel vm2, v47, v34;
	v47 =	vmax.f32 v41, v35;
	v38 =	vld [tilespmem:s19+$0x7F0]  }
0x73: {  	vm2 =	vlt.f32 v43, v33;
	vm3 =	vlt.f32 v35, v41;
	vm1 =	vlt.f32 v47, v46;
	v51 =	vld [tilespmem:s20+$0x800]  }
0x74: {  	v33 =	vsel vm0, v49, v40;
	v32 =	vsel vm2, v44, v32;
	v43 =	vmul.f32 v48, v10;
	v52 =	vld [tilespmem:s19+$0x800]  }
0x75: {  	v35 =	vmin.f32 v41, v35;
	v44 =	vmul.f32 v48, v16;
	v40 =	vld [tilespmem:s20+$0x7F0];
	v34 =	vsub.f32 v8, v50  }
0x76: {  	v41 =	vld [tilespmem:s19+$0xFFFFFFF0];
	v48 =	vsub.f32 v7, v42;
	v42 =	vsub.f32 v13, v42  }
0x77: {  	v49 =	vld [tilespmem:s19+$0xFFFFF7F0];
	v53 =	vsub.f32 v15, v38;
	v54 =	vmul.f32 v34, v34;
	v34 =	vsel vm3, v33, v45  }
0x78: {  	v45 =	vsel vm3, v45, v33;
	v55 =	vld [tilespmem:s20+$0xFFFFFFF0];
	v48 =	vmul.f32 v48, v48;
	v42 =	vmul.f32 v42, v42  }
0x79: {  	v50 =	vsub.f32 v14, v50;
	v33 =	vmin.f32 v46, v47;
	v56 =	vld [tilespmem:s20+$0x0];
	v57 =	vsub.f32 v15, v52  }
0x7a: {  	v32 =	vsel vm1, v45, v32;
	v47 =	vsub.f32 v9, v52;
	v46 =	vld [tilespmem:s20+$0xFFFFF800];
	v48 =	vadd.f32 v54, v48  }
0x7b: {  	v50 =	vmul.f32 v50, v50;
	v45 =	vsub.f32 v14, v41;
	v52 =	vmul.f32 v57, v57  }
0x7c: {  	v57 =	vmul.f32 v40, v18;
	v54 =	vsub.f32 v7, v49;
	v49 =	vsub.f32 v13, v49  }
0x7d: {  	v42 =	vadd.f32 v50, v42;
	v40 =	vmul.f32 v40, v12;
	v58 =	vmul.f32 v55, v17  }
0x7e: {  	v38 =	vsub.f32 v9, v38;
	v59 =	vmul.f32 v51, v12;
	v50 =	vmul.f32 v56, v11  }
0x7f: {  	v56 =	vmul.f32 v56, v17;
	v44 =	vadd.f32 v58, v44;
	v58 =	vmul.f32 v46, v16  }
0x80: {  	v55 =	vmul.f32 v55, v11;
	v42 =	vadd.f32 v52, v42;
	v46 =	vmul.f32 v46, v10;
	v60 =	vld [tilespmem:s17+$0xFFFFFFF0]  }
0x81: {  	v51 =	vmul.f32 v51, v18;
	v44 =	vadd.f32 v57, v44;
	v52 =	vadd.f32 v56, v58  }
0x82: {  	v47 =	vmul.f32 v47, v47;
	v43 =	vadd.f32 v55, v43;
	v46 =	vadd.f32 v50, v46  }
0x83: {  	v50 =	vmul.f32 v54, v54;
	v44 =	vadd.f32 v44, v44;
	v51 =	vadd.f32 v51, v52  }
0x84: {  	v41 =	vsub.f32 v8, v41;
	v40 =	vadd.f32 v40, v43;
	v43 =	vmul.f32 v45, v45  }
0x85: {  	v45 =	vmul.f32 v49, v49;
	v46 =	vadd.f32 v59, v46;
	v44 =	vsub.f32 v60, v44;
	v49 =	vld [tilespmem:s17+$0x0]  }
0x86: {  	v41 =	vmul.f32 v41, v41;
	v40 =	vadd.f32 v40, v40;
	v51 =	vadd.f32 v51, v51  }
0x87: {  	v52 =	vmul.f32 v53, v53;
	vm1 =	vlt.f32 v44, v21;
	v53 =	vmax.f32 v21, v44  }
0x88: {  	v43 =	vadd.f32 v43, v45;
	v46 =	vadd.f32 v46, v46;
	v45 =	vmax.f32 v28, v53  }
0x89: {  	v44 =	vmin.f32 v21, v44;
	v54 =	vmin.f32 v28, v53;
	vm0 =	vlt.f32 v45, v22  }
0x8a: {  	v43 =	vadd.f32 v52, v43;
	vm2 =	vlt.f32 v53, v28;
	v28 =	vsub.f32 v49, v51  }
0x8b: {  	v48 =	vadd.f32 v47, v48;
	v41 =	vadd.f32 v41, v50;
	v50 =	vmul.f32 v38, v38  }
0x8c: {  	v47 =	vsel vm1, v20, v43;
	vm3 =	vlt.f32 v28, v44;
	v21 =	vmin.f32 v44, v28  }
0x8d: {  	v43 =	vsel vm1, v43, v20;
	v51 =	vmax.f32 v22, v45;
	v28 =	vmax.f32 v44, v28  }
0x8e: {  	v45 =	vmin.f32 v22, v45;
	v44 =	vsel vm2, v23, v47;
	v20 =	vsel vm3, v42, v43  }
0x8f: {  	vm1 =	vlt.f32 v51, v39;
	v38 =	vmin.f32 v39, v51;
	vm4 =	vlt.f32 v28, v54  }
0x90: {  	v47 =	vsel vm2, v47, v23;
	v23 =	vsel vm0, v24, v44;
	v52 =	vmax.f32 v54, v28  }
0x91: {  	v51 =	vmax.f32 v39, v51;
	v53 =	vsel vm1, v27, v23;
	v22 =	vmin.f32 v45, v52  }
0x92: {  	v55 =	vsel vm1, v23, v27;
	vm1 =	vlt.f32 v52, v45;
	v39 =	vmax.f32 v45, v52  }
0x93: {  	v27 =	vsel vm3, v43, v42;
	vm2 =	vlt.f32 v39, v38;
	v42 =	vmax.f32 v38, v39  }
0x94: {  	v24 =	vsel vm0, v44, v24;
	v43 =	vmin.f32 v26, v51;
	v23 =	vsel vm4, v27, v47  }
0x95: {  	vm0 =	vlt.f32 v51, v26;
	v26 =	vsel vm4, v47, v27;
	vm3 =	vlt.f32 v42, v43  }
0x96: {  	v28 =	vmin.f32 v54, v28;
	v27 =	vsub.f32 v60, v40;
	v40 =	vsel vm1, v24, v26  }
0x97: {  	v41 =	vadd.f32 v50, v41;
	v44 =	vsub.f32 v49, v46;
	v24 =	vsel vm1, v26, v24  }
0x98: {  	v25 =	vsel vm0, v53, v25;
	vm1 =	vlt.f32 v27, v29;
	v45 =	vmin.f32 v29, v27  }
0x99: {  	v26 =	vmin.f32 v43, v42;
	v46 =	vsel vm1, v31, v41;
	vm0 =	vlt.f32 v44, v45  }
0x9a: {  	v43 =	vmax.f32 v29, v27;
	v27 =	vsel vm2, v40, v55;
	v40 =	vsel vm2, v55, v40  }
0x9b: {  	vm4 =	vlt.f32 v43, v30;
	v29 =	vmin.f32 v45, v44;
	v25 =	vsel vm3, v40, v25  }
0x9c: {  	v31 =	vsel vm1, v41, v31;
	v41 =	vmax.f32 v30, v43;
	v42 =	vsel vm4, v46, v37  }
.Ltmp1:
0x9d: {  	v43 =	vmin.f32 v30, v43;
	v49 =	vmax.f32 v45, v44;
	vm2 =	vlt.f32 v41, v36;
	(pc) =	sbr.rel @p0 .LBB2_5-.Ltmp1, $4  }
0x9e: {  	v44 =	vmin.f32 v36, v41;
	v45 =	vsel vm0, v31, v48;
	vm1 =	vlt.f32 v49, v43  }
0x9f: {  	v47 =	vsel vm4, v37, v46;
	v31 =	vsel vm0, v48, v31;
	v40 =	vsel vm1, v42, v45  }
0xa0: {  	v37 =	vmax.f32 v36, v41;
	v30 =	vmin.f32 v43, v49;
	v46 =	vmax.f32 v43, v49  }
0xa1: {  	s19 =	sadd.s32 $0x20, s19;
	s20 =	sadd.s32 $0x20, s20;
	v41 =	vmin.f32 v35, v37;
	v43 =	vmax.f32 v35, v37;
	vm0 =	vlt.f32 v46, v44  }
0xa2: {  	s17 =	smul.u32 $0x500, s16;
	_ =	sdelay $0x1  }
0xa3: {  	[tilespmem:s17+$0x3800] =	vst v29  }
0xa4: {  	[tilespmem:s17+$0xD800] =	vst v31  }
0xa5: {  	v10 =	vsel vm1, v45, v42;
	[tilespmem:s17+$0x3810] =	vst v30  }
0xa6: {  	v7 =	vsel vm2, v47, v19;
	v9 =	vmin.f32 v44, v46;
	[tilespmem:s17+$0xD810] =	vst v10  }
0xa7: {  	v13 =	vsel vm0, v40, v7;
	[tilespmem:s17+$0x3820] =	vst v9  }
0xa8: {  	[tilespmem:s17+$0xD820] =	vst v13  }
0xa9: {  	[tilespmem:s17+$0x3850] =	vst v21  }
0xaa: {  	[tilespmem:s17+$0xD850] =	vst v20  }
0xab: {  	[tilespmem:s17+$0x3860] =	vst v28  }
0xac: {  	[tilespmem:s17+$0xD860] =	vst v23  }
0xad: {  	[tilespmem:s17+$0x3870] =	vst v22  }
0xae: {  	v8 =	vsel vm2, v19, v47;
	vm2 =	vlt.f32 v37, v35;
	[tilespmem:s17+$0xD870] =	vst v24  }
0xaf: {  	v11 =	vmax.f32 v44, v46;
	v12 =	vsel vm2, v34, v8;
	[tilespmem:s17+$0xD880] =	vst v27  }
0xb0: {  	v8 =	vsel vm2, v8, v34;
	v14 =	vmax.f32 v41, v11;
	vm1 =	vlt.f32 v11, v41;
	[tilespmem:s17+$0x3890] =	vst v26  }
0xb1: {  	v7 =	vsel vm0, v7, v40;
	vm0 =	vlt.f32 v43, v33;
	v9 =	vmin.f32 v41, v11;
	[tilespmem:s17+$0xD890] =	vst v25  }
0xb2: {  	v10 =	vmin.f32 v33, v43;
	v11 =	vsel vm1, v7, v8;
	v7 =	vsel vm1, v8, v7;
	[tilespmem:s17+$0x3830] =	vst v9  }
0xb3: {  	vm2 =	vlt.f32 v14, v10;
	v9 =	vsel vm0, v12, v32;
	v8 =	vmin.f32 v10, v14;
	[tilespmem:s17+$0xD830] =	vst v11  }
0xb4: {  	v7 =	vsel vm2, v7, v9;
	[tilespmem:s17+$0x3840] =	vst v8  }
0xb5: {  	[tilespmem:s17+$0xD840] =	vst v7;
	v7 =	vmin.f32 v38, v39  }
0xb6: {  	s18 =	simm.s32 $0x2010;
	[tilespmem:s17+$0x3880] =	vst v7  }
0xb7: {  	s19 =	simm.s32 $0x810;
	v20 =	vld [tilespmem:s18+$0xFFFFF7F0]  }
0xb8: {  	v21 =	vld [tilespmem:s19+$0x0]  }
0xb9: {  	v22 =	vld [tilespmem:s19+$0xFFFFF800]  }
0xba: {  	v23 =	vld [tilespmem:s19+$0x7F0]  }
0xbb: {  	v15 =	vbroadcast v5, $0x3;
	v24 =	vld [tilespmem:s18+$0x800]  }
0xbc: {  	v16 =	vbroadcast v6, $0x3;
	v17 =	vbroadcast v2, $0x3;
	v25 =	vld [tilespmem:s19+$0x800]  }
0xbd: {  	v18 =	vbroadcast v3, $0x3;
	v13 =	vbroadcast v1, $0x3;
	v26 =	vld [tilespmem:s18+$0x7F0]  }
0xbe: {  	v10 =	vbroadcast v6, $0x2;
	v11 =	vbroadcast v2, $0x2;
	v58 =	vld [tilespmem:s18+$0xFFFFFFF0]  }
0xbf: {  	v8 =	vbroadcast v4, $0x2;
	v7 =	vbroadcast v1, $0x2;
	v59 =	vld [tilespmem:s18+$0x0]  }
0xc0: {  	v19 =	vimm.f32 $3.000000010e+38;
	v12 =	vbroadcast v3, $0x2;
	v14 =	vbroadcast v4, $0x3;
	v36 =	vld [tilespmem:s18+$0xFFFFF800]  }
0xc1: {  	v9 =	vbroadcast v5, $0x2;
	v30 =	vld [tilespmem:s19+$0xFFFFF7F0];
	v28 =	vsub.f32 v8, v21;
	v29 =	vsub.f32 v7, v22  }
0xc2: {  	v31 =	vmul.f32 v20, v10;
	v22 =	vsub.f32 v13, v22;
	v57 =	vsub.f32 v15, v23  }
0xc3: {  	v21 =	vsub.f32 v14, v21;
	v20 =	vmul.f32 v20, v16;
	v62 =	vmul.f32 v26, v18  }
0xc4: {  	v60 =	vsub.f32 v15, v25;
	v63 =	vmul.f32 v58, v17;
	v44 =	vmul.f32 v24, v12  }
0xc5: {  	v25 =	vsub.f32 v9, v25;
	v45 =	vmul.f32 v36, v16;
	v34 =	vmul.f32 v59, v17  }
0xc6: {  	v27 =	vld [tilespmem:s19+$0xFFFFFFF0];
	v61 =	vsub.f32 v7, v30;
	v33 =	vmul.f32 v58, v11;
	v36 =	vmul.f32 v36, v10  }
0xc7: {  	v30 =	vsub.f32 v13, v30;
	v28 =	vmul.f32 v28, v28;
	v29 =	vmul.f32 v29, v29  }
0xc8: {  	v23 =	vsub.f32 v9, v23;
	v22 =	vmul.f32 v22, v22;
	v21 =	vmul.f32 v21, v21  }
0xc9: {  	v24 =	vmul.f32 v24, v18;
	v20 =	vadd.f32 v63, v20;
	v31 =	vadd.f32 v33, v31  }
0xca: {  	s18 =	simm.s32 $0x3010;
	v35 =	vmul.f32 v60, v60;
	v28 =	vadd.f32 v28, v29;
	v21 =	vadd.f32 v21, v22  }
0xcb: {  	v46 =	vld [tilespmem:s18+$0xFFFFFFF0];
	v29 =	vsub.f32 v14, v27;
	v22 =	vmul.f32 v59, v11;
	v20 =	vadd.f32 v62, v20  }
0xcc: {  	v25 =	vmul.f32 v25, v25;
	v35 =	vadd.f32 v35, v21;
	v21 =	vadd.f32 v34, v45  }
0xcd: {  	v26 =	vmul.f32 v26, v12;
	v22 =	vadd.f32 v22, v36;
	v20 =	vadd.f32 v20, v20  }
0xce: {  	v32 =	vimm.f32 $3.000000010e+38;
	v51 =	vadd.f32 v25, v28;
	v21 =	vadd.f32 v24, v21  }
0xcf: {  	v47 =	vmul.f32 v61, v61;
	v24 =	vadd.f32 v26, v31;
	v26 =	vsub.f32 v8, v27  }
0xd0: {  	v27 =	vmul.f32 v29, v29;
	v20 =	vsub.f32 v46, v20;
	v29 =	vmul.f32 v30, v30  }
0xd1: {  	v22 =	vadd.f32 v44, v22;
	v31 =	vmul.f32 v57, v57;
	v24 =	vadd.f32 v24, v24  }
0xd2: {  	v30 =	vld [tilespmem:s18+$0x0];
	v26 =	vmul.f32 v26, v26;
	v21 =	vadd.f32 v21, v21;
	vm0 =	vlt.f32 v20, v19  }
0xd3: {  	v48 =	vmax.f32 v19, v20;
	v27 =	vadd.f32 v27, v29;
	v49 =	vadd.f32 v22, v22  }
0xd4: {  	v20 =	vmin.f32 v19, v20;
	v29 =	vmax.f32 v19, v48;
	v50 =	vmin.f32 v19, v48  }
0xd5: {  	vm2 =	vlt.f32 v48, v19;
	vm1 =	vlt.f32 v29, v19;
	v22 =	vadd.f32 v31, v27  }
0xd6: {  	v26 =	vadd.f32 v26, v47;
	v31 =	vmul.f32 v23, v23;
	v59 =	vsub.f32 v46, v24  }
0xd7: {  	v27 =	vsub.f32 v30, v21;
	v30 =	vsub.f32 v30, v49;
	v23 =	vsel vm0, v19, v22  }
0xd8: {  	v25 =	vsel vm0, v22, v19;
	v22 =	vmax.f32 v19, v29;
	v29 =	vmin.f32 v19, v29  }
0xd9: {  	v31 =	vadd.f32 v31, v26;
	v61 =	vmin.f32 v19, v59;
	v33 =	vmax.f32 v19, v59  }
0xda: {  	vm3 =	vlt.f32 v27, v20;
	v21 =	vmin.f32 v20, v27;
	v27 =	vmax.f32 v20, v27  }
0xdb: {  	v28 =	vsel vm2, v19, v23;
	vm0 =	vlt.f32 v22, v19;
	v38 =	vmin.f32 v19, v22  }
0xdc: {  	v52 =	vsel vm2, v23, v19;
	v54 =	vmax.f32 v19, v22;
	vm15 =	vlt.f32 v30, v61  }
0xdd: {  	vm5 =	vlt.f32 v33, v19;
	v63 =	vmax.f32 v19, v33;
	v33 =	vmin.f32 v19, v33  }
0xde: {  	v34 =	vmax.f32 v61, v30;
	v20 =	vsel vm3, v35, v25;
	vm4 =	vlt.f32 v27, v50  }
0xdf: {  	v23 =	vsel vm1, v19, v28;
	v53 =	vmax.f32 v50, v27;
	v25 =	vsel vm3, v25, v35  }
0xe0: {  	v57 =	vsel vm1, v28, v19;
	v58 =	vmin.f32 v19, v54;
	vm1 =	vlt.f32 v54, v19  }
0xe1: {  	v28 =	vmin.f32 v50, v27;
	v44 =	vmin.f32 v19, v63;
	v37 =	vmax.f32 v19, v63  }
0xe2: {  	v46 =	vmax.f32 v33, v34;
	v35 =	vimm.f32 $3.000000010e+38;
	v55 =	vsel vm0, v19, v23  }
0xe3: {  	v22 =	vmin.f32 v29, v53;
	v56 =	vsel vm0, v23, v19;
	vm0 =	vlt.f32 v53, v29  }
0xe4: {  	v39 =	vmax.f32 v29, v53;
	v23 =	vsel vm4, v25, v52;
	v25 =	vsel vm4, v52, v25  }
0xe5: {  	v41 =	vmin.f32 v19, v37;
	v43 =	vmax.f32 v19, v37;
	vm2 =	vlt.f32 v39, v38  }
0xe6: {  	v29 =	vmax.f32 v38, v39;
	v60 =	vsel vm0, v57, v25;
	v24 =	vsel vm0, v25, v57  }
0xe7: {  	vm0 =	vlt.f32 v59, v19;
	v25 =	vsel vm1, v55, v19;
	vm1 =	vlt.f32 v34, v33  }
0xe8: {  	vm3 =	vlt.f32 v29, v58;
	v62 =	vsel vm0, v19, v31;
	v26 =	vmin.f32 v58, v29  }
0xe9: {  	v27 =	vsel vm2, v60, v56;
	v36 =	vsel vm2, v56, v60;
	v29 =	vmin.f32 v61, v30  }
0xea: {  	v31 =	vsel vm0, v31, v19;
	vm2 =	vlt.f32 v63, v19;
	v30 =	vmin.f32 v33, v34  }
0xeb: {  	vm0 =	vlt.f32 v46, v44;
	v34 =	vimm.f32 $3.000000010e+38;
	v33 =	vimm.f32 $3.000000010e+38  }
0xec: {  	v25 =	vsel vm3, v36, v25;
	v42 =	vsel vm5, v62, v19;
	v45 =	vsel vm15, v31, v51  }
0xed: {  	s20 =	simm.s32 $0x830;
	s21 =	simm.s32 $0x2030;
	s19 =	simm.s32 $0x0;
	v47 =	vsel vm5, v19, v62;
	v31 =	vsel vm15, v51, v31;
	v40 =	vsel vm1, v42, v45  }
.LBB2_7:
0xee: {  	v48 =	vld [tilespmem:s21+$0xFFFFF7F0];
	s19 =	sadd.s32 $0x2, s19;
	v49 =	vsel vm2, v47, v19;
	v47 =	vsel vm2, v19, v47;
	v36 =	vmin.f32 v44, v46;
	s18 =	sadd.s32 $0x20, s18  }
0xef: {  	vm2 =	vlt.f32 v37, v35;
	v37 =	vsel vm1, v45, v42;
	v35 =	vmax.f32 v44, v46;
	v50 =	vld [tilespmem:s20+$0x0];
	p0 =	slt.u32 s19, $0x7E  }
0xf0: {  	v39 =	vmin.f32 v38, v39;
	v44 =	vsel vm2, v34, v47;
	v19 =	vsel vm0, v40, v49;
	v42 =	vld [tilespmem:s20+$0xFFFFF800]  }
0xf1: {  	v46 =	vmin.f32 v33, v43;
	v45 =	vsel vm2, v47, v34;
	v47 =	vmax.f32 v41, v35;
	v38 =	vld [tilespmem:s20+$0x7F0]  }
0xf2: {  	vm2 =	vlt.f32 v43, v33;
	vm3 =	vlt.f32 v35, v41;
	vm1 =	vlt.f32 v47, v46;
	v51 =	vld [tilespmem:s21+$0x800]  }
0xf3: {  	v33 =	vsel vm0, v49, v40;
	v32 =	vsel vm2, v44, v32;
	v43 =	vmul.f32 v48, v10;
	v52 =	vld [tilespmem:s20+$0x800]  }
0xf4: {  	v35 =	vmin.f32 v41, v35;
	v44 =	vmul.f32 v48, v16;
	v40 =	vld [tilespmem:s21+$0x7F0];
	v34 =	vsub.f32 v8, v50  }
0xf5: {  	v41 =	vld [tilespmem:s20+$0xFFFFFFF0];
	v48 =	vsub.f32 v7, v42;
	v42 =	vsub.f32 v13, v42  }
0xf6: {  	v49 =	vld [tilespmem:s20+$0xFFFFF7F0];
	v53 =	vsub.f32 v15, v38;
	v54 =	vmul.f32 v34, v34;
	v34 =	vsel vm3, v33, v45  }
0xf7: {  	v45 =	vsel vm3, v45, v33;
	v55 =	vld [tilespmem:s21+$0xFFFFFFF0];
	v48 =	vmul.f32 v48, v48;
	v42 =	vmul.f32 v42, v42  }
0xf8: {  	v50 =	vsub.f32 v14, v50;
	v33 =	vmin.f32 v46, v47;
	v56 =	vld [tilespmem:s21+$0x0];
	v57 =	vsub.f32 v15, v52  }
0xf9: {  	v32 =	vsel vm1, v45, v32;
	v47 =	vsub.f32 v9, v52;
	v46 =	vld [tilespmem:s21+$0xFFFFF800];
	v48 =	vadd.f32 v54, v48  }
0xfa: {  	v50 =	vmul.f32 v50, v50;
	v45 =	vsub.f32 v14, v41;
	v52 =	vmul.f32 v57, v57  }
0xfb: {  	v57 =	vmul.f32 v40, v18;
	v54 =	vsub.f32 v7, v49;
	v49 =	vsub.f32 v13, v49  }
0xfc: {  	v42 =	vadd.f32 v50, v42;
	v40 =	vmul.f32 v40, v12;
	v58 =	vmul.f32 v55, v17  }
0xfd: {  	v38 =	vsub.f32 v9, v38;
	v59 =	vmul.f32 v51, v12;
	v50 =	vmul.f32 v56, v11  }
0xfe: {  	v56 =	vmul.f32 v56, v17;
	v44 =	vadd.f32 v58, v44;
	v58 =	vmul.f32 v46, v16  }
0xff: {  	v55 =	vmul.f32 v55, v11;
	v42 =	vadd.f32 v52, v42;
	v46 =	vmul.f32 v46, v10;
	v60 =	vld [tilespmem:s18+$0xFFFFFFF0]  }
0x100: {  	v51 =	vmul.f32 v51, v18;
	v44 =	vadd.f32 v57, v44;
	v52 =	vadd.f32 v56, v58  }
0x101: {  	v47 =	vmul.f32 v47, v47;
	v43 =	vadd.f32 v55, v43;
	v46 =	vadd.f32 v50, v46  }
0x102: {  	v50 =	vmul.f32 v54, v54;
	v44 =	vadd.f32 v44, v44;
	v51 =	vadd.f32 v51, v52  }
0x103: {  	v41 =	vsub.f32 v8, v41;
	v40 =	vadd.f32 v40, v43;
	v43 =	vmul.f32 v45, v45  }
0x104: {  	v45 =	vmul.f32 v49, v49;
	v46 =	vadd.f32 v59, v46;
	v44 =	vsub.f32 v60, v44;
	v49 =	vld [tilespmem:s18+$0x0]  }
0x105: {  	v41 =	vmul.f32 v41, v41;
	v40 =	vadd.f32 v40, v40;
	v51 =	vadd.f32 v51, v51  }
0x106: {  	v52 =	vmul.f32 v53, v53;
	vm1 =	vlt.f32 v44, v21;
	v53 =	vmax.f32 v21, v44  }
0x107: {  	v43 =	vadd.f32 v43, v45;
	v46 =	vadd.f32 v46, v46;
	v45 =	vmax.f32 v28, v53  }
0x108: {  	v44 =	vmin.f32 v21, v44;
	v54 =	vmin.f32 v28, v53;
	vm0 =	vlt.f32 v45, v22  }
0x109: {  	v43 =	vadd.f32 v52, v43;
	vm2 =	vlt.f32 v53, v28;
	v28 =	vsub.f32 v49, v51  }
0x10a: {  	v48 =	vadd.f32 v47, v48;
	v41 =	vadd.f32 v41, v50;
	v50 =	vmul.f32 v38, v38  }
0x10b: {  	v47 =	vsel vm1, v20, v43;
	vm3 =	vlt.f32 v28, v44;
	v21 =	vmin.f32 v44, v28  }
0x10c: {  	v43 =	vsel vm1, v43, v20;
	v51 =	vmax.f32 v22, v45;
	v28 =	vmax.f32 v44, v28  }
0x10d: {  	v45 =	vmin.f32 v22, v45;
	v44 =	vsel vm2, v23, v47;
	v20 =	vsel vm3, v42, v43  }
0x10e: {  	vm1 =	vlt.f32 v51, v39;
	v38 =	vmin.f32 v39, v51;
	vm4 =	vlt.f32 v28, v54  }
0x10f: {  	v47 =	vsel vm2, v47, v23;
	v23 =	vsel vm0, v24, v44;
	v52 =	vmax.f32 v54, v28  }
0x110: {  	v51 =	vmax.f32 v39, v51;
	v53 =	vsel vm1, v27, v23;
	v22 =	vmin.f32 v45, v52  }
0x111: {  	v55 =	vsel vm1, v23, v27;
	vm1 =	vlt.f32 v52, v45;
	v39 =	vmax.f32 v45, v52  }
0x112: {  	v27 =	vsel vm3, v43, v42;
	vm2 =	vlt.f32 v39, v38;
	v42 =	vmax.f32 v38, v39  }
0x113: {  	v24 =	vsel vm0, v44, v24;
	v43 =	vmin.f32 v26, v51;
	v23 =	vsel vm4, v27, v47  }
0x114: {  	vm0 =	vlt.f32 v51, v26;
	v26 =	vsel vm4, v47, v27;
	vm3 =	vlt.f32 v42, v43  }
0x115: {  	v28 =	vmin.f32 v54, v28;
	v27 =	vsub.f32 v60, v40;
	v40 =	vsel vm1, v24, v26  }
0x116: {  	v41 =	vadd.f32 v50, v41;
	v44 =	vsub.f32 v49, v46;
	v24 =	vsel vm1, v26, v24  }
0x117: {  	v25 =	vsel vm0, v53, v25;
	vm1 =	vlt.f32 v27, v29;
	v45 =	vmin.f32 v29, v27  }
0x118: {  	v26 =	vmin.f32 v43, v42;
	v46 =	vsel vm1, v31, v41;
	vm0 =	vlt.f32 v44, v45  }
0x119: {  	v43 =	vmax.f32 v29, v27;
	v27 =	vsel vm2, v40, v55;
	v40 =	vsel vm2, v55, v40  }
0x11a: {  	vm4 =	vlt.f32 v43, v30;
	v29 =	vmin.f32 v45, v44;
	v25 =	vsel vm3, v40, v25  }
0x11b: {  	v31 =	vsel vm1, v41, v31;
	v41 =	vmax.f32 v30, v43;
	v42 =	vsel vm4, v46, v37  }
.Ltmp2:
0x11c: {  	v43 =	vmin.f32 v30, v43;
	v49 =	vmax.f32 v45, v44;
	vm2 =	vlt.f32 v41, v36;
	(pc) =	sbr.rel @p0 .LBB2_7-.Ltmp2, $4  }
0x11d: {  	v44 =	vmin.f32 v36, v41;
	v45 =	vsel vm0, v31, v48;
	vm1 =	vlt.f32 v49, v43  }
0x11e: {  	v47 =	vsel vm4, v37, v46;
	v31 =	vsel vm0, v48, v31;
	v40 =	vsel vm1, v42, v45  }
0x11f: {  	v37 =	vmax.f32 v36, v41;
	v30 =	vmin.f32 v43, v49;
	v46 =	vmax.f32 v43, v49  }
0x120: {  	s20 =	sadd.s32 $0x20, s20;
	s21 =	sadd.s32 $0x20, s21;
	v41 =	vmin.f32 v35, v37;
	v43 =	vmax.f32 v35, v37;
	vm0 =	vlt.f32 v46, v44  }
0x121: {  	[tilespmem:s17+$0x38A0] =	vst v29  }
0x122: {  	[tilespmem:s17+$0xD8A0] =	vst v31  }
0x123: {  	[tilespmem:s17+$0x38B0] =	vst v30  }
0x124: {  	[tilespmem:s17+$0x38F0] =	vst v21  }
0x125: {  	[tilespmem:s17+$0xD8F0] =	vst v20  }
0x126: {  	[tilespmem:s17+$0x3900] =	vst v28  }
0x127: {  	[tilespmem:s17+$0xD900] =	vst v23  }
0x128: {  	[tilespmem:s17+$0x3910] =	vst v22  }
0x129: {  	[tilespmem:s17+$0xD910] =	vst v24  }
0x12a: {  	[tilespmem:s17+$0xD920] =	vst v27  }
0x12b: {  	v7 =	vsel vm2, v47, v19;
	v8 =	vsel vm2, v19, v47;
	[tilespmem:s17+$0x3930] =	vst v26  }
0x12c: {  	v9 =	vmin.f32 v44, v46;
	vm2 =	vlt.f32 v37, v35;
	v10 =	vsel vm1, v45, v42;
	[tilespmem:s17+$0xD930] =	vst v25  }
0x12d: {  	v11 =	vmax.f32 v44, v46;
	v12 =	vsel vm2, v34, v8;
	v13 =	vsel vm0, v40, v7;
	[tilespmem:s17+$0xD8B0] =	vst v10  }
0x12e: {  	v8 =	vsel vm2, v8, v34;
	v10 =	vmin.f32 v33, v43;
	v14 =	vmax.f32 v41, v11;
	[tilespmem:s17+$0x38C0] =	vst v9  }
0x12f: {  	vm1 =	vlt.f32 v11, v41;
	v7 =	vsel vm0, v7, v40;
	v9 =	vmin.f32 v41, v11;
	[tilespmem:s17+$0xD8C0] =	vst v13  }
0x130: {  	vm0 =	vlt.f32 v43, v33;
	vm2 =	vlt.f32 v14, v10;
	v11 =	vsel vm1, v7, v8;
	[tilespmem:s17+$0x38D0] =	vst v9  }
0x131: {  	v9 =	vsel vm0, v12, v32;
	v7 =	vsel vm1, v8, v7;
	v8 =	vmin.f32 v10, v14;
	[tilespmem:s17+$0xD8D0] =	vst v11  }
0x132: {  	v7 =	vsel vm2, v7, v9;
	[tilespmem:s17+$0x38E0] =	vst v8  }
0x133: {  	[tilespmem:s17+$0xD8E0] =	vst v7;
	v7 =	vmin.f32 v38, v39  }
0x134: {  	s18 =	simm.s32 $0x2010;
	[tilespmem:s17+$0x3920] =	vst v7  }
0x135: {  	s19 =	simm.s32 $0x810;
	v20 =	vld [tilespmem:s18+$0xFFFFF7F0]  }
0x136: {  	v21 =	vld [tilespmem:s19+$0x0]  }
0x137: {  	v22 =	vld [tilespmem:s19+$0xFFFFF800]  }
0x138: {  	v23 =	vld [tilespmem:s19+$0x7F0]  }
0x139: {  	v15 =	vbroadcast v5, $0x5;
	v24 =	vld [tilespmem:s18+$0x800]  }
0x13a: {  	v16 =	vbroadcast v6, $0x5;
	v17 =	vbroadcast v2, $0x5;
	v25 =	vld [tilespmem:s19+$0x800]  }
0x13b: {  	v18 =	vbroadcast v3, $0x5;
	v10 =	vbroadcast v6, $0x4;
	v26 =	vld [tilespmem:s18+$0x7F0]  }
0x13c: {  	v12 =	vbroadcast v3, $0x4;
	v13 =	vbroadcast v1, $0x5;
	v58 =	vld [tilespmem:s18+$0xFFFFFFF0]  }
0x13d: {  	v8 =	vbroadcast v4, $0x4;
	v7 =	vbroadcast v1, $0x4;
	v59 =	vld [tilespmem:s18+$0x0]  }
0x13e: {  	v19 =	vimm.f32 $3.000000010e+38;
	v14 =	vbroadcast v4, $0x5;
	v9 =	vbroadcast v5, $0x4;
	v36 =	vld [tilespmem:s18+$0xFFFFF800]  }
0x13f: {  	v11 =	vbroadcast v2, $0x4;
	v30 =	vld [tilespmem:s19+$0xFFFFF7F0];
	v28 =	vsub.f32 v8, v21;
	v29 =	vsub.f32 v7, v22  }
0x140: {  	v31 =	vmul.f32 v20, v10;
	v22 =	vsub.f32 v13, v22;
	v57 =	vsub.f32 v15, v23  }
0x141: {  	v21 =	vsub.f32 v14, v21;
	v20 =	vmul.f32 v20, v16;
	v62 =	vmul.f32 v26, v18  }
0x142: {  	v60 =	vsub.f32 v15, v25;
	v63 =	vmul.f32 v58, v17;
	v44 =	vmul.f32 v24, v12  }
0x143: {  	v25 =	vsub.f32 v9, v25;
	v45 =	vmul.f32 v36, v16;
	v34 =	vmul.f32 v59, v17  }
0x144: {  	v27 =	vld [tilespmem:s19+$0xFFFFFFF0];
	v61 =	vsub.f32 v7, v30;
	v33 =	vmul.f32 v58, v11;
	v36 =	vmul.f32 v36, v10  }
0x145: {  	v30 =	vsub.f32 v13, v30;
	v28 =	vmul.f32 v28, v28;
	v29 =	vmul.f32 v29, v29  }
0x146: {  	v23 =	vsub.f32 v9, v23;
	v22 =	vmul.f32 v22, v22;
	v21 =	vmul.f32 v21, v21  }
0x147: {  	v24 =	vmul.f32 v24, v18;
	v20 =	vadd.f32 v63, v20;
	v31 =	vadd.f32 v33, v31  }
0x148: {  	s18 =	simm.s32 $0x3010;
	v35 =	vmul.f32 v60, v60;
	v28 =	vadd.f32 v28, v29;
	v21 =	vadd.f32 v21, v22  }
0x149: {  	v46 =	vld [tilespmem:s18+$0xFFFFFFF0];
	v29 =	vsub.f32 v14, v27;
	v22 =	vmul.f32 v59, v11;
	v20 =	vadd.f32 v62, v20  }
0x14a: {  	v25 =	vmul.f32 v25, v25;
	v35 =	vadd.f32 v35, v21;
	v21 =	vadd.f32 v34, v45  }
0x14b: {  	v26 =	vmul.f32 v26, v12;
	v22 =	vadd.f32 v22, v36;
	v20 =	vadd.f32 v20, v20  }
0x14c: {  	v32 =	vimm.f32 $3.000000010e+38;
	v51 =	vadd.f32 v25, v28;
	v21 =	vadd.f32 v24, v21  }
0x14d: {  	v47 =	vmul.f32 v61, v61;
	v24 =	vadd.f32 v26, v31;
	v26 =	vsub.f32 v8, v27  }
0x14e: {  	v27 =	vmul.f32 v29, v29;
	v20 =	vsub.f32 v46, v20;
	v29 =	vmul.f32 v30, v30  }
0x14f: {  	v22 =	vadd.f32 v44, v22;
	v31 =	vmul.f32 v57, v57;
	v24 =	vadd.f32 v24, v24  }
0x150: {  	v30 =	vld [tilespmem:s18+$0x0];
	v26 =	vmul.f32 v26, v26;
	v21 =	vadd.f32 v21, v21;
	vm0 =	vlt.f32 v20, v19  }
0x151: {  	v48 =	vmax.f32 v19, v20;
	v27 =	vadd.f32 v27, v29;
	v49 =	vadd.f32 v22, v22  }
0x152: {  	v20 =	vmin.f32 v19, v20;
	v29 =	vmax.f32 v19, v48;
	v50 =	vmin.f32 v19, v48  }
0x153: {  	vm2 =	vlt.f32 v48, v19;
	vm1 =	vlt.f32 v29, v19;
	v22 =	vadd.f32 v31, v27  }
0x154: {  	v26 =	vadd.f32 v26, v47;
	v31 =	vmul.f32 v23, v23;
	v59 =	vsub.f32 v46, v24  }
0x155: {  	v27 =	vsub.f32 v30, v21;
	v30 =	vsub.f32 v30, v49;
	v23 =	vsel vm0, v19, v22  }
0x156: {  	v25 =	vsel vm0, v22, v19;
	v22 =	vmax.f32 v19, v29;
	v29 =	vmin.f32 v19, v29  }
0x157: {  	v31 =	vadd.f32 v31, v26;
	v61 =	vmin.f32 v19, v59;
	v33 =	vmax.f32 v19, v59  }
0x158: {  	vm3 =	vlt.f32 v27, v20;
	v21 =	vmin.f32 v20, v27;
	v27 =	vmax.f32 v20, v27  }
0x159: {  	v28 =	vsel vm2, v19, v23;
	vm0 =	vlt.f32 v22, v19;
	v37 =	vmin.f32 v19, v22  }
0x15a: {  	v52 =	vsel vm2, v23, v19;
	v54 =	vmax.f32 v19, v22;
	vm15 =	vlt.f32 v30, v61  }
0x15b: {  	vm5 =	vlt.f32 v33, v19;
	v63 =	vmax.f32 v19, v33;
	v33 =	vmin.f32 v19, v33  }
0x15c: {  	v34 =	vmax.f32 v61, v30;
	v20 =	vsel vm3, v35, v25;
	vm4 =	vlt.f32 v27, v50  }
0x15d: {  	v23 =	vsel vm1, v19, v28;
	v53 =	vmax.f32 v50, v27;
	v25 =	vsel vm3, v25, v35  }
0x15e: {  	v57 =	vsel vm1, v28, v19;
	v58 =	vmin.f32 v19, v54;
	vm1 =	vlt.f32 v54, v19  }
0x15f: {  	v28 =	vmin.f32 v50, v27;
	v44 =	vmin.f32 v19, v63;
	v38 =	vmax.f32 v19, v63  }
0x160: {  	v46 =	vmax.f32 v33, v34;
	v35 =	vimm.f32 $3.000000010e+38;
	v55 =	vsel vm0, v19, v23  }
0x161: {  	v22 =	vmin.f32 v29, v53;
	v56 =	vsel vm0, v23, v19;
	vm0 =	vlt.f32 v53, v29  }
0x162: {  	v39 =	vmax.f32 v29, v53;
	v23 =	vsel vm4, v25, v52;
	v25 =	vsel vm4, v52, v25  }
0x163: {  	v41 =	vmin.f32 v19, v38;
	v43 =	vmax.f32 v19, v38;
	vm2 =	vlt.f32 v39, v37  }
0x164: {  	v29 =	vmax.f32 v37, v39;
	v60 =	vsel vm0, v57, v25;
	v24 =	vsel vm0, v25, v57  }
0x165: {  	vm0 =	vlt.f32 v59, v19;
	v25 =	vsel vm1, v55, v19;
	vm1 =	vlt.f32 v34, v33  }
0x166: {  	vm3 =	vlt.f32 v29, v58;
	v62 =	vsel vm0, v19, v31;
	v26 =	vmin.f32 v58, v29  }
0x167: {  	v27 =	vsel vm2, v60, v56;
	v36 =	vsel vm2, v56, v60;
	v29 =	vmin.f32 v61, v30  }
0x168: {  	v31 =	vsel vm0, v31, v19;
	vm2 =	vlt.f32 v63, v19;
	v30 =	vmin.f32 v33, v34  }
0x169: {  	vm0 =	vlt.f32 v46, v44;
	v34 =	vimm.f32 $3.000000010e+38;
	v33 =	vimm.f32 $3.000000010e+38  }
0x16a: {  	v25 =	vsel vm3, v36, v25;
	v42 =	vsel vm5, v62, v19;
	v45 =	vsel vm15, v31, v51  }
0x16b: {  	s20 =	simm.s32 $0x830;
	s21 =	simm.s32 $0x2030;
	s19 =	simm.s32 $0x0;
	v47 =	vsel vm5, v19, v62;
	v31 =	vsel vm15, v51, v31;
	v40 =	vsel vm1, v42, v45  }
.LBB2_9:
0x16c: {  	v48 =	vld [tilespmem:s21+$0xFFFFF7F0];
	s19 =	sadd.s32 $0x2, s19;
	v49 =	vsel vm2, v47, v19;
	v47 =	vsel vm2, v19, v47;
	v36 =	vmin.f32 v44, v46;
	s18 =	sadd.s32 $0x20, s18  }
0x16d: {  	vm2 =	vlt.f32 v38, v35;
	v38 =	vsel vm1, v45, v42;
	v35 =	vmax.f32 v44, v46;
	v50 =	vld [tilespmem:s20+$0x0];
	p0 =	slt.u32 s19, $0x7E  }
0x16e: {  	v39 =	vmin.f32 v37, v39;
	v44 =	vsel vm2, v34, v47;
	v19 =	vsel vm0, v40, v49;
	v42 =	vld [tilespmem:s20+$0xFFFFF800]  }
0x16f: {  	v46 =	vmin.f32 v33, v43;
	v45 =	vsel vm2, v47, v34;
	v47 =	vmax.f32 v41, v35;
	v37 =	vld [tilespmem:s20+$0x7F0]  }
0x170: {  	vm2 =	vlt.f32 v43, v33;
	vm3 =	vlt.f32 v35, v41;
	vm1 =	vlt.f32 v47, v46;
	v51 =	vld [tilespmem:s21+$0x800]  }
0x171: {  	v33 =	vsel vm0, v49, v40;
	v32 =	vsel vm2, v44, v32;
	v43 =	vmul.f32 v48, v10;
	v52 =	vld [tilespmem:s20+$0x800]  }
0x172: {  	v35 =	vmin.f32 v41, v35;
	v44 =	vmul.f32 v48, v16;
	v40 =	vld [tilespmem:s21+$0x7F0];
	v34 =	vsub.f32 v8, v50  }
0x173: {  	v41 =	vld [tilespmem:s20+$0xFFFFFFF0];
	v48 =	vsub.f32 v7, v42;
	v42 =	vsub.f32 v13, v42  }
0x174: {  	v49 =	vld [tilespmem:s20+$0xFFFFF7F0];
	v53 =	vsub.f32 v15, v37;
	v54 =	vmul.f32 v34, v34;
	v34 =	vsel vm3, v33, v45  }
0x175: {  	v45 =	vsel vm3, v45, v33;
	v55 =	vld [tilespmem:s21+$0xFFFFFFF0];
	v48 =	vmul.f32 v48, v48;
	v42 =	vmul.f32 v42, v42  }
0x176: {  	v50 =	vsub.f32 v14, v50;
	v33 =	vmin.f32 v46, v47;
	v56 =	vld [tilespmem:s21+$0x0];
	v57 =	vsub.f32 v15, v52  }
0x177: {  	v32 =	vsel vm1, v45, v32;
	v47 =	vsub.f32 v9, v52;
	v46 =	vld [tilespmem:s21+$0xFFFFF800];
	v48 =	vadd.f32 v54, v48  }
0x178: {  	v50 =	vmul.f32 v50, v50;
	v45 =	vsub.f32 v14, v41;
	v52 =	vmul.f32 v57, v57  }
0x179: {  	v57 =	vmul.f32 v40, v18;
	v54 =	vsub.f32 v7, v49;
	v49 =	vsub.f32 v13, v49  }
0x17a: {  	v42 =	vadd.f32 v50, v42;
	v40 =	vmul.f32 v40, v12;
	v58 =	vmul.f32 v55, v17  }
0x17b: {  	v37 =	vsub.f32 v9, v37;
	v59 =	vmul.f32 v51, v12;
	v50 =	vmul.f32 v56, v11  }
0x17c: {  	v56 =	vmul.f32 v56, v17;
	v44 =	vadd.f32 v58, v44;
	v58 =	vmul.f32 v46, v16  }
0x17d: {  	v55 =	vmul.f32 v55, v11;
	v42 =	vadd.f32 v52, v42;
	v46 =	vmul.f32 v46, v10;
	v60 =	vld [tilespmem:s18+$0xFFFFFFF0]  }
0x17e: {  	v51 =	vmul.f32 v51, v18;
	v44 =	vadd.f32 v57, v44;
	v52 =	vadd.f32 v56, v58  }
0x17f: {  	v47 =	vmul.f32 v47, v47;
	v43 =	vadd.f32 v55, v43;
	v46 =	vadd.f32 v50, v46  }
0x180: {  	v50 =	vmul.f32 v54, v54;
	v44 =	vadd.f32 v44, v44;
	v51 =	vadd.f32 v51, v52  }
0x181: {  	v41 =	vsub.f32 v8, v41;
	v40 =	vadd.f32 v40, v43;
	v43 =	vmul.f32 v45, v45  }
0x182: {  	v45 =	vmul.f32 v49, v49;
	v46 =	vadd.f32 v59, v46;
	v44 =	vsub.f32 v60, v44;
	v49 =	vld [tilespmem:s18+$0x0]  }
0x183: {  	v41 =	vmul.f32 v41, v41;
	v40 =	vadd.f32 v40, v40;
	v51 =	vadd.f32 v51, v51  }
0x184: {  	v52 =	vmul.f32 v53, v53;
	vm1 =	vlt.f32 v44, v21;
	v53 =	vmax.f32 v21, v44  }
0x185: {  	v43 =	vadd.f32 v43, v45;
	v46 =	vadd.f32 v46, v46;
	v45 =	vmax.f32 v28, v53  }
0x186: {  	v44 =	vmin.f32 v21, v44;
	v54 =	vmin.f32 v28, v53;
	vm0 =	vlt.f32 v45, v22  }
0x187: {  	v43 =	vadd.f32 v52, v43;
	vm2 =	vlt.f32 v53, v28;
	v28 =	vsub.f32 v49, v51  }
0x188: {  	v48 =	vadd.f32 v47, v48;
	v41 =	vadd.f32 v41, v50;
	v50 =	vmul.f32 v37, v37  }
0x189: {  	v47 =	vsel vm1, v20, v43;
	vm3 =	vlt.f32 v28, v44;
	v21 =	vmin.f32 v44, v28  }
0x18a: {  	v43 =	vsel vm1, v43, v20;
	v51 =	vmax.f32 v22, v45;
	v28 =	vmax.f32 v44, v28  }
0x18b: {  	v45 =	vmin.f32 v22, v45;
	v44 =	vsel vm2, v23, v47;
	v20 =	vsel vm3, v42, v43  }
0x18c: {  	vm1 =	vlt.f32 v51, v39;
	v37 =	vmin.f32 v39, v51;
	vm4 =	vlt.f32 v28, v54  }
0x18d: {  	v47 =	vsel vm2, v47, v23;
	v23 =	vsel vm0, v24, v44;
	v52 =	vmax.f32 v54, v28  }
0x18e: {  	v51 =	vmax.f32 v39, v51;
	v53 =	vsel vm1, v27, v23;
	v22 =	vmin.f32 v45, v52  }
0x18f: {  	v55 =	vsel vm1, v23, v27;
	vm1 =	vlt.f32 v52, v45;
	v39 =	vmax.f32 v45, v52  }
0x190: {  	v27 =	vsel vm3, v43, v42;
	vm2 =	vlt.f32 v39, v37;
	v42 =	vmax.f32 v37, v39  }
0x191: {  	v24 =	vsel vm0, v44, v24;
	v43 =	vmin.f32 v26, v51;
	v23 =	vsel vm4, v27, v47  }
0x192: {  	vm0 =	vlt.f32 v51, v26;
	v26 =	vsel vm4, v47, v27;
	vm3 =	vlt.f32 v42, v43  }
0x193: {  	v28 =	vmin.f32 v54, v28;
	v27 =	vsub.f32 v60, v40;
	v40 =	vsel vm1, v24, v26  }
0x194: {  	v41 =	vadd.f32 v50, v41;
	v44 =	vsub.f32 v49, v46;
	v24 =	vsel vm1, v26, v24  }
0x195: {  	v25 =	vsel vm0, v53, v25;
	vm1 =	vlt.f32 v27, v29;
	v45 =	vmin.f32 v29, v27  }
0x196: {  	v26 =	vmin.f32 v43, v42;
	v46 =	vsel vm1, v31, v41;
	vm0 =	vlt.f32 v44, v45  }
0x197: {  	v43 =	vmax.f32 v29, v27;
	v27 =	vsel vm2, v40, v55;
	v40 =	vsel vm2, v55, v40  }
0x198: {  	vm4 =	vlt.f32 v43, v30;
	v29 =	vmin.f32 v45, v44;
	v25 =	vsel vm3, v40, v25  }
0x199: {  	v31 =	vsel vm1, v41, v31;
	v41 =	vmax.f32 v30, v43;
	v42 =	vsel vm4, v46, v38  }
.Ltmp3:
0x19a: {  	v43 =	vmin.f32 v30, v43;
	v49 =	vmax.f32 v45, v44;
	vm2 =	vlt.f32 v41, v36;
	(pc) =	sbr.rel @p0 .LBB2_9-.Ltmp3, $4  }
0x19b: {  	v44 =	vmin.f32 v36, v41;
	v45 =	vsel vm0, v31, v48;
	vm1 =	vlt.f32 v49, v43  }
0x19c: {  	v47 =	vsel vm4, v38, v46;
	v31 =	vsel vm0, v48, v31;
	v40 =	vsel vm1, v42, v45  }
0x19d: {  	v38 =	vmax.f32 v36, v41;
	v30 =	vmin.f32 v43, v49;
	v46 =	vmax.f32 v43, v49  }
0x19e: {  	s20 =	sadd.s32 $0x20, s20;
	s21 =	sadd.s32 $0x20, s21;
	v41 =	vmin.f32 v35, v38;
	v43 =	vmax.f32 v35, v38;
	vm0 =	vlt.f32 v46, v44  }
0x19f: {  	s18 =	sadd.s32 $0x140, s17;
	[tilespmem:s17+$0x3940] =	vst v29  }
0x1a0: {  	[tilespmem:s17+$0xD940] =	vst v31;
	s19 =	sor.u32 $0x50, s18  }
0x1a1: {  	v7 =	vsel vm2, v47, v19;
	v8 =	vsel vm2, v19, v47;
	v10 =	vsel vm1, v45, v42;
	[tilespmem:s19+$0x3800] =	vst v30  }
0x1a2: {  	v9 =	vmin.f32 v44, v46;
	vm2 =	vlt.f32 v38, v35;
	v11 =	vmax.f32 v44, v46;
	s26 =	sor.u32 $0x60, s18;
	[tilespmem:s19+$0xD800] =	vst v10  }
0x1a3: {  	v12 =	vsel vm2, v34, v8;
	v13 =	vsel vm0, v40, v7;
	v8 =	vsel vm2, v8, v34;
	[tilespmem:s26+$0x3800] =	vst v9  }
0x1a4: {  	vm1 =	vlt.f32 v11, v41;
	v7 =	vsel vm0, v7, v40;
	s18 =	sor.u32 $0x70, s18;
	v9 =	vmin.f32 v41, v11;
	[tilespmem:s26+$0xD800] =	vst v13  }
0x1a5: {  	v14 =	vmax.f32 v41, v11;
	v10 =	vmin.f32 v33, v43;
	v11 =	vsel vm1, v7, v8;
	[tilespmem:s18+$0x3800] =	vst v9  }
0x1a6: {  	v7 =	vsel vm1, v8, v7;
	v8 =	vmin.f32 v10, v14;
	[tilespmem:s18+$0xD800] =	vst v11  }
0x1a7: {  	[tilespmem:s17+$0x3980] =	vst v8  }
0x1a8: {  	[tilespmem:s17+$0x3990] =	vst v21  }
0x1a9: {  	vm0 =	vlt.f32 v43, v33;
	[tilespmem:s17+$0xD990] =	vst v20  }
0x1aa: {  	vm2 =	vlt.f32 v14, v10;
	v9 =	vsel vm0, v12, v32;
	[tilespmem:s17+$0x39A0] =	vst v28  }
0x1ab: {  	s28 =	sadd.s32 $0x190, s17;
	v7 =	vsel vm2, v7, v9;
	[tilespmem:s17+$0xD9A0] =	vst v23  }
0x1ac: {  	s29 =	sor.u32 $0x30, s28;
	[tilespmem:s17+$0xD980] =	vst v7  }
0x1ad: {  	[tilespmem:s29+$0x3800] =	vst v22  }
0x1ae: {  	v7 =	vmin.f32 v37, v39;
	[tilespmem:s29+$0xD800] =	vst v24  }
0x1af: {  	[tilespmem:s17+$0x39C0] =	vst v7  }
0x1b0: {  	s18 =	sor.u32 $0x50, s28;
	[tilespmem:s17+$0xD9C0] =	vst v27  }
0x1b1: {  	[tilespmem:s18+$0x3800] =	vst v26  }
0x1b2: {  	s30 =	simm.s32 $0x2010;
	[tilespmem:s18+$0xD800] =	vst v25  }
0x1b3: {  	s31 =	simm.s32 $0x810;
	v20 =	vld [tilespmem:s30+$0xFFFFF7F0]  }
0x1b4: {  	v21 =	vld [tilespmem:s31+$0x0]  }
0x1b5: {  	v22 =	vld [tilespmem:s31+$0xFFFFF800]  }
0x1b6: {  	v23 =	vld [tilespmem:s31+$0x7F0]  }
0x1b7: {  	v15 =	vbroadcast v5, $0x7;
	v24 =	vld [tilespmem:s30+$0x800]  }
0x1b8: {  	v16 =	vbroadcast v6, $0x7;
	v17 =	vbroadcast v2, $0x7;
	v25 =	vld [tilespmem:s31+$0x800]  }
0x1b9: {  	v18 =	vbroadcast v3, $0x7;
	v10 =	vbroadcast v6, $0x6;
	v26 =	vld [tilespmem:s30+$0x7F0]  }
0x1ba: {  	v13 =	vbroadcast v1, $0x7;
	v14 =	vbroadcast v4, $0x7;
	v58 =	vld [tilespmem:s30+$0xFFFFFFF0]  }
0x1bb: {  	v8 =	vbroadcast v4, $0x6;
	v7 =	vbroadcast v1, $0x6;
	v59 =	vld [tilespmem:s30+$0x0]  }
0x1bc: {  	v19 =	vimm.f32 $3.000000010e+38;
	v11 =	vbroadcast v2, $0x6;
	v12 =	vbroadcast v3, $0x6;
	v36 =	vld [tilespmem:s30+$0xFFFFF800]  }
0x1bd: {  	v9 =	vbroadcast v5, $0x6;
	v30 =	vld [tilespmem:s31+$0xFFFFF7F0];
	v28 =	vsub.f32 v8, v21;
	v29 =	vsub.f32 v7, v22  }
0x1be: {  	v31 =	vmul.f32 v20, v10;
	v22 =	vsub.f32 v13, v22;
	v57 =	vsub.f32 v15, v23  }
0x1bf: {  	v21 =	vsub.f32 v14, v21;
	v20 =	vmul.f32 v20, v16;
	v62 =	vmul.f32 v26, v18  }
0x1c0: {  	v60 =	vsub.f32 v15, v25;
	v63 =	vmul.f32 v58, v17;
	v44 =	vmul.f32 v24, v12  }
0x1c1: {  	v25 =	vsub.f32 v9, v25;
	v45 =	vmul.f32 v36, v16;
	v34 =	vmul.f32 v59, v17  }
0x1c2: {  	v27 =	vld [tilespmem:s31+$0xFFFFFFF0];
	v61 =	vsub.f32 v7, v30;
	v33 =	vmul.f32 v58, v11;
	v36 =	vmul.f32 v36, v10  }
0x1c3: {  	v30 =	vsub.f32 v13, v30;
	v28 =	vmul.f32 v28, v28;
	v29 =	vmul.f32 v29, v29  }
0x1c4: {  	v23 =	vsub.f32 v9, v23;
	v22 =	vmul.f32 v22, v22;
	v21 =	vmul.f32 v21, v21  }
0x1c5: {  	v24 =	vmul.f32 v24, v18;
	v20 =	vadd.f32 v63, v20;
	v31 =	vadd.f32 v33, v31  }
0x1c6: {  	s18 =	simm.s32 $0x3010;
	v35 =	vmul.f32 v60, v60;
	v28 =	vadd.f32 v28, v29;
	v21 =	vadd.f32 v21, v22  }
0x1c7: {  	v46 =	vld [tilespmem:s18+$0xFFFFFFF0];
	v29 =	vsub.f32 v14, v27;
	v22 =	vmul.f32 v59, v11;
	v20 =	vadd.f32 v62, v20  }
0x1c8: {  	v25 =	vmul.f32 v25, v25;
	v35 =	vadd.f32 v35, v21;
	v21 =	vadd.f32 v34, v45  }
0x1c9: {  	v26 =	vmul.f32 v26, v12;
	v22 =	vadd.f32 v22, v36;
	v20 =	vadd.f32 v20, v20  }
0x1ca: {  	v32 =	vimm.f32 $3.000000010e+38;
	v51 =	vadd.f32 v25, v28;
	v21 =	vadd.f32 v24, v21  }
0x1cb: {  	v47 =	vmul.f32 v61, v61;
	v24 =	vadd.f32 v26, v31;
	v26 =	vsub.f32 v8, v27  }
0x1cc: {  	v27 =	vmul.f32 v29, v29;
	v20 =	vsub.f32 v46, v20;
	v29 =	vmul.f32 v30, v30  }
0x1cd: {  	v22 =	vadd.f32 v44, v22;
	v31 =	vmul.f32 v57, v57;
	v24 =	vadd.f32 v24, v24  }
0x1ce: {  	v30 =	vld [tilespmem:s18+$0x0];
	v26 =	vmul.f32 v26, v26;
	v21 =	vadd.f32 v21, v21;
	vm0 =	vlt.f32 v20, v19  }
0x1cf: {  	v48 =	vmax.f32 v19, v20;
	v27 =	vadd.f32 v27, v29;
	v49 =	vadd.f32 v22, v22  }
0x1d0: {  	v20 =	vmin.f32 v19, v20;
	v29 =	vmax.f32 v19, v48;
	v50 =	vmin.f32 v19, v48  }
0x1d1: {  	vm2 =	vlt.f32 v48, v19;
	vm1 =	vlt.f32 v29, v19;
	v22 =	vadd.f32 v31, v27  }
0x1d2: {  	v26 =	vadd.f32 v26, v47;
	v31 =	vmul.f32 v23, v23;
	v59 =	vsub.f32 v46, v24  }
0x1d3: {  	v27 =	vsub.f32 v30, v21;
	v30 =	vsub.f32 v30, v49;
	v23 =	vsel vm0, v19, v22  }
0x1d4: {  	v25 =	vsel vm0, v22, v19;
	v22 =	vmax.f32 v19, v29;
	v29 =	vmin.f32 v19, v29  }
0x1d5: {  	v31 =	vadd.f32 v31, v26;
	v61 =	vmin.f32 v19, v59;
	v33 =	vmax.f32 v19, v59  }
0x1d6: {  	vm3 =	vlt.f32 v27, v20;
	v21 =	vmin.f32 v20, v27;
	v27 =	vmax.f32 v20, v27  }
0x1d7: {  	v28 =	vsel vm2, v19, v23;
	vm0 =	vlt.f32 v22, v19;
	v38 =	vmin.f32 v19, v22  }
0x1d8: {  	v52 =	vsel vm2, v23, v19;
	v54 =	vmax.f32 v19, v22;
	vm15 =	vlt.f32 v30, v61  }
0x1d9: {  	vm5 =	vlt.f32 v33, v19;
	v63 =	vmax.f32 v19, v33;
	v33 =	vmin.f32 v19, v33  }
0x1da: {  	v34 =	vmax.f32 v61, v30;
	v20 =	vsel vm3, v35, v25;
	vm4 =	vlt.f32 v27, v50  }
0x1db: {  	v23 =	vsel vm1, v19, v28;
	v53 =	vmax.f32 v50, v27;
	v25 =	vsel vm3, v25, v35  }
0x1dc: {  	v57 =	vsel vm1, v28, v19;
	v58 =	vmin.f32 v19, v54;
	vm1 =	vlt.f32 v54, v19  }
0x1dd: {  	v28 =	vmin.f32 v50, v27;
	v44 =	vmin.f32 v19, v63;
	v37 =	vmax.f32 v19, v63  }
0x1de: {  	v46 =	vmax.f32 v33, v34;
	v35 =	vimm.f32 $3.000000010e+38;
	v55 =	vsel vm0, v19, v23  }
0x1df: {  	v22 =	vmin.f32 v29, v53;
	v56 =	vsel vm0, v23, v19;
	vm0 =	vlt.f32 v53, v29  }
0x1e0: {  	v39 =	vmax.f32 v29, v53;
	v23 =	vsel vm4, v25, v52;
	v25 =	vsel vm4, v52, v25  }
0x1e1: {  	v41 =	vmin.f32 v19, v37;
	v43 =	vmax.f32 v19, v37;
	vm2 =	vlt.f32 v39, v38  }
0x1e2: {  	v29 =	vmax.f32 v38, v39;
	v60 =	vsel vm0, v57, v25;
	v24 =	vsel vm0, v25, v57  }
0x1e3: {  	vm0 =	vlt.f32 v59, v19;
	v25 =	vsel vm1, v55, v19;
	vm1 =	vlt.f32 v34, v33  }
0x1e4: {  	vm3 =	vlt.f32 v29, v58;
	v62 =	vsel vm0, v19, v31;
	v26 =	vmin.f32 v58, v29  }
0x1e5: {  	v27 =	vsel vm2, v60, v56;
	v36 =	vsel vm2, v56, v60;
	v29 =	vmin.f32 v61, v30  }
0x1e6: {  	v31 =	vsel vm0, v31, v19;
	vm2 =	vlt.f32 v63, v19;
	v30 =	vmin.f32 v33, v34  }
0x1e7: {  	vm0 =	vlt.f32 v46, v44;
	v34 =	vimm.f32 $3.000000010e+38;
	v33 =	vimm.f32 $3.000000010e+38  }
0x1e8: {  	v25 =	vsel vm3, v36, v25;
	v42 =	vsel vm5, v62, v19;
	v45 =	vsel vm15, v31, v51  }
0x1e9: {  	s20 =	simm.s32 $0x830;
	s21 =	simm.s32 $0x2030;
	s19 =	simm.s32 $0x0;
	v47 =	vsel vm5, v19, v62;
	v31 =	vsel vm15, v51, v31;
	v40 =	vsel vm1, v42, v45  }
.LBB2_11:
0x1ea: {  	v48 =	vld [tilespmem:s21+$0xFFFFF7F0];
	s19 =	sadd.s32 $0x2, s19;
	v49 =	vsel vm2, v47, v19;
	v47 =	vsel vm2, v19, v47;
	v36 =	vmin.f32 v44, v46;
	s18 =	sadd.s32 $0x20, s18  }
0x1eb: {  	vm2 =	vlt.f32 v37, v35;
	v37 =	vsel vm1, v45, v42;
	v35 =	vmax.f32 v44, v46;
	v50 =	vld [tilespmem:s20+$0x0];
	p0 =	slt.u32 s19, $0x7E  }
0x1ec: {  	v39 =	vmin.f32 v38, v39;
	v44 =	vsel vm2, v34, v47;
	v19 =	vsel vm0, v40, v49;
	v42 =	vld [tilespmem:s20+$0xFFFFF800]  }
0x1ed: {  	v46 =	vmin.f32 v33, v43;
	v45 =	vsel vm2, v47, v34;
	v47 =	vmax.f32 v41, v35;
	v38 =	vld [tilespmem:s20+$0x7F0]  }
0x1ee: {  	vm2 =	vlt.f32 v43, v33;
	vm3 =	vlt.f32 v35, v41;
	vm1 =	vlt.f32 v47, v46;
	v51 =	vld [tilespmem:s21+$0x800]  }
0x1ef: {  	v33 =	vsel vm0, v49, v40;
	v32 =	vsel vm2, v44, v32;
	v43 =	vmul.f32 v48, v10;
	v52 =	vld [tilespmem:s20+$0x800]  }
0x1f0: {  	v35 =	vmin.f32 v41, v35;
	v44 =	vmul.f32 v48, v16;
	v40 =	vld [tilespmem:s21+$0x7F0];
	v34 =	vsub.f32 v8, v50  }
0x1f1: {  	v41 =	vld [tilespmem:s20+$0xFFFFFFF0];
	v48 =	vsub.f32 v7, v42;
	v42 =	vsub.f32 v13, v42  }
0x1f2: {  	v49 =	vld [tilespmem:s20+$0xFFFFF7F0];
	v53 =	vsub.f32 v15, v38;
	v54 =	vmul.f32 v34, v34;
	v34 =	vsel vm3, v33, v45  }
0x1f3: {  	v45 =	vsel vm3, v45, v33;
	v55 =	vld [tilespmem:s21+$0xFFFFFFF0];
	v48 =	vmul.f32 v48, v48;
	v42 =	vmul.f32 v42, v42  }
0x1f4: {  	v50 =	vsub.f32 v14, v50;
	v33 =	vmin.f32 v46, v47;
	v56 =	vld [tilespmem:s21+$0x0];
	v57 =	vsub.f32 v15, v52  }
0x1f5: {  	v32 =	vsel vm1, v45, v32;
	v47 =	vsub.f32 v9, v52;
	v46 =	vld [tilespmem:s21+$0xFFFFF800];
	v48 =	vadd.f32 v54, v48  }
0x1f6: {  	v50 =	vmul.f32 v50, v50;
	v45 =	vsub.f32 v14, v41;
	v52 =	vmul.f32 v57, v57  }
0x1f7: {  	v57 =	vmul.f32 v40, v18;
	v54 =	vsub.f32 v7, v49;
	v49 =	vsub.f32 v13, v49  }
0x1f8: {  	v42 =	vadd.f32 v50, v42;
	v40 =	vmul.f32 v40, v12;
	v58 =	vmul.f32 v55, v17  }
0x1f9: {  	v38 =	vsub.f32 v9, v38;
	v59 =	vmul.f32 v51, v12;
	v50 =	vmul.f32 v56, v11  }
0x1fa: {  	v56 =	vmul.f32 v56, v17;
	v44 =	vadd.f32 v58, v44;
	v58 =	vmul.f32 v46, v16  }
0x1fb: {  	v55 =	vmul.f32 v55, v11;
	v42 =	vadd.f32 v52, v42;
	v46 =	vmul.f32 v46, v10;
	v60 =	vld [tilespmem:s18+$0xFFFFFFF0]  }
0x1fc: {  	v51 =	vmul.f32 v51, v18;
	v44 =	vadd.f32 v57, v44;
	v52 =	vadd.f32 v56, v58  }
0x1fd: {  	v47 =	vmul.f32 v47, v47;
	v43 =	vadd.f32 v55, v43;
	v46 =	vadd.f32 v50, v46  }
0x1fe: {  	v50 =	vmul.f32 v54, v54;
	v44 =	vadd.f32 v44, v44;
	v51 =	vadd.f32 v51, v52  }
0x1ff: {  	v41 =	vsub.f32 v8, v41;
	v40 =	vadd.f32 v40, v43;
	v43 =	vmul.f32 v45, v45  }
0x200: {  	v45 =	vmul.f32 v49, v49;
	v46 =	vadd.f32 v59, v46;
	v44 =	vsub.f32 v60, v44;
	v49 =	vld [tilespmem:s18+$0x0]  }
0x201: {  	v41 =	vmul.f32 v41, v41;
	v40 =	vadd.f32 v40, v40;
	v51 =	vadd.f32 v51, v51  }
0x202: {  	v52 =	vmul.f32 v53, v53;
	vm1 =	vlt.f32 v44, v21;
	v53 =	vmax.f32 v21, v44  }
0x203: {  	v43 =	vadd.f32 v43, v45;
	v46 =	vadd.f32 v46, v46;
	v45 =	vmax.f32 v28, v53  }
0x204: {  	v44 =	vmin.f32 v21, v44;
	v54 =	vmin.f32 v28, v53;
	vm0 =	vlt.f32 v45, v22  }
0x205: {  	v43 =	vadd.f32 v52, v43;
	vm2 =	vlt.f32 v53, v28;
	v28 =	vsub.f32 v49, v51  }
0x206: {  	v48 =	vadd.f32 v47, v48;
	v41 =	vadd.f32 v41, v50;
	v50 =	vmul.f32 v38, v38  }
0x207: {  	v47 =	vsel vm1, v20, v43;
	vm3 =	vlt.f32 v28, v44;
	v21 =	vmin.f32 v44, v28  }
0x208: {  	v43 =	vsel vm1, v43, v20;
	v51 =	vmax.f32 v22, v45;
	v28 =	vmax.f32 v44, v28  }
0x209: {  	v45 =	vmin.f32 v22, v45;
	v44 =	vsel vm2, v23, v47;
	v20 =	vsel vm3, v42, v43  }
0x20a: {  	vm1 =	vlt.f32 v51, v39;
	v38 =	vmin.f32 v39, v51;
	vm4 =	vlt.f32 v28, v54  }
0x20b: {  	v47 =	vsel vm2, v47, v23;
	v23 =	vsel vm0, v24, v44;
	v52 =	vmax.f32 v54, v28  }
0x20c: {  	v51 =	vmax.f32 v39, v51;
	v53 =	vsel vm1, v27, v23;
	v22 =	vmin.f32 v45, v52  }
0x20d: {  	v55 =	vsel vm1, v23, v27;
	vm1 =	vlt.f32 v52, v45;
	v39 =	vmax.f32 v45, v52  }
0x20e: {  	v27 =	vsel vm3, v43, v42;
	vm2 =	vlt.f32 v39, v38;
	v42 =	vmax.f32 v38, v39  }
0x20f: {  	v24 =	vsel vm0, v44, v24;
	v43 =	vmin.f32 v26, v51;
	v23 =	vsel vm4, v27, v47  }
0x210: {  	vm0 =	vlt.f32 v51, v26;
	v26 =	vsel vm4, v47, v27;
	vm3 =	vlt.f32 v42, v43  }
0x211: {  	v28 =	vmin.f32 v54, v28;
	v27 =	vsub.f32 v60, v40;
	v40 =	vsel vm1, v24, v26  }
0x212: {  	v41 =	vadd.f32 v50, v41;
	v44 =	vsub.f32 v49, v46;
	v24 =	vsel vm1, v26, v24  }
0x213: {  	v25 =	vsel vm0, v53, v25;
	vm1 =	vlt.f32 v27, v29;
	v45 =	vmin.f32 v29, v27  }
0x214: {  	v26 =	vmin.f32 v43, v42;
	v46 =	vsel vm1, v31, v41;
	vm0 =	vlt.f32 v44, v45  }
0x215: {  	v43 =	vmax.f32 v29, v27;
	v27 =	vsel vm2, v40, v55;
	v40 =	vsel vm2, v55, v40  }
0x216: {  	vm4 =	vlt.f32 v43, v30;
	v29 =	vmin.f32 v45, v44;
	v25 =	vsel vm3, v40, v25  }
0x217: {  	v31 =	vsel vm1, v41, v31;
	v41 =	vmax.f32 v30, v43;
	v42 =	vsel vm4, v46, v37  }
.Ltmp4:
0x218: {  	v43 =	vmin.f32 v30, v43;
	v49 =	vmax.f32 v45, v44;
	vm2 =	vlt.f32 v41, v36;
	(pc) =	sbr.rel @p0 .LBB2_11-.Ltmp4, $4  }
0x219: {  	v44 =	vmin.f32 v36, v41;
	v45 =	vsel vm0, v31, v48;
	vm1 =	vlt.f32 v49, v43  }
0x21a: {  	v47 =	vsel vm4, v37, v46;
	v31 =	vsel vm0, v48, v31;
	v40 =	vsel vm1, v42, v45  }
0x21b: {  	v37 =	vmax.f32 v36, v41;
	v30 =	vmin.f32 v43, v49;
	v46 =	vmax.f32 v43, v49  }
0x21c: {  	s20 =	sadd.s32 $0x20, s20;
	s21 =	sadd.s32 $0x20, s21;
	v41 =	vmin.f32 v35, v37;
	v43 =	vmax.f32 v35, v37;
	vm0 =	vlt.f32 v46, v44  }
0x21d: {  	s18 =	sadd.s32 $0x1E0, s17;
	[tilespmem:s17+$0x39E0] =	vst v29  }
0x21e: {  	[tilespmem:s17+$0xD9E0] =	vst v31;
	s18 =	sor.u32 $0x70, s18  }
0x21f: {  	v10 =	vsel vm1, v45, v42;
	[tilespmem:s18+$0x3800] =	vst v30  }
0x220: {  	v7 =	vsel vm2, v47, v19;
	v9 =	vmin.f32 v44, v46;
	[tilespmem:s18+$0xD800] =	vst v10  }
0x221: {  	v13 =	vsel vm0, v40, v7;
	[tilespmem:s17+$0x3A00] =	vst v9  }
0x222: {  	[tilespmem:s17+$0xDA00] =	vst v13  }
0x223: {  	[tilespmem:s17+$0x3A30] =	vst v21  }
0x224: {  	[tilespmem:s17+$0xDA30] =	vst v20  }
0x225: {  	[tilespmem:s17+$0x3A40] =	vst v28  }
0x226: {  	v8 =	vsel vm2, v19, v47;
	vm2 =	vlt.f32 v37, v35;
	[tilespmem:s17+$0xDA40] =	vst v23  }
0x227: {  	v11 =	vmax.f32 v44, v46;
	v12 =	vsel vm2, v34, v8;
	[tilespmem:s17+$0x3A50] =	vst v22  }
0x228: {  	v8 =	vsel vm2, v8, v34;
	v14 =	vmax.f32 v41, v11;
	vm1 =	vlt.f32 v11, v41;
	[tilespmem:s17+$0xDA50] =	vst v24  }
0x229: {  	v7 =	vsel vm0, v7, v40;
	v10 =	vmin.f32 v33, v43;
	v9 =	vmin.f32 v41, v11;
	[tilespmem:s17+$0xDA60] =	vst v27  }
0x22a: {  	vm0 =	vlt.f32 v43, v33;
	vm2 =	vlt.f32 v14, v10;
	v11 =	vsel vm1, v7, v8;
	[tilespmem:s17+$0x3A10] =	vst v9  }
0x22b: {  	v7 =	vsel vm1, v8, v7;
	v8 =	vmin.f32 v10, v14;
	v9 =	vsel vm0, v12, v32;
	[tilespmem:s17+$0xDA10] =	vst v11  }
0x22c: {  	[tilespmem:s17+$0x3A20] =	vst v8;
	v7 =	vsel vm2, v7, v9  }
0x22d: {  	s30 =	sadd.s32 $0x230, s17;
	[tilespmem:s17+$0xDA20] =	vst v7;
	v7 =	vmin.f32 v38, v39  }
0x22e: {  	s18 =	sor.u32 $0x70, s30;
	[tilespmem:s17+$0x3A60] =	vst v7  }
0x22f: {  	[tilespmem:s18+$0x3800] =	vst v26  }
0x230: {  	s31 =	simm.s32 $0x2010;
	[tilespmem:s18+$0xD800] =	vst v25  }
0x231: {  	s19 =	simm.s32 $0x810;
	v20 =	vld [tilespmem:s31+$0xFFFFF7F0]  }
0x232: {  	v21 =	vld [tilespmem:s19+$0x0]  }
0x233: {  	v22 =	vld [tilespmem:s19+$0xFFFFF800]  }
0x234: {  	v23 =	vld [tilespmem:s19+$0x7F0]  }
0x235: {  	v15 =	vbroadcast v5, $0x9;
	v24 =	vld [tilespmem:s31+$0x800]  }
0x236: {  	v16 =	vbroadcast v6, $0x9;
	v17 =	vbroadcast v2, $0x9;
	v25 =	vld [tilespmem:s19+$0x800]  }
0x237: {  	v18 =	vbroadcast v3, $0x9;
	v10 =	vbroadcast v6, $0x8;
	v26 =	vld [tilespmem:s31+$0x7F0]  }
0x238: {  	v13 =	vbroadcast v1, $0x9;
	v14 =	vbroadcast v4, $0x9;
	v58 =	vld [tilespmem:s31+$0xFFFFFFF0]  }
0x239: {  	v8 =	vbroadcast v4, $0x8;
	v7 =	vbroadcast v1, $0x8;
	v59 =	vld [tilespmem:s31+$0x0]  }
0x23a: {  	v19 =	vimm.f32 $3.000000010e+38;
	v11 =	vbroadcast v2, $0x8;
	v12 =	vbroadcast v3, $0x8;
	v36 =	vld [tilespmem:s31+$0xFFFFF800]  }
0x23b: {  	v9 =	vbroadcast v5, $0x8;
	v30 =	vld [tilespmem:s19+$0xFFFFF7F0];
	v28 =	vsub.f32 v8, v21;
	v29 =	vsub.f32 v7, v22  }
0x23c: {  	v31 =	vmul.f32 v20, v10;
	v22 =	vsub.f32 v13, v22;
	v57 =	vsub.f32 v15, v23  }
0x23d: {  	v21 =	vsub.f32 v14, v21;
	v20 =	vmul.f32 v20, v16;
	v62 =	vmul.f32 v26, v18  }
0x23e: {  	v60 =	vsub.f32 v15, v25;
	v63 =	vmul.f32 v58, v17;
	v44 =	vmul.f32 v24, v12  }
0x23f: {  	v25 =	vsub.f32 v9, v25;
	v45 =	vmul.f32 v36, v16;
	v34 =	vmul.f32 v59, v17  }
0x240: {  	v27 =	vld [tilespmem:s19+$0xFFFFFFF0];
	v61 =	vsub.f32 v7, v30;
	v33 =	vmul.f32 v58, v11;
	v36 =	vmul.f32 v36, v10  }
0x241: {  	v30 =	vsub.f32 v13, v30;
	v28 =	vmul.f32 v28, v28;
	v29 =	vmul.f32 v29, v29  }
0x242: {  	v23 =	vsub.f32 v9, v23;
	v22 =	vmul.f32 v22, v22;
	v21 =	vmul.f32 v21, v21  }
0x243: {  	v24 =	vmul.f32 v24, v18;
	v20 =	vadd.f32 v63, v20;
	v31 =	vadd.f32 v33, v31  }
0x244: {  	s18 =	simm.s32 $0x3010;
	v35 =	vmul.f32 v60, v60;
	v28 =	vadd.f32 v28, v29;
	v21 =	vadd.f32 v21, v22  }
0x245: {  	v46 =	vld [tilespmem:s18+$0xFFFFFFF0];
	v29 =	vsub.f32 v14, v27;
	v22 =	vmul.f32 v59, v11;
	v20 =	vadd.f32 v62, v20  }
0x246: {  	v25 =	vmul.f32 v25, v25;
	v35 =	vadd.f32 v35, v21;
	v21 =	vadd.f32 v34, v45  }
0x247: {  	v26 =	vmul.f32 v26, v12;
	v22 =	vadd.f32 v22, v36;
	v20 =	vadd.f32 v20, v20  }
0x248: {  	v32 =	vimm.f32 $3.000000010e+38;
	v51 =	vadd.f32 v25, v28;
	v21 =	vadd.f32 v24, v21  }
0x249: {  	v47 =	vmul.f32 v61, v61;
	v24 =	vadd.f32 v26, v31;
	v26 =	vsub.f32 v8, v27  }
0x24a: {  	v27 =	vmul.f32 v29, v29;
	v20 =	vsub.f32 v46, v20;
	v29 =	vmul.f32 v30, v30  }
0x24b: {  	v22 =	vadd.f32 v44, v22;
	v31 =	vmul.f32 v57, v57;
	v24 =	vadd.f32 v24, v24  }
0x24c: {  	v30 =	vld [tilespmem:s18+$0x0];
	v26 =	vmul.f32 v26, v26;
	v21 =	vadd.f32 v21, v21;
	vm0 =	vlt.f32 v20, v19  }
0x24d: {  	v48 =	vmax.f32 v19, v20;
	v27 =	vadd.f32 v27, v29;
	v49 =	vadd.f32 v22, v22  }
0x24e: {  	v20 =	vmin.f32 v19, v20;
	v29 =	vmax.f32 v19, v48;
	v50 =	vmin.f32 v19, v48  }
0x24f: {  	vm2 =	vlt.f32 v48, v19;
	vm1 =	vlt.f32 v29, v19;
	v22 =	vadd.f32 v31, v27  }
0x250: {  	v26 =	vadd.f32 v26, v47;
	v31 =	vmul.f32 v23, v23;
	v59 =	vsub.f32 v46, v24  }
0x251: {  	v27 =	vsub.f32 v30, v21;
	v30 =	vsub.f32 v30, v49;
	v23 =	vsel vm0, v19, v22  }
0x252: {  	v25 =	vsel vm0, v22, v19;
	v22 =	vmax.f32 v19, v29;
	v29 =	vmin.f32 v19, v29  }
0x253: {  	v31 =	vadd.f32 v31, v26;
	v61 =	vmin.f32 v19, v59;
	v33 =	vmax.f32 v19, v59  }
0x254: {  	vm3 =	vlt.f32 v27, v20;
	v21 =	vmin.f32 v20, v27;
	v27 =	vmax.f32 v20, v27  }
0x255: {  	v28 =	vsel vm2, v19, v23;
	vm0 =	vlt.f32 v22, v19;
	v38 =	vmin.f32 v19, v22  }
0x256: {  	v52 =	vsel vm2, v23, v19;
	v54 =	vmax.f32 v19, v22;
	vm15 =	vlt.f32 v30, v61  }
0x257: {  	vm5 =	vlt.f32 v33, v19;
	v63 =	vmax.f32 v19, v33;
	v33 =	vmin.f32 v19, v33  }
0x258: {  	v34 =	vmax.f32 v61, v30;
	v20 =	vsel vm3, v35, v25;
	vm4 =	vlt.f32 v27, v50  }
0x259: {  	v23 =	vsel vm1, v19, v28;
	v53 =	vmax.f32 v50, v27;
	v25 =	vsel vm3, v25, v35  }
0x25a: {  	v57 =	vsel vm1, v28, v19;
	v58 =	vmin.f32 v19, v54;
	vm1 =	vlt.f32 v54, v19  }
0x25b: {  	v28 =	vmin.f32 v50, v27;
	v44 =	vmin.f32 v19, v63;
	v37 =	vmax.f32 v19, v63  }
0x25c: {  	v46 =	vmax.f32 v33, v34;
	v35 =	vimm.f32 $3.000000010e+38;
	v55 =	vsel vm0, v19, v23  }
0x25d: {  	v22 =	vmin.f32 v29, v53;
	v56 =	vsel vm0, v23, v19;
	vm0 =	vlt.f32 v53, v29  }
0x25e: {  	v39 =	vmax.f32 v29, v53;
	v23 =	vsel vm4, v25, v52;
	v25 =	vsel vm4, v52, v25  }
0x25f: {  	v41 =	vmin.f32 v19, v37;
	v43 =	vmax.f32 v19, v37;
	vm2 =	vlt.f32 v39, v38  }
0x260: {  	v29 =	vmax.f32 v38, v39;
	v60 =	vsel vm0, v57, v25;
	v24 =	vsel vm0, v25, v57  }
0x261: {  	vm0 =	vlt.f32 v59, v19;
	v25 =	vsel vm1, v55, v19;
	vm1 =	vlt.f32 v34, v33  }
0x262: {  	vm3 =	vlt.f32 v29, v58;
	v62 =	vsel vm0, v19, v31;
	v26 =	vmin.f32 v58, v29  }
0x263: {  	v27 =	vsel vm2, v60, v56;
	v36 =	vsel vm2, v56, v60;
	v29 =	vmin.f32 v61, v30  }
0x264: {  	v31 =	vsel vm0, v31, v19;
	vm2 =	vlt.f32 v63, v19;
	v30 =	vmin.f32 v33, v34  }
0x265: {  	vm0 =	vlt.f32 v46, v44;
	v34 =	vimm.f32 $3.000000010e+38;
	v33 =	vimm.f32 $3.000000010e+38  }
0x266: {  	v25 =	vsel vm3, v36, v25;
	v42 =	vsel vm5, v62, v19;
	v45 =	vsel vm15, v31, v51  }
0x267: {  	s20 =	simm.s32 $0x830;
	s21 =	simm.s32 $0x2030;
	s19 =	simm.s32 $0x0;
	v47 =	vsel vm5, v19, v62;
	v31 =	vsel vm15, v51, v31;
	v40 =	vsel vm1, v42, v45  }
.LBB2_13:
0x268: {  	v48 =	vld [tilespmem:s21+$0xFFFFF7F0];
	s19 =	sadd.s32 $0x2, s19;
	v49 =	vsel vm2, v47, v19;
	v47 =	vsel vm2, v19, v47;
	v36 =	vmin.f32 v44, v46;
	s18 =	sadd.s32 $0x20, s18  }
0x269: {  	vm2 =	vlt.f32 v37, v35;
	v37 =	vsel vm1, v45, v42;
	v35 =	vmax.f32 v44, v46;
	v50 =	vld [tilespmem:s20+$0x0];
	p0 =	slt.u32 s19, $0x7E  }
0x26a: {  	v39 =	vmin.f32 v38, v39;
	v44 =	vsel vm2, v34, v47;
	v19 =	vsel vm0, v40, v49;
	v42 =	vld [tilespmem:s20+$0xFFFFF800]  }
0x26b: {  	v46 =	vmin.f32 v33, v43;
	v45 =	vsel vm2, v47, v34;
	v47 =	vmax.f32 v41, v35;
	v38 =	vld [tilespmem:s20+$0x7F0]  }
0x26c: {  	vm2 =	vlt.f32 v43, v33;
	vm3 =	vlt.f32 v35, v41;
	vm1 =	vlt.f32 v47, v46;
	v51 =	vld [tilespmem:s21+$0x800]  }
0x26d: {  	v33 =	vsel vm0, v49, v40;
	v32 =	vsel vm2, v44, v32;
	v43 =	vmul.f32 v48, v10;
	v52 =	vld [tilespmem:s20+$0x800]  }
0x26e: {  	v35 =	vmin.f32 v41, v35;
	v44 =	vmul.f32 v48, v16;
	v40 =	vld [tilespmem:s21+$0x7F0];
	v34 =	vsub.f32 v8, v50  }
0x26f: {  	v41 =	vld [tilespmem:s20+$0xFFFFFFF0];
	v48 =	vsub.f32 v7, v42;
	v42 =	vsub.f32 v13, v42  }
0x270: {  	v49 =	vld [tilespmem:s20+$0xFFFFF7F0];
	v53 =	vsub.f32 v15, v38;
	v54 =	vmul.f32 v34, v34;
	v34 =	vsel vm3, v33, v45  }
0x271: {  	v45 =	vsel vm3, v45, v33;
	v55 =	vld [tilespmem:s21+$0xFFFFFFF0];
	v48 =	vmul.f32 v48, v48;
	v42 =	vmul.f32 v42, v42  }
0x272: {  	v50 =	vsub.f32 v14, v50;
	v33 =	vmin.f32 v46, v47;
	v56 =	vld [tilespmem:s21+$0x0];
	v57 =	vsub.f32 v15, v52  }
0x273: {  	v32 =	vsel vm1, v45, v32;
	v47 =	vsub.f32 v9, v52;
	v46 =	vld [tilespmem:s21+$0xFFFFF800];
	v48 =	vadd.f32 v54, v48  }
0x274: {  	v50 =	vmul.f32 v50, v50;
	v45 =	vsub.f32 v14, v41;
	v52 =	vmul.f32 v57, v57  }
0x275: {  	v57 =	vmul.f32 v40, v18;
	v54 =	vsub.f32 v7, v49;
	v49 =	vsub.f32 v13, v49  }
0x276: {  	v42 =	vadd.f32 v50, v42;
	v40 =	vmul.f32 v40, v12;
	v58 =	vmul.f32 v55, v17  }
0x277: {  	v38 =	vsub.f32 v9, v38;
	v59 =	vmul.f32 v51, v12;
	v50 =	vmul.f32 v56, v11  }
0x278: {  	v56 =	vmul.f32 v56, v17;
	v44 =	vadd.f32 v58, v44;
	v58 =	vmul.f32 v46, v16  }
0x279: {  	v55 =	vmul.f32 v55, v11;
	v42 =	vadd.f32 v52, v42;
	v46 =	vmul.f32 v46, v10;
	v60 =	vld [tilespmem:s18+$0xFFFFFFF0]  }
0x27a: {  	v51 =	vmul.f32 v51, v18;
	v44 =	vadd.f32 v57, v44;
	v52 =	vadd.f32 v56, v58  }
0x27b: {  	v47 =	vmul.f32 v47, v47;
	v43 =	vadd.f32 v55, v43;
	v46 =	vadd.f32 v50, v46  }
0x27c: {  	v50 =	vmul.f32 v54, v54;
	v44 =	vadd.f32 v44, v44;
	v51 =	vadd.f32 v51, v52  }
0x27d: {  	v41 =	vsub.f32 v8, v41;
	v40 =	vadd.f32 v40, v43;
	v43 =	vmul.f32 v45, v45  }
0x27e: {  	v45 =	vmul.f32 v49, v49;
	v46 =	vadd.f32 v59, v46;
	v44 =	vsub.f32 v60, v44;
	v49 =	vld [tilespmem:s18+$0x0]  }
0x27f: {  	v41 =	vmul.f32 v41, v41;
	v40 =	vadd.f32 v40, v40;
	v51 =	vadd.f32 v51, v51  }
0x280: {  	v52 =	vmul.f32 v53, v53;
	vm1 =	vlt.f32 v44, v21;
	v53 =	vmax.f32 v21, v44  }
0x281: {  	v43 =	vadd.f32 v43, v45;
	v46 =	vadd.f32 v46, v46;
	v45 =	vmax.f32 v28, v53  }
0x282: {  	v44 =	vmin.f32 v21, v44;
	v54 =	vmin.f32 v28, v53;
	vm0 =	vlt.f32 v45, v22  }
0x283: {  	v43 =	vadd.f32 v52, v43;
	vm2 =	vlt.f32 v53, v28;
	v28 =	vsub.f32 v49, v51  }
0x284: {  	v48 =	vadd.f32 v47, v48;
	v41 =	vadd.f32 v41, v50;
	v50 =	vmul.f32 v38, v38  }
0x285: {  	v47 =	vsel vm1, v20, v43;
	vm3 =	vlt.f32 v28, v44;
	v21 =	vmin.f32 v44, v28  }
0x286: {  	v43 =	vsel vm1, v43, v20;
	v51 =	vmax.f32 v22, v45;
	v28 =	vmax.f32 v44, v28  }
0x287: {  	v45 =	vmin.f32 v22, v45;
	v44 =	vsel vm2, v23, v47;
	v20 =	vsel vm3, v42, v43  }
0x288: {  	vm1 =	vlt.f32 v51, v39;
	v38 =	vmin.f32 v39, v51;
	vm4 =	vlt.f32 v28, v54  }
0x289: {  	v47 =	vsel vm2, v47, v23;
	v23 =	vsel vm0, v24, v44;
	v52 =	vmax.f32 v54, v28  }
0x28a: {  	v51 =	vmax.f32 v39, v51;
	v53 =	vsel vm1, v27, v23;
	v22 =	vmin.f32 v45, v52  }
0x28b: {  	v55 =	vsel vm1, v23, v27;
	vm1 =	vlt.f32 v52, v45;
	v39 =	vmax.f32 v45, v52  }
0x28c: {  	v27 =	vsel vm3, v43, v42;
	vm2 =	vlt.f32 v39, v38;
	v42 =	vmax.f32 v38, v39  }
0x28d: {  	v24 =	vsel vm0, v44, v24;
	v43 =	vmin.f32 v26, v51;
	v23 =	vsel vm4, v27, v47  }
0x28e: {  	vm0 =	vlt.f32 v51, v26;
	v26 =	vsel vm4, v47, v27;
	vm3 =	vlt.f32 v42, v43  }
0x28f: {  	v28 =	vmin.f32 v54, v28;
	v27 =	vsub.f32 v60, v40;
	v40 =	vsel vm1, v24, v26  }
0x290: {  	v41 =	vadd.f32 v50, v41;
	v44 =	vsub.f32 v49, v46;
	v24 =	vsel vm1, v26, v24  }
0x291: {  	v25 =	vsel vm0, v53, v25;
	vm1 =	vlt.f32 v27, v29;
	v45 =	vmin.f32 v29, v27  }
0x292: {  	v26 =	vmin.f32 v43, v42;
	v46 =	vsel vm1, v31, v41;
	vm0 =	vlt.f32 v44, v45  }
0x293: {  	v43 =	vmax.f32 v29, v27;
	v27 =	vsel vm2, v40, v55;
	v40 =	vsel vm2, v55, v40  }
0x294: {  	vm4 =	vlt.f32 v43, v30;
	v29 =	vmin.f32 v45, v44;
	v25 =	vsel vm3, v40, v25  }
0x295: {  	v31 =	vsel vm1, v41, v31;
	v41 =	vmax.f32 v30, v43;
	v42 =	vsel vm4, v46, v37  }
.Ltmp5:
0x296: {  	v43 =	vmin.f32 v30, v43;
	v49 =	vmax.f32 v45, v44;
	vm2 =	vlt.f32 v41, v36;
	(pc) =	sbr.rel @p0 .LBB2_13-.Ltmp5, $4  }
0x297: {  	v44 =	vmin.f32 v36, v41;
	v45 =	vsel vm0, v31, v48;
	vm1 =	vlt.f32 v49, v43  }
0x298: {  	v47 =	vsel vm4, v37, v46;
	v31 =	vsel vm0, v48, v31;
	v40 =	vsel vm1, v42, v45  }
0x299: {  	v37 =	vmax.f32 v36, v41;
	v30 =	vmin.f32 v43, v49;
	v46 =	vmax.f32 v43, v49  }
0x29a: {  	s20 =	sadd.s32 $0x20, s20;
	s21 =	sadd.s32 $0x20, s21;
	v41 =	vmin.f32 v35, v37;
	v43 =	vmax.f32 v35, v37;
	vm0 =	vlt.f32 v46, v44  }
0x29b: {  	[tilespmem:s17+$0x3A80] =	vst v29  }
0x29c: {  	[tilespmem:s17+$0xDA80] =	vst v31  }
0x29d: {  	[tilespmem:s17+$0x3A90] =	vst v30  }
0x29e: {  	[tilespmem:s17+$0x3AD0] =	vst v21  }
0x29f: {  	[tilespmem:s17+$0xDAD0] =	vst v20  }
0x2a0: {  	v7 =	vsel vm2, v47, v19;
	v8 =	vsel vm2, v19, v47;
	[tilespmem:s17+$0x3AE0] =	vst v28  }
0x2a1: {  	v9 =	vmin.f32 v44, v46;
	vm2 =	vlt.f32 v37, v35;
	v10 =	vsel vm1, v45, v42;
	[tilespmem:s17+$0xDAE0] =	vst v23  }
0x2a2: {  	v11 =	vmax.f32 v44, v46;
	v12 =	vsel vm2, v34, v8;
	v13 =	vsel vm0, v40, v7;
	[tilespmem:s17+$0xDA90] =	vst v10  }
0x2a3: {  	v8 =	vsel vm2, v8, v34;
	v10 =	vmin.f32 v33, v43;
	v14 =	vmax.f32 v41, v11;
	[tilespmem:s17+$0x3AA0] =	vst v9  }
0x2a4: {  	vm1 =	vlt.f32 v11, v41;
	v7 =	vsel vm0, v7, v40;
	v9 =	vmin.f32 v41, v11;
	[tilespmem:s17+$0xDAA0] =	vst v13  }
0x2a5: {  	vm0 =	vlt.f32 v43, v33;
	vm2 =	vlt.f32 v14, v10;
	v11 =	vsel vm1, v7, v8;
	[tilespmem:s17+$0x3AB0] =	vst v9  }
0x2a6: {  	v9 =	vsel vm0, v12, v32;
	v7 =	vsel vm1, v8, v7;
	v8 =	vmin.f32 v10, v14;
	[tilespmem:s17+$0xDAB0] =	vst v11  }
0x2a7: {  	s18 =	sadd.s32 $0x2D0, s17;
	v7 =	vsel vm2, v7, v9;
	[tilespmem:s17+$0x3AC0] =	vst v8  }
0x2a8: {  	s18 =	sor.u32 $0x70, s18;
	[tilespmem:s17+$0xDAC0] =	vst v7  }
0x2a9: {  	[tilespmem:s18+$0x3800] =	vst v22  }
0x2aa: {  	v7 =	vmin.f32 v38, v39;
	[tilespmem:s18+$0xD800] =	vst v24  }
0x2ab: {  	[tilespmem:s17+$0x3B00] =	vst v7  }
0x2ac: {  	[tilespmem:s17+$0xDB00] =	vst v27  }
0x2ad: {  	[tilespmem:s17+$0x3B10] =	vst v26  }
0x2ae: {  	s31 =	simm.s32 $0x2010;
	[tilespmem:s17+$0xDB10] =	vst v25  }
0x2af: {  	s19 =	simm.s32 $0x810;
	v20 =	vld [tilespmem:s31+$0xFFFFF7F0]  }
0x2b0: {  	v21 =	vld [tilespmem:s19+$0x0]  }
0x2b1: {  	v22 =	vld [tilespmem:s19+$0xFFFFF800]  }
0x2b2: {  	v23 =	vld [tilespmem:s19+$0x7F0]  }
0x2b3: {  	v15 =	vbroadcast v5, $0xB;
	v24 =	vld [tilespmem:s31+$0x800]  }
0x2b4: {  	v16 =	vbroadcast v6, $0xB;
	v17 =	vbroadcast v2, $0xB;
	v25 =	vld [tilespmem:s19+$0x800]  }
0x2b5: {  	v18 =	vbroadcast v3, $0xB;
	v10 =	vbroadcast v6, $0xA;
	v26 =	vld [tilespmem:s31+$0x7F0]  }
0x2b6: {  	v12 =	vbroadcast v3, $0xA;
	v13 =	vbroadcast v1, $0xB;
	v58 =	vld [tilespmem:s31+$0xFFFFFFF0]  }
0x2b7: {  	v8 =	vbroadcast v4, $0xA;
	v7 =	vbroadcast v1, $0xA;
	v59 =	vld [tilespmem:s31+$0x0]  }
0x2b8: {  	v19 =	vimm.f32 $3.000000010e+38;
	v14 =	vbroadcast v4, $0xB;
	v9 =	vbroadcast v5, $0xA;
	v36 =	vld [tilespmem:s31+$0xFFFFF800]  }
0x2b9: {  	v11 =	vbroadcast v2, $0xA;
	v30 =	vld [tilespmem:s19+$0xFFFFF7F0];
	v28 =	vsub.f32 v8, v21;
	v29 =	vsub.f32 v7, v22  }
0x2ba: {  	v31 =	vmul.f32 v20, v10;
	v22 =	vsub.f32 v13, v22;
	v57 =	vsub.f32 v15, v23  }
0x2bb: {  	v21 =	vsub.f32 v14, v21;
	v20 =	vmul.f32 v20, v16;
	v62 =	vmul.f32 v26, v18  }
0x2bc: {  	v60 =	vsub.f32 v15, v25;
	v63 =	vmul.f32 v58, v17;
	v44 =	vmul.f32 v24, v12  }
0x2bd: {  	v25 =	vsub.f32 v9, v25;
	v45 =	vmul.f32 v36, v16;
	v34 =	vmul.f32 v59, v17  }
0x2be: {  	v27 =	vld [tilespmem:s19+$0xFFFFFFF0];
	v61 =	vsub.f32 v7, v30;
	v33 =	vmul.f32 v58, v11;
	v36 =	vmul.f32 v36, v10  }
0x2bf: {  	v30 =	vsub.f32 v13, v30;
	v28 =	vmul.f32 v28, v28;
	v29 =	vmul.f32 v29, v29  }
0x2c0: {  	v23 =	vsub.f32 v9, v23;
	v22 =	vmul.f32 v22, v22;
	v21 =	vmul.f32 v21, v21  }
0x2c1: {  	v24 =	vmul.f32 v24, v18;
	v20 =	vadd.f32 v63, v20;
	v31 =	vadd.f32 v33, v31  }
0x2c2: {  	s18 =	simm.s32 $0x3010;
	v35 =	vmul.f32 v60, v60;
	v28 =	vadd.f32 v28, v29;
	v21 =	vadd.f32 v21, v22  }
0x2c3: {  	v46 =	vld [tilespmem:s18+$0xFFFFFFF0];
	v29 =	vsub.f32 v14, v27;
	v22 =	vmul.f32 v59, v11;
	v20 =	vadd.f32 v62, v20  }
0x2c4: {  	v25 =	vmul.f32 v25, v25;
	v35 =	vadd.f32 v35, v21;
	v21 =	vadd.f32 v34, v45  }
0x2c5: {  	v26 =	vmul.f32 v26, v12;
	v22 =	vadd.f32 v22, v36;
	v20 =	vadd.f32 v20, v20  }
0x2c6: {  	v32 =	vimm.f32 $3.000000010e+38;
	v51 =	vadd.f32 v25, v28;
	v21 =	vadd.f32 v24, v21  }
0x2c7: {  	v47 =	vmul.f32 v61, v61;
	v24 =	vadd.f32 v26, v31;
	v26 =	vsub.f32 v8, v27  }
0x2c8: {  	v27 =	vmul.f32 v29, v29;
	v20 =	vsub.f32 v46, v20;
	v29 =	vmul.f32 v30, v30  }
0x2c9: {  	v22 =	vadd.f32 v44, v22;
	v31 =	vmul.f32 v57, v57;
	v24 =	vadd.f32 v24, v24  }
0x2ca: {  	v30 =	vld [tilespmem:s18+$0x0];
	v26 =	vmul.f32 v26, v26;
	v21 =	vadd.f32 v21, v21;
	vm0 =	vlt.f32 v20, v19  }
0x2cb: {  	v48 =	vmax.f32 v19, v20;
	v27 =	vadd.f32 v27, v29;
	v49 =	vadd.f32 v22, v22  }
0x2cc: {  	v20 =	vmin.f32 v19, v20;
	v29 =	vmax.f32 v19, v48;
	v50 =	vmin.f32 v19, v48  }
0x2cd: {  	vm2 =	vlt.f32 v48, v19;
	vm1 =	vlt.f32 v29, v19;
	v22 =	vadd.f32 v31, v27  }
0x2ce: {  	v26 =	vadd.f32 v26, v47;
	v31 =	vmul.f32 v23, v23;
	v59 =	vsub.f32 v46, v24  }
0x2cf: {  	v27 =	vsub.f32 v30, v21;
	v30 =	vsub.f32 v30, v49;
	v23 =	vsel vm0, v19, v22  }
0x2d0: {  	v25 =	vsel vm0, v22, v19;
	v22 =	vmax.f32 v19, v29;
	v29 =	vmin.f32 v19, v29  }
0x2d1: {  	v31 =	vadd.f32 v31, v26;
	v61 =	vmin.f32 v19, v59;
	v33 =	vmax.f32 v19, v59  }
0x2d2: {  	vm3 =	vlt.f32 v27, v20;
	v21 =	vmin.f32 v20, v27;
	v27 =	vmax.f32 v20, v27  }
0x2d3: {  	v28 =	vsel vm2, v19, v23;
	vm0 =	vlt.f32 v22, v19;
	v37 =	vmin.f32 v19, v22  }
0x2d4: {  	v52 =	vsel vm2, v23, v19;
	v54 =	vmax.f32 v19, v22;
	vm15 =	vlt.f32 v30, v61  }
0x2d5: {  	vm5 =	vlt.f32 v33, v19;
	v63 =	vmax.f32 v19, v33;
	v33 =	vmin.f32 v19, v33  }
0x2d6: {  	v34 =	vmax.f32 v61, v30;
	v20 =	vsel vm3, v35, v25;
	vm4 =	vlt.f32 v27, v50  }
0x2d7: {  	v23 =	vsel vm1, v19, v28;
	v53 =	vmax.f32 v50, v27;
	v25 =	vsel vm3, v25, v35  }
0x2d8: {  	v57 =	vsel vm1, v28, v19;
	v58 =	vmin.f32 v19, v54;
	vm1 =	vlt.f32 v54, v19  }
0x2d9: {  	v28 =	vmin.f32 v50, v27;
	v44 =	vmin.f32 v19, v63;
	v38 =	vmax.f32 v19, v63  }
0x2da: {  	v46 =	vmax.f32 v33, v34;
	v35 =	vimm.f32 $3.000000010e+38;
	v55 =	vsel vm0, v19, v23  }
0x2db: {  	v22 =	vmin.f32 v29, v53;
	v56 =	vsel vm0, v23, v19;
	vm0 =	vlt.f32 v53, v29  }
0x2dc: {  	v39 =	vmax.f32 v29, v53;
	v23 =	vsel vm4, v25, v52;
	v25 =	vsel vm4, v52, v25  }
0x2dd: {  	v41 =	vmin.f32 v19, v38;
	v43 =	vmax.f32 v19, v38;
	vm2 =	vlt.f32 v39, v37  }
0x2de: {  	v29 =	vmax.f32 v37, v39;
	v60 =	vsel vm0, v57, v25;
	v24 =	vsel vm0, v25, v57  }
0x2df: {  	vm0 =	vlt.f32 v59, v19;
	v25 =	vsel vm1, v55, v19;
	vm1 =	vlt.f32 v34, v33  }
0x2e0: {  	vm3 =	vlt.f32 v29, v58;
	v62 =	vsel vm0, v19, v31;
	v26 =	vmin.f32 v58, v29  }
0x2e1: {  	v27 =	vsel vm2, v60, v56;
	v36 =	vsel vm2, v56, v60;
	v29 =	vmin.f32 v61, v30  }
0x2e2: {  	v31 =	vsel vm0, v31, v19;
	vm2 =	vlt.f32 v63, v19;
	v30 =	vmin.f32 v33, v34  }
0x2e3: {  	vm0 =	vlt.f32 v46, v44;
	v34 =	vimm.f32 $3.000000010e+38;
	v33 =	vimm.f32 $3.000000010e+38  }
0x2e4: {  	v25 =	vsel vm3, v36, v25;
	v42 =	vsel vm5, v62, v19;
	v45 =	vsel vm15, v31, v51  }
0x2e5: {  	s20 =	simm.s32 $0x830;
	s21 =	simm.s32 $0x2030;
	s19 =	simm.s32 $0x0;
	v47 =	vsel vm5, v19, v62;
	v31 =	vsel vm15, v51, v31;
	v40 =	vsel vm1, v42, v45  }
.LBB2_15:
0x2e6: {  	v48 =	vld [tilespmem:s21+$0xFFFFF7F0];
	s19 =	sadd.s32 $0x2, s19;
	v49 =	vsel vm2, v47, v19;
	v47 =	vsel vm2, v19, v47;
	v36 =	vmin.f32 v44, v46;
	s18 =	sadd.s32 $0x20, s18  }
0x2e7: {  	vm2 =	vlt.f32 v38, v35;
	v38 =	vsel vm1, v45, v42;
	v35 =	vmax.f32 v44, v46;
	v50 =	vld [tilespmem:s20+$0x0];
	p0 =	slt.u32 s19, $0x7E  }
0x2e8: {  	v39 =	vmin.f32 v37, v39;
	v44 =	vsel vm2, v34, v47;
	v19 =	vsel vm0, v40, v49;
	v42 =	vld [tilespmem:s20+$0xFFFFF800]  }
0x2e9: {  	v46 =	vmin.f32 v33, v43;
	v45 =	vsel vm2, v47, v34;
	v47 =	vmax.f32 v41, v35;
	v37 =	vld [tilespmem:s20+$0x7F0]  }
0x2ea: {  	vm2 =	vlt.f32 v43, v33;
	vm3 =	vlt.f32 v35, v41;
	vm1 =	vlt.f32 v47, v46;
	v51 =	vld [tilespmem:s21+$0x800]  }
0x2eb: {  	v33 =	vsel vm0, v49, v40;
	v32 =	vsel vm2, v44, v32;
	v43 =	vmul.f32 v48, v10;
	v52 =	vld [tilespmem:s20+$0x800]  }
0x2ec: {  	v35 =	vmin.f32 v41, v35;
	v44 =	vmul.f32 v48, v16;
	v40 =	vld [tilespmem:s21+$0x7F0];
	v34 =	vsub.f32 v8, v50  }
0x2ed: {  	v41 =	vld [tilespmem:s20+$0xFFFFFFF0];
	v48 =	vsub.f32 v7, v42;
	v42 =	vsub.f32 v13, v42  }
0x2ee: {  	v49 =	vld [tilespmem:s20+$0xFFFFF7F0];
	v53 =	vsub.f32 v15, v37;
	v54 =	vmul.f32 v34, v34;
	v34 =	vsel vm3, v33, v45  }
0x2ef: {  	v45 =	vsel vm3, v45, v33;
	v55 =	vld [tilespmem:s21+$0xFFFFFFF0];
	v48 =	vmul.f32 v48, v48;
	v42 =	vmul.f32 v42, v42  }
0x2f0: {  	v50 =	vsub.f32 v14, v50;
	v33 =	vmin.f32 v46, v47;
	v56 =	vld [tilespmem:s21+$0x0];
	v57 =	vsub.f32 v15, v52  }
0x2f1: {  	v32 =	vsel vm1, v45, v32;
	v47 =	vsub.f32 v9, v52;
	v46 =	vld [tilespmem:s21+$0xFFFFF800];
	v48 =	vadd.f32 v54, v48  }
0x2f2: {  	v50 =	vmul.f32 v50, v50;
	v45 =	vsub.f32 v14, v41;
	v52 =	vmul.f32 v57, v57  }
0x2f3: {  	v57 =	vmul.f32 v40, v18;
	v54 =	vsub.f32 v7, v49;
	v49 =	vsub.f32 v13, v49  }
0x2f4: {  	v42 =	vadd.f32 v50, v42;
	v40 =	vmul.f32 v40, v12;
	v58 =	vmul.f32 v55, v17  }
0x2f5: {  	v37 =	vsub.f32 v9, v37;
	v59 =	vmul.f32 v51, v12;
	v50 =	vmul.f32 v56, v11  }
0x2f6: {  	v56 =	vmul.f32 v56, v17;
	v44 =	vadd.f32 v58, v44;
	v58 =	vmul.f32 v46, v16  }
0x2f7: {  	v55 =	vmul.f32 v55, v11;
	v42 =	vadd.f32 v52, v42;
	v46 =	vmul.f32 v46, v10;
	v60 =	vld [tilespmem:s18+$0xFFFFFFF0]  }
0x2f8: {  	v51 =	vmul.f32 v51, v18;
	v44 =	vadd.f32 v57, v44;
	v52 =	vadd.f32 v56, v58  }
0x2f9: {  	v47 =	vmul.f32 v47, v47;
	v43 =	vadd.f32 v55, v43;
	v46 =	vadd.f32 v50, v46  }
0x2fa: {  	v50 =	vmul.f32 v54, v54;
	v44 =	vadd.f32 v44, v44;
	v51 =	vadd.f32 v51, v52  }
0x2fb: {  	v41 =	vsub.f32 v8, v41;
	v40 =	vadd.f32 v40, v43;
	v43 =	vmul.f32 v45, v45  }
0x2fc: {  	v45 =	vmul.f32 v49, v49;
	v46 =	vadd.f32 v59, v46;
	v44 =	vsub.f32 v60, v44;
	v49 =	vld [tilespmem:s18+$0x0]  }
0x2fd: {  	v41 =	vmul.f32 v41, v41;
	v40 =	vadd.f32 v40, v40;
	v51 =	vadd.f32 v51, v51  }
0x2fe: {  	v52 =	vmul.f32 v53, v53;
	vm1 =	vlt.f32 v44, v21;
	v53 =	vmax.f32 v21, v44  }
0x2ff: {  	v43 =	vadd.f32 v43, v45;
	v46 =	vadd.f32 v46, v46;
	v45 =	vmax.f32 v28, v53  }
0x300: {  	v44 =	vmin.f32 v21, v44;
	v54 =	vmin.f32 v28, v53;
	vm0 =	vlt.f32 v45, v22  }
0x301: {  	v43 =	vadd.f32 v52, v43;
	vm2 =	vlt.f32 v53, v28;
	v28 =	vsub.f32 v49, v51  }
0x302: {  	v48 =	vadd.f32 v47, v48;
	v41 =	vadd.f32 v41, v50;
	v50 =	vmul.f32 v37, v37  }
0x303: {  	v47 =	vsel vm1, v20, v43;
	vm3 =	vlt.f32 v28, v44;
	v21 =	vmin.f32 v44, v28  }
0x304: {  	v43 =	vsel vm1, v43, v20;
	v51 =	vmax.f32 v22, v45;
	v28 =	vmax.f32 v44, v28  }
0x305: {  	v45 =	vmin.f32 v22, v45;
	v44 =	vsel vm2, v23, v47;
	v20 =	vsel vm3, v42, v43  }
0x306: {  	vm1 =	vlt.f32 v51, v39;
	v37 =	vmin.f32 v39, v51;
	vm4 =	vlt.f32 v28, v54  }
0x307: {  	v47 =	vsel vm2, v47, v23;
	v23 =	vsel vm0, v24, v44;
	v52 =	vmax.f32 v54, v28  }
0x308: {  	v51 =	vmax.f32 v39, v51;
	v53 =	vsel vm1, v27, v23;
	v22 =	vmin.f32 v45, v52  }
0x309: {  	v55 =	vsel vm1, v23, v27;
	vm1 =	vlt.f32 v52, v45;
	v39 =	vmax.f32 v45, v52  }
0x30a: {  	v27 =	vsel vm3, v43, v42;
	vm2 =	vlt.f32 v39, v37;
	v42 =	vmax.f32 v37, v39  }
0x30b: {  	v24 =	vsel vm0, v44, v24;
	v43 =	vmin.f32 v26, v51;
	v23 =	vsel vm4, v27, v47  }
0x30c: {  	vm0 =	vlt.f32 v51, v26;
	v26 =	vsel vm4, v47, v27;
	vm3 =	vlt.f32 v42, v43  }
0x30d: {  	v28 =	vmin.f32 v54, v28;
	v27 =	vsub.f32 v60, v40;
	v40 =	vsel vm1, v24, v26  }
0x30e: {  	v41 =	vadd.f32 v50, v41;
	v44 =	vsub.f32 v49, v46;
	v24 =	vsel vm1, v26, v24  }
0x30f: {  	v25 =	vsel vm0, v53, v25;
	vm1 =	vlt.f32 v27, v29;
	v45 =	vmin.f32 v29, v27  }
0x310: {  	v26 =	vmin.f32 v43, v42;
	v46 =	vsel vm1, v31, v41;
	vm0 =	vlt.f32 v44, v45  }
0x311: {  	v43 =	vmax.f32 v29, v27;
	v27 =	vsel vm2, v40, v55;
	v40 =	vsel vm2, v55, v40  }
0x312: {  	vm4 =	vlt.f32 v43, v30;
	v29 =	vmin.f32 v45, v44;
	v25 =	vsel vm3, v40, v25  }
0x313: {  	v31 =	vsel vm1, v41, v31;
	v41 =	vmax.f32 v30, v43;
	v42 =	vsel vm4, v46, v38  }
.Ltmp6:
0x314: {  	v43 =	vmin.f32 v30, v43;
	v49 =	vmax.f32 v45, v44;
	vm2 =	vlt.f32 v41, v36;
	(pc) =	sbr.rel @p0 .LBB2_15-.Ltmp6, $4  }
0x315: {  	v44 =	vmin.f32 v36, v41;
	v45 =	vsel vm0, v31, v48;
	vm1 =	vlt.f32 v49, v43  }
0x316: {  	v47 =	vsel vm4, v38, v46;
	v31 =	vsel vm0, v48, v31;
	v40 =	vsel vm1, v42, v45  }
0x317: {  	v38 =	vmax.f32 v36, v41;
	v30 =	vmin.f32 v43, v49;
	v46 =	vmax.f32 v43, v49  }
0x318: {  	s20 =	sadd.s32 $0x20, s20;
	s21 =	sadd.s32 $0x20, s21;
	v41 =	vmin.f32 v35, v38;
	v43 =	vmax.f32 v35, v38;
	vm0 =	vlt.f32 v46, v44  }
0x319: {  	s18 =	sadd.s32 $0x320, s17;
	[tilespmem:s17+$0x3B20] =	vst v29  }
0x31a: {  	v7 =	vsel vm2, v47, v19;
	v8 =	vsel vm2, v19, v47;
	[tilespmem:s17+$0xDB20] =	vst v31;
	s19 =	sor.u32 $0x30, s18  }
0x31b: {  	v9 =	vmin.f32 v44, v46;
	vm2 =	vlt.f32 v38, v35;
	v10 =	vsel vm1, v45, v42;
	[tilespmem:s19+$0x3800] =	vst v30  }
0x31c: {  	v11 =	vmax.f32 v44, v46;
	v12 =	vsel vm2, v34, v8;
	v13 =	vsel vm0, v40, v7;
	[tilespmem:s19+$0xD800] =	vst v10  }
0x31d: {  	s29 =	sadd.s32 $0x340, s17;
	v8 =	vsel vm2, v8, v34;
	v14 =	vmax.f32 v41, v11;
	vm1 =	vlt.f32 v11, v41;
	[tilespmem:s17+$0x3B40] =	vst v9  }
0x31e: {  	v7 =	vsel vm0, v7, v40;
	v10 =	vmin.f32 v33, v43;
	s19 =	sor.u32 $0x50, s29;
	v9 =	vmin.f32 v41, v11;
	[tilespmem:s17+$0xDB40] =	vst v13  }
0x31f: {  	vm0 =	vlt.f32 v43, v33;
	vm2 =	vlt.f32 v14, v10;
	v11 =	vsel vm1, v7, v8;
	[tilespmem:s19+$0x3800] =	vst v9  }
0x320: {  	s18 =	sor.u32 $0x60, s18;
	v7 =	vsel vm1, v8, v7;
	v8 =	vmin.f32 v10, v14;
	v9 =	vsel vm0, v12, v32;
	[tilespmem:s19+$0xD800] =	vst v11  }
0x321: {  	v7 =	vsel vm2, v7, v9;
	[tilespmem:s18+$0x3800] =	vst v8  }
0x322: {  	[tilespmem:s18+$0xD800] =	vst v7  }
0x323: {  	[tilespmem:s17+$0x3B70] =	vst v21  }
0x324: {  	[tilespmem:s17+$0xDB70] =	vst v20  }
0x325: {  	[tilespmem:s17+$0x3B80] =	vst v28  }
0x326: {  	[tilespmem:s17+$0xDB80] =	vst v23  }
0x327: {  	[tilespmem:s17+$0x3B90] =	vst v22  }
0x328: {  	v7 =	vmin.f32 v37, v39;
	[tilespmem:s17+$0xDB90] =	vst v24  }
0x329: {  	[tilespmem:s17+$0x3BA0] =	vst v7  }
0x32a: {  	[tilespmem:s17+$0xDBA0] =	vst v27  }
0x32b: {  	[tilespmem:s17+$0x3BB0] =	vst v26  }
0x32c: {  	s30 =	simm.s32 $0x2010;
	[tilespmem:s17+$0xDBB0] =	vst v25  }
0x32d: {  	s31 =	simm.s32 $0x810;
	v20 =	vld [tilespmem:s30+$0xFFFFF7F0]  }
0x32e: {  	v21 =	vld [tilespmem:s31+$0x0]  }
0x32f: {  	v22 =	vld [tilespmem:s31+$0xFFFFF800]  }
0x330: {  	v23 =	vld [tilespmem:s31+$0x7F0]  }
0x331: {  	v15 =	vbroadcast v5, $0xD;
	v24 =	vld [tilespmem:s30+$0x800]  }
0x332: {  	v16 =	vbroadcast v6, $0xD;
	v17 =	vbroadcast v2, $0xD;
	v25 =	vld [tilespmem:s31+$0x800]  }
0x333: {  	v18 =	vbroadcast v3, $0xD;
	v10 =	vbroadcast v6, $0xC;
	v26 =	vld [tilespmem:s30+$0x7F0]  }
0x334: {  	v13 =	vbroadcast v1, $0xD;
	v14 =	vbroadcast v4, $0xD;
	v58 =	vld [tilespmem:s30+$0xFFFFFFF0]  }
0x335: {  	v8 =	vbroadcast v4, $0xC;
	v7 =	vbroadcast v1, $0xC;
	v59 =	vld [tilespmem:s30+$0x0]  }
0x336: {  	v19 =	vimm.f32 $3.000000010e+38;
	v11 =	vbroadcast v2, $0xC;
	v12 =	vbroadcast v3, $0xC;
	v36 =	vld [tilespmem:s30+$0xFFFFF800]  }
0x337: {  	v9 =	vbroadcast v5, $0xC;
	v30 =	vld [tilespmem:s31+$0xFFFFF7F0];
	v28 =	vsub.f32 v8, v21;
	v29 =	vsub.f32 v7, v22  }
0x338: {  	v31 =	vmul.f32 v20, v10;
	v22 =	vsub.f32 v13, v22;
	v57 =	vsub.f32 v15, v23  }
0x339: {  	v21 =	vsub.f32 v14, v21;
	v20 =	vmul.f32 v20, v16;
	v62 =	vmul.f32 v26, v18  }
0x33a: {  	v60 =	vsub.f32 v15, v25;
	v63 =	vmul.f32 v58, v17;
	v44 =	vmul.f32 v24, v12  }
0x33b: {  	v25 =	vsub.f32 v9, v25;
	v45 =	vmul.f32 v36, v16;
	v34 =	vmul.f32 v59, v17  }
0x33c: {  	v27 =	vld [tilespmem:s31+$0xFFFFFFF0];
	v61 =	vsub.f32 v7, v30;
	v33 =	vmul.f32 v58, v11;
	v36 =	vmul.f32 v36, v10  }
0x33d: {  	v30 =	vsub.f32 v13, v30;
	v28 =	vmul.f32 v28, v28;
	v29 =	vmul.f32 v29, v29  }
0x33e: {  	v23 =	vsub.f32 v9, v23;
	v22 =	vmul.f32 v22, v22;
	v21 =	vmul.f32 v21, v21  }
0x33f: {  	v24 =	vmul.f32 v24, v18;
	v20 =	vadd.f32 v63, v20;
	v31 =	vadd.f32 v33, v31  }
0x340: {  	s18 =	simm.s32 $0x3010;
	v35 =	vmul.f32 v60, v60;
	v28 =	vadd.f32 v28, v29;
	v21 =	vadd.f32 v21, v22  }
0x341: {  	v46 =	vld [tilespmem:s18+$0xFFFFFFF0];
	v29 =	vsub.f32 v14, v27;
	v22 =	vmul.f32 v59, v11;
	v20 =	vadd.f32 v62, v20  }
0x342: {  	v25 =	vmul.f32 v25, v25;
	v35 =	vadd.f32 v35, v21;
	v21 =	vadd.f32 v34, v45  }
0x343: {  	v26 =	vmul.f32 v26, v12;
	v22 =	vadd.f32 v22, v36;
	v20 =	vadd.f32 v20, v20  }
0x344: {  	v32 =	vimm.f32 $3.000000010e+38;
	v51 =	vadd.f32 v25, v28;
	v21 =	vadd.f32 v24, v21  }
0x345: {  	v47 =	vmul.f32 v61, v61;
	v24 =	vadd.f32 v26, v31;
	v26 =	vsub.f32 v8, v27  }
0x346: {  	v27 =	vmul.f32 v29, v29;
	v20 =	vsub.f32 v46, v20;
	v29 =	vmul.f32 v30, v30  }
0x347: {  	v22 =	vadd.f32 v44, v22;
	v31 =	vmul.f32 v57, v57;
	v24 =	vadd.f32 v24, v24  }
0x348: {  	v30 =	vld [tilespmem:s18+$0x0];
	v26 =	vmul.f32 v26, v26;
	v21 =	vadd.f32 v21, v21;
	vm0 =	vlt.f32 v20, v19  }
0x349: {  	v48 =	vmax.f32 v19, v20;
	v27 =	vadd.f32 v27, v29;
	v49 =	vadd.f32 v22, v22  }
0x34a: {  	v20 =	vmin.f32 v19, v20;
	v29 =	vmax.f32 v19, v48;
	v50 =	vmin.f32 v19, v48  }
0x34b: {  	vm2 =	vlt.f32 v48, v19;
	vm1 =	vlt.f32 v29, v19;
	v22 =	vadd.f32 v31, v27  }
0x34c: {  	v26 =	vadd.f32 v26, v47;
	v31 =	vmul.f32 v23, v23;
	v59 =	vsub.f32 v46, v24  }
0x34d: {  	v27 =	vsub.f32 v30, v21;
	v30 =	vsub.f32 v30, v49;
	v23 =	vsel vm0, v19, v22  }
0x34e: {  	v25 =	vsel vm0, v22, v19;
	v22 =	vmax.f32 v19, v29;
	v29 =	vmin.f32 v19, v29  }
0x34f: {  	v31 =	vadd.f32 v31, v26;
	v61 =	vmin.f32 v19, v59;
	v33 =	vmax.f32 v19, v59  }
0x350: {  	vm3 =	vlt.f32 v27, v20;
	v21 =	vmin.f32 v20, v27;
	v27 =	vmax.f32 v20, v27  }
0x351: {  	v28 =	vsel vm2, v19, v23;
	vm0 =	vlt.f32 v22, v19;
	v37 =	vmin.f32 v19, v22  }
0x352: {  	v52 =	vsel vm2, v23, v19;
	v54 =	vmax.f32 v19, v22;
	vm15 =	vlt.f32 v30, v61  }
0x353: {  	vm5 =	vlt.f32 v33, v19;
	v63 =	vmax.f32 v19, v33;
	v33 =	vmin.f32 v19, v33  }
0x354: {  	v34 =	vmax.f32 v61, v30;
	v20 =	vsel vm3, v35, v25;
	vm4 =	vlt.f32 v27, v50  }
0x355: {  	v23 =	vsel vm1, v19, v28;
	v53 =	vmax.f32 v50, v27;
	v25 =	vsel vm3, v25, v35  }
0x356: {  	v57 =	vsel vm1, v28, v19;
	v58 =	vmin.f32 v19, v54;
	vm1 =	vlt.f32 v54, v19  }
0x357: {  	v28 =	vmin.f32 v50, v27;
	v44 =	vmin.f32 v19, v63;
	v38 =	vmax.f32 v19, v63  }
0x358: {  	v46 =	vmax.f32 v33, v34;
	v35 =	vimm.f32 $3.000000010e+38;
	v55 =	vsel vm0, v19, v23  }
0x359: {  	v22 =	vmin.f32 v29, v53;
	v56 =	vsel vm0, v23, v19;
	vm0 =	vlt.f32 v53, v29  }
0x35a: {  	v39 =	vmax.f32 v29, v53;
	v23 =	vsel vm4, v25, v52;
	v25 =	vsel vm4, v52, v25  }
0x35b: {  	v41 =	vmin.f32 v19, v38;
	v43 =	vmax.f32 v19, v38;
	vm2 =	vlt.f32 v39, v37  }
0x35c: {  	v29 =	vmax.f32 v37, v39;
	v60 =	vsel vm0, v57, v25;
	v24 =	vsel vm0, v25, v57  }
0x35d: {  	vm0 =	vlt.f32 v59, v19;
	v25 =	vsel vm1, v55, v19;
	vm1 =	vlt.f32 v34, v33  }
0x35e: {  	vm3 =	vlt.f32 v29, v58;
	v62 =	vsel vm0, v19, v31;
	v26 =	vmin.f32 v58, v29  }
0x35f: {  	v27 =	vsel vm2, v60, v56;
	v36 =	vsel vm2, v56, v60;
	v29 =	vmin.f32 v61, v30  }
0x360: {  	v31 =	vsel vm0, v31, v19;
	vm2 =	vlt.f32 v63, v19;
	v30 =	vmin.f32 v33, v34  }
0x361: {  	vm0 =	vlt.f32 v46, v44;
	v34 =	vimm.f32 $3.000000010e+38;
	v33 =	vimm.f32 $3.000000010e+38  }
0x362: {  	v25 =	vsel vm3, v36, v25;
	v42 =	vsel vm5, v62, v19;
	v45 =	vsel vm15, v31, v51  }
0x363: {  	s20 =	simm.s32 $0x830;
	s21 =	simm.s32 $0x2030;
	s19 =	simm.s32 $0x0;
	v47 =	vsel vm5, v19, v62;
	v31 =	vsel vm15, v51, v31;
	v40 =	vsel vm1, v42, v45  }
.LBB2_17:
0x364: {  	v48 =	vld [tilespmem:s21+$0xFFFFF7F0];
	s19 =	sadd.s32 $0x2, s19;
	v49 =	vsel vm2, v47, v19;
	v47 =	vsel vm2, v19, v47;
	v36 =	vmin.f32 v44, v46;
	s18 =	sadd.s32 $0x20, s18  }
0x365: {  	vm2 =	vlt.f32 v38, v35;
	v38 =	vsel vm1, v45, v42;
	v35 =	vmax.f32 v44, v46;
	v50 =	vld [tilespmem:s20+$0x0];
	p0 =	slt.u32 s19, $0x7E  }
0x366: {  	v39 =	vmin.f32 v37, v39;
	v44 =	vsel vm2, v34, v47;
	v19 =	vsel vm0, v40, v49;
	v42 =	vld [tilespmem:s20+$0xFFFFF800]  }
0x367: {  	v46 =	vmin.f32 v33, v43;
	v45 =	vsel vm2, v47, v34;
	v47 =	vmax.f32 v41, v35;
	v37 =	vld [tilespmem:s20+$0x7F0]  }
0x368: {  	vm2 =	vlt.f32 v43, v33;
	vm3 =	vlt.f32 v35, v41;
	vm1 =	vlt.f32 v47, v46;
	v51 =	vld [tilespmem:s21+$0x800]  }
0x369: {  	v33 =	vsel vm0, v49, v40;
	v32 =	vsel vm2, v44, v32;
	v43 =	vmul.f32 v48, v10;
	v52 =	vld [tilespmem:s20+$0x800]  }
0x36a: {  	v35 =	vmin.f32 v41, v35;
	v44 =	vmul.f32 v48, v16;
	v40 =	vld [tilespmem:s21+$0x7F0];
	v34 =	vsub.f32 v8, v50  }
0x36b: {  	v41 =	vld [tilespmem:s20+$0xFFFFFFF0];
	v48 =	vsub.f32 v7, v42;
	v42 =	vsub.f32 v13, v42  }
0x36c: {  	v49 =	vld [tilespmem:s20+$0xFFFFF7F0];
	v53 =	vsub.f32 v15, v37;
	v54 =	vmul.f32 v34, v34;
	v34 =	vsel vm3, v33, v45  }
0x36d: {  	v45 =	vsel vm3, v45, v33;
	v55 =	vld [tilespmem:s21+$0xFFFFFFF0];
	v48 =	vmul.f32 v48, v48;
	v42 =	vmul.f32 v42, v42  }
0x36e: {  	v50 =	vsub.f32 v14, v50;
	v33 =	vmin.f32 v46, v47;
	v56 =	vld [tilespmem:s21+$0x0];
	v57 =	vsub.f32 v15, v52  }
0x36f: {  	v32 =	vsel vm1, v45, v32;
	v47 =	vsub.f32 v9, v52;
	v46 =	vld [tilespmem:s21+$0xFFFFF800];
	v48 =	vadd.f32 v54, v48  }
0x370: {  	v50 =	vmul.f32 v50, v50;
	v45 =	vsub.f32 v14, v41;
	v52 =	vmul.f32 v57, v57  }
0x371: {  	v57 =	vmul.f32 v40, v18;
	v54 =	vsub.f32 v7, v49;
	v49 =	vsub.f32 v13, v49  }
0x372: {  	v42 =	vadd.f32 v50, v42;
	v40 =	vmul.f32 v40, v12;
	v58 =	vmul.f32 v55, v17  }
0x373: {  	v37 =	vsub.f32 v9, v37;
	v59 =	vmul.f32 v51, v12;
	v50 =	vmul.f32 v56, v11  }
0x374: {  	v56 =	vmul.f32 v56, v17;
	v44 =	vadd.f32 v58, v44;
	v58 =	vmul.f32 v46, v16  }
0x375: {  	v55 =	vmul.f32 v55, v11;
	v42 =	vadd.f32 v52, v42;
	v46 =	vmul.f32 v46, v10;
	v60 =	vld [tilespmem:s18+$0xFFFFFFF0]  }
0x376: {  	v51 =	vmul.f32 v51, v18;
	v44 =	vadd.f32 v57, v44;
	v52 =	vadd.f32 v56, v58  }
0x377: {  	v47 =	vmul.f32 v47, v47;
	v43 =	vadd.f32 v55, v43;
	v46 =	vadd.f32 v50, v46  }
0x378: {  	v50 =	vmul.f32 v54, v54;
	v44 =	vadd.f32 v44, v44;
	v51 =	vadd.f32 v51, v52  }
0x379: {  	v41 =	vsub.f32 v8, v41;
	v40 =	vadd.f32 v40, v43;
	v43 =	vmul.f32 v45, v45  }
0x37a: {  	v45 =	vmul.f32 v49, v49;
	v46 =	vadd.f32 v59, v46;
	v44 =	vsub.f32 v60, v44;
	v49 =	vld [tilespmem:s18+$0x0]  }
0x37b: {  	v41 =	vmul.f32 v41, v41;
	v40 =	vadd.f32 v40, v40;
	v51 =	vadd.f32 v51, v51  }
0x37c: {  	v52 =	vmul.f32 v53, v53;
	vm1 =	vlt.f32 v44, v21;
	v53 =	vmax.f32 v21, v44  }
0x37d: {  	v43 =	vadd.f32 v43, v45;
	v46 =	vadd.f32 v46, v46;
	v45 =	vmax.f32 v28, v53  }
0x37e: {  	v44 =	vmin.f32 v21, v44;
	v54 =	vmin.f32 v28, v53;
	vm0 =	vlt.f32 v45, v22  }
0x37f: {  	v43 =	vadd.f32 v52, v43;
	vm2 =	vlt.f32 v53, v28;
	v28 =	vsub.f32 v49, v51  }
0x380: {  	v48 =	vadd.f32 v47, v48;
	v41 =	vadd.f32 v41, v50;
	v50 =	vmul.f32 v37, v37  }
0x381: {  	v47 =	vsel vm1, v20, v43;
	vm3 =	vlt.f32 v28, v44;
	v21 =	vmin.f32 v44, v28  }
0x382: {  	v43 =	vsel vm1, v43, v20;
	v51 =	vmax.f32 v22, v45;
	v28 =	vmax.f32 v44, v28  }
0x383: {  	v45 =	vmin.f32 v22, v45;
	v44 =	vsel vm2, v23, v47;
	v20 =	vsel vm3, v42, v43  }
0x384: {  	vm1 =	vlt.f32 v51, v39;
	v37 =	vmin.f32 v39, v51;
	vm4 =	vlt.f32 v28, v54  }
0x385: {  	v47 =	vsel vm2, v47, v23;
	v23 =	vsel vm0, v24, v44;
	v52 =	vmax.f32 v54, v28  }
0x386: {  	v51 =	vmax.f32 v39, v51;
	v53 =	vsel vm1, v27, v23;
	v22 =	vmin.f32 v45, v52  }
0x387: {  	v55 =	vsel vm1, v23, v27;
	vm1 =	vlt.f32 v52, v45;
	v39 =	vmax.f32 v45, v52  }
0x388: {  	v27 =	vsel vm3, v43, v42;
	vm2 =	vlt.f32 v39, v37;
	v42 =	vmax.f32 v37, v39  }
0x389: {  	v24 =	vsel vm0, v44, v24;
	v43 =	vmin.f32 v26, v51;
	v23 =	vsel vm4, v27, v47  }
0x38a: {  	vm0 =	vlt.f32 v51, v26;
	v26 =	vsel vm4, v47, v27;
	vm3 =	vlt.f32 v42, v43  }
0x38b: {  	v28 =	vmin.f32 v54, v28;
	v27 =	vsub.f32 v60, v40;
	v40 =	vsel vm1, v24, v26  }
0x38c: {  	v41 =	vadd.f32 v50, v41;
	v44 =	vsub.f32 v49, v46;
	v24 =	vsel vm1, v26, v24  }
0x38d: {  	v25 =	vsel vm0, v53, v25;
	vm1 =	vlt.f32 v27, v29;
	v45 =	vmin.f32 v29, v27  }
0x38e: {  	v26 =	vmin.f32 v43, v42;
	v46 =	vsel vm1, v31, v41;
	vm0 =	vlt.f32 v44, v45  }
0x38f: {  	v43 =	vmax.f32 v29, v27;
	v27 =	vsel vm2, v40, v55;
	v40 =	vsel vm2, v55, v40  }
0x390: {  	vm4 =	vlt.f32 v43, v30;
	v29 =	vmin.f32 v45, v44;
	v25 =	vsel vm3, v40, v25  }
0x391: {  	v31 =	vsel vm1, v41, v31;
	v41 =	vmax.f32 v30, v43;
	v42 =	vsel vm4, v46, v38  }
.Ltmp7:
0x392: {  	v43 =	vmin.f32 v30, v43;
	v49 =	vmax.f32 v45, v44;
	vm2 =	vlt.f32 v41, v36;
	(pc) =	sbr.rel @p0 .LBB2_17-.Ltmp7, $4  }
0x393: {  	v44 =	vmin.f32 v36, v41;
	v45 =	vsel vm0, v31, v48;
	vm1 =	vlt.f32 v49, v43  }
0x394: {  	v47 =	vsel vm4, v38, v46;
	v31 =	vsel vm0, v48, v31;
	v40 =	vsel vm1, v42, v45  }
0x395: {  	v38 =	vmax.f32 v36, v41;
	v30 =	vmin.f32 v43, v49;
	v46 =	vmax.f32 v43, v49  }
0x396: {  	s20 =	sadd.s32 $0x20, s20;
	s21 =	sadd.s32 $0x20, s21;
	v41 =	vmin.f32 v35, v38;
	v43 =	vmax.f32 v35, v38;
	vm0 =	vlt.f32 v46, v44  }
0x397: {  	s18 =	sadd.s32 $0x3C0, s17;
	[tilespmem:s17+$0x3BC0] =	vst v29  }
0x398: {  	[tilespmem:s17+$0xDBC0] =	vst v31;
	s19 =	sor.u32 $0x50, s18  }
0x399: {  	v7 =	vsel vm2, v47, v19;
	v8 =	vsel vm2, v19, v47;
	v10 =	vsel vm1, v45, v42;
	[tilespmem:s19+$0x3800] =	vst v30  }
0x39a: {  	v9 =	vmin.f32 v44, v46;
	vm2 =	vlt.f32 v38, v35;
	v11 =	vmax.f32 v44, v46;
	s26 =	sor.u32 $0x60, s18;
	[tilespmem:s19+$0xD800] =	vst v10  }
0x39b: {  	v12 =	vsel vm2, v34, v8;
	v13 =	vsel vm0, v40, v7;
	v8 =	vsel vm2, v8, v34;
	[tilespmem:s26+$0x3800] =	vst v9  }
0x39c: {  	vm1 =	vlt.f32 v11, v41;
	v7 =	vsel vm0, v7, v40;
	s18 =	sor.u32 $0x70, s18;
	v9 =	vmin.f32 v41, v11;
	[tilespmem:s26+$0xD800] =	vst v13  }
0x39d: {  	v14 =	vmax.f32 v41, v11;
	v10 =	vmin.f32 v33, v43;
	v11 =	vsel vm1, v7, v8;
	[tilespmem:s18+$0x3800] =	vst v9  }
0x39e: {  	v7 =	vsel vm1, v8, v7;
	v8 =	vmin.f32 v10, v14;
	[tilespmem:s18+$0xD800] =	vst v11  }
0x39f: {  	[tilespmem:s17+$0x3C00] =	vst v8  }
0x3a0: {  	[tilespmem:s17+$0x3C10] =	vst v21  }
0x3a1: {  	vm0 =	vlt.f32 v43, v33;
	[tilespmem:s17+$0xDC10] =	vst v20  }
0x3a2: {  	vm2 =	vlt.f32 v14, v10;
	v9 =	vsel vm0, v12, v32;
	[tilespmem:s17+$0x3C20] =	vst v28  }
0x3a3: {  	s28 =	sadd.s32 $0x410, s17;
	v7 =	vsel vm2, v7, v9;
	[tilespmem:s17+$0xDC20] =	vst v23  }
0x3a4: {  	s29 =	sor.u32 $0x30, s28;
	[tilespmem:s17+$0xDC00] =	vst v7  }
0x3a5: {  	[tilespmem:s29+$0x3800] =	vst v22  }
0x3a6: {  	v7 =	vmin.f32 v37, v39;
	[tilespmem:s29+$0xD800] =	vst v24  }
0x3a7: {  	[tilespmem:s17+$0x3C40] =	vst v7  }
0x3a8: {  	s18 =	sor.u32 $0x50, s28;
	[tilespmem:s17+$0xDC40] =	vst v27  }
0x3a9: {  	[tilespmem:s18+$0x3800] =	vst v26  }
0x3aa: {  	s30 =	simm.s32 $0x2010;
	[tilespmem:s18+$0xD800] =	vst v25  }
0x3ab: {  	s31 =	simm.s32 $0x810;
	v14 =	vld [tilespmem:s30+$0xFFFFF7F0]  }
0x3ac: {  	v15 =	vld [tilespmem:s31+$0x0]  }
0x3ad: {  	v16 =	vld [tilespmem:s31+$0xFFFFF800]  }
0x3ae: {  	v10 =	vbroadcast v6, $0xE;
	v17 =	vld [tilespmem:s31+$0x7F0]  }
0x3af: {  	v6 =	vbroadcast v6, $0xF;
	v11 =	vbroadcast v2, $0xE;
	v18 =	vld [tilespmem:s30+$0x800]  }
0x3b0: {  	v12 =	vbroadcast v3, $0xE;
	v2 =	vbroadcast v2, $0xF;
	v19 =	vld [tilespmem:s31+$0x800]  }
0x3b1: {  	v3 =	vbroadcast v3, $0xF;
	v8 =	vbroadcast v4, $0xE;
	v20 =	vld [tilespmem:s30+$0x7F0]  }
0x3b2: {  	v9 =	vbroadcast v5, $0xE;
	v7 =	vbroadcast v1, $0xE;
	v27 =	vld [tilespmem:s30+$0xFFFFFFF0]  }
0x3b3: {  	v13 =	vimm.f32 $3.000000010e+38;
	v5 =	vbroadcast v5, $0xF;
	v1 =	vbroadcast v1, $0xF;
	v24 =	vld [tilespmem:s31+$0xFFFFF7F0]  }
0x3b4: {  	v4 =	vbroadcast v4, $0xF;
	v30 =	vld [tilespmem:s30+$0xFFFFF800];
	v22 =	vsub.f32 v8, v15;
	v23 =	vsub.f32 v7, v16  }
0x3b5: {  	v25 =	vmul.f32 v14, v10;
	v16 =	vsub.f32 v1, v16;
	v26 =	vsub.f32 v5, v17  }
0x3b6: {  	v15 =	vsub.f32 v4, v15;
	v14 =	vmul.f32 v14, v6;
	v29 =	vsub.f32 v5, v19  }
0x3b7: {  	v19 =	vsub.f32 v9, v19;
	v57 =	vmul.f32 v20, v3;
	v58 =	vmul.f32 v27, v2  }
0x3b8: {  	v28 =	vld [tilespmem:s30+$0x0];
	v31 =	vsub.f32 v7, v24;
	v20 =	vmul.f32 v20, v12;
	v59 =	vmul.f32 v18, v12  }
0x3b9: {  	v21 =	vld [tilespmem:s31+$0xFFFFFFF0];
	v24 =	vsub.f32 v1, v24;
	v60 =	vmul.f32 v30, v6;
	v27 =	vmul.f32 v27, v11  }
0x3ba: {  	v17 =	vsub.f32 v9, v17;
	v22 =	vmul.f32 v22, v22;
	v23 =	vmul.f32 v23, v23  }
0x3bb: {  	v16 =	vmul.f32 v16, v16;
	v15 =	vmul.f32 v15, v15;
	v14 =	vadd.f32 v58, v14  }
0x3bc: {  	s18 =	simm.s32 $0x3010;
	v29 =	vmul.f32 v29, v29;
	v25 =	vadd.f32 v27, v25;
	v22 =	vadd.f32 v22, v23  }
0x3bd: {  	v61 =	vld [tilespmem:s18+$0xFFFFFFF0];
	v15 =	vadd.f32 v15, v16;
	v16 =	vmul.f32 v28, v11;
	v28 =	vmul.f32 v28, v2  }
0x3be: {  	v30 =	vmul.f32 v30, v10;
	v23 =	vsub.f32 v4, v21;
	v14 =	vadd.f32 v57, v14  }
0x3bf: {  	v18 =	vmul.f32 v18, v3;
	v29 =	vadd.f32 v29, v15;
	v15 =	vadd.f32 v28, v60  }
0x3c0: {  	v19 =	vmul.f32 v19, v19;
	v16 =	vadd.f32 v16, v30;
	v14 =	vadd.f32 v14, v14  }
0x3c1: {  	v27 =	vmul.f32 v31, v31;
	v15 =	vadd.f32 v18, v15;
	v18 =	vadd.f32 v20, v25  }
0x3c2: {  	v20 =	vsub.f32 v8, v21;
	v21 =	vmul.f32 v23, v23;
	v14 =	vsub.f32 v61, v14  }
0x3c3: {  	v23 =	vmul.f32 v24, v24;
	v16 =	vadd.f32 v59, v16;
	v25 =	vmul.f32 v26, v26  }
0x3c4: {  	v24 =	vld [tilespmem:s18+$0x0];
	v18 =	vadd.f32 v18, v18;
	v20 =	vmul.f32 v20, v20;
	v15 =	vadd.f32 v15, v15  }
0x3c5: {  	vm0 =	vlt.f32 v14, v13;
	v26 =	vmax.f32 v13, v14;
	v21 =	vadd.f32 v21, v23  }
0x3c6: {  	v28 =	vadd.f32 v16, v16;
	v14 =	vmin.f32 v13, v14;
	v23 =	vmax.f32 v13, v26  }
0x3c7: {  	v30 =	vmin.f32 v13, v26;
	vm2 =	vlt.f32 v26, v13;
	v26 =	vadd.f32 v19, v22  }
0x3c8: {  	vm1 =	vlt.f32 v23, v13;
	v16 =	vadd.f32 v25, v21;
	v20 =	vadd.f32 v20, v27  }
0x3c9: {  	v25 =	vmul.f32 v17, v17;
	v21 =	vsub.f32 v24, v15;
	v24 =	vsub.f32 v24, v28  }
0x3ca: {  	v17 =	vsel vm0, v13, v16;
	v19 =	vsel vm0, v16, v13;
	v16 =	vmax.f32 v13, v23  }
0x3cb: {  	v23 =	vmin.f32 v13, v23;
	v25 =	vadd.f32 v25, v20;
	vm3 =	vlt.f32 v21, v14  }
0x3cc: {  	v15 =	vmin.f32 v14, v21;
	v21 =	vmax.f32 v14, v21;
	v22 =	vsel vm2, v13, v17  }
0x3cd: {  	vm0 =	vlt.f32 v16, v13;
	v32 =	vmin.f32 v13, v16;
	v27 =	vsel vm2, v17, v13  }
0x3ce: {  	v62 =	vmax.f32 v13, v16;
	v14 =	vsel vm3, v29, v19;
	vm4 =	vlt.f32 v21, v30  }
0x3cf: {  	v17 =	vsel vm1, v13, v22;
	v31 =	vmax.f32 v30, v21;
	v19 =	vsel vm3, v19, v29  }
0x3d0: {  	v29 =	vsel vm1, v22, v13;
	vm1 =	vlt.f32 v62, v13;
	v22 =	vmin.f32 v30, v21  }
0x3d1: {  	v36 =	vsel vm0, v13, v17;
	v16 =	vmin.f32 v23, v31;
	v63 =	vsel vm0, v17, v13  }
0x3d2: {  	vm0 =	vlt.f32 v31, v23;
	v33 =	vmax.f32 v23, v31;
	v31 =	vmin.f32 v13, v62  }
0x3d3: {  	v17 =	vsel vm4, v19, v27;
	v19 =	vsel vm4, v27, v19;
	v27 =	vsub.f32 v61, v18  }
0x3d4: {  	vm2 =	vlt.f32 v33, v32;
	v23 =	vmax.f32 v32, v33;
	v30 =	vsel vm0, v29, v19  }
0x3d5: {  	v18 =	vsel vm0, v19, v29;
	v19 =	vsel vm1, v36, v13;
	vm3 =	vlt.f32 v23, v31  }
0x3d6: {  	vm0 =	vlt.f32 v27, v13;
	v28 =	vmin.f32 v13, v27;
	v20 =	vmin.f32 v31, v23  }
0x3d7: {  	v27 =	vmax.f32 v13, v27;
	v21 =	vsel vm2, v30, v63;
	v30 =	vsel vm2, v63, v30  }
0x3d8: {  	v29 =	vsel vm0, v13, v25;
	vm15 =	vlt.f32 v24, v28;
	vm5 =	vlt.f32 v27, v13  }
0x3d9: {  	v23 =	vmin.f32 v28, v24;
	v19 =	vsel vm3, v30, v19;
	v25 =	vsel vm0, v25, v13  }
0x3da: {  	v30 =	vmax.f32 v13, v27;
	v27 =	vmin.f32 v13, v27;
	v28 =	vmax.f32 v28, v24  }
0x3db: {  	v36 =	vsel vm5, v29, v13;
	vm2 =	vlt.f32 v30, v13;
	v38 =	vmin.f32 v13, v30  }
0x3dc: {  	v39 =	vsel vm15, v25, v26;
	vm1 =	vlt.f32 v28, v27;
	v41 =	vsel vm5, v13, v29  }
0x3dd: {  	v25 =	vsel vm15, v26, v25;
	v31 =	vmax.f32 v13, v30;
	v24 =	vmin.f32 v27, v28  }
0x3de: {  	v40 =	vmax.f32 v27, v28;
	v29 =	vimm.f32 $3.000000010e+38;
	v28 =	vimm.f32 $3.000000010e+38  }
0x3df: {  	v27 =	vimm.f32 $3.000000010e+38;
	v26 =	vimm.f32 $3.000000010e+38;
	v34 =	vsel vm1, v36, v39  }
0x3e0: {  	s20 =	simm.s32 $0x830;
	s21 =	simm.s32 $0x2030;
	s19 =	simm.s32 $0x0;
	v35 =	vmin.f32 v13, v31;
	v37 =	vmax.f32 v13, v31;
	vm0 =	vlt.f32 v40, v38  }
.LBB2_19:
0x3e1: {  	v42 =	vld [tilespmem:s21+$0xFFFFF7F0];
	s19 =	sadd.s32 $0x2, s19;
	v43 =	vsel vm2, v41, v13;
	v41 =	vsel vm2, v13, v41;
	v30 =	vmin.f32 v38, v40;
	s18 =	sadd.s32 $0x20, s18  }
0x3e2: {  	vm2 =	vlt.f32 v31, v29;
	v31 =	vsel vm1, v39, v36;
	v29 =	vmax.f32 v38, v40;
	v44 =	vld [tilespmem:s20+$0x0];
	p0 =	slt.u32 s19, $0x7E  }
0x3e3: {  	v33 =	vmin.f32 v32, v33;
	v38 =	vsel vm2, v28, v41;
	v13 =	vsel vm0, v34, v43;
	v36 =	vld [tilespmem:s20+$0xFFFFF800]  }
0x3e4: {  	v40 =	vmin.f32 v27, v37;
	v39 =	vsel vm2, v41, v28;
	v41 =	vmax.f32 v35, v29;
	v32 =	vld [tilespmem:s20+$0x7F0]  }
0x3e5: {  	vm2 =	vlt.f32 v37, v27;
	vm3 =	vlt.f32 v29, v35;
	vm1 =	vlt.f32 v41, v40;
	v45 =	vld [tilespmem:s21+$0x800]  }
0x3e6: {  	v27 =	vsel vm0, v43, v34;
	v26 =	vsel vm2, v38, v26;
	v37 =	vmul.f32 v42, v10;
	v46 =	vld [tilespmem:s20+$0x800]  }
0x3e7: {  	v29 =	vmin.f32 v35, v29;
	v38 =	vmul.f32 v42, v6;
	v34 =	vld [tilespmem:s21+$0x7F0];
	v28 =	vsub.f32 v8, v44  }
0x3e8: {  	v35 =	vld [tilespmem:s20+$0xFFFFFFF0];
	v42 =	vsub.f32 v7, v36;
	v36 =	vsub.f32 v1, v36  }
0x3e9: {  	v43 =	vld [tilespmem:s20+$0xFFFFF7F0];
	v47 =	vsub.f32 v5, v32;
	v48 =	vmul.f32 v28, v28;
	v28 =	vsel vm3, v27, v39  }
0x3ea: {  	v39 =	vsel vm3, v39, v27;
	v49 =	vld [tilespmem:s21+$0xFFFFFFF0];
	v42 =	vmul.f32 v42, v42;
	v36 =	vmul.f32 v36, v36  }
0x3eb: {  	v44 =	vsub.f32 v4, v44;
	v27 =	vmin.f32 v40, v41;
	v50 =	vld [tilespmem:s21+$0x0];
	v51 =	vsub.f32 v5, v46  }
0x3ec: {  	v26 =	vsel vm1, v39, v26;
	v41 =	vsub.f32 v9, v46;
	v40 =	vld [tilespmem:s21+$0xFFFFF800];
	v42 =	vadd.f32 v48, v42  }
0x3ed: {  	v44 =	vmul.f32 v44, v44;
	v39 =	vsub.f32 v4, v35;
	v46 =	vmul.f32 v51, v51  }
0x3ee: {  	v51 =	vmul.f32 v34, v3;
	v48 =	vsub.f32 v7, v43;
	v43 =	vsub.f32 v1, v43  }
0x3ef: {  	v36 =	vadd.f32 v44, v36;
	v34 =	vmul.f32 v34, v12;
	v52 =	vmul.f32 v49, v2  }
0x3f0: {  	v32 =	vsub.f32 v9, v32;
	v53 =	vmul.f32 v45, v12;
	v44 =	vmul.f32 v50, v11  }
0x3f1: {  	v50 =	vmul.f32 v50, v2;
	v38 =	vadd.f32 v52, v38;
	v52 =	vmul.f32 v40, v6  }
0x3f2: {  	v49 =	vmul.f32 v49, v11;
	v36 =	vadd.f32 v46, v36;
	v40 =	vmul.f32 v40, v10;
	v54 =	vld [tilespmem:s18+$0xFFFFFFF0]  }
0x3f3: {  	v45 =	vmul.f32 v45, v3;
	v38 =	vadd.f32 v51, v38;
	v46 =	vadd.f32 v50, v52  }
0x3f4: {  	v41 =	vmul.f32 v41, v41;
	v37 =	vadd.f32 v49, v37;
	v40 =	vadd.f32 v44, v40  }
0x3f5: {  	v44 =	vmul.f32 v48, v48;
	v38 =	vadd.f32 v38, v38;
	v45 =	vadd.f32 v45, v46  }
0x3f6: {  	v35 =	vsub.f32 v8, v35;
	v34 =	vadd.f32 v34, v37;
	v37 =	vmul.f32 v39, v39  }
0x3f7: {  	v39 =	vmul.f32 v43, v43;
	v40 =	vadd.f32 v53, v40;
	v38 =	vsub.f32 v54, v38;
	v43 =	vld [tilespmem:s18+$0x0]  }
0x3f8: {  	v35 =	vmul.f32 v35, v35;
	v34 =	vadd.f32 v34, v34;
	v45 =	vadd.f32 v45, v45  }
0x3f9: {  	v46 =	vmul.f32 v47, v47;
	vm1 =	vlt.f32 v38, v15;
	v47 =	vmax.f32 v15, v38  }
0x3fa: {  	v37 =	vadd.f32 v37, v39;
	v40 =	vadd.f32 v40, v40;
	v39 =	vmax.f32 v22, v47  }
0x3fb: {  	v38 =	vmin.f32 v15, v38;
	v48 =	vmin.f32 v22, v47;
	vm0 =	vlt.f32 v39, v16  }
0x3fc: {  	v37 =	vadd.f32 v46, v37;
	vm2 =	vlt.f32 v47, v22;
	v22 =	vsub.f32 v43, v45  }
0x3fd: {  	v42 =	vadd.f32 v41, v42;
	v35 =	vadd.f32 v35, v44;
	v44 =	vmul.f32 v32, v32  }
0x3fe: {  	v41 =	vsel vm1, v14, v37;
	vm3 =	vlt.f32 v22, v38;
	v15 =	vmin.f32 v38, v22  }
0x3ff: {  	v37 =	vsel vm1, v37, v14;
	v45 =	vmax.f32 v16, v39;
	v22 =	vmax.f32 v38, v22  }
0x400: {  	v39 =	vmin.f32 v16, v39;
	v38 =	vsel vm2, v17, v41;
	v14 =	vsel vm3, v36, v37  }
0x401: {  	vm1 =	vlt.f32 v45, v33;
	v32 =	vmin.f32 v33, v45;
	vm4 =	vlt.f32 v22, v48  }
0x402: {  	v41 =	vsel vm2, v41, v17;
	v17 =	vsel vm0, v18, v38;
	v46 =	vmax.f32 v48, v22  }
0x403: {  	v45 =	vmax.f32 v33, v45;
	v47 =	vsel vm1, v21, v17;
	v16 =	vmin.f32 v39, v46  }
0x404: {  	v49 =	vsel vm1, v17, v21;
	vm1 =	vlt.f32 v46, v39;
	v33 =	vmax.f32 v39, v46  }
0x405: {  	v21 =	vsel vm3, v37, v36;
	vm2 =	vlt.f32 v33, v32;
	v36 =	vmax.f32 v32, v33  }
0x406: {  	v18 =	vsel vm0, v38, v18;
	v37 =	vmin.f32 v20, v45;
	v17 =	vsel vm4, v21, v41  }
0x407: {  	vm0 =	vlt.f32 v45, v20;
	v20 =	vsel vm4, v41, v21;
	vm3 =	vlt.f32 v36, v37  }
0x408: {  	v22 =	vmin.f32 v48, v22;
	v21 =	vsub.f32 v54, v34;
	v34 =	vsel vm1, v18, v20  }
0x409: {  	v35 =	vadd.f32 v44, v35;
	v38 =	vsub.f32 v43, v40;
	v18 =	vsel vm1, v20, v18  }
0x40a: {  	v19 =	vsel vm0, v47, v19;
	vm1 =	vlt.f32 v21, v23;
	v39 =	vmin.f32 v23, v21  }
0x40b: {  	v20 =	vmin.f32 v37, v36;
	v40 =	vsel vm1, v25, v35;
	vm0 =	vlt.f32 v38, v39  }
0x40c: {  	v37 =	vmax.f32 v23, v21;
	v21 =	vsel vm2, v34, v49;
	v34 =	vsel vm2, v49, v34  }
0x40d: {  	vm4 =	vlt.f32 v37, v24;
	v23 =	vmin.f32 v39, v38;
	v19 =	vsel vm3, v34, v19  }
0x40e: {  	v25 =	vsel vm1, v35, v25;
	v35 =	vmax.f32 v24, v37;
	v36 =	vsel vm4, v40, v31  }
.Ltmp8:
0x40f: {  	v37 =	vmin.f32 v24, v37;
	v43 =	vmax.f32 v39, v38;
	vm2 =	vlt.f32 v35, v30;
	(pc) =	sbr.rel @p0 .LBB2_19-.Ltmp8, $4  }
0x410: {  	v38 =	vmin.f32 v30, v35;
	v39 =	vsel vm0, v25, v42;
	vm1 =	vlt.f32 v43, v37  }
0x411: {  	v41 =	vsel vm4, v31, v40;
	v25 =	vsel vm0, v42, v25;
	v34 =	vsel vm1, v36, v39  }
0x412: {  	v31 =	vmax.f32 v30, v35;
	v24 =	vmin.f32 v37, v43;
	v40 =	vmax.f32 v37, v43  }
0x413: {  	s20 =	sadd.s32 $0x20, s20;
	s21 =	sadd.s32 $0x20, s21;
	v35 =	vmin.f32 v29, v31;
	v37 =	vmax.f32 v29, v31;
	vm0 =	vlt.f32 v40, v38  }
0x414: {  	s18 =	sadd.s32 $0x460, s17;
	[tilespmem:s17+$0x3C60] =	vst v23  }
0x415: {  	v1 =	vsel vm2, v41, v13;
	v2 =	vsel vm2, v13, v41;
	[tilespmem:s17+$0xDC60] =	vst v25;
	s18 =	sor.u32 $0x70, s18  }
0x416: {  	v3 =	vmin.f32 v38, v40;
	vm12 =	vlt.f32 v31, v29;
	v4 =	vsel vm1, v39, v36;
	[tilespmem:s18+$0x3800] =	vst v24  }
0x417: {  	v5 =	vmax.f32 v38, v40;
	v6 =	vsel vm12, v28, v2;
	v7 =	vsel vm0, v34, v1;
	[tilespmem:s18+$0xD800] =	vst v4  }
0x418: {  	v2 =	vsel vm12, v2, v28;
	vm13 =	vlt.f32 v5, v35;
	v1 =	vsel vm0, v1, v34;
	[tilespmem:s17+$0x3C80] =	vst v3  }
0x419: {  	v62 =	vmin.f32 v27, v37;
	v8 =	vmax.f32 v35, v5;
	v63 =	vsel vm13, v1, v2;
	[tilespmem:s17+$0xDC80] =	vst v7  }
0x41a: {  	v1 =	vsel vm13, v2, v1;
	v2 =	vmin.f32 v62, v8;
	[tilespmem:s17+$0xDC90] =	vst v63  }
0x41b: {  	[tilespmem:s17+$0x3CA0] =	vst v2  }
0x41c: {  	[tilespmem:s17+$0x3CB0] =	vst v15  }
0x41d: {  	[tilespmem:s17+$0xDCB0] =	vst v14  }
0x41e: {  	[tilespmem:s17+$0x3CC0] =	vst v22  }
0x41f: {  	[tilespmem:s17+$0xDCC0] =	vst v17  }
0x420: {  	[tilespmem:s17+$0x3CD0] =	vst v16  }
0x421: {  	vm14 =	vlt.f32 v37, v27;
	s16 =	sadd.s32 $0x1, s16;
	v3 =	vmin.f32 v35, v5;
	[tilespmem:s17+$0xDCD0] =	vst v18  }
0x422: {  	p0 =	sne.s32 s16, $0x20;
	vm15 =	vlt.f32 v8, v62;
	[tilespmem:s17+$0x3C90] =	vst v3;
	v3 =	vsel vm14, v6, v26  }
.Ltmp9:
0x423: {  	[tilespmem:s17+$0xDCE0] =	vst v21;
	v1 =	vsel vm15, v1, v3;
	(pc) =	sbr.rel @p0 .LBB2_4-.Ltmp9, $4  }
0x424: {  	s30 =	sadd.s32 $0x4B0, s17;
	[tilespmem:s17+$0xDCA0] =	vst v1;
	v1 =	vmin.f32 v32, v33  }
0x425: {  	s31 =	sor.u32 $0x70, s30;
	[tilespmem:s17+$0x3CE0] =	vst v1  }
0x426: {  	[tilespmem:s31+$0x3800] =	vst v20  }
0x427: {  	[tilespmem:s31+$0xD800] =	vst v19  }
0x428: {  	[hbm4b:s6+s9] =	stream.strided.scatter [tilespmem:s13], [sflag:$0x1], $0xA000, s10, s9, $0x38;
	[tilespmem:$0x17800] =	vst v63  }
0x429: {  	s15 =	sadd.s32 $0x1, s15;
	_ =	swait.ge [sflag:s11], $0xA000  }
0x42a: {  	p0 =	sne.s32 s15, s8;
	[sflag:s11] =	ssyncset.done $0x0  }
.Ltmp10:
0x42b: {  	[sflag:s11] =	ssyncadd.s32 $0xFFFF6000;
	(pc) =	sbr.rel @p0 .LBB2_1-.Ltmp10, $4  }
0x42c: {  	[hbm4b:s7+s9] =	stream.strided.scatter [tilespmem:s14], [sflag:$0x1], $0xA000, s10, s9, $0x38;
	[tilespmem:$0x17800] =	vst v63  }
0x42d: {  	_ =	swait.ge [sflag:s11], $0xA000  }
0x42e: {  	[sflag:s11] =	ssyncset.done $0x0  }
0x42f: {  	[sflag:s11] =	ssyncadd.s32 $0xFFFF6000  }
0x430: {  	_ =	sfence.sel $0x180000  }
0x431: {  	[bflag:$0x0] =	sbarrier.arrive $0xFFFF  }
0x432: {  	p0 =	sne.s32 s1, $0x0;
	_ =	strace $0x90000047  }
0x433: {  	s0 =	sadd.s32 @!p0 $0x100000, s0;
	[bflag:$0x2] =	sbarrier.arrive $0xFFFF  }
0x434: {  	[sflag:s0] =	ssyncadd.tile.s32 @!p0 $0x1;
	_ =	shalt  }
.Lfunc_end2:
_tile_overlayer_lowered:
.L_overlay_start_2:
0x435: {  	(tag) =	ssettag $0x2  }
0x436: {  	s0 =	rddreg [dreg:$0x0];
	s2 =	stileid.u32  }
0x437: {  	s1 =	rddreg [dreg:$0x1];
	p0 =	sne.s32 s2, $0x0  }
0x438: {  	s3 =	rddreg [dreg:$0x2];
	[bflag:$0x3] =	sbarrier.arrive $0xFFFF;
	s2 =	simm.s32 @!p0 $0x1C01  }
0x439: {  	[timem:s3], [sflag:s2] =	dma.local @!p0 [hbm:s0], s1  }
0x43a: {  	s0 =	simm.s32 @!p0 $0x1  }
0x43b: {  	_ =	swait.ge @!p0 [sflag:s0], s1  }
0x43c: {  	s1 =	ssub.s32 @!p0 $0x0, s1;
	[sflag:s0] =	ssyncset.done @!p0 $0x0  }
0x43d: {  	[sflag:s0] =	ssyncadd.s32 @!p0 s1  }
0x43e: {  	[bflag:$0x3] =	sbarrier.arrive $0xFFFF  }
0x43f: {  	_ =	shalt  }

</sc_bundles>
